<compile_context>
chip_gen: v7x
topology: tpu7x:2x2x1
jax: 0.10.2.dev20260603
libtpu: 0.0.44.dev20260713+nightly
codegen_flags: <defaults>
</compile_context>

<pallas_src>
import functools

import jax
import jax.numpy as jnp
from jax import lax
from jax.experimental import pallas as pl
from jax.experimental.pallas import tpu as pltpu
from jax.experimental.pallas import tpu_sc as plsc

N_NODES = 10000
N_EDGES = 320000
D = 128
EPS = 1e-5

NC = 2
NS = 16
NW = NC * NS
EPT = N_EDGES // NW
CHUNK = 80
NCHUNK = EPT // CHUNK
GC = 80
GN = EPT // GC
NPAD = 10240
RPT = NPAD // NS
ZROWS = 128
CW = 128


def _sc_agg_body(x_hbm, ei_hbm, out_hbm,
                 sbuf, dbuf, didx, rows0, rows1, acc, g0, g1):
    cid = lax.axis_index("c")
    sid = lax.axis_index("s")
    wid = sid * NC + cid
    zero16 = jnp.zeros((16,), jnp.float32)

    pltpu.sync_copy(ei_hbm.at[0, wid], sbuf)
    pltpu.sync_copy(ei_hbm.at[1, wid], dbuf)

    def zrow(i, _):
        for j in range(D // 16):
            rows0[i, pl.ds(j * 16, 16)] = zero16
        return 0
    lax.fori_loop(0, GC, zrow, 0)
    for q in range(RPT // GC):
        pltpu.sync_copy(rows0, acc.at[pl.ds(sid * RPT + q * GC, GC)])

    plsc.subcore_barrier()

    def fire(i, rows, sem):
        pltpu.async_copy(x_hbm.at[sbuf.at[pl.ds(i * GC, GC)]], rows, sem)

    def wait(rows, sem):
        pltpu.make_async_copy(x_hbm.at[sbuf.at[pl.ds(0, GC)]], rows, sem).wait()

    def scatter(i, rows):
        for k in range(GC // 16):
            didx[pl.ds(k * 16, 16)] = dbuf[pl.ds(i * GC + k * 16, 16)]
        pltpu.sync_copy(rows, acc.at[didx], add=True)

    fire(0, rows0, g0)
    fire(1, rows1, g1)

    def body(j, _):
        i0 = 2 * j
        wait(rows0, g0)
        scatter(i0, rows0)
        fire(i0 + 2, rows0, g0)
        wait(rows1, g1)
        scatter(i0 + 1, rows1)
        fire(i0 + 3, rows1, g1)
        return 0
    lax.fori_loop(0, (GN - 3) // 2, body, 0)

    wait(rows0, g0)
    scatter(GN - 3, rows0)
    fire(GN - 1, rows0, g0)
    wait(rows1, g1)
    scatter(GN - 2, rows1)
    wait(rows0, g0)
    scatter(GN - 1, rows0)

    plsc.subcore_barrier()

    for q in range(RPT // GC):
        r0 = sid * RPT + q * GC
        pltpu.sync_copy(acc.at[pl.ds(r0, GC)], out_hbm.at[cid, pl.ds(r0, GC)])


def _sc_cnt_body(ei_hbm, cnt_hbm, dbuf, didx, ones, zc, cacc, sem):
    cid = lax.axis_index("c")
    sid = lax.axis_index("s")
    wid = sid * NC + cid
    zero16 = jnp.zeros((16,), jnp.float32)
    one16 = jnp.ones((16,), jnp.float32)

    pltpu.sync_copy(ei_hbm.at[1, wid], dbuf)

    def orow(i, _):
        for j in range(CW // 16):
            ones[i, pl.ds(j * 16, 16)] = one16
        return 0
    lax.fori_loop(0, CHUNK, orow, 0)

    def zcrow(i, _):
        for j in range(CW // 16):
            zc[i, pl.ds(j * 16, 16)] = zero16
        return 0
    lax.fori_loop(0, ZROWS, zcrow, 0)
    for q in range(RPT // ZROWS):
        pltpu.sync_copy(zc, cacc.at[pl.ds(sid * RPT + q * ZROWS, ZROWS)])

    plsc.subcore_barrier()

    def body(i, _):
        for k in range(CHUNK // 16):
            didx[pl.ds(k * 16, 16)] = dbuf[pl.ds(i * CHUNK + k * 16, 16)]
        pltpu.sync_copy(ones, cacc.at[didx], add=True)
        return 0
    lax.fori_loop(0, NCHUNK, body, 0)

    plsc.subcore_barrier()

    for q in range(RPT // ZROWS):
        r0 = sid * RPT + q * ZROWS
        pltpu.sync_copy(cacc.at[pl.ds(r0, ZROWS)], cnt_hbm.at[cid, pl.ds(r0, ZROWS)])


_SC_MESH = plsc.VectorSubcoreMesh(core_axis_name="c", subcore_axis_name="s")

_sc_agg = pl.kernel(
    _sc_agg_body,
    out_type=jax.ShapeDtypeStruct((NC, NPAD, D), jnp.float32),
    mesh=_SC_MESH,
    scratch_types=[
        pltpu.VMEM((EPT,), jnp.int32),
        pltpu.VMEM((EPT,), jnp.int32),
        pltpu.VMEM((GC,), jnp.int32),
        pltpu.VMEM((GC, D), jnp.float32),
        pltpu.VMEM((GC, D), jnp.float32),
        pltpu.VMEM_SHARED((NPAD, D), jnp.float32),
        pltpu.SemaphoreType.DMA,
        pltpu.SemaphoreType.DMA,
    ],
    name="sc_agg",
)

_sc_cnt = pl.kernel(
    _sc_cnt_body,
    out_type=jax.ShapeDtypeStruct((NC, NPAD, CW), jnp.float32),
    mesh=_SC_MESH,
    scratch_types=[
        pltpu.VMEM((EPT,), jnp.int32),
        pltpu.VMEM((CHUNK,), jnp.int32),
        pltpu.VMEM((CHUNK, CW), jnp.float32),
        pltpu.VMEM((ZROWS, CW), jnp.float32),
        pltpu.VMEM_SHARED((NPAD, CW), jnp.float32),
        pltpu.SemaphoreType.DMA,
    ],
    name="sc_cnt",
)


def _tc_mask_body(x_ref, m_ref, o_ref):
    o_ref[...] = x_ref[...]
    o_ref[0:1, :] = m_ref[...]


_tc_mask = pl.pallas_call(
    _tc_mask_body,
    out_shape=jax.ShapeDtypeStruct((N_NODES, D), jnp.float32),
    name="tc_mask",
)


def _tc_stage_body(relu, p_ref, c_ref, x_ref, wl_ref, bl_ref, wr_ref,
                   g_ref, be_ref, o_ref):
    summed = (p_ref[0] + p_ref[1])[:N_NODES]
    cnt = (c_ref[0] + c_ref[1])[:N_NODES, 0:1]
    mean = summed * (1.0 / jnp.maximum(cnt, 1.0))
    h = (jnp.dot(mean, wl_ref[...], preferred_element_type=jnp.float32)
         + jnp.dot(x_ref[...], wr_ref[...], preferred_element_type=jnp.float32)
         + bl_ref[...])
    mu = jnp.mean(h, axis=0, keepdims=True)
    var = jnp.mean((h - mu) * (h - mu), axis=0, keepdims=True)
    h = (h - mu) * lax.rsqrt(var + EPS) * g_ref[...] + be_ref[...]
    if relu:
        h = jnp.maximum(h, 0.0)
    o_ref[...] = h + x_ref[...]


def _make_tc_stage(relu):
    return pl.pallas_call(
        functools.partial(_tc_stage_body, relu),
        out_shape=jax.ShapeDtypeStruct((N_NODES, D), jnp.float32),
        name="tc_stage_relu" if relu else "tc_stage",
    )


_tc_stage_relu = _make_tc_stage(True)
_tc_stage_last = _make_tc_stage(False)


def kernel(x, edge_index, mask_embed,
           Wl0, bl0, Wr0, g0, be0,
           Wl1, bl1, Wr1, g1, be1,
           Wl2, bl2, Wr2, g2, be2):
    ei3 = edge_index.reshape(2, NW, EPT)
    x0 = _tc_mask(x, mask_embed.reshape(1, D))

    convs = [(Wl0.T, bl0.reshape(1, D), Wr0.T, g0.reshape(1, D), be0.reshape(1, D)),
             (Wl1.T, bl1.reshape(1, D), Wr1.T, g1.reshape(1, D), be1.reshape(1, D)),
             (Wl2.T, bl2.reshape(1, D), Wr2.T, g2.reshape(1, D), be2.reshape(1, D))]

    cparts = _sc_cnt(ei3)
    parts = _sc_agg(x0, ei3)
    x1 = _tc_stage_relu(parts, cparts, x0, *convs[0])
    parts = _sc_agg(x1, ei3)
    x2 = _tc_stage_relu(parts, cparts, x1, *convs[1])
    parts = _sc_agg(x2, ei3)
    return _tc_stage_last(parts, cparts, x2, *convs[2])

# --- scband reference (transcript-rebuilt; emitter-appended) ---
"""Pipeline reference for scband-embedder-gnnv3-46445776339649 (READ-ONLY COPY).

The authoritative reference and input builder live on the scoring server;
editing this copy changes nothing except your own understanding.
"""

import jax, jax.numpy as jnp
import numpy as np

N_NODES = 10000
N_EDGES = 320000
D = 128
NUM_LAYERS = 3
EPS = 1e-5


def _sage_conv(x, src, dst, Wl, bl, Wr):
    # PyG SAGEConv(aggr='mean'): out = lin_l(mean_j x_j) + lin_r(x_i)
    n = x.shape[0]
    msg = jnp.take(x, src, axis=0)
    summed = jax.ops.segment_sum(msg, dst, num_segments=n)
    cnt = jax.ops.segment_sum(jnp.ones((src.shape[0],), x.dtype), dst, num_segments=n)
    mean = summed / jnp.clip(cnt, 1.0)[:, None]
    return mean @ Wl.T + bl + x @ Wr.T


def _batch_norm(h, gamma, beta):
    mu = jnp.mean(h, axis=0)
    var = jnp.var(h, axis=0)
    return (h - mu) / jnp.sqrt(var + EPS) * gamma + beta


def setup_inputs(seed: int = 0) -> dict:
    key = jax.random.key(seed)
    ks = jax.random.split(key, 32)
    inp = {}
    inp['x'] = jax.random.normal(ks[0], (N_NODES, D), dtype=jnp.float32)
    inp['edge_index'] = jax.random.randint(ks[1], (2, N_EDGES), 0, N_NODES, dtype=jnp.int32)
    inp['mask_embed'] = jax.random.normal(ks[2], (D,), dtype=jnp.float32)
    kidx = 3
    for i in range(NUM_LAYERS):
        scale = 1.0 / np.sqrt(D)
        inp[f'Wl{i}'] = jax.random.uniform(ks[kidx], (D, D), jnp.float32, -scale, scale); kidx += 1
        inp[f'bl{i}'] = jnp.zeros((D,), jnp.float32)
        inp[f'Wr{i}'] = jax.random.uniform(ks[kidx], (D, D), jnp.float32, -scale, scale); kidx += 1
        inp[f'g{i}'] = jnp.ones((D,), jnp.float32)
        inp[f'be{i}'] = jnp.zeros((D,), jnp.float32)
    return inp


def reference(x, edge_index, mask_embed,
              Wl0, bl0, Wr0, g0, be0,
              Wl1, bl1, Wr1, g1, be1,
              Wl2, bl2, Wr2, g2, be2):
    src = edge_index[0]
    dst = edge_index[1]
    convs = [(Wl0, bl0, Wr0), (Wl1, bl1, Wr1), (Wl2, bl2, Wr2)]
    bns = [(g0, be0), (g1, be1), (g2, be2)]
    # x = x.clone().detach(); x[0] = mask_embed
    x = jax.lax.stop_gradient(x)
    x = x.at[0].set(mask_embed)
    for i in range(NUM_LAYERS):
        Wl, bl, Wr = convs[i]
        gamma, beta = bns[i]
        h = _sage_conv(x, src, dst, Wl, bl, Wr)
        h = _batch_norm(h, gamma, beta)
        if i != NUM_LAYERS - 1:
            h = jax.nn.relu(h)
            # dropout: identity in eval / deterministic reference
        if x.shape == h.shape:
            h = h + x
        x = h
    return x

if __name__ == "__main__":
    import jax
    _d = setup_inputs()
    print(jax.jit(kernel)(*tuple(_d.values())))

</pallas_src>

<mosaic_0001>
#map = affine_map<(d0, d1) -> (0, 0, 0)>
module attributes {stable_mosaic.version = 14 : i64} {
  func.func @sc_cnt(%arg0: i32, %arg1: i32, %arg2: memref<2x32x10000xi32, #tpu.memory_space<hbm>>, %arg3: memref<2x10240x128xf32, #tpu.memory_space<hbm>>, %arg4: memref<10000xi32, #tpu.memory_space<vmem>>, %arg5: memref<80xi32, #tpu.memory_space<vmem>>, %arg6: memref<80x128xf32, #tpu.memory_space<vmem>>, %arg7: memref<128x128xf32, #tpu.memory_space<vmem>>, %arg8: memref<10240x128xf32, #tpu.memory_space<vmem_shared>>, %arg9: memref<!tpu.dma_semaphore, #tpu.memory_space<semaphore_mem>>) attributes {dimension_semantics = [#tpu.dimension_semantics<core_parallel>, #tpu.dimension_semantics<subcore_parallel>], iteration_bounds = array<i64: 2, 16>, scalar_prefetch = 0 : i64, scratch_operands = 6 : i64, tpu.core_type = #tpu.core_type<sc_vector_subcore>, window_params = [{transform_indices = #map}, {transform_indices = #map}]} {
    %mul3A = arith.constant 2 : i32
    %mul3A_0 = arith.muli %arg1, %mul3A : i32
    %add3A = arith.addi %mul3A_0, %arg0 : i32
    %broadcast_in_dim3A = arith.constant 0.000000e+00 : f32
    %broadcast_in_dim3A_1 = vector.broadcast %broadcast_in_dim3A : f32 to vector<16xf32>
    %broadcast_in_dim3A_2 = arith.constant 1.000000e+00 : f32
    %broadcast_in_dim3A_3 = vector.broadcast %broadcast_in_dim3A_2 : f32 to vector<16xf32>
    %run_scoped3A = arith.constant 1 : i32
    "tpu.region"() ({
      %run_scoped3A_65 = tpu.sem_alloc : memref<!tpu.dma_semaphore, #tpu.memory_space<semaphore_mem>>
      %dma_start3A = arith.constant 0 : i32
      %dma_start3A_66 = tpu.memref_slice %arg2[%run_scoped3A, %add3A, %dma_start3A] : memref<2x32x10000xi32, #tpu.memory_space<hbm>> -> memref<1x1x10000xi32, #tpu.memory_space<hbm>>
      %dma_start3A_67 = tpu.memref_squeeze %dma_start3A_66 : memref<1x1x10000xi32, #tpu.memory_space<hbm>> -> memref<10000xi32, #tpu.memory_space<hbm>>
      %dma_start3A_68 = arith.constant 0 : i32
      %dma_start3A_69 = tpu.memref_slice %arg2[%run_scoped3A, %add3A, %dma_start3A_68] : memref<2x32x10000xi32, #tpu.memory_space<hbm>> -> memref<1x1x10000xi32, #tpu.memory_space<hbm>>
      %dma_start3A_70 = tpu.memref_squeeze %dma_start3A_69 : memref<1x1x10000xi32, #tpu.memory_space<hbm>> -> memref<10000xi32, #tpu.memory_space<hbm>>
      tpu.enqueue_dma source(%dma_start3A_70 : memref<10000xi32, #tpu.memory_space<hbm>>) target(%arg4 : memref<10000xi32, #tpu.memory_space<vmem>>) target_semaphore(%run_scoped3A_65 : memref<!tpu.dma_semaphore, #tpu.memory_space<semaphore_mem>>)
      %dma_wait3A = arith.constant 0 : i32
      %dma_wait3A_71 = tpu.memref_slice %arg2[%run_scoped3A, %add3A, %dma_wait3A] : memref<2x32x10000xi32, #tpu.memory_space<hbm>> -> memref<1x1x10000xi32, #tpu.memory_space<hbm>>
      %dma_wait3A_72 = tpu.memref_squeeze %dma_wait3A_71 : memref<1x1x10000xi32, #tpu.memory_space<hbm>> -> memref<10000xi32, #tpu.memory_space<hbm>>
      %dma_wait3A_73 = arith.constant 0 : i32
      %dma_wait3A_74 = tpu.memref_slice %arg2[%run_scoped3A, %add3A, %dma_wait3A_73] : memref<2x32x10000xi32, #tpu.memory_space<hbm>> -> memref<1x1x10000xi32, #tpu.memory_space<hbm>>
      %dma_wait3A_75 = tpu.memref_squeeze %dma_wait3A_74 : memref<1x1x10000xi32, #tpu.memory_space<hbm>> -> memref<10000xi32, #tpu.memory_space<hbm>>
      tpu.wait_dma2 semaphore(%run_scoped3A_65 : memref<!tpu.dma_semaphore, #tpu.memory_space<semaphore_mem>>) src(%dma_wait3A_75 : memref<10000xi32, #tpu.memory_space<hbm>>) dst(%arg4 : memref<10000xi32, #tpu.memory_space<vmem>>)
      tpu.yield
    }) : () -> ()
    %scan3A = arith.constant 0 : i32
    %scan3A_4 = arith.constant 0 : i32
    %scan3A_5 = arith.constant 80 : i32
    %scan3A_6 = arith.addi %scan3A_4, %scan3A_5 : i32
    %scan3A_7 = arith.constant 1 : i32
    %scan3A_8 = scf.for %scan3A_65 = %scan3A_4 to %scan3A_6 step %scan3A_7 iter_args(%scan3A_66 = %scan3A) -> (i32)  : i32 {
      %swap3A = arith.index_cast %scan3A_65 : i32 to index
      %swap3A_67 = arith.constant 0 : index
      %swap3A_68 = tpu.vector_load %arg6[%swap3A, %swap3A_67] {strides = array<i32>} : memref<80x128xf32, #tpu.memory_space<vmem>>, vector<1x16xf32>,
      %swap3A_69 = vector.shape_cast %swap3A_68 : vector<1x16xf32> to vector<16xf32>
      %swap3A_70 = vector.shape_cast %broadcast_in_dim3A_3 : vector<16xf32> to vector<1x16xf32>
      tpu.vector_store %arg6[%swap3A, %swap3A_67], %swap3A_70 {strides = array<i32>} : memref<80x128xf32, #tpu.memory_space<vmem>>, vector<1x16xf32>,
      %swap3A_71 = arith.index_cast %scan3A_65 : i32 to index
      %swap3A_72 = arith.constant 16 : index
      %swap3A_73 = tpu.vector_load %arg6[%swap3A_71, %swap3A_72] {strides = array<i32>} : memref<80x128xf32, #tpu.memory_space<vmem>>, vector<1x16xf32>,
      %swap3A_74 = vector.shape_cast %swap3A_73 : vector<1x16xf32> to vector<16xf32>
      %swap3A_75 = vector.shape_cast %broadcast_in_dim3A_3 : vector<16xf32> to vector<1x16xf32>
      tpu.vector_store %arg6[%swap3A_71, %swap3A_72], %swap3A_75 {strides = array<i32>} : memref<80x128xf32, #tpu.memory_space<vmem>>, vector<1x16xf32>,
      %swap3A_76 = arith.index_cast %scan3A_65 : i32 to index
      %swap3A_77 = arith.constant 32 : index
      %swap3A_78 = tpu.vector_load %arg6[%swap3A_76, %swap3A_77] {strides = array<i32>} : memref<80x128xf32, #tpu.memory_space<vmem>>, vector<1x16xf32>,
      %swap3A_79 = vector.shape_cast %swap3A_78 : vector<1x16xf32> to vector<16xf32>
      %swap3A_80 = vector.shape_cast %broadcast_in_dim3A_3 : vector<16xf32> to vector<1x16xf32>
      tpu.vector_store %arg6[%swap3A_76, %swap3A_77], %swap3A_80 {strides = array<i32>} : memref<80x128xf32, #tpu.memory_space<vmem>>, vector<1x16xf32>,
      %swap3A_81 = arith.index_cast %scan3A_65 : i32 to index
      %swap3A_82 = arith.constant 48 : index
      %swap3A_83 = tpu.vector_load %arg6[%swap3A_81, %swap3A_82] {strides = array<i32>} : memref<80x128xf32, #tpu.memory_space<vmem>>, vector<1x16xf32>,
      %swap3A_84 = vector.shape_cast %swap3A_83 : vector<1x16xf32> to vector<16xf32>
      %swap3A_85 = vector.shape_cast %broadcast_in_dim3A_3 : vector<16xf32> to vector<1x16xf32>
      tpu.vector_store %arg6[%swap3A_81, %swap3A_82], %swap3A_85 {strides = array<i32>} : memref<80x128xf32, #tpu.memory_space<vmem>>, vector<1x16xf32>,
      %swap3A_86 = arith.index_cast %scan3A_65 : i32 to index
      %swap3A_87 = arith.constant 64 : index
      %swap3A_88 = tpu.vector_load %arg6[%swap3A_86, %swap3A_87] {strides = array<i32>} : memref<80x128xf32, #tpu.memory_space<vmem>>, vector<1x16xf32>,
      %swap3A_89 = vector.shape_cast %swap3A_88 : vector<1x16xf32> to vector<16xf32>
      %swap3A_90 = vector.shape_cast %broadcast_in_dim3A_3 : vector<16xf32> to vector<1x16xf32>
      tpu.vector_store %arg6[%swap3A_86, %swap3A_87], %swap3A_90 {strides = array<i32>} : memref<80x128xf32, #tpu.memory_space<vmem>>, vector<1x16xf32>,
      %swap3A_91 = arith.index_cast %scan3A_65 : i32 to index
      %swap3A_92 = arith.constant 80 : index
      %swap3A_93 = tpu.vector_load %arg6[%swap3A_91, %swap3A_92] {strides = array<i32>} : memref<80x128xf32, #tpu.memory_space<vmem>>, vector<1x16xf32>,
      %swap3A_94 = vector.shape_cast %swap3A_93 : vector<1x16xf32> to vector<16xf32>
      %swap3A_95 = vector.shape_cast %broadcast_in_dim3A_3 : vector<16xf32> to vector<1x16xf32>
      tpu.vector_store %arg6[%swap3A_91, %swap3A_92], %swap3A_95 {strides = array<i32>} : memref<80x128xf32, #tpu.memory_space<vmem>>, vector<1x16xf32>,
      %swap3A_96 = arith.index_cast %scan3A_65 : i32 to index
      %swap3A_97 = arith.constant 96 : index
      %swap3A_98 = tpu.vector_load %arg6[%swap3A_96, %swap3A_97] {strides = array<i32>} : memref<80x128xf32, #tpu.memory_space<vmem>>, vector<1x16xf32>,
      %swap3A_99 = vector.shape_cast %swap3A_98 : vector<1x16xf32> to vector<16xf32>
      %swap3A_100 = vector.shape_cast %broadcast_in_dim3A_3 : vector<16xf32> to vector<1x16xf32>
      tpu.vector_store %arg6[%swap3A_96, %swap3A_97], %swap3A_100 {strides = array<i32>} : memref<80x128xf32, #tpu.memory_space<vmem>>, vector<1x16xf32>,
      %swap3A_101 = arith.index_cast %scan3A_65 : i32 to index
      %swap3A_102 = arith.constant 112 : index
      %swap3A_103 = tpu.vector_load %arg6[%swap3A_101, %swap3A_102] {strides = array<i32>} : memref<80x128xf32, #tpu.memory_space<vmem>>, vector<1x16xf32>,
      %swap3A_104 = vector.shape_cast %swap3A_103 : vector<1x16xf32> to vector<16xf32>
      %swap3A_105 = vector.shape_cast %broadcast_in_dim3A_3 : vector<16xf32> to vector<1x16xf32>
      tpu.vector_store %arg6[%swap3A_101, %swap3A_102], %swap3A_105 {strides = array<i32>} : memref<80x128xf32, #tpu.memory_space<vmem>>, vector<1x16xf32>,
      %scan3A_106 = arith.constant 0 : i32
      scf.yield %scan3A_106 : i32
    }
    %scan3A_9 = arith.constant 80 : i32
    %scan3A_10 = arith.constant 0 : i32
    %scan3A_11 = arith.constant 0 : i32
    %scan3A_12 = arith.constant 128 : i32
    %scan3A_13 = arith.addi %scan3A_11, %scan3A_12 : i32
    %scan3A_14 = arith.constant 1 : i32
    %scan3A_15 = scf.for %scan3A_65 = %scan3A_11 to %scan3A_13 step %scan3A_14 iter_args(%scan3A_66 = %scan3A_10) -> (i32)  : i32 {
      %swap3A = arith.index_cast %scan3A_65 : i32 to index
      %swap3A_67 = arith.constant 0 : index
      %swap3A_68 = tpu.vector_load %arg7[%swap3A, %swap3A_67] {strides = array<i32>} : memref<128x128xf32, #tpu.memory_space<vmem>>, vector<1x16xf32>,
      %swap3A_69 = vector.shape_cast %swap3A_68 : vector<1x16xf32> to vector<16xf32>
      %swap3A_70 = vector.shape_cast %broadcast_in_dim3A_1 : vector<16xf32> to vector<1x16xf32>
      tpu.vector_store %arg7[%swap3A, %swap3A_67], %swap3A_70 {strides = array<i32>} : memref<128x128xf32, #tpu.memory_space<vmem>>, vector<1x16xf32>,
      %swap3A_71 = arith.index_cast %scan3A_65 : i32 to index
      %swap3A_72 = arith.constant 16 : index
      %swap3A_73 = tpu.vector_load %arg7[%swap3A_71, %swap3A_72] {strides = array<i32>} : memref<128x128xf32, #tpu.memory_space<vmem>>, vector<1x16xf32>,
      %swap3A_74 = vector.shape_cast %swap3A_73 : vector<1x16xf32> to vector<16xf32>
      %swap3A_75 = vector.shape_cast %broadcast_in_dim3A_1 : vector<16xf32> to vector<1x16xf32>
      tpu.vector_store %arg7[%swap3A_71, %swap3A_72], %swap3A_75 {strides = array<i32>} : memref<128x128xf32, #tpu.memory_space<vmem>>, vector<1x16xf32>,
      %swap3A_76 = arith.index_cast %scan3A_65 : i32 to index
      %swap3A_77 = arith.constant 32 : index
      %swap3A_78 = tpu.vector_load %arg7[%swap3A_76, %swap3A_77] {strides = array<i32>} : memref<128x128xf32, #tpu.memory_space<vmem>>, vector<1x16xf32>,
      %swap3A_79 = vector.shape_cast %swap3A_78 : vector<1x16xf32> to vector<16xf32>
      %swap3A_80 = vector.shape_cast %broadcast_in_dim3A_1 : vector<16xf32> to vector<1x16xf32>
      tpu.vector_store %arg7[%swap3A_76, %swap3A_77], %swap3A_80 {strides = array<i32>} : memref<128x128xf32, #tpu.memory_space<vmem>>, vector<1x16xf32>,
      %swap3A_81 = arith.index_cast %scan3A_65 : i32 to index
      %swap3A_82 = arith.constant 48 : index
      %swap3A_83 = tpu.vector_load %arg7[%swap3A_81, %swap3A_82] {strides = array<i32>} : memref<128x128xf32, #tpu.memory_space<vmem>>, vector<1x16xf32>,
      %swap3A_84 = vector.shape_cast %swap3A_83 : vector<1x16xf32> to vector<16xf32>
      %swap3A_85 = vector.shape_cast %broadcast_in_dim3A_1 : vector<16xf32> to vector<1x16xf32>
      tpu.vector_store %arg7[%swap3A_81, %swap3A_82], %swap3A_85 {strides = array<i32>} : memref<128x128xf32, #tpu.memory_space<vmem>>, vector<1x16xf32>,
      %swap3A_86 = arith.index_cast %scan3A_65 : i32 to index
      %swap3A_87 = arith.constant 64 : index
      %swap3A_88 = tpu.vector_load %arg7[%swap3A_86, %swap3A_87] {strides = array<i32>} : memref<128x128xf32, #tpu.memory_space<vmem>>, vector<1x16xf32>,
      %swap3A_89 = vector.shape_cast %swap3A_88 : vector<1x16xf32> to vector<16xf32>
      %swap3A_90 = vector.shape_cast %broadcast_in_dim3A_1 : vector<16xf32> to vector<1x16xf32>
      tpu.vector_store %arg7[%swap3A_86, %swap3A_87], %swap3A_90 {strides = array<i32>} : memref<128x128xf32, #tpu.memory_space<vmem>>, vector<1x16xf32>,
      %swap3A_91 = arith.index_cast %scan3A_65 : i32 to index
      %swap3A_92 = arith.constant 80 : index
      %swap3A_93 = tpu.vector_load %arg7[%swap3A_91, %swap3A_92] {strides = array<i32>} : memref<128x128xf32, #tpu.memory_space<vmem>>, vector<1x16xf32>,
      %swap3A_94 = vector.shape_cast %swap3A_93 : vector<1x16xf32> to vector<16xf32>
      %swap3A_95 = vector.shape_cast %broadcast_in_dim3A_1 : vector<16xf32> to vector<1x16xf32>
      tpu.vector_store %arg7[%swap3A_91, %swap3A_92], %swap3A_95 {strides = array<i32>} : memref<128x128xf32, #tpu.memory_space<vmem>>, vector<1x16xf32>,
      %swap3A_96 = arith.index_cast %scan3A_65 : i32 to index
      %swap3A_97 = arith.constant 96 : index
      %swap3A_98 = tpu.vector_load %arg7[%swap3A_96, %swap3A_97] {strides = array<i32>} : memref<128x128xf32, #tpu.memory_space<vmem>>, vector<1x16xf32>,
      %swap3A_99 = vector.shape_cast %swap3A_98 : vector<1x16xf32> to vector<16xf32>
      %swap3A_100 = vector.shape_cast %broadcast_in_dim3A_1 : vector<16xf32> to vector<1x16xf32>
      tpu.vector_store %arg7[%swap3A_96, %swap3A_97], %swap3A_100 {strides = array<i32>} : memref<128x128xf32, #tpu.memory_space<vmem>>, vector<1x16xf32>,
      %swap3A_101 = arith.index_cast %scan3A_65 : i32 to index
      %swap3A_102 = arith.constant 112 : index
      %swap3A_103 = tpu.vector_load %arg7[%swap3A_101, %swap3A_102] {strides = array<i32>} : memref<128x128xf32, #tpu.memory_space<vmem>>, vector<1x16xf32>,
      %swap3A_104 = vector.shape_cast %swap3A_103 : vector<1x16xf32> to vector<16xf32>
      %swap3A_105 = vector.shape_cast %broadcast_in_dim3A_1 : vector<16xf32> to vector<1x16xf32>
      tpu.vector_store %arg7[%swap3A_101, %swap3A_102], %swap3A_105 {strides = array<i32>} : memref<128x128xf32, #tpu.memory_space<vmem>>, vector<1x16xf32>,
      %scan3A_106 = arith.constant 0 : i32
      scf.yield %scan3A_106 : i32
    }
    %scan3A_16 = arith.constant 128 : i32
    %mul3A_17 = arith.constant 640 : i32
    %mul3A_18 = arith.muli %arg1, %mul3A_17 : i32
    %add3A_19 = arith.constant 0 : i32
    %add3A_20 = arith.addi %mul3A_18, %add3A_19 : i32
    "tpu.region"() ({
      %run_scoped3A_65 = tpu.sem_alloc : memref<!tpu.dma_semaphore, #tpu.memory_space<semaphore_mem>>
      %dma_start3A = arith.constant 0 : i32
      %dma_start3A_66 = tpu.memref_slice %arg8[%add3A_20, %dma_start3A] : memref<10240x128xf32, #tpu.memory_space<vmem_shared>> -> memref<128x128xf32, #tpu.memory_space<vmem_shared>>
      %dma_start3A_67 = arith.constant 0 : i32
      %dma_start3A_68 = tpu.memref_slice %arg8[%add3A_20, %dma_start3A_67] : memref<10240x128xf32, #tpu.memory_space<vmem_shared>> -> memref<128x128xf32, #tpu.memory_space<vmem_shared>>
      tpu.enqueue_dma source(%arg7 : memref<128x128xf32, #tpu.memory_space<vmem>>) target(%dma_start3A_68 : memref<128x128xf32, #tpu.memory_space<vmem_shared>>) target_semaphore(%run_scoped3A_65 : memref<!tpu.dma_semaphore, #tpu.memory_space<semaphore_mem>>)
      %dma_wait3A = arith.constant 0 : i32
      %dma_wait3A_69 = tpu.memref_slice %arg8[%add3A_20, %dma_wait3A] : memref<10240x128xf32, #tpu.memory_space<vmem_shared>> -> memref<128x128xf32, #tpu.memory_space<vmem_shared>>
      %dma_wait3A_70 = arith.constant 0 : i32
      %dma_wait3A_71 = tpu.memref_slice %arg8[%add3A_20, %dma_wait3A_70] : memref<10240x128xf32, #tpu.memory_space<vmem_shared>> -> memref<128x128xf32, #tpu.memory_space<vmem_shared>>
      tpu.wait_dma2 semaphore(%run_scoped3A_65 : memref<!tpu.dma_semaphore, #tpu.memory_space<semaphore_mem>>) src(%arg7 : memref<128x128xf32, #tpu.memory_space<vmem>>) dst(%dma_wait3A_71 : memref<128x128xf32, #tpu.memory_space<vmem_shared>>)
      tpu.yield
    }) : () -> ()
    %mul3A_21 = arith.constant 640 : i32
    %mul3A_22 = arith.muli %arg1, %mul3A_21 : i32
    %add3A_23 = arith.constant 128 : i32
    %add3A_24 = arith.addi %mul3A_22, %add3A_23 : i32
    "tpu.region"() ({
      %run_scoped3A_65 = tpu.sem_alloc : memref<!tpu.dma_semaphore, #tpu.memory_space<semaphore_mem>>
      %dma_start3A = arith.constant 0 : i32
      %dma_start3A_66 = tpu.memref_slice %arg8[%add3A_24, %dma_start3A] : memref<10240x128xf32, #tpu.memory_space<vmem_shared>> -> memref<128x128xf32, #tpu.memory_space<vmem_shared>>
      %dma_start3A_67 = arith.constant 0 : i32
      %dma_start3A_68 = tpu.memref_slice %arg8[%add3A_24, %dma_start3A_67] : memref<10240x128xf32, #tpu.memory_space<vmem_shared>> -> memref<128x128xf32, #tpu.memory_space<vmem_shared>>
      tpu.enqueue_dma source(%arg7 : memref<128x128xf32, #tpu.memory_space<vmem>>) target(%dma_start3A_68 : memref<128x128xf32, #tpu.memory_space<vmem_shared>>) target_semaphore(%run_scoped3A_65 : memref<!tpu.dma_semaphore, #tpu.memory_space<semaphore_mem>>)
      %dma_wait3A = arith.constant 0 : i32
      %dma_wait3A_69 = tpu.memref_slice %arg8[%add3A_24, %dma_wait3A] : memref<10240x128xf32, #tpu.memory_space<vmem_shared>> -> memref<128x128xf32, #tpu.memory_space<vmem_shared>>
      %dma_wait3A_70 = arith.constant 0 : i32
      %dma_wait3A_71 = tpu.memref_slice %arg8[%add3A_24, %dma_wait3A_70] : memref<10240x128xf32, #tpu.memory_space<vmem_shared>> -> memref<128x128xf32, #tpu.memory_space<vmem_shared>>
      tpu.wait_dma2 semaphore(%run_scoped3A_65 : memref<!tpu.dma_semaphore, #tpu.memory_space<semaphore_mem>>) src(%arg7 : memref<128x128xf32, #tpu.memory_space<vmem>>) dst(%dma_wait3A_71 : memref<128x128xf32, #tpu.memory_space<vmem_shared>>)
      tpu.yield
    }) : () -> ()
    %mul3A_25 = arith.constant 640 : i32
    %mul3A_26 = arith.muli %arg1, %mul3A_25 : i32
    %add3A_27 = arith.constant 256 : i32
    %add3A_28 = arith.addi %mul3A_26, %add3A_27 : i32
    "tpu.region"() ({
      %run_scoped3A_65 = tpu.sem_alloc : memref<!tpu.dma_semaphore, #tpu.memory_space<semaphore_mem>>
      %dma_start3A = arith.constant 0 : i32
      %dma_start3A_66 = tpu.memref_slice %arg8[%add3A_28, %dma_start3A] : memref<10240x128xf32, #tpu.memory_space<vmem_shared>> -> memref<128x128xf32, #tpu.memory_space<vmem_shared>>
      %dma_start3A_67 = arith.constant 0 : i32
      %dma_start3A_68 = tpu.memref_slice %arg8[%add3A_28, %dma_start3A_67] : memref<10240x128xf32, #tpu.memory_space<vmem_shared>> -> memref<128x128xf32, #tpu.memory_space<vmem_shared>>
      tpu.enqueue_dma source(%arg7 : memref<128x128xf32, #tpu.memory_space<vmem>>) target(%dma_start3A_68 : memref<128x128xf32, #tpu.memory_space<vmem_shared>>) target_semaphore(%run_scoped3A_65 : memref<!tpu.dma_semaphore, #tpu.memory_space<semaphore_mem>>)
      %dma_wait3A = arith.constant 0 : i32
      %dma_wait3A_69 = tpu.memref_slice %arg8[%add3A_28, %dma_wait3A] : memref<10240x128xf32, #tpu.memory_space<vmem_shared>> -> memref<128x128xf32, #tpu.memory_space<vmem_shared>>
      %dma_wait3A_70 = arith.constant 0 : i32
      %dma_wait3A_71 = tpu.memref_slice %arg8[%add3A_28, %dma_wait3A_70] : memref<10240x128xf32, #tpu.memory_space<vmem_shared>> -> memref<128x128xf32, #tpu.memory_space<vmem_shared>>
      tpu.wait_dma2 semaphore(%run_scoped3A_65 : memref<!tpu.dma_semaphore, #tpu.memory_space<semaphore_mem>>) src(%arg7 : memref<128x128xf32, #tpu.memory_space<vmem>>) dst(%dma_wait3A_71 : memref<128x128xf32, #tpu.memory_space<vmem_shared>>)
      tpu.yield
    }) : () -> ()
    %mul3A_29 = arith.constant 640 : i32
    %mul3A_30 = arith.muli %arg1, %mul3A_29 : i32
    %add3A_31 = arith.constant 384 : i32
    %add3A_32 = arith.addi %mul3A_30, %add3A_31 : i32
    "tpu.region"() ({
      %run_scoped3A_65 = tpu.sem_alloc : memref<!tpu.dma_semaphore, #tpu.memory_space<semaphore_mem>>
      %dma_start3A = arith.constant 0 : i32
      %dma_start3A_66 = tpu.memref_slice %arg8[%add3A_32, %dma_start3A] : memref<10240x128xf32, #tpu.memory_space<vmem_shared>> -> memref<128x128xf32, #tpu.memory_space<vmem_shared>>
      %dma_start3A_67 = arith.constant 0 : i32
      %dma_start3A_68 = tpu.memref_slice %arg8[%add3A_32, %dma_start3A_67] : memref<10240x128xf32, #tpu.memory_space<vmem_shared>> -> memref<128x128xf32, #tpu.memory_space<vmem_shared>>
      tpu.enqueue_dma source(%arg7 : memref<128x128xf32, #tpu.memory_space<vmem>>) target(%dma_start3A_68 : memref<128x128xf32, #tpu.memory_space<vmem_shared>>) target_semaphore(%run_scoped3A_65 : memref<!tpu.dma_semaphore, #tpu.memory_space<semaphore_mem>>)
      %dma_wait3A = arith.constant 0 : i32
      %dma_wait3A_69 = tpu.memref_slice %arg8[%add3A_32, %dma_wait3A] : memref<10240x128xf32, #tpu.memory_space<vmem_shared>> -> memref<128x128xf32, #tpu.memory_space<vmem_shared>>
      %dma_wait3A_70 = arith.constant 0 : i32
      %dma_wait3A_71 = tpu.memref_slice %arg8[%add3A_32, %dma_wait3A_70] : memref<10240x128xf32, #tpu.memory_space<vmem_shared>> -> memref<128x128xf32, #tpu.memory_space<vmem_shared>>
      tpu.wait_dma2 semaphore(%run_scoped3A_65 : memref<!tpu.dma_semaphore, #tpu.memory_space<semaphore_mem>>) src(%arg7 : memref<128x128xf32, #tpu.memory_space<vmem>>) dst(%dma_wait3A_71 : memref<128x128xf32, #tpu.memory_space<vmem_shared>>)
      tpu.yield
    }) : () -> ()
    %mul3A_33 = arith.constant 640 : i32
    %mul3A_34 = arith.muli %arg1, %mul3A_33 : i32
    %add3A_35 = arith.constant 512 : i32
    %add3A_36 = arith.addi %mul3A_34, %add3A_35 : i32
    "tpu.region"() ({
      %run_scoped3A_65 = tpu.sem_alloc : memref<!tpu.dma_semaphore, #tpu.memory_space<semaphore_mem>>
      %dma_start3A = arith.constant 0 : i32
      %dma_start3A_66 = tpu.memref_slice %arg8[%add3A_36, %dma_start3A] : memref<10240x128xf32, #tpu.memory_space<vmem_shared>> -> memref<128x128xf32, #tpu.memory_space<vmem_shared>>
      %dma_start3A_67 = arith.constant 0 : i32
      %dma_start3A_68 = tpu.memref_slice %arg8[%add3A_36, %dma_start3A_67] : memref<10240x128xf32, #tpu.memory_space<vmem_shared>> -> memref<128x128xf32, #tpu.memory_space<vmem_shared>>
      tpu.enqueue_dma source(%arg7 : memref<128x128xf32, #tpu.memory_space<vmem>>) target(%dma_start3A_68 : memref<128x128xf32, #tpu.memory_space<vmem_shared>>) target_semaphore(%run_scoped3A_65 : memref<!tpu.dma_semaphore, #tpu.memory_space<semaphore_mem>>)
      %dma_wait3A = arith.constant 0 : i32
      %dma_wait3A_69 = tpu.memref_slice %arg8[%add3A_36, %dma_wait3A] : memref<10240x128xf32, #tpu.memory_space<vmem_shared>> -> memref<128x128xf32, #tpu.memory_space<vmem_shared>>
      %dma_wait3A_70 = arith.constant 0 : i32
      %dma_wait3A_71 = tpu.memref_slice %arg8[%add3A_36, %dma_wait3A_70] : memref<10240x128xf32, #tpu.memory_space<vmem_shared>> -> memref<128x128xf32, #tpu.memory_space<vmem_shared>>
      tpu.wait_dma2 semaphore(%run_scoped3A_65 : memref<!tpu.dma_semaphore, #tpu.memory_space<semaphore_mem>>) src(%arg7 : memref<128x128xf32, #tpu.memory_space<vmem>>) dst(%dma_wait3A_71 : memref<128x128xf32, #tpu.memory_space<vmem_shared>>)
      tpu.yield
    }) : () -> ()
    %barrier3A = arith.constant 0 : index
    tpu.barrier barrier_id(%barrier3A)
    %scan3A_37 = arith.constant 0 : i32
    %scan3A_38 = arith.constant 0 : i32
    %scan3A_39 = arith.constant 125 : i32
    %scan3A_40 = arith.addi %scan3A_38, %scan3A_39 : i32
    %scan3A_41 = arith.constant 1 : i32
    %scan3A_42 = scf.for %scan3A_65 = %scan3A_38 to %scan3A_40 step %scan3A_41 iter_args(%scan3A_66 = %scan3A_37) -> (i32)  : i32 {
      %mul3A_67 = arith.constant 80 : i32
      %mul3A_68 = arith.muli %scan3A_65, %mul3A_67 : i32
      %add3A_69 = arith.constant 0 : i32
      %add3A_70 = arith.addi %mul3A_68, %add3A_69 : i32
      %get3A = arith.index_cast %add3A_70 : i32 to index
      %get3A_71 = tpu.vector_load %arg4[%get3A] {strides = array<i32>} : memref<10000xi32, #tpu.memory_space<vmem>>, vector<16xi32>,
      %get3A_72 = vector.shape_cast %get3A_71 : vector<16xi32> to vector<16xi32>
      %swap3A = arith.constant 0 : index
      %swap3A_73 = tpu.vector_load %arg5[%swap3A] {strides = array<i32>} : memref<80xi32, #tpu.memory_space<vmem>>, vector<16xi32>,
      %swap3A_74 = vector.shape_cast %swap3A_73 : vector<16xi32> to vector<16xi32>
      %swap3A_75 = vector.shape_cast %get3A_72 : vector<16xi32> to vector<16xi32>
      tpu.vector_store %arg5[%swap3A], %swap3A_75 {strides = array<i32>} : memref<80xi32, #tpu.memory_space<vmem>>, vector<16xi32>,
      %mul3A_76 = arith.constant 80 : i32
      %mul3A_77 = arith.muli %scan3A_65, %mul3A_76 : i32
      %add3A_78 = arith.constant 16 : i32
      %add3A_79 = arith.addi %mul3A_77, %add3A_78 : i32
      %get3A_80 = arith.index_cast %add3A_79 : i32 to index
      %get3A_81 = tpu.vector_load %arg4[%get3A_80] {strides = array<i32>} : memref<10000xi32, #tpu.memory_space<vmem>>, vector<16xi32>,
      %get3A_82 = vector.shape_cast %get3A_81 : vector<16xi32> to vector<16xi32>
      %swap3A_83 = arith.constant 16 : index
      %swap3A_84 = tpu.vector_load %arg5[%swap3A_83] {strides = array<i32>} : memref<80xi32, #tpu.memory_space<vmem>>, vector<16xi32>,
      %swap3A_85 = vector.shape_cast %swap3A_84 : vector<16xi32> to vector<16xi32>
      %swap3A_86 = vector.shape_cast %get3A_82 : vector<16xi32> to vector<16xi32>
      tpu.vector_store %arg5[%swap3A_83], %swap3A_86 {strides = array<i32>} : memref<80xi32, #tpu.memory_space<vmem>>, vector<16xi32>,
      %mul3A_87 = arith.constant 80 : i32
      %mul3A_88 = arith.muli %scan3A_65, %mul3A_87 : i32
      %add3A_89 = arith.constant 32 : i32
      %add3A_90 = arith.addi %mul3A_88, %add3A_89 : i32
      %get3A_91 = arith.index_cast %add3A_90 : i32 to index
      %get3A_92 = tpu.vector_load %arg4[%get3A_91] {strides = array<i32>} : memref<10000xi32, #tpu.memory_space<vmem>>, vector<16xi32>,
      %get3A_93 = vector.shape_cast %get3A_92 : vector<16xi32> to vector<16xi32>
      %swap3A_94 = arith.constant 32 : index
      %swap3A_95 = tpu.vector_load %arg5[%swap3A_94] {strides = array<i32>} : memref<80xi32, #tpu.memory_space<vmem>>, vector<16xi32>,
      %swap3A_96 = vector.shape_cast %swap3A_95 : vector<16xi32> to vector<16xi32>
      %swap3A_97 = vector.shape_cast %get3A_93 : vector<16xi32> to vector<16xi32>
      tpu.vector_store %arg5[%swap3A_94], %swap3A_97 {strides = array<i32>} : memref<80xi32, #tpu.memory_space<vmem>>, vector<16xi32>,
      %mul3A_98 = arith.constant 80 : i32
      %mul3A_99 = arith.muli %scan3A_65, %mul3A_98 : i32
      %add3A_100 = arith.constant 48 : i32
      %add3A_101 = arith.addi %mul3A_99, %add3A_100 : i32
      %get3A_102 = arith.index_cast %add3A_101 : i32 to index
      %get3A_103 = tpu.vector_load %arg4[%get3A_102] {strides = array<i32>} : memref<10000xi32, #tpu.memory_space<vmem>>, vector<16xi32>,
      %get3A_104 = vector.shape_cast %get3A_103 : vector<16xi32> to vector<16xi32>
      %swap3A_105 = arith.constant 48 : index
      %swap3A_106 = tpu.vector_load %arg5[%swap3A_105] {strides = array<i32>} : memref<80xi32, #tpu.memory_space<vmem>>, vector<16xi32>,
      %swap3A_107 = vector.shape_cast %swap3A_106 : vector<16xi32> to vector<16xi32>
      %swap3A_108 = vector.shape_cast %get3A_104 : vector<16xi32> to vector<16xi32>
      tpu.vector_store %arg5[%swap3A_105], %swap3A_108 {strides = array<i32>} : memref<80xi32, #tpu.memory_space<vmem>>, vector<16xi32>,
      %mul3A_109 = arith.constant 80 : i32
      %mul3A_110 = arith.muli %scan3A_65, %mul3A_109 : i32
      %add3A_111 = arith.constant 64 : i32
      %add3A_112 = arith.addi %mul3A_110, %add3A_111 : i32
      %get3A_113 = arith.index_cast %add3A_112 : i32 to index
      %get3A_114 = tpu.vector_load %arg4[%get3A_113] {strides = array<i32>} : memref<10000xi32, #tpu.memory_space<vmem>>, vector<16xi32>,
      %get3A_115 = vector.shape_cast %get3A_114 : vector<16xi32> to vector<16xi32>
      %swap3A_116 = arith.constant 64 : index
      %swap3A_117 = tpu.vector_load %arg5[%swap3A_116] {strides = array<i32>} : memref<80xi32, #tpu.memory_space<vmem>>, vector<16xi32>,
      %swap3A_118 = vector.shape_cast %swap3A_117 : vector<16xi32> to vector<16xi32>
      %swap3A_119 = vector.shape_cast %get3A_115 : vector<16xi32> to vector<16xi32>
      tpu.vector_store %arg5[%swap3A_116], %swap3A_119 {strides = array<i32>} : memref<80xi32, #tpu.memory_space<vmem>>, vector<16xi32>,
      "tpu.region"() ({
        %run_scoped3A_121 = tpu.sem_alloc : memref<!tpu.dma_semaphore, #tpu.memory_space<semaphore_mem>>
        %dma_start3A = arith.constant 0 : i32
        %dma_start3A_122 = arith.constant 0 : i32
        %dma_start3A_123 = tpu.memref_slice %arg8[%dma_start3A, %dma_start3A_122] : memref<10240x128xf32, #tpu.memory_space<vmem_shared>> -> memref<10240x128xf32, #tpu.memory_space<vmem_shared>>
        tpu.enqueue_indirect_dma source(%arg6 : memref<80x128xf32, #tpu.memory_space<vmem>>) target(%dma_start3A_123 : memref<10240x128xf32, #tpu.memory_space<vmem_shared>>) offsets(%arg5 : memref<80xi32, #tpu.memory_space<vmem>>) semaphore(%run_scoped3A_121 : memref<!tpu.dma_semaphore, #tpu.memory_space<semaphore_mem>>) {add = true}
        %dma_wait3A = arith.constant 0 : i32
        %dma_wait3A_124 = arith.constant 0 : i32
        %dma_wait3A_125 = tpu.memref_slice %arg8[%dma_wait3A, %dma_wait3A_124] : memref<10240x128xf32, #tpu.memory_space<vmem_shared>> -> memref<10240x128xf32, #tpu.memory_space<vmem_shared>>
        tpu.wait_indirect_dma semaphore(%run_scoped3A_121 : memref<!tpu.dma_semaphore, #tpu.memory_space<semaphore_mem>>) src(%arg6 : memref<80x128xf32, #tpu.memory_space<vmem>>) dst(%dma_wait3A_125 : memref<10240x128xf32, #tpu.memory_space<vmem_shared>>)
        tpu.yield
      }) : () -> ()
      %scan3A_120 = arith.constant 0 : i32
      scf.yield %scan3A_120 : i32
    }
    %scan3A_43 = arith.constant 125 : i32
    %barrier3A_44 = arith.constant 0 : index
    tpu.barrier barrier_id(%barrier3A_44)
    %mul3A_45 = arith.constant 640 : i32
    %mul3A_46 = arith.muli %arg1, %mul3A_45 : i32
    %add3A_47 = arith.constant 0 : i32
    %add3A_48 = arith.addi %mul3A_46, %add3A_47 : i32
    "tpu.region"() ({
      %run_scoped3A_65 = tpu.sem_alloc : memref<!tpu.dma_semaphore, #tpu.memory_space<semaphore_mem>>
      %dma_start3A = arith.constant 0 : i32
      %dma_start3A_66 = tpu.memref_slice %arg3[%arg0, %add3A_48, %dma_start3A] : memref<2x10240x128xf32, #tpu.memory_space<hbm>> -> memref<1x128x128xf32, #tpu.memory_space<hbm>>
      %dma_start3A_67 = tpu.memref_squeeze %dma_start3A_66 : memref<1x128x128xf32, #tpu.memory_space<hbm>> -> memref<128x128xf32, #tpu.memory_space<hbm>>
      %dma_start3A_68 = arith.constant 0 : i32
      %dma_start3A_69 = tpu.memref_slice %arg8[%add3A_48, %dma_start3A_68] : memref<10240x128xf32, #tpu.memory_space<vmem_shared>> -> memref<128x128xf32, #tpu.memory_space<vmem_shared>>
      tpu.enqueue_dma source(%dma_start3A_69 : memref<128x128xf32, #tpu.memory_space<vmem_shared>>) target(%dma_start3A_67 : memref<128x128xf32, #tpu.memory_space<hbm>>) target_semaphore(%run_scoped3A_65 : memref<!tpu.dma_semaphore, #tpu.memory_space<semaphore_mem>>)
      %dma_wait3A = arith.constant 0 : i32
      %dma_wait3A_70 = tpu.memref_slice %arg3[%arg0, %add3A_48, %dma_wait3A] : memref<2x10240x128xf32, #tpu.memory_space<hbm>> -> memref<1x128x128xf32, #tpu.memory_space<hbm>>
      %dma_wait3A_71 = tpu.memref_squeeze %dma_wait3A_70 : memref<1x128x128xf32, #tpu.memory_space<hbm>> -> memref<128x128xf32, #tpu.memory_space<hbm>>
      %dma_wait3A_72 = arith.constant 0 : i32
      %dma_wait3A_73 = tpu.memref_slice %arg8[%add3A_48, %dma_wait3A_72] : memref<10240x128xf32, #tpu.memory_space<vmem_shared>> -> memref<128x128xf32, #tpu.memory_space<vmem_shared>>
      tpu.wait_dma2 semaphore(%run_scoped3A_65 : memref<!tpu.dma_semaphore, #tpu.memory_space<semaphore_mem>>) src(%dma_wait3A_73 : memref<128x128xf32, #tpu.memory_space<vmem_shared>>) dst(%dma_wait3A_71 : memref<128x128xf32, #tpu.memory_space<hbm>>)
      tpu.yield
    }) : () -> ()
    %mul3A_49 = arith.constant 640 : i32
    %mul3A_50 = arith.muli %arg1, %mul3A_49 : i32
    %add3A_51 = arith.constant 128 : i32
    %add3A_52 = arith.addi %mul3A_50, %add3A_51 : i32
    "tpu.region"() ({
      %run_scoped3A_65 = tpu.sem_alloc : memref<!tpu.dma_semaphore, #tpu.memory_space<semaphore_mem>>
      %dma_start3A = arith.constant 0 : i32
      %dma_start3A_66 = tpu.memref_slice %arg3[%arg0, %add3A_52, %dma_start3A] : memref<2x10240x128xf32, #tpu.memory_space<hbm>> -> memref<1x128x128xf32, #tpu.memory_space<hbm>>
      %dma_start3A_67 = tpu.memref_squeeze %dma_start3A_66 : memref<1x128x128xf32, #tpu.memory_space<hbm>> -> memref<128x128xf32, #tpu.memory_space<hbm>>
      %dma_start3A_68 = arith.constant 0 : i32
      %dma_start3A_69 = tpu.memref_slice %arg8[%add3A_52, %dma_start3A_68] : memref<10240x128xf32, #tpu.memory_space<vmem_shared>> -> memref<128x128xf32, #tpu.memory_space<vmem_shared>>
      tpu.enqueue_dma source(%dma_start3A_69 : memref<128x128xf32, #tpu.memory_space<vmem_shared>>) target(%dma_start3A_67 : memref<128x128xf32, #tpu.memory_space<hbm>>) target_semaphore(%run_scoped3A_65 : memref<!tpu.dma_semaphore, #tpu.memory_space<semaphore_mem>>)
      %dma_wait3A = arith.constant 0 : i32
      %dma_wait3A_70 = tpu.memref_slice %arg3[%arg0, %add3A_52, %dma_wait3A] : memref<2x10240x128xf32, #tpu.memory_space<hbm>> -> memref<1x128x128xf32, #tpu.memory_space<hbm>>
      %dma_wait3A_71 = tpu.memref_squeeze %dma_wait3A_70 : memref<1x128x128xf32, #tpu.memory_space<hbm>> -> memref<128x128xf32, #tpu.memory_space<hbm>>
      %dma_wait3A_72 = arith.constant 0 : i32
      %dma_wait3A_73 = tpu.memref_slice %arg8[%add3A_52, %dma_wait3A_72] : memref<10240x128xf32, #tpu.memory_space<vmem_shared>> -> memref<128x128xf32, #tpu.memory_space<vmem_shared>>
      tpu.wait_dma2 semaphore(%run_scoped3A_65 : memref<!tpu.dma_semaphore, #tpu.memory_space<semaphore_mem>>) src(%dma_wait3A_73 : memref<128x128xf32, #tpu.memory_space<vmem_shared>>) dst(%dma_wait3A_71 : memref<128x128xf32, #tpu.memory_space<hbm>>)
      tpu.yield
    }) : () -> ()
    %mul3A_53 = arith.constant 640 : i32
    %mul3A_54 = arith.muli %arg1, %mul3A_53 : i32
    %add3A_55 = arith.constant 256 : i32
    %add3A_56 = arith.addi %mul3A_54, %add3A_55 : i32
    "tpu.region"() ({
      %run_scoped3A_65 = tpu.sem_alloc : memref<!tpu.dma_semaphore, #tpu.memory_space<semaphore_mem>>
      %dma_start3A = arith.constant 0 : i32
      %dma_start3A_66 = tpu.memref_slice %arg3[%arg0, %add3A_56, %dma_start3A] : memref<2x10240x128xf32, #tpu.memory_space<hbm>> -> memref<1x128x128xf32, #tpu.memory_space<hbm>>
      %dma_start3A_67 = tpu.memref_squeeze %dma_start3A_66 : memref<1x128x128xf32, #tpu.memory_space<hbm>> -> memref<128x128xf32, #tpu.memory_space<hbm>>
      %dma_start3A_68 = arith.constant 0 : i32
      %dma_start3A_69 = tpu.memref_slice %arg8[%add3A_56, %dma_start3A_68] : memref<10240x128xf32, #tpu.memory_space<vmem_shared>> -> memref<128x128xf32, #tpu.memory_space<vmem_shared>>
      tpu.enqueue_dma source(%dma_start3A_69 : memref<128x128xf32, #tpu.memory_space<vmem_shared>>) target(%dma_start3A_67 : memref<128x128xf32, #tpu.memory_space<hbm>>) target_semaphore(%run_scoped3A_65 : memref<!tpu.dma_semaphore, #tpu.memory_space<semaphore_mem>>)
      %dma_wait3A = arith.constant 0 : i32
      %dma_wait3A_70 = tpu.memref_slice %arg3[%arg0, %add3A_56, %dma_wait3A] : memref<2x10240x128xf32, #tpu.memory_space<hbm>> -> memref<1x128x128xf32, #tpu.memory_space<hbm>>
      %dma_wait3A_71 = tpu.memref_squeeze %dma_wait3A_70 : memref<1x128x128xf32, #tpu.memory_space<hbm>> -> memref<128x128xf32, #tpu.memory_space<hbm>>
      %dma_wait3A_72 = arith.constant 0 : i32
      %dma_wait3A_73 = tpu.memref_slice %arg8[%add3A_56, %dma_wait3A_72] : memref<10240x128xf32, #tpu.memory_space<vmem_shared>> -> memref<128x128xf32, #tpu.memory_space<vmem_shared>>
      tpu.wait_dma2 semaphore(%run_scoped3A_65 : memref<!tpu.dma_semaphore, #tpu.memory_space<semaphore_mem>>) src(%dma_wait3A_73 : memref<128x128xf32, #tpu.memory_space<vmem_shared>>) dst(%dma_wait3A_71 : memref<128x128xf32, #tpu.memory_space<hbm>>)
      tpu.yield
    }) : () -> ()
    %mul3A_57 = arith.constant 640 : i32
    %mul3A_58 = arith.muli %arg1, %mul3A_57 : i32
    %add3A_59 = arith.constant 384 : i32
    %add3A_60 = arith.addi %mul3A_58, %add3A_59 : i32
    "tpu.region"() ({
      %run_scoped3A_65 = tpu.sem_alloc : memref<!tpu.dma_semaphore, #tpu.memory_space<semaphore_mem>>
      %dma_start3A = arith.constant 0 : i32
      %dma_start3A_66 = tpu.memref_slice %arg3[%arg0, %add3A_60, %dma_start3A] : memref<2x10240x128xf32, #tpu.memory_space<hbm>> -> memref<1x128x128xf32, #tpu.memory_space<hbm>>
      %dma_start3A_67 = tpu.memref_squeeze %dma_start3A_66 : memref<1x128x128xf32, #tpu.memory_space<hbm>> -> memref<128x128xf32, #tpu.memory_space<hbm>>
      %dma_start3A_68 = arith.constant 0 : i32
      %dma_start3A_69 = tpu.memref_slice %arg8[%add3A_60, %dma_start3A_68] : memref<10240x128xf32, #tpu.memory_space<vmem_shared>> -> memref<128x128xf32, #tpu.memory_space<vmem_shared>>
      tpu.enqueue_dma source(%dma_start3A_69 : memref<128x128xf32, #tpu.memory_space<vmem_shared>>) target(%dma_start3A_67 : memref<128x128xf32, #tpu.memory_space<hbm>>) target_semaphore(%run_scoped3A_65 : memref<!tpu.dma_semaphore, #tpu.memory_space<semaphore_mem>>)
      %dma_wait3A = arith.constant 0 : i32
      %dma_wait3A_70 = tpu.memref_slice %arg3[%arg0, %add3A_60, %dma_wait3A] : memref<2x10240x128xf32, #tpu.memory_space<hbm>> -> memref<1x128x128xf32, #tpu.memory_space<hbm>>
      %dma_wait3A_71 = tpu.memref_squeeze %dma_wait3A_70 : memref<1x128x128xf32, #tpu.memory_space<hbm>> -> memref<128x128xf32, #tpu.memory_space<hbm>>
      %dma_wait3A_72 = arith.constant 0 : i32
      %dma_wait3A_73 = tpu.memref_slice %arg8[%add3A_60, %dma_wait3A_72] : memref<10240x128xf32, #tpu.memory_space<vmem_shared>> -> memref<128x128xf32, #tpu.memory_space<vmem_shared>>
      tpu.wait_dma2 semaphore(%run_scoped3A_65 : memref<!tpu.dma_semaphore, #tpu.memory_space<semaphore_mem>>) src(%dma_wait3A_73 : memref<128x128xf32, #tpu.memory_space<vmem_shared>>) dst(%dma_wait3A_71 : memref<128x128xf32, #tpu.memory_space<hbm>>)
      tpu.yield
    }) : () -> ()
    %mul3A_61 = arith.constant 640 : i32
    %mul3A_62 = arith.muli %arg1, %mul3A_61 : i32
    %add3A_63 = arith.constant 512 : i32
    %add3A_64 = arith.addi %mul3A_62, %add3A_63 : i32
    "tpu.region"() ({
      %run_scoped3A_65 = tpu.sem_alloc : memref<!tpu.dma_semaphore, #tpu.memory_space<semaphore_mem>>
      %dma_start3A = arith.constant 0 : i32
      %dma_start3A_66 = tpu.memref_slice %arg3[%arg0, %add3A_64, %dma_start3A] : memref<2x10240x128xf32, #tpu.memory_space<hbm>> -> memref<1x128x128xf32, #tpu.memory_space<hbm>>
      %dma_start3A_67 = tpu.memref_squeeze %dma_start3A_66 : memref<1x128x128xf32, #tpu.memory_space<hbm>> -> memref<128x128xf32, #tpu.memory_space<hbm>>
      %dma_start3A_68 = arith.constant 0 : i32
      %dma_start3A_69 = tpu.memref_slice %arg8[%add3A_64, %dma_start3A_68] : memref<10240x128xf32, #tpu.memory_space<vmem_shared>> -> memref<128x128xf32, #tpu.memory_space<vmem_shared>>
      tpu.enqueue_dma source(%dma_start3A_69 : memref<128x128xf32, #tpu.memory_space<vmem_shared>>) target(%dma_start3A_67 : memref<128x128xf32, #tpu.memory_space<hbm>>) target_semaphore(%run_scoped3A_65 : memref<!tpu.dma_semaphore, #tpu.memory_space<semaphore_mem>>)
      %dma_wait3A = arith.constant 0 : i32
      %dma_wait3A_70 = tpu.memref_slice %arg3[%arg0, %add3A_64, %dma_wait3A] : memref<2x10240x128xf32, #tpu.memory_space<hbm>> -> memref<1x128x128xf32, #tpu.memory_space<hbm>>
      %dma_wait3A_71 = tpu.memref_squeeze %dma_wait3A_70 : memref<1x128x128xf32, #tpu.memory_space<hbm>> -> memref<128x128xf32, #tpu.memory_space<hbm>>
      %dma_wait3A_72 = arith.constant 0 : i32
      %dma_wait3A_73 = tpu.memref_slice %arg8[%add3A_64, %dma_wait3A_72] : memref<10240x128xf32, #tpu.memory_space<vmem_shared>> -> memref<128x128xf32, #tpu.memory_space<vmem_shared>>
      tpu.wait_dma2 semaphore(%run_scoped3A_65 : memref<!tpu.dma_semaphore, #tpu.memory_space<semaphore_mem>>) src(%dma_wait3A_73 : memref<128x128xf32, #tpu.memory_space<vmem_shared>>) dst(%dma_wait3A_71 : memref<128x128xf32, #tpu.memory_space<hbm>>)
      tpu.yield
    }) : () -> ()
    return
  }
}

#map = affine_map<(d0, d1) -> (0, 0)>
#map1 = affine_map<(d0, d1) -> (0, 0, 0)>
module attributes {stable_mosaic.version = 14 : i64} {
  func.func @sc_agg(%arg0: i32, %arg1: i32, %arg2: memref<10000x128xf32, #tpu.memory_space<hbm>>, %arg3: memref<2x32x10000xi32, #tpu.memory_space<hbm>>, %arg4: memref<2x10240x128xf32, #tpu.memory_space<hbm>>, %arg5: memref<10000xi32, #tpu.memory_space<vmem>>, %arg6: memref<10000xi32, #tpu.memory_space<vmem>>, %arg7: memref<80xi32, #tpu.memory_space<vmem>>, %arg8: memref<80x128xf32, #tpu.memory_space<vmem>>, %arg9: memref<80x128xf32, #tpu.memory_space<vmem>>, %arg10: memref<10240x128xf32, #tpu.memory_space<vmem_shared>>, %arg11: memref<!tpu.dma_semaphore, #tpu.memory_space<semaphore_mem>>, %arg12: memref<!tpu.dma_semaphore, #tpu.memory_space<semaphore_mem>>) attributes {dimension_semantics = [#tpu.dimension_semantics<core_parallel>, #tpu.dimension_semantics<subcore_parallel>], iteration_bounds = array<i64: 2, 16>, scalar_prefetch = 0 : i64, scratch_operands = 8 : i64, tpu.core_type = #tpu.core_type<sc_vector_subcore>, window_params = [{transform_indices = #map}, {transform_indices = #map1}, {transform_indices = #map1}]} {
    %mul3A = arith.constant 2 : i32
    %mul3A_0 = arith.muli %arg1, %mul3A : i32
    %add3A = arith.addi %mul3A_0, %arg0 : i32
    %broadcast_in_dim3A = arith.constant 0.000000e+00 : f32
    %broadcast_in_dim3A_1 = vector.broadcast %broadcast_in_dim3A : f32 to vector<16xf32>
    %run_scoped3A = arith.constant 0 : i32
    "tpu.region"() ({
      %run_scoped3A_212 = tpu.sem_alloc : memref<!tpu.dma_semaphore, #tpu.memory_space<semaphore_mem>>
      %dma_start3A_213 = arith.constant 0 : i32
      %dma_start3A_214 = tpu.memref_slice %arg3[%run_scoped3A, %add3A, %dma_start3A_213] : memref<2x32x10000xi32, #tpu.memory_space<hbm>> -> memref<1x1x10000xi32, #tpu.memory_space<hbm>>
      %dma_start3A_215 = tpu.memref_squeeze %dma_start3A_214 : memref<1x1x10000xi32, #tpu.memory_space<hbm>> -> memref<10000xi32, #tpu.memory_space<hbm>>
      %dma_start3A_216 = arith.constant 0 : i32
      %dma_start3A_217 = tpu.memref_slice %arg3[%run_scoped3A, %add3A, %dma_start3A_216] : memref<2x32x10000xi32, #tpu.memory_space<hbm>> -> memref<1x1x10000xi32, #tpu.memory_space<hbm>>
      %dma_start3A_218 = tpu.memref_squeeze %dma_start3A_217 : memref<1x1x10000xi32, #tpu.memory_space<hbm>> -> memref<10000xi32, #tpu.memory_space<hbm>>
      tpu.enqueue_dma source(%dma_start3A_218 : memref<10000xi32, #tpu.memory_space<hbm>>) target(%arg5 : memref<10000xi32, #tpu.memory_space<vmem>>) target_semaphore(%run_scoped3A_212 : memref<!tpu.dma_semaphore, #tpu.memory_space<semaphore_mem>>)
      %dma_wait3A_219 = arith.constant 0 : i32
      %dma_wait3A_220 = tpu.memref_slice %arg3[%run_scoped3A, %add3A, %dma_wait3A_219] : memref<2x32x10000xi32, #tpu.memory_space<hbm>> -> memref<1x1x10000xi32, #tpu.memory_space<hbm>>
      %dma_wait3A_221 = tpu.memref_squeeze %dma_wait3A_220 : memref<1x1x10000xi32, #tpu.memory_space<hbm>> -> memref<10000xi32, #tpu.memory_space<hbm>>
      %dma_wait3A_222 = arith.constant 0 : i32
      %dma_wait3A_223 = tpu.memref_slice %arg3[%run_scoped3A, %add3A, %dma_wait3A_222] : memref<2x32x10000xi32, #tpu.memory_space<hbm>> -> memref<1x1x10000xi32, #tpu.memory_space<hbm>>
      %dma_wait3A_224 = tpu.memref_squeeze %dma_wait3A_223 : memref<1x1x10000xi32, #tpu.memory_space<hbm>> -> memref<10000xi32, #tpu.memory_space<hbm>>
      tpu.wait_dma2 semaphore(%run_scoped3A_212 : memref<!tpu.dma_semaphore, #tpu.memory_space<semaphore_mem>>) src(%dma_wait3A_224 : memref<10000xi32, #tpu.memory_space<hbm>>) dst(%arg5 : memref<10000xi32, #tpu.memory_space<vmem>>)
      tpu.yield
    }) : () -> ()
    %run_scoped3A_2 = arith.constant 1 : i32
    "tpu.region"() ({
      %run_scoped3A_212 = tpu.sem_alloc : memref<!tpu.dma_semaphore, #tpu.memory_space<semaphore_mem>>
      %dma_start3A_213 = arith.constant 0 : i32
      %dma_start3A_214 = tpu.memref_slice %arg3[%run_scoped3A_2, %add3A, %dma_start3A_213] : memref<2x32x10000xi32, #tpu.memory_space<hbm>> -> memref<1x1x10000xi32, #tpu.memory_space<hbm>>
      %dma_start3A_215 = tpu.memref_squeeze %dma_start3A_214 : memref<1x1x10000xi32, #tpu.memory_space<hbm>> -> memref<10000xi32, #tpu.memory_space<hbm>>
      %dma_start3A_216 = arith.constant 0 : i32
      %dma_start3A_217 = tpu.memref_slice %arg3[%run_scoped3A_2, %add3A, %dma_start3A_216] : memref<2x32x10000xi32, #tpu.memory_space<hbm>> -> memref<1x1x10000xi32, #tpu.memory_space<hbm>>
      %dma_start3A_218 = tpu.memref_squeeze %dma_start3A_217 : memref<1x1x10000xi32, #tpu.memory_space<hbm>> -> memref<10000xi32, #tpu.memory_space<hbm>>
      tpu.enqueue_dma source(%dma_start3A_218 : memref<10000xi32, #tpu.memory_space<hbm>>) target(%arg6 : memref<10000xi32, #tpu.memory_space<vmem>>) target_semaphore(%run_scoped3A_212 : memref<!tpu.dma_semaphore, #tpu.memory_space<semaphore_mem>>)
      %dma_wait3A_219 = arith.constant 0 : i32
      %dma_wait3A_220 = tpu.memref_slice %arg3[%run_scoped3A_2, %add3A, %dma_wait3A_219] : memref<2x32x10000xi32, #tpu.memory_space<hbm>> -> memref<1x1x10000xi32, #tpu.memory_space<hbm>>
      %dma_wait3A_221 = tpu.memref_squeeze %dma_wait3A_220 : memref<1x1x10000xi32, #tpu.memory_space<hbm>> -> memref<10000xi32, #tpu.memory_space<hbm>>
      %dma_wait3A_222 = arith.constant 0 : i32
      %dma_wait3A_223 = tpu.memref_slice %arg3[%run_scoped3A_2, %add3A, %dma_wait3A_222] : memref<2x32x10000xi32, #tpu.memory_space<hbm>> -> memref<1x1x10000xi32, #tpu.memory_space<hbm>>
      %dma_wait3A_224 = tpu.memref_squeeze %dma_wait3A_223 : memref<1x1x10000xi32, #tpu.memory_space<hbm>> -> memref<10000xi32, #tpu.memory_space<hbm>>
      tpu.wait_dma2 semaphore(%run_scoped3A_212 : memref<!tpu.dma_semaphore, #tpu.memory_space<semaphore_mem>>) src(%dma_wait3A_224 : memref<10000xi32, #tpu.memory_space<hbm>>) dst(%arg6 : memref<10000xi32, #tpu.memory_space<vmem>>)
      tpu.yield
    }) : () -> ()
    %scan3A = arith.constant 0 : i32
    %scan3A_3 = arith.constant 0 : i32
    %scan3A_4 = arith.constant 80 : i32
    %scan3A_5 = arith.addi %scan3A_3, %scan3A_4 : i32
    %scan3A_6 = arith.constant 1 : i32
    %scan3A_7 = scf.for %scan3A_212 = %scan3A_3 to %scan3A_5 step %scan3A_6 iter_args(%scan3A_213 = %scan3A) -> (i32)  : i32 {
      %swap3A_214 = arith.index_cast %scan3A_212 : i32 to index
      %swap3A_215 = arith.constant 0 : index
      %swap3A_216 = tpu.vector_load %arg8[%swap3A_214, %swap3A_215] {strides = array<i32>} : memref<80x128xf32, #tpu.memory_space<vmem>>, vector<1x16xf32>,
      %swap3A_217 = vector.shape_cast %swap3A_216 : vector<1x16xf32> to vector<16xf32>
      %swap3A_218 = vector.shape_cast %broadcast_in_dim3A_1 : vector<16xf32> to vector<1x16xf32>
      tpu.vector_store %arg8[%swap3A_214, %swap3A_215], %swap3A_218 {strides = array<i32>} : memref<80x128xf32, #tpu.memory_space<vmem>>, vector<1x16xf32>,
      %swap3A_219 = arith.index_cast %scan3A_212 : i32 to index
      %swap3A_220 = arith.constant 16 : index
      %swap3A_221 = tpu.vector_load %arg8[%swap3A_219, %swap3A_220] {strides = array<i32>} : memref<80x128xf32, #tpu.memory_space<vmem>>, vector<1x16xf32>,
      %swap3A_222 = vector.shape_cast %swap3A_221 : vector<1x16xf32> to vector<16xf32>
      %swap3A_223 = vector.shape_cast %broadcast_in_dim3A_1 : vector<16xf32> to vector<1x16xf32>
      tpu.vector_store %arg8[%swap3A_219, %swap3A_220], %swap3A_223 {strides = array<i32>} : memref<80x128xf32, #tpu.memory_space<vmem>>, vector<1x16xf32>,
      %swap3A_224 = arith.index_cast %scan3A_212 : i32 to index
      %swap3A_225 = arith.constant 32 : index
      %swap3A_226 = tpu.vector_load %arg8[%swap3A_224, %swap3A_225] {strides = array<i32>} : memref<80x128xf32, #tpu.memory_space<vmem>>, vector<1x16xf32>,
      %swap3A_227 = vector.shape_cast %swap3A_226 : vector<1x16xf32> to vector<16xf32>
      %swap3A_228 = vector.shape_cast %broadcast_in_dim3A_1 : vector<16xf32> to vector<1x16xf32>
      tpu.vector_store %arg8[%swap3A_224, %swap3A_225], %swap3A_228 {strides = array<i32>} : memref<80x128xf32, #tpu.memory_space<vmem>>, vector<1x16xf32>,
      %swap3A_229 = arith.index_cast %scan3A_212 : i32 to index
      %swap3A_230 = arith.constant 48 : index
      %swap3A_231 = tpu.vector_load %arg8[%swap3A_229, %swap3A_230] {strides = array<i32>} : memref<80x128xf32, #tpu.memory_space<vmem>>, vector<1x16xf32>,
      %swap3A_232 = vector.shape_cast %swap3A_231 : vector<1x16xf32> to vector<16xf32>
      %swap3A_233 = vector.shape_cast %broadcast_in_dim3A_1 : vector<16xf32> to vector<1x16xf32>
      tpu.vector_store %arg8[%swap3A_229, %swap3A_230], %swap3A_233 {strides = array<i32>} : memref<80x128xf32, #tpu.memory_space<vmem>>, vector<1x16xf32>,
      %swap3A_234 = arith.index_cast %scan3A_212 : i32 to index
      %swap3A_235 = arith.constant 64 : index
      %swap3A_236 = tpu.vector_load %arg8[%swap3A_234, %swap3A_235] {strides = array<i32>} : memref<80x128xf32, #tpu.memory_space<vmem>>, vector<1x16xf32>,
      %swap3A_237 = vector.shape_cast %swap3A_236 : vector<1x16xf32> to vector<16xf32>
      %swap3A_238 = vector.shape_cast %broadcast_in_dim3A_1 : vector<16xf32> to vector<1x16xf32>
      tpu.vector_store %arg8[%swap3A_234, %swap3A_235], %swap3A_238 {strides = array<i32>} : memref<80x128xf32, #tpu.memory_space<vmem>>, vector<1x16xf32>,
      %swap3A_239 = arith.index_cast %scan3A_212 : i32 to index
      %swap3A_240 = arith.constant 80 : index
      %swap3A_241 = tpu.vector_load %arg8[%swap3A_239, %swap3A_240] {strides = array<i32>} : memref<80x128xf32, #tpu.memory_space<vmem>>, vector<1x16xf32>,
      %swap3A_242 = vector.shape_cast %swap3A_241 : vector<1x16xf32> to vector<16xf32>
      %swap3A_243 = vector.shape_cast %broadcast_in_dim3A_1 : vector<16xf32> to vector<1x16xf32>
      tpu.vector_store %arg8[%swap3A_239, %swap3A_240], %swap3A_243 {strides = array<i32>} : memref<80x128xf32, #tpu.memory_space<vmem>>, vector<1x16xf32>,
      %swap3A_244 = arith.index_cast %scan3A_212 : i32 to index
      %swap3A_245 = arith.constant 96 : index
      %swap3A_246 = tpu.vector_load %arg8[%swap3A_244, %swap3A_245] {strides = array<i32>} : memref<80x128xf32, #tpu.memory_space<vmem>>, vector<1x16xf32>,
      %swap3A_247 = vector.shape_cast %swap3A_246 : vector<1x16xf32> to vector<16xf32>
      %swap3A_248 = vector.shape_cast %broadcast_in_dim3A_1 : vector<16xf32> to vector<1x16xf32>
      tpu.vector_store %arg8[%swap3A_244, %swap3A_245], %swap3A_248 {strides = array<i32>} : memref<80x128xf32, #tpu.memory_space<vmem>>, vector<1x16xf32>,
      %swap3A_249 = arith.index_cast %scan3A_212 : i32 to index
      %swap3A_250 = arith.constant 112 : index
      %swap3A_251 = tpu.vector_load %arg8[%swap3A_249, %swap3A_250] {strides = array<i32>} : memref<80x128xf32, #tpu.memory_space<vmem>>, vector<1x16xf32>,
      %swap3A_252 = vector.shape_cast %swap3A_251 : vector<1x16xf32> to vector<16xf32>
      %swap3A_253 = vector.shape_cast %broadcast_in_dim3A_1 : vector<16xf32> to vector<1x16xf32>
      tpu.vector_store %arg8[%swap3A_249, %swap3A_250], %swap3A_253 {strides = array<i32>} : memref<80x128xf32, #tpu.memory_space<vmem>>, vector<1x16xf32>,
      %scan3A_254 = arith.constant 0 : i32
      scf.yield %scan3A_254 : i32
    }
    %scan3A_8 = arith.constant 80 : i32
    %mul3A_9 = arith.constant 640 : i32
    %mul3A_10 = arith.muli %arg1, %mul3A_9 : i32
    %add3A_11 = arith.constant 0 : i32
    %add3A_12 = arith.addi %mul3A_10, %add3A_11 : i32
    "tpu.region"() ({
      %run_scoped3A_212 = tpu.sem_alloc : memref<!tpu.dma_semaphore, #tpu.memory_space<semaphore_mem>>
      %dma_start3A_213 = arith.constant 0 : i32
      %dma_start3A_214 = tpu.memref_slice %arg10[%add3A_12, %dma_start3A_213] : memref<10240x128xf32, #tpu.memory_space<vmem_shared>> -> memref<80x128xf32, #tpu.memory_space<vmem_shared>>
      %dma_start3A_215 = arith.constant 0 : i32
      %dma_start3A_216 = tpu.memref_slice %arg10[%add3A_12, %dma_start3A_215] : memref<10240x128xf32, #tpu.memory_space<vmem_shared>> -> memref<80x128xf32, #tpu.memory_space<vmem_shared>>
      tpu.enqueue_dma source(%arg8 : memref<80x128xf32, #tpu.memory_space<vmem>>) target(%dma_start3A_216 : memref<80x128xf32, #tpu.memory_space<vmem_shared>>) target_semaphore(%run_scoped3A_212 : memref<!tpu.dma_semaphore, #tpu.memory_space<semaphore_mem>>)
      %dma_wait3A_217 = arith.constant 0 : i32
      %dma_wait3A_218 = tpu.memref_slice %arg10[%add3A_12, %dma_wait3A_217] : memref<10240x128xf32, #tpu.memory_space<vmem_shared>> -> memref<80x128xf32, #tpu.memory_space<vmem_shared>>
      %dma_wait3A_219 = arith.constant 0 : i32
      %dma_wait3A_220 = tpu.memref_slice %arg10[%add3A_12, %dma_wait3A_219] : memref<10240x128xf32, #tpu.memory_space<vmem_shared>> -> memref<80x128xf32, #tpu.memory_space<vmem_shared>>
      tpu.wait_dma2 semaphore(%run_scoped3A_212 : memref<!tpu.dma_semaphore, #tpu.memory_space<semaphore_mem>>) src(%arg8 : memref<80x128xf32, #tpu.memory_space<vmem>>) dst(%dma_wait3A_220 : memref<80x128xf32, #tpu.memory_space<vmem_shared>>)
      tpu.yield
    }) : () -> ()
    %mul3A_13 = arith.constant 640 : i32
    %mul3A_14 = arith.muli %arg1, %mul3A_13 : i32
    %add3A_15 = arith.constant 80 : i32
    %add3A_16 = arith.addi %mul3A_14, %add3A_15 : i32
    "tpu.region"() ({
      %run_scoped3A_212 = tpu.sem_alloc : memref<!tpu.dma_semaphore, #tpu.memory_space<semaphore_mem>>
      %dma_start3A_213 = arith.constant 0 : i32
      %dma_start3A_214 = tpu.memref_slice %arg10[%add3A_16, %dma_start3A_213] : memref<10240x128xf32, #tpu.memory_space<vmem_shared>> -> memref<80x128xf32, #tpu.memory_space<vmem_shared>>
      %dma_start3A_215 = arith.constant 0 : i32
      %dma_start3A_216 = tpu.memref_slice %arg10[%add3A_16, %dma_start3A_215] : memref<10240x128xf32, #tpu.memory_space<vmem_shared>> -> memref<80x128xf32, #tpu.memory_space<vmem_shared>>
      tpu.enqueue_dma source(%arg8 : memref<80x128xf32, #tpu.memory_space<vmem>>) target(%dma_start3A_216 : memref<80x128xf32, #tpu.memory_space<vmem_shared>>) target_semaphore(%run_scoped3A_212 : memref<!tpu.dma_semaphore, #tpu.memory_space<semaphore_mem>>)
      %dma_wait3A_217 = arith.constant 0 : i32
      %dma_wait3A_218 = tpu.memref_slice %arg10[%add3A_16, %dma_wait3A_217] : memref<10240x128xf32, #tpu.memory_space<vmem_shared>> -> memref<80x128xf32, #tpu.memory_space<vmem_shared>>
      %dma_wait3A_219 = arith.constant 0 : i32
      %dma_wait3A_220 = tpu.memref_slice %arg10[%add3A_16, %dma_wait3A_219] : memref<10240x128xf32, #tpu.memory_space<vmem_shared>> -> memref<80x128xf32, #tpu.memory_space<vmem_shared>>
      tpu.wait_dma2 semaphore(%run_scoped3A_212 : memref<!tpu.dma_semaphore, #tpu.memory_space<semaphore_mem>>) src(%arg8 : memref<80x128xf32, #tpu.memory_space<vmem>>) dst(%dma_wait3A_220 : memref<80x128xf32, #tpu.memory_space<vmem_shared>>)
      tpu.yield
    }) : () -> ()
    %mul3A_17 = arith.constant 640 : i32
    %mul3A_18 = arith.muli %arg1, %mul3A_17 : i32
    %add3A_19 = arith.constant 160 : i32
    %add3A_20 = arith.addi %mul3A_18, %add3A_19 : i32
    "tpu.region"() ({
      %run_scoped3A_212 = tpu.sem_alloc : memref<!tpu.dma_semaphore, #tpu.memory_space<semaphore_mem>>
      %dma_start3A_213 = arith.constant 0 : i32
      %dma_start3A_214 = tpu.memref_slice %arg10[%add3A_20, %dma_start3A_213] : memref<10240x128xf32, #tpu.memory_space<vmem_shared>> -> memref<80x128xf32, #tpu.memory_space<vmem_shared>>
      %dma_start3A_215 = arith.constant 0 : i32
      %dma_start3A_216 = tpu.memref_slice %arg10[%add3A_20, %dma_start3A_215] : memref<10240x128xf32, #tpu.memory_space<vmem_shared>> -> memref<80x128xf32, #tpu.memory_space<vmem_shared>>
      tpu.enqueue_dma source(%arg8 : memref<80x128xf32, #tpu.memory_space<vmem>>) target(%dma_start3A_216 : memref<80x128xf32, #tpu.memory_space<vmem_shared>>) target_semaphore(%run_scoped3A_212 : memref<!tpu.dma_semaphore, #tpu.memory_space<semaphore_mem>>)
      %dma_wait3A_217 = arith.constant 0 : i32
      %dma_wait3A_218 = tpu.memref_slice %arg10[%add3A_20, %dma_wait3A_217] : memref<10240x128xf32, #tpu.memory_space<vmem_shared>> -> memref<80x128xf32, #tpu.memory_space<vmem_shared>>
      %dma_wait3A_219 = arith.constant 0 : i32
      %dma_wait3A_220 = tpu.memref_slice %arg10[%add3A_20, %dma_wait3A_219] : memref<10240x128xf32, #tpu.memory_space<vmem_shared>> -> memref<80x128xf32, #tpu.memory_space<vmem_shared>>
      tpu.wait_dma2 semaphore(%run_scoped3A_212 : memref<!tpu.dma_semaphore, #tpu.memory_space<semaphore_mem>>) src(%arg8 : memref<80x128xf32, #tpu.memory_space<vmem>>) dst(%dma_wait3A_220 : memref<80x128xf32, #tpu.memory_space<vmem_shared>>)
      tpu.yield
    }) : () -> ()
    %mul3A_21 = arith.constant 640 : i32
    %mul3A_22 = arith.muli %arg1, %mul3A_21 : i32
    %add3A_23 = arith.constant 240 : i32
    %add3A_24 = arith.addi %mul3A_22, %add3A_23 : i32
    "tpu.region"() ({
      %run_scoped3A_212 = tpu.sem_alloc : memref<!tpu.dma_semaphore, #tpu.memory_space<semaphore_mem>>
      %dma_start3A_213 = arith.constant 0 : i32
      %dma_start3A_214 = tpu.memref_slice %arg10[%add3A_24, %dma_start3A_213] : memref<10240x128xf32, #tpu.memory_space<vmem_shared>> -> memref<80x128xf32, #tpu.memory_space<vmem_shared>>
      %dma_start3A_215 = arith.constant 0 : i32
      %dma_start3A_216 = tpu.memref_slice %arg10[%add3A_24, %dma_start3A_215] : memref<10240x128xf32, #tpu.memory_space<vmem_shared>> -> memref<80x128xf32, #tpu.memory_space<vmem_shared>>
      tpu.enqueue_dma source(%arg8 : memref<80x128xf32, #tpu.memory_space<vmem>>) target(%dma_start3A_216 : memref<80x128xf32, #tpu.memory_space<vmem_shared>>) target_semaphore(%run_scoped3A_212 : memref<!tpu.dma_semaphore, #tpu.memory_space<semaphore_mem>>)
      %dma_wait3A_217 = arith.constant 0 : i32
      %dma_wait3A_218 = tpu.memref_slice %arg10[%add3A_24, %dma_wait3A_217] : memref<10240x128xf32, #tpu.memory_space<vmem_shared>> -> memref<80x128xf32, #tpu.memory_space<vmem_shared>>
      %dma_wait3A_219 = arith.constant 0 : i32
      %dma_wait3A_220 = tpu.memref_slice %arg10[%add3A_24, %dma_wait3A_219] : memref<10240x128xf32, #tpu.memory_space<vmem_shared>> -> memref<80x128xf32, #tpu.memory_space<vmem_shared>>
      tpu.wait_dma2 semaphore(%run_scoped3A_212 : memref<!tpu.dma_semaphore, #tpu.memory_space<semaphore_mem>>) src(%arg8 : memref<80x128xf32, #tpu.memory_space<vmem>>) dst(%dma_wait3A_220 : memref<80x128xf32, #tpu.memory_space<vmem_shared>>)
      tpu.yield
    }) : () -> ()
    %mul3A_25 = arith.constant 640 : i32
    %mul3A_26 = arith.muli %arg1, %mul3A_25 : i32
    %add3A_27 = arith.constant 320 : i32
    %add3A_28 = arith.addi %mul3A_26, %add3A_27 : i32
    "tpu.region"() ({
      %run_scoped3A_212 = tpu.sem_alloc : memref<!tpu.dma_semaphore, #tpu.memory_space<semaphore_mem>>
      %dma_start3A_213 = arith.constant 0 : i32
      %dma_start3A_214 = tpu.memref_slice %arg10[%add3A_28, %dma_start3A_213] : memref<10240x128xf32, #tpu.memory_space<vmem_shared>> -> memref<80x128xf32, #tpu.memory_space<vmem_shared>>
      %dma_start3A_215 = arith.constant 0 : i32
      %dma_start3A_216 = tpu.memref_slice %arg10[%add3A_28, %dma_start3A_215] : memref<10240x128xf32, #tpu.memory_space<vmem_shared>> -> memref<80x128xf32, #tpu.memory_space<vmem_shared>>
      tpu.enqueue_dma source(%arg8 : memref<80x128xf32, #tpu.memory_space<vmem>>) target(%dma_start3A_216 : memref<80x128xf32, #tpu.memory_space<vmem_shared>>) target_semaphore(%run_scoped3A_212 : memref<!tpu.dma_semaphore, #tpu.memory_space<semaphore_mem>>)
      %dma_wait3A_217 = arith.constant 0 : i32
      %dma_wait3A_218 = tpu.memref_slice %arg10[%add3A_28, %dma_wait3A_217] : memref<10240x128xf32, #tpu.memory_space<vmem_shared>> -> memref<80x128xf32, #tpu.memory_space<vmem_shared>>
      %dma_wait3A_219 = arith.constant 0 : i32
      %dma_wait3A_220 = tpu.memref_slice %arg10[%add3A_28, %dma_wait3A_219] : memref<10240x128xf32, #tpu.memory_space<vmem_shared>> -> memref<80x128xf32, #tpu.memory_space<vmem_shared>>
      tpu.wait_dma2 semaphore(%run_scoped3A_212 : memref<!tpu.dma_semaphore, #tpu.memory_space<semaphore_mem>>) src(%arg8 : memref<80x128xf32, #tpu.memory_space<vmem>>) dst(%dma_wait3A_220 : memref<80x128xf32, #tpu.memory_space<vmem_shared>>)
      tpu.yield
    }) : () -> ()
    %mul3A_29 = arith.constant 640 : i32
    %mul3A_30 = arith.muli %arg1, %mul3A_29 : i32
    %add3A_31 = arith.constant 400 : i32
    %add3A_32 = arith.addi %mul3A_30, %add3A_31 : i32
    "tpu.region"() ({
      %run_scoped3A_212 = tpu.sem_alloc : memref<!tpu.dma_semaphore, #tpu.memory_space<semaphore_mem>>
      %dma_start3A_213 = arith.constant 0 : i32
      %dma_start3A_214 = tpu.memref_slice %arg10[%add3A_32, %dma_start3A_213] : memref<10240x128xf32, #tpu.memory_space<vmem_shared>> -> memref<80x128xf32, #tpu.memory_space<vmem_shared>>
      %dma_start3A_215 = arith.constant 0 : i32
      %dma_start3A_216 = tpu.memref_slice %arg10[%add3A_32, %dma_start3A_215] : memref<10240x128xf32, #tpu.memory_space<vmem_shared>> -> memref<80x128xf32, #tpu.memory_space<vmem_shared>>
      tpu.enqueue_dma source(%arg8 : memref<80x128xf32, #tpu.memory_space<vmem>>) target(%dma_start3A_216 : memref<80x128xf32, #tpu.memory_space<vmem_shared>>) target_semaphore(%run_scoped3A_212 : memref<!tpu.dma_semaphore, #tpu.memory_space<semaphore_mem>>)
      %dma_wait3A_217 = arith.constant 0 : i32
      %dma_wait3A_218 = tpu.memref_slice %arg10[%add3A_32, %dma_wait3A_217] : memref<10240x128xf32, #tpu.memory_space<vmem_shared>> -> memref<80x128xf32, #tpu.memory_space<vmem_shared>>
      %dma_wait3A_219 = arith.constant 0 : i32
      %dma_wait3A_220 = tpu.memref_slice %arg10[%add3A_32, %dma_wait3A_219] : memref<10240x128xf32, #tpu.memory_space<vmem_shared>> -> memref<80x128xf32, #tpu.memory_space<vmem_shared>>
      tpu.wait_dma2 semaphore(%run_scoped3A_212 : memref<!tpu.dma_semaphore, #tpu.memory_space<semaphore_mem>>) src(%arg8 : memref<80x128xf32, #tpu.memory_space<vmem>>) dst(%dma_wait3A_220 : memref<80x128xf32, #tpu.memory_space<vmem_shared>>)
      tpu.yield
    }) : () -> ()
    %mul3A_33 = arith.constant 640 : i32
    %mul3A_34 = arith.muli %arg1, %mul3A_33 : i32
    %add3A_35 = arith.constant 480 : i32
    %add3A_36 = arith.addi %mul3A_34, %add3A_35 : i32
    "tpu.region"() ({
      %run_scoped3A_212 = tpu.sem_alloc : memref<!tpu.dma_semaphore, #tpu.memory_space<semaphore_mem>>
      %dma_start3A_213 = arith.constant 0 : i32
      %dma_start3A_214 = tpu.memref_slice %arg10[%add3A_36, %dma_start3A_213] : memref<10240x128xf32, #tpu.memory_space<vmem_shared>> -> memref<80x128xf32, #tpu.memory_space<vmem_shared>>
      %dma_start3A_215 = arith.constant 0 : i32
      %dma_start3A_216 = tpu.memref_slice %arg10[%add3A_36, %dma_start3A_215] : memref<10240x128xf32, #tpu.memory_space<vmem_shared>> -> memref<80x128xf32, #tpu.memory_space<vmem_shared>>
      tpu.enqueue_dma source(%arg8 : memref<80x128xf32, #tpu.memory_space<vmem>>) target(%dma_start3A_216 : memref<80x128xf32, #tpu.memory_space<vmem_shared>>) target_semaphore(%run_scoped3A_212 : memref<!tpu.dma_semaphore, #tpu.memory_space<semaphore_mem>>)
      %dma_wait3A_217 = arith.constant 0 : i32
      %dma_wait3A_218 = tpu.memref_slice %arg10[%add3A_36, %dma_wait3A_217] : memref<10240x128xf32, #tpu.memory_space<vmem_shared>> -> memref<80x128xf32, #tpu.memory_space<vmem_shared>>
      %dma_wait3A_219 = arith.constant 0 : i32
      %dma_wait3A_220 = tpu.memref_slice %arg10[%add3A_36, %dma_wait3A_219] : memref<10240x128xf32, #tpu.memory_space<vmem_shared>> -> memref<80x128xf32, #tpu.memory_space<vmem_shared>>
      tpu.wait_dma2 semaphore(%run_scoped3A_212 : memref<!tpu.dma_semaphore, #tpu.memory_space<semaphore_mem>>) src(%arg8 : memref<80x128xf32, #tpu.memory_space<vmem>>) dst(%dma_wait3A_220 : memref<80x128xf32, #tpu.memory_space<vmem_shared>>)
      tpu.yield
    }) : () -> ()
    %mul3A_37 = arith.constant 640 : i32
    %mul3A_38 = arith.muli %arg1, %mul3A_37 : i32
    %add3A_39 = arith.constant 560 : i32
    %add3A_40 = arith.addi %mul3A_38, %add3A_39 : i32
    "tpu.region"() ({
      %run_scoped3A_212 = tpu.sem_alloc : memref<!tpu.dma_semaphore, #tpu.memory_space<semaphore_mem>>
      %dma_start3A_213 = arith.constant 0 : i32
      %dma_start3A_214 = tpu.memref_slice %arg10[%add3A_40, %dma_start3A_213] : memref<10240x128xf32, #tpu.memory_space<vmem_shared>> -> memref<80x128xf32, #tpu.memory_space<vmem_shared>>
      %dma_start3A_215 = arith.constant 0 : i32
      %dma_start3A_216 = tpu.memref_slice %arg10[%add3A_40, %dma_start3A_215] : memref<10240x128xf32, #tpu.memory_space<vmem_shared>> -> memref<80x128xf32, #tpu.memory_space<vmem_shared>>
      tpu.enqueue_dma source(%arg8 : memref<80x128xf32, #tpu.memory_space<vmem>>) target(%dma_start3A_216 : memref<80x128xf32, #tpu.memory_space<vmem_shared>>) target_semaphore(%run_scoped3A_212 : memref<!tpu.dma_semaphore, #tpu.memory_space<semaphore_mem>>)
      %dma_wait3A_217 = arith.constant 0 : i32
      %dma_wait3A_218 = tpu.memref_slice %arg10[%add3A_40, %dma_wait3A_217] : memref<10240x128xf32, #tpu.memory_space<vmem_shared>> -> memref<80x128xf32, #tpu.memory_space<vmem_shared>>
      %dma_wait3A_219 = arith.constant 0 : i32
      %dma_wait3A_220 = tpu.memref_slice %arg10[%add3A_40, %dma_wait3A_219] : memref<10240x128xf32, #tpu.memory_space<vmem_shared>> -> memref<80x128xf32, #tpu.memory_space<vmem_shared>>
      tpu.wait_dma2 semaphore(%run_scoped3A_212 : memref<!tpu.dma_semaphore, #tpu.memory_space<semaphore_mem>>) src(%arg8 : memref<80x128xf32, #tpu.memory_space<vmem>>) dst(%dma_wait3A_220 : memref<80x128xf32, #tpu.memory_space<vmem_shared>>)
      tpu.yield
    }) : () -> ()
    %barrier3A = arith.constant 0 : index
    tpu.barrier barrier_id(%barrier3A)
    %dma_start3A = arith.constant 0 : i32
    %dma_start3A_41 = tpu.memref_slice %arg5[%dma_start3A] : memref<10000xi32, #tpu.memory_space<vmem>> -> memref<80xi32, #tpu.memory_space<vmem>>
    %dma_start3A_42 = arith.constant 0 : i32
    %dma_start3A_43 = arith.constant 0 : i32
    %dma_start3A_44 = tpu.memref_slice %arg2[%dma_start3A_42, %dma_start3A_43] : memref<10000x128xf32, #tpu.memory_space<hbm>> -> memref<10000x128xf32, #tpu.memory_space<hbm>>
    tpu.enqueue_indirect_dma source(%dma_start3A_44 : memref<10000x128xf32, #tpu.memory_space<hbm>>) target(%arg8 : memref<80x128xf32, #tpu.memory_space<vmem>>) offsets(%dma_start3A_41 : memref<80xi32, #tpu.memory_space<vmem>>) semaphore(%arg11 : memref<!tpu.dma_semaphore, #tpu.memory_space<semaphore_mem>>)
    %dma_start3A_45 = arith.constant 80 : i32
    %dma_start3A_46 = tpu.memref_slice %arg5[%dma_start3A_45] : memref<10000xi32, #tpu.memory_space<vmem>> -> memref<80xi32, #tpu.memory_space<vmem>>
    %dma_start3A_47 = arith.constant 0 : i32
    %dma_start3A_48 = arith.constant 0 : i32
    %dma_start3A_49 = tpu.memref_slice %arg2[%dma_start3A_47, %dma_start3A_48] : memref<10000x128xf32, #tpu.memory_space<hbm>> -> memref<10000x128xf32, #tpu.memory_space<hbm>>
    tpu.enqueue_indirect_dma source(%dma_start3A_49 : memref<10000x128xf32, #tpu.memory_space<hbm>>) target(%arg9 : memref<80x128xf32, #tpu.memory_space<vmem>>) offsets(%dma_start3A_46 : memref<80xi32, #tpu.memory_space<vmem>>) semaphore(%arg12 : memref<!tpu.dma_semaphore, #tpu.memory_space<semaphore_mem>>)
    %scan3A_50 = arith.constant 0 : i32
    %scan3A_51 = arith.constant 0 : i32
    %scan3A_52 = arith.constant 61 : i32
    %scan3A_53 = arith.addi %scan3A_51, %scan3A_52 : i32
    %scan3A_54 = arith.constant 1 : i32
    %scan3A_55 = scf.for %scan3A_212 = %scan3A_51 to %scan3A_53 step %scan3A_54 iter_args(%scan3A_213 = %scan3A_50) -> (i32)  : i32 {
      %mul3A_214 = arith.constant 2 : i32
      %mul3A_215 = arith.muli %mul3A_214, %scan3A_212 : i32
      %dma_wait3A_216 = arith.constant 0 : i32
      %dma_wait3A_217 = tpu.memref_slice %arg5[%dma_wait3A_216] : memref<10000xi32, #tpu.memory_space<vmem>> -> memref<80xi32, #tpu.memory_space<vmem>>
      %dma_wait3A_218 = arith.constant 0 : i32
      %dma_wait3A_219 = arith.constant 0 : i32
      %dma_wait3A_220 = tpu.memref_slice %arg2[%dma_wait3A_218, %dma_wait3A_219] : memref<10000x128xf32, #tpu.memory_space<hbm>> -> memref<10000x128xf32, #tpu.memory_space<hbm>>
      tpu.wait_indirect_dma semaphore(%arg11 : memref<!tpu.dma_semaphore, #tpu.memory_space<semaphore_mem>>) src(%dma_wait3A_220 : memref<10000x128xf32, #tpu.memory_space<hbm>>) dst(%arg8 : memref<80x128xf32, #tpu.memory_space<vmem>>)
      %mul3A_221 = arith.constant 80 : i32
      %mul3A_222 = arith.muli %mul3A_215, %mul3A_221 : i32
      %add3A_223 = arith.constant 0 : i32
      %add3A_224 = arith.addi %mul3A_222, %add3A_223 : i32
      %get3A_225 = arith.index_cast %add3A_224 : i32 to index
      %get3A_226 = tpu.vector_load %arg6[%get3A_225] {strides = array<i32>} : memref<10000xi32, #tpu.memory_space<vmem>>, vector<16xi32>,
      %get3A_227 = vector.shape_cast %get3A_226 : vector<16xi32> to vector<16xi32>
      %swap3A_228 = arith.constant 0 : index
      %swap3A_229 = tpu.vector_load %arg7[%swap3A_228] {strides = array<i32>} : memref<80xi32, #tpu.memory_space<vmem>>, vector<16xi32>,
      %swap3A_230 = vector.shape_cast %swap3A_229 : vector<16xi32> to vector<16xi32>
      %swap3A_231 = vector.shape_cast %get3A_227 : vector<16xi32> to vector<16xi32>
      tpu.vector_store %arg7[%swap3A_228], %swap3A_231 {strides = array<i32>} : memref<80xi32, #tpu.memory_space<vmem>>, vector<16xi32>,
      %mul3A_232 = arith.constant 80 : i32
      %mul3A_233 = arith.muli %mul3A_215, %mul3A_232 : i32
      %add3A_234 = arith.constant 16 : i32
      %add3A_235 = arith.addi %mul3A_233, %add3A_234 : i32
      %get3A_236 = arith.index_cast %add3A_235 : i32 to index
      %get3A_237 = tpu.vector_load %arg6[%get3A_236] {strides = array<i32>} : memref<10000xi32, #tpu.memory_space<vmem>>, vector<16xi32>,
      %get3A_238 = vector.shape_cast %get3A_237 : vector<16xi32> to vector<16xi32>
      %swap3A_239 = arith.constant 16 : index
      %swap3A_240 = tpu.vector_load %arg7[%swap3A_239] {strides = array<i32>} : memref<80xi32, #tpu.memory_space<vmem>>, vector<16xi32>,
      %swap3A_241 = vector.shape_cast %swap3A_240 : vector<16xi32> to vector<16xi32>
      %swap3A_242 = vector.shape_cast %get3A_238 : vector<16xi32> to vector<16xi32>
      tpu.vector_store %arg7[%swap3A_239], %swap3A_242 {strides = array<i32>} : memref<80xi32, #tpu.memory_space<vmem>>, vector<16xi32>,
      %mul3A_243 = arith.constant 80 : i32
      %mul3A_244 = arith.muli %mul3A_215, %mul3A_243 : i32
      %add3A_245 = arith.constant 32 : i32
      %add3A_246 = arith.addi %mul3A_244, %add3A_245 : i32
      %get3A_247 = arith.index_cast %add3A_246 : i32 to index
      %get3A_248 = tpu.vector_load %arg6[%get3A_247] {strides = array<i32>} : memref<10000xi32, #tpu.memory_space<vmem>>, vector<16xi32>,
      %get3A_249 = vector.shape_cast %get3A_248 : vector<16xi32> to vector<16xi32>
      %swap3A_250 = arith.constant 32 : index
      %swap3A_251 = tpu.vector_load %arg7[%swap3A_250] {strides = array<i32>} : memref<80xi32, #tpu.memory_space<vmem>>, vector<16xi32>,
      %swap3A_252 = vector.shape_cast %swap3A_251 : vector<16xi32> to vector<16xi32>
      %swap3A_253 = vector.shape_cast %get3A_249 : vector<16xi32> to vector<16xi32>
      tpu.vector_store %arg7[%swap3A_250], %swap3A_253 {strides = array<i32>} : memref<80xi32, #tpu.memory_space<vmem>>, vector<16xi32>,
      %mul3A_254 = arith.constant 80 : i32
      %mul3A_255 = arith.muli %mul3A_215, %mul3A_254 : i32
      %add3A_256 = arith.constant 48 : i32
      %add3A_257 = arith.addi %mul3A_255, %add3A_256 : i32
      %get3A_258 = arith.index_cast %add3A_257 : i32 to index
      %get3A_259 = tpu.vector_load %arg6[%get3A_258] {strides = array<i32>} : memref<10000xi32, #tpu.memory_space<vmem>>, vector<16xi32>,
      %get3A_260 = vector.shape_cast %get3A_259 : vector<16xi32> to vector<16xi32>
      %swap3A_261 = arith.constant 48 : index
      %swap3A_262 = tpu.vector_load %arg7[%swap3A_261] {strides = array<i32>} : memref<80xi32, #tpu.memory_space<vmem>>, vector<16xi32>,
      %swap3A_263 = vector.shape_cast %swap3A_262 : vector<16xi32> to vector<16xi32>
      %swap3A_264 = vector.shape_cast %get3A_260 : vector<16xi32> to vector<16xi32>
      tpu.vector_store %arg7[%swap3A_261], %swap3A_264 {strides = array<i32>} : memref<80xi32, #tpu.memory_space<vmem>>, vector<16xi32>,
      %mul3A_265 = arith.constant 80 : i32
      %mul3A_266 = arith.muli %mul3A_215, %mul3A_265 : i32
      %add3A_267 = arith.constant 64 : i32
      %add3A_268 = arith.addi %mul3A_266, %add3A_267 : i32
      %get3A_269 = arith.index_cast %add3A_268 : i32 to index
      %get3A_270 = tpu.vector_load %arg6[%get3A_269] {strides = array<i32>} : memref<10000xi32, #tpu.memory_space<vmem>>, vector<16xi32>,
      %get3A_271 = vector.shape_cast %get3A_270 : vector<16xi32> to vector<16xi32>
      %swap3A_272 = arith.constant 64 : index
      %swap3A_273 = tpu.vector_load %arg7[%swap3A_272] {strides = array<i32>} : memref<80xi32, #tpu.memory_space<vmem>>, vector<16xi32>,
      %swap3A_274 = vector.shape_cast %swap3A_273 : vector<16xi32> to vector<16xi32>
      %swap3A_275 = vector.shape_cast %get3A_271 : vector<16xi32> to vector<16xi32>
      tpu.vector_store %arg7[%swap3A_272], %swap3A_275 {strides = array<i32>} : memref<80xi32, #tpu.memory_space<vmem>>, vector<16xi32>,
      "tpu.region"() ({
        %run_scoped3A_355 = tpu.sem_alloc : memref<!tpu.dma_semaphore, #tpu.memory_space<semaphore_mem>>
        %dma_start3A_356 = arith.constant 0 : i32
        %dma_start3A_357 = arith.constant 0 : i32
        %dma_start3A_358 = tpu.memref_slice %arg10[%dma_start3A_356, %dma_start3A_357] : memref<10240x128xf32, #tpu.memory_space<vmem_shared>> -> memref<10240x128xf32, #tpu.memory_space<vmem_shared>>
        tpu.enqueue_indirect_dma source(%arg8 : memref<80x128xf32, #tpu.memory_space<vmem>>) target(%dma_start3A_358 : memref<10240x128xf32, #tpu.memory_space<vmem_shared>>) offsets(%arg7 : memref<80xi32, #tpu.memory_space<vmem>>) semaphore(%run_scoped3A_355 : memref<!tpu.dma_semaphore, #tpu.memory_space<semaphore_mem>>) {add = true}
        %dma_wait3A_359 = arith.constant 0 : i32
        %dma_wait3A_360 = arith.constant 0 : i32
        %dma_wait3A_361 = tpu.memref_slice %arg10[%dma_wait3A_359, %dma_wait3A_360] : memref<10240x128xf32, #tpu.memory_space<vmem_shared>> -> memref<10240x128xf32, #tpu.memory_space<vmem_shared>>
        tpu.wait_indirect_dma semaphore(%run_scoped3A_355 : memref<!tpu.dma_semaphore, #tpu.memory_space<semaphore_mem>>) src(%arg8 : memref<80x128xf32, #tpu.memory_space<vmem>>) dst(%dma_wait3A_361 : memref<10240x128xf32, #tpu.memory_space<vmem_shared>>)
        tpu.yield
      }) : () -> ()
      %add3A_276 = arith.constant 2 : i32
      %add3A_277 = arith.addi %mul3A_215, %add3A_276 : i32
      %mul3A_278 = arith.constant 80 : i32
      %mul3A_279 = arith.muli %add3A_277, %mul3A_278 : i32
      %dma_start3A_280 = tpu.memref_slice %arg5[%mul3A_279] : memref<10000xi32, #tpu.memory_space<vmem>> -> memref<80xi32, #tpu.memory_space<vmem>>
      %dma_start3A_281 = arith.constant 0 : i32
      %dma_start3A_282 = arith.constant 0 : i32
      %dma_start3A_283 = tpu.memref_slice %arg2[%dma_start3A_281, %dma_start3A_282] : memref<10000x128xf32, #tpu.memory_space<hbm>> -> memref<10000x128xf32, #tpu.memory_space<hbm>>
      tpu.enqueue_indirect_dma source(%dma_start3A_283 : memref<10000x128xf32, #tpu.memory_space<hbm>>) target(%arg8 : memref<80x128xf32, #tpu.memory_space<vmem>>) offsets(%dma_start3A_280 : memref<80xi32, #tpu.memory_space<vmem>>) semaphore(%arg11 : memref<!tpu.dma_semaphore, #tpu.memory_space<semaphore_mem>>)
      %dma_wait3A_284 = arith.constant 0 : i32
      %dma_wait3A_285 = tpu.memref_slice %arg5[%dma_wait3A_284] : memref<10000xi32, #tpu.memory_space<vmem>> -> memref<80xi32, #tpu.memory_space<vmem>>
      %dma_wait3A_286 = arith.constant 0 : i32
      %dma_wait3A_287 = arith.constant 0 : i32
      %dma_wait3A_288 = tpu.memref_slice %arg2[%dma_wait3A_286, %dma_wait3A_287] : memref<10000x128xf32, #tpu.memory_space<hbm>> -> memref<10000x128xf32, #tpu.memory_space<hbm>>
      tpu.wait_indirect_dma semaphore(%arg12 : memref<!tpu.dma_semaphore, #tpu.memory_space<semaphore_mem>>) src(%dma_wait3A_288 : memref<10000x128xf32, #tpu.memory_space<hbm>>) dst(%arg9 : memref<80x128xf32, #tpu.memory_space<vmem>>)
      %add3A_289 = arith.constant 1 : i32
      %add3A_290 = arith.addi %mul3A_215, %add3A_289 : i32
      %mul3A_291 = arith.constant 80 : i32
      %mul3A_292 = arith.muli %add3A_290, %mul3A_291 : i32
      %add3A_293 = arith.constant 0 : i32
      %add3A_294 = arith.addi %mul3A_292, %add3A_293 : i32
      %get3A_295 = arith.index_cast %add3A_294 : i32 to index
      %get3A_296 = tpu.vector_load %arg6[%get3A_295] {strides = array<i32>} : memref<10000xi32, #tpu.memory_space<vmem>>, vector<16xi32>,
      %get3A_297 = vector.shape_cast %get3A_296 : vector<16xi32> to vector<16xi32>
      %swap3A_298 = arith.constant 0 : index
      %swap3A_299 = tpu.vector_load %arg7[%swap3A_298] {strides = array<i32>} : memref<80xi32, #tpu.memory_space<vmem>>, vector<16xi32>,
      %swap3A_300 = vector.shape_cast %swap3A_299 : vector<16xi32> to vector<16xi32>
      %swap3A_301 = vector.shape_cast %get3A_297 : vector<16xi32> to vector<16xi32>
      tpu.vector_store %arg7[%swap3A_298], %swap3A_301 {strides = array<i32>} : memref<80xi32, #tpu.memory_space<vmem>>, vector<16xi32>,
      %mul3A_302 = arith.constant 80 : i32
      %mul3A_303 = arith.muli %add3A_290, %mul3A_302 : i32
      %add3A_304 = arith.constant 16 : i32
      %add3A_305 = arith.addi %mul3A_303, %add3A_304 : i32
      %get3A_306 = arith.index_cast %add3A_305 : i32 to index
      %get3A_307 = tpu.vector_load %arg6[%get3A_306] {strides = array<i32>} : memref<10000xi32, #tpu.memory_space<vmem>>, vector<16xi32>,
      %get3A_308 = vector.shape_cast %get3A_307 : vector<16xi32> to vector<16xi32>
      %swap3A_309 = arith.constant 16 : index
      %swap3A_310 = tpu.vector_load %arg7[%swap3A_309] {strides = array<i32>} : memref<80xi32, #tpu.memory_space<vmem>>, vector<16xi32>,
      %swap3A_311 = vector.shape_cast %swap3A_310 : vector<16xi32> to vector<16xi32>
      %swap3A_312 = vector.shape_cast %get3A_308 : vector<16xi32> to vector<16xi32>
      tpu.vector_store %arg7[%swap3A_309], %swap3A_312 {strides = array<i32>} : memref<80xi32, #tpu.memory_space<vmem>>, vector<16xi32>,
      %mul3A_313 = arith.constant 80 : i32
      %mul3A_314 = arith.muli %add3A_290, %mul3A_313 : i32
      %add3A_315 = arith.constant 32 : i32
      %add3A_316 = arith.addi %mul3A_314, %add3A_315 : i32
      %get3A_317 = arith.index_cast %add3A_316 : i32 to index
      %get3A_318 = tpu.vector_load %arg6[%get3A_317] {strides = array<i32>} : memref<10000xi32, #tpu.memory_space<vmem>>, vector<16xi32>,
      %get3A_319 = vector.shape_cast %get3A_318 : vector<16xi32> to vector<16xi32>
      %swap3A_320 = arith.constant 32 : index
      %swap3A_321 = tpu.vector_load %arg7[%swap3A_320] {strides = array<i32>} : memref<80xi32, #tpu.memory_space<vmem>>, vector<16xi32>,
      %swap3A_322 = vector.shape_cast %swap3A_321 : vector<16xi32> to vector<16xi32>
      %swap3A_323 = vector.shape_cast %get3A_319 : vector<16xi32> to vector<16xi32>
      tpu.vector_store %arg7[%swap3A_320], %swap3A_323 {strides = array<i32>} : memref<80xi32, #tpu.memory_space<vmem>>, vector<16xi32>,
      %mul3A_324 = arith.constant 80 : i32
      %mul3A_325 = arith.muli %add3A_290, %mul3A_324 : i32
      %add3A_326 = arith.constant 48 : i32
      %add3A_327 = arith.addi %mul3A_325, %add3A_326 : i32
      %get3A_328 = arith.index_cast %add3A_327 : i32 to index
      %get3A_329 = tpu.vector_load %arg6[%get3A_328] {strides = array<i32>} : memref<10000xi32, #tpu.memory_space<vmem>>, vector<16xi32>,
      %get3A_330 = vector.shape_cast %get3A_329 : vector<16xi32> to vector<16xi32>
      %swap3A_331 = arith.constant 48 : index
      %swap3A_332 = tpu.vector_load %arg7[%swap3A_331] {strides = array<i32>} : memref<80xi32, #tpu.memory_space<vmem>>, vector<16xi32>,
      %swap3A_333 = vector.shape_cast %swap3A_332 : vector<16xi32> to vector<16xi32>
      %swap3A_334 = vector.shape_cast %get3A_330 : vector<16xi32> to vector<16xi32>
      tpu.vector_store %arg7[%swap3A_331], %swap3A_334 {strides = array<i32>} : memref<80xi32, #tpu.memory_space<vmem>>, vector<16xi32>,
      %mul3A_335 = arith.constant 80 : i32
      %mul3A_336 = arith.muli %add3A_290, %mul3A_335 : i32
      %add3A_337 = arith.constant 64 : i32
      %add3A_338 = arith.addi %mul3A_336, %add3A_337 : i32
      %get3A_339 = arith.index_cast %add3A_338 : i32 to index
      %get3A_340 = tpu.vector_load %arg6[%get3A_339] {strides = array<i32>} : memref<10000xi32, #tpu.memory_space<vmem>>, vector<16xi32>,
      %get3A_341 = vector.shape_cast %get3A_340 : vector<16xi32> to vector<16xi32>
      %swap3A_342 = arith.constant 64 : index
      %swap3A_343 = tpu.vector_load %arg7[%swap3A_342] {strides = array<i32>} : memref<80xi32, #tpu.memory_space<vmem>>, vector<16xi32>,
      %swap3A_344 = vector.shape_cast %swap3A_343 : vector<16xi32> to vector<16xi32>
      %swap3A_345 = vector.shape_cast %get3A_341 : vector<16xi32> to vector<16xi32>
      tpu.vector_store %arg7[%swap3A_342], %swap3A_345 {strides = array<i32>} : memref<80xi32, #tpu.memory_space<vmem>>, vector<16xi32>,
      "tpu.region"() ({
        %run_scoped3A_355 = tpu.sem_alloc : memref<!tpu.dma_semaphore, #tpu.memory_space<semaphore_mem>>
        %dma_start3A_356 = arith.constant 0 : i32
        %dma_start3A_357 = arith.constant 0 : i32
        %dma_start3A_358 = tpu.memref_slice %arg10[%dma_start3A_356, %dma_start3A_357] : memref<10240x128xf32, #tpu.memory_space<vmem_shared>> -> memref<10240x128xf32, #tpu.memory_space<vmem_shared>>
        tpu.enqueue_indirect_dma source(%arg9 : memref<80x128xf32, #tpu.memory_space<vmem>>) target(%dma_start3A_358 : memref<10240x128xf32, #tpu.memory_space<vmem_shared>>) offsets(%arg7 : memref<80xi32, #tpu.memory_space<vmem>>) semaphore(%run_scoped3A_355 : memref<!tpu.dma_semaphore, #tpu.memory_space<semaphore_mem>>) {add = true}
        %dma_wait3A_359 = arith.constant 0 : i32
        %dma_wait3A_360 = arith.constant 0 : i32
        %dma_wait3A_361 = tpu.memref_slice %arg10[%dma_wait3A_359, %dma_wait3A_360] : memref<10240x128xf32, #tpu.memory_space<vmem_shared>> -> memref<10240x128xf32, #tpu.memory_space<vmem_shared>>
        tpu.wait_indirect_dma semaphore(%run_scoped3A_355 : memref<!tpu.dma_semaphore, #tpu.memory_space<semaphore_mem>>) src(%arg9 : memref<80x128xf32, #tpu.memory_space<vmem>>) dst(%dma_wait3A_361 : memref<10240x128xf32, #tpu.memory_space<vmem_shared>>)
        tpu.yield
      }) : () -> ()
      %add3A_346 = arith.constant 3 : i32
      %add3A_347 = arith.addi %mul3A_215, %add3A_346 : i32
      %mul3A_348 = arith.constant 80 : i32
      %mul3A_349 = arith.muli %add3A_347, %mul3A_348 : i32
      %dma_start3A_350 = tpu.memref_slice %arg5[%mul3A_349] : memref<10000xi32, #tpu.memory_space<vmem>> -> memref<80xi32, #tpu.memory_space<vmem>>
      %dma_start3A_351 = arith.constant 0 : i32
      %dma_start3A_352 = arith.constant 0 : i32
      %dma_start3A_353 = tpu.memref_slice %arg2[%dma_start3A_351, %dma_start3A_352] : memref<10000x128xf32, #tpu.memory_space<hbm>> -> memref<10000x128xf32, #tpu.memory_space<hbm>>
      tpu.enqueue_indirect_dma source(%dma_start3A_353 : memref<10000x128xf32, #tpu.memory_space<hbm>>) target(%arg9 : memref<80x128xf32, #tpu.memory_space<vmem>>) offsets(%dma_start3A_350 : memref<80xi32, #tpu.memory_space<vmem>>) semaphore(%arg12 : memref<!tpu.dma_semaphore, #tpu.memory_space<semaphore_mem>>)
      %scan3A_354 = arith.constant 0 : i32
      scf.yield %scan3A_354 : i32
    }
    %scan3A_56 = arith.constant 61 : i32
    %dma_wait3A = arith.constant 0 : i32
    %dma_wait3A_57 = tpu.memref_slice %arg5[%dma_wait3A] : memref<10000xi32, #tpu.memory_space<vmem>> -> memref<80xi32, #tpu.memory_space<vmem>>
    %dma_wait3A_58 = arith.constant 0 : i32
    %dma_wait3A_59 = arith.constant 0 : i32
    %dma_wait3A_60 = tpu.memref_slice %arg2[%dma_wait3A_58, %dma_wait3A_59] : memref<10000x128xf32, #tpu.memory_space<hbm>> -> memref<10000x128xf32, #tpu.memory_space<hbm>>
    tpu.wait_indirect_dma semaphore(%arg11 : memref<!tpu.dma_semaphore, #tpu.memory_space<semaphore_mem>>) src(%dma_wait3A_60 : memref<10000x128xf32, #tpu.memory_space<hbm>>) dst(%arg8 : memref<80x128xf32, #tpu.memory_space<vmem>>)
    %get3A = arith.constant 9760 : index
    %get3A_61 = tpu.vector_load %arg6[%get3A] {strides = array<i32>} : memref<10000xi32, #tpu.memory_space<vmem>>, vector<16xi32>,
    %get3A_62 = vector.shape_cast %get3A_61 : vector<16xi32> to vector<16xi32>
    %swap3A = arith.constant 0 : index
    %swap3A_63 = tpu.vector_load %arg7[%swap3A] {strides = array<i32>} : memref<80xi32, #tpu.memory_space<vmem>>, vector<16xi32>,
    %swap3A_64 = vector.shape_cast %swap3A_63 : vector<16xi32> to vector<16xi32>
    %swap3A_65 = vector.shape_cast %get3A_62 : vector<16xi32> to vector<16xi32>
    tpu.vector_store %arg7[%swap3A], %swap3A_65 {strides = array<i32>} : memref<80xi32, #tpu.memory_space<vmem>>, vector<16xi32>,
    %get3A_66 = arith.constant 9776 : index
    %get3A_67 = tpu.vector_load %arg6[%get3A_66] {strides = array<i32>} : memref<10000xi32, #tpu.memory_space<vmem>>, vector<16xi32>,
    %get3A_68 = vector.shape_cast %get3A_67 : vector<16xi32> to vector<16xi32>
    %swap3A_69 = arith.constant 16 : index
    %swap3A_70 = tpu.vector_load %arg7[%swap3A_69] {strides = array<i32>} : memref<80xi32, #tpu.memory_space<vmem>>, vector<16xi32>,
    %swap3A_71 = vector.shape_cast %swap3A_70 : vector<16xi32> to vector<16xi32>
    %swap3A_72 = vector.shape_cast %get3A_68 : vector<16xi32> to vector<16xi32>
    tpu.vector_store %arg7[%swap3A_69], %swap3A_72 {strides = array<i32>} : memref<80xi32, #tpu.memory_space<vmem>>, vector<16xi32>,
    %get3A_73 = arith.constant 9792 : index
    %get3A_74 = tpu.vector_load %arg6[%get3A_73] {strides = array<i32>} : memref<10000xi32, #tpu.memory_space<vmem>>, vector<16xi32>,
    %get3A_75 = vector.shape_cast %get3A_74 : vector<16xi32> to vector<16xi32>
    %swap3A_76 = arith.constant 32 : index
    %swap3A_77 = tpu.vector_load %arg7[%swap3A_76] {strides = array<i32>} : memref<80xi32, #tpu.memory_space<vmem>>, vector<16xi32>,
    %swap3A_78 = vector.shape_cast %swap3A_77 : vector<16xi32> to vector<16xi32>
    %swap3A_79 = vector.shape_cast %get3A_75 : vector<16xi32> to vector<16xi32>
    tpu.vector_store %arg7[%swap3A_76], %swap3A_79 {strides = array<i32>} : memref<80xi32, #tpu.memory_space<vmem>>, vector<16xi32>,
    %get3A_80 = arith.constant 9808 : index
    %get3A_81 = tpu.vector_load %arg6[%get3A_80] {strides = array<i32>} : memref<10000xi32, #tpu.memory_space<vmem>>, vector<16xi32>,
    %get3A_82 = vector.shape_cast %get3A_81 : vector<16xi32> to vector<16xi32>
    %swap3A_83 = arith.constant 48 : index
    %swap3A_84 = tpu.vector_load %arg7[%swap3A_83] {strides = array<i32>} : memref<80xi32, #tpu.memory_space<vmem>>, vector<16xi32>,
    %swap3A_85 = vector.shape_cast %swap3A_84 : vector<16xi32> to vector<16xi32>
    %swap3A_86 = vector.shape_cast %get3A_82 : vector<16xi32> to vector<16xi32>
    tpu.vector_store %arg7[%swap3A_83], %swap3A_86 {strides = array<i32>} : memref<80xi32, #tpu.memory_space<vmem>>, vector<16xi32>,
    %get3A_87 = arith.constant 9824 : index
    %get3A_88 = tpu.vector_load %arg6[%get3A_87] {strides = array<i32>} : memref<10000xi32, #tpu.memory_space<vmem>>, vector<16xi32>,
    %get3A_89 = vector.shape_cast %get3A_88 : vector<16xi32> to vector<16xi32>
    %swap3A_90 = arith.constant 64 : index
    %swap3A_91 = tpu.vector_load %arg7[%swap3A_90] {strides = array<i32>} : memref<80xi32, #tpu.memory_space<vmem>>, vector<16xi32>,
    %swap3A_92 = vector.shape_cast %swap3A_91 : vector<16xi32> to vector<16xi32>
    %swap3A_93 = vector.shape_cast %get3A_89 : vector<16xi32> to vector<16xi32>
    tpu.vector_store %arg7[%swap3A_90], %swap3A_93 {strides = array<i32>} : memref<80xi32, #tpu.memory_space<vmem>>, vector<16xi32>,
    "tpu.region"() ({
      %run_scoped3A_212 = tpu.sem_alloc : memref<!tpu.dma_semaphore, #tpu.memory_space<semaphore_mem>>
      %dma_start3A_213 = arith.constant 0 : i32
      %dma_start3A_214 = arith.constant 0 : i32
      %dma_start3A_215 = tpu.memref_slice %arg10[%dma_start3A_213, %dma_start3A_214] : memref<10240x128xf32, #tpu.memory_space<vmem_shared>> -> memref<10240x128xf32, #tpu.memory_space<vmem_shared>>
      tpu.enqueue_indirect_dma source(%arg8 : memref<80x128xf32, #tpu.memory_space<vmem>>) target(%dma_start3A_215 : memref<10240x128xf32, #tpu.memory_space<vmem_shared>>) offsets(%arg7 : memref<80xi32, #tpu.memory_space<vmem>>) semaphore(%run_scoped3A_212 : memref<!tpu.dma_semaphore, #tpu.memory_space<semaphore_mem>>) {add = true}
      %dma_wait3A_216 = arith.constant 0 : i32
      %dma_wait3A_217 = arith.constant 0 : i32
      %dma_wait3A_218 = tpu.memref_slice %arg10[%dma_wait3A_216, %dma_wait3A_217] : memref<10240x128xf32, #tpu.memory_space<vmem_shared>> -> memref<10240x128xf32, #tpu.memory_space<vmem_shared>>
      tpu.wait_indirect_dma semaphore(%run_scoped3A_212 : memref<!tpu.dma_semaphore, #tpu.memory_space<semaphore_mem>>) src(%arg8 : memref<80x128xf32, #tpu.memory_space<vmem>>) dst(%dma_wait3A_218 : memref<10240x128xf32, #tpu.memory_space<vmem_shared>>)
      tpu.yield
    }) : () -> ()
    %dma_start3A_94 = arith.constant 9920 : i32
    %dma_start3A_95 = tpu.memref_slice %arg5[%dma_start3A_94] : memref<10000xi32, #tpu.memory_space<vmem>> -> memref<80xi32, #tpu.memory_space<vmem>>
    %dma_start3A_96 = arith.constant 0 : i32
    %dma_start3A_97 = arith.constant 0 : i32
    %dma_start3A_98 = tpu.memref_slice %arg2[%dma_start3A_96, %dma_start3A_97] : memref<10000x128xf32, #tpu.memory_space<hbm>> -> memref<10000x128xf32, #tpu.memory_space<hbm>>
    tpu.enqueue_indirect_dma source(%dma_start3A_98 : memref<10000x128xf32, #tpu.memory_space<hbm>>) target(%arg8 : memref<80x128xf32, #tpu.memory_space<vmem>>) offsets(%dma_start3A_95 : memref<80xi32, #tpu.memory_space<vmem>>) semaphore(%arg11 : memref<!tpu.dma_semaphore, #tpu.memory_space<semaphore_mem>>)
    %dma_wait3A_99 = arith.constant 0 : i32
    %dma_wait3A_100 = tpu.memref_slice %arg5[%dma_wait3A_99] : memref<10000xi32, #tpu.memory_space<vmem>> -> memref<80xi32, #tpu.memory_space<vmem>>
    %dma_wait3A_101 = arith.constant 0 : i32
    %dma_wait3A_102 = arith.constant 0 : i32
    %dma_wait3A_103 = tpu.memref_slice %arg2[%dma_wait3A_101, %dma_wait3A_102] : memref<10000x128xf32, #tpu.memory_space<hbm>> -> memref<10000x128xf32, #tpu.memory_space<hbm>>
    tpu.wait_indirect_dma semaphore(%arg12 : memref<!tpu.dma_semaphore, #tpu.memory_space<semaphore_mem>>) src(%dma_wait3A_103 : memref<10000x128xf32, #tpu.memory_space<hbm>>) dst(%arg9 : memref<80x128xf32, #tpu.memory_space<vmem>>)
    %get3A_104 = arith.constant 9840 : index
    %get3A_105 = tpu.vector_load %arg6[%get3A_104] {strides = array<i32>} : memref<10000xi32, #tpu.memory_space<vmem>>, vector<16xi32>,
    %get3A_106 = vector.shape_cast %get3A_105 : vector<16xi32> to vector<16xi32>
    %swap3A_107 = arith.constant 0 : index
    %swap3A_108 = tpu.vector_load %arg7[%swap3A_107] {strides = array<i32>} : memref<80xi32, #tpu.memory_space<vmem>>, vector<16xi32>,
    %swap3A_109 = vector.shape_cast %swap3A_108 : vector<16xi32> to vector<16xi32>
    %swap3A_110 = vector.shape_cast %get3A_106 : vector<16xi32> to vector<16xi32>
    tpu.vector_store %arg7[%swap3A_107], %swap3A_110 {strides = array<i32>} : memref<80xi32, #tpu.memory_space<vmem>>, vector<16xi32>,
    %get3A_111 = arith.constant 9856 : index
    %get3A_112 = tpu.vector_load %arg6[%get3A_111] {strides = array<i32>} : memref<10000xi32, #tpu.memory_space<vmem>>, vector<16xi32>,
    %get3A_113 = vector.shape_cast %get3A_112 : vector<16xi32> to vector<16xi32>
    %swap3A_114 = arith.constant 16 : index
    %swap3A_115 = tpu.vector_load %arg7[%swap3A_114] {strides = array<i32>} : memref<80xi32, #tpu.memory_space<vmem>>, vector<16xi32>,
    %swap3A_116 = vector.shape_cast %swap3A_115 : vector<16xi32> to vector<16xi32>
    %swap3A_117 = vector.shape_cast %get3A_113 : vector<16xi32> to vector<16xi32>
    tpu.vector_store %arg7[%swap3A_114], %swap3A_117 {strides = array<i32>} : memref<80xi32, #tpu.memory_space<vmem>>, vector<16xi32>,
    %get3A_118 = arith.constant 9872 : index
    %get3A_119 = tpu.vector_load %arg6[%get3A_118] {strides = array<i32>} : memref<10000xi32, #tpu.memory_space<vmem>>, vector<16xi32>,
    %get3A_120 = vector.shape_cast %get3A_119 : vector<16xi32> to vector<16xi32>
    %swap3A_121 = arith.constant 32 : index
    %swap3A_122 = tpu.vector_load %arg7[%swap3A_121] {strides = array<i32>} : memref<80xi32, #tpu.memory_space<vmem>>, vector<16xi32>,
    %swap3A_123 = vector.shape_cast %swap3A_122 : vector<16xi32> to vector<16xi32>
    %swap3A_124 = vector.shape_cast %get3A_120 : vector<16xi32> to vector<16xi32>
    tpu.vector_store %arg7[%swap3A_121], %swap3A_124 {strides = array<i32>} : memref<80xi32, #tpu.memory_space<vmem>>, vector<16xi32>,
    %get3A_125 = arith.constant 9888 : index
    %get3A_126 = tpu.vector_load %arg6[%get3A_125] {strides = array<i32>} : memref<10000xi32, #tpu.memory_space<vmem>>, vector<16xi32>,
    %get3A_127 = vector.shape_cast %get3A_126 : vector<16xi32> to vector<16xi32>
    %swap3A_128 = arith.constant 48 : index
    %swap3A_129 = tpu.vector_load %arg7[%swap3A_128] {strides = array<i32>} : memref<80xi32, #tpu.memory_space<vmem>>, vector<16xi32>,
    %swap3A_130 = vector.shape_cast %swap3A_129 : vector<16xi32> to vector<16xi32>
    %swap3A_131 = vector.shape_cast %get3A_127 : vector<16xi32> to vector<16xi32>
    tpu.vector_store %arg7[%swap3A_128], %swap3A_131 {strides = array<i32>} : memref<80xi32, #tpu.memory_space<vmem>>, vector<16xi32>,
    %get3A_132 = arith.constant 9904 : index
    %get3A_133 = tpu.vector_load %arg6[%get3A_132] {strides = array<i32>} : memref<10000xi32, #tpu.memory_space<vmem>>, vector<16xi32>,
    %get3A_134 = vector.shape_cast %get3A_133 : vector<16xi32> to vector<16xi32>
    %swap3A_135 = arith.constant 64 : index
    %swap3A_136 = tpu.vector_load %arg7[%swap3A_135] {strides = array<i32>} : memref<80xi32, #tpu.memory_space<vmem>>, vector<16xi32>,
    %swap3A_137 = vector.shape_cast %swap3A_136 : vector<16xi32> to vector<16xi32>
    %swap3A_138 = vector.shape_cast %get3A_134 : vector<16xi32> to vector<16xi32>
    tpu.vector_store %arg7[%swap3A_135], %swap3A_138 {strides = array<i32>} : memref<80xi32, #tpu.memory_space<vmem>>, vector<16xi32>,
    "tpu.region"() ({
      %run_scoped3A_212 = tpu.sem_alloc : memref<!tpu.dma_semaphore, #tpu.memory_space<semaphore_mem>>
      %dma_start3A_213 = arith.constant 0 : i32
      %dma_start3A_214 = arith.constant 0 : i32
      %dma_start3A_215 = tpu.memref_slice %arg10[%dma_start3A_213, %dma_start3A_214] : memref<10240x128xf32, #tpu.memory_space<vmem_shared>> -> memref<10240x128xf32, #tpu.memory_space<vmem_shared>>
      tpu.enqueue_indirect_dma source(%arg9 : memref<80x128xf32, #tpu.memory_space<vmem>>) target(%dma_start3A_215 : memref<10240x128xf32, #tpu.memory_space<vmem_shared>>) offsets(%arg7 : memref<80xi32, #tpu.memory_space<vmem>>) semaphore(%run_scoped3A_212 : memref<!tpu.dma_semaphore, #tpu.memory_space<semaphore_mem>>) {add = true}
      %dma_wait3A_216 = arith.constant 0 : i32
      %dma_wait3A_217 = arith.constant 0 : i32
      %dma_wait3A_218 = tpu.memref_slice %arg10[%dma_wait3A_216, %dma_wait3A_217] : memref<10240x128xf32, #tpu.memory_space<vmem_shared>> -> memref<10240x128xf32, #tpu.memory_space<vmem_shared>>
      tpu.wait_indirect_dma semaphore(%run_scoped3A_212 : memref<!tpu.dma_semaphore, #tpu.memory_space<semaphore_mem>>) src(%arg9 : memref<80x128xf32, #tpu.memory_space<vmem>>) dst(%dma_wait3A_218 : memref<10240x128xf32, #tpu.memory_space<vmem_shared>>)
      tpu.yield
    }) : () -> ()
    %dma_wait3A_139 = arith.constant 0 : i32
    %dma_wait3A_140 = tpu.memref_slice %arg5[%dma_wait3A_139] : memref<10000xi32, #tpu.memory_space<vmem>> -> memref<80xi32, #tpu.memory_space<vmem>>
    %dma_wait3A_141 = arith.constant 0 : i32
    %dma_wait3A_142 = arith.constant 0 : i32
    %dma_wait3A_143 = tpu.memref_slice %arg2[%dma_wait3A_141, %dma_wait3A_142] : memref<10000x128xf32, #tpu.memory_space<hbm>> -> memref<10000x128xf32, #tpu.memory_space<hbm>>
    tpu.wait_indirect_dma semaphore(%arg11 : memref<!tpu.dma_semaphore, #tpu.memory_space<semaphore_mem>>) src(%dma_wait3A_143 : memref<10000x128xf32, #tpu.memory_space<hbm>>) dst(%arg8 : memref<80x128xf32, #tpu.memory_space<vmem>>)
    %get3A_144 = arith.constant 9920 : index
    %get3A_145 = tpu.vector_load %arg6[%get3A_144] {strides = array<i32>} : memref<10000xi32, #tpu.memory_space<vmem>>, vector<16xi32>,
    %get3A_146 = vector.shape_cast %get3A_145 : vector<16xi32> to vector<16xi32>
    %swap3A_147 = arith.constant 0 : index
    %swap3A_148 = tpu.vector_load %arg7[%swap3A_147] {strides = array<i32>} : memref<80xi32, #tpu.memory_space<vmem>>, vector<16xi32>,
    %swap3A_149 = vector.shape_cast %swap3A_148 : vector<16xi32> to vector<16xi32>
    %swap3A_150 = vector.shape_cast %get3A_146 : vector<16xi32> to vector<16xi32>
    tpu.vector_store %arg7[%swap3A_147], %swap3A_150 {strides = array<i32>} : memref<80xi32, #tpu.memory_space<vmem>>, vector<16xi32>,
    %get3A_151 = arith.constant 9936 : index
    %get3A_152 = tpu.vector_load %arg6[%get3A_151] {strides = array<i32>} : memref<10000xi32, #tpu.memory_space<vmem>>, vector<16xi32>,
    %get3A_153 = vector.shape_cast %get3A_152 : vector<16xi32> to vector<16xi32>
    %swap3A_154 = arith.constant 16 : index
    %swap3A_155 = tpu.vector_load %arg7[%swap3A_154] {strides = array<i32>} : memref<80xi32, #tpu.memory_space<vmem>>, vector<16xi32>,
    %swap3A_156 = vector.shape_cast %swap3A_155 : vector<16xi32> to vector<16xi32>
    %swap3A_157 = vector.shape_cast %get3A_153 : vector<16xi32> to vector<16xi32>
    tpu.vector_store %arg7[%swap3A_154], %swap3A_157 {strides = array<i32>} : memref<80xi32, #tpu.memory_space<vmem>>, vector<16xi32>,
    %get3A_158 = arith.constant 9952 : index
    %get3A_159 = tpu.vector_load %arg6[%get3A_158] {strides = array<i32>} : memref<10000xi32, #tpu.memory_space<vmem>>, vector<16xi32>,
    %get3A_160 = vector.shape_cast %get3A_159 : vector<16xi32> to vector<16xi32>
    %swap3A_161 = arith.constant 32 : index
    %swap3A_162 = tpu.vector_load %arg7[%swap3A_161] {strides = array<i32>} : memref<80xi32, #tpu.memory_space<vmem>>, vector<16xi32>,
    %swap3A_163 = vector.shape_cast %swap3A_162 : vector<16xi32> to vector<16xi32>
    %swap3A_164 = vector.shape_cast %get3A_160 : vector<16xi32> to vector<16xi32>
    tpu.vector_store %arg7[%swap3A_161], %swap3A_164 {strides = array<i32>} : memref<80xi32, #tpu.memory_space<vmem>>, vector<16xi32>,
    %get3A_165 = arith.constant 9968 : index
    %get3A_166 = tpu.vector_load %arg6[%get3A_165] {strides = array<i32>} : memref<10000xi32, #tpu.memory_space<vmem>>, vector<16xi32>,
    %get3A_167 = vector.shape_cast %get3A_166 : vector<16xi32> to vector<16xi32>
    %swap3A_168 = arith.constant 48 : index
    %swap3A_169 = tpu.vector_load %arg7[%swap3A_168] {strides = array<i32>} : memref<80xi32, #tpu.memory_space<vmem>>, vector<16xi32>,
    %swap3A_170 = vector.shape_cast %swap3A_169 : vector<16xi32> to vector<16xi32>
    %swap3A_171 = vector.shape_cast %get3A_167 : vector<16xi32> to vector<16xi32>
    tpu.vector_store %arg7[%swap3A_168], %swap3A_171 {strides = array<i32>} : memref<80xi32, #tpu.memory_space<vmem>>, vector<16xi32>,
    %get3A_172 = arith.constant 9984 : index
    %get3A_173 = tpu.vector_load %arg6[%get3A_172] {strides = array<i32>} : memref<10000xi32, #tpu.memory_space<vmem>>, vector<16xi32>,
    %get3A_174 = vector.shape_cast %get3A_173 : vector<16xi32> to vector<16xi32>
    %swap3A_175 = arith.constant 64 : index
    %swap3A_176 = tpu.vector_load %arg7[%swap3A_175] {strides = array<i32>} : memref<80xi32, #tpu.memory_space<vmem>>, vector<16xi32>,
    %swap3A_177 = vector.shape_cast %swap3A_176 : vector<16xi32> to vector<16xi32>
    %swap3A_178 = vector.shape_cast %get3A_174 : vector<16xi32> to vector<16xi32>
    tpu.vector_store %arg7[%swap3A_175], %swap3A_178 {strides = array<i32>} : memref<80xi32, #tpu.memory_space<vmem>>, vector<16xi32>,
    "tpu.region"() ({
      %run_scoped3A_212 = tpu.sem_alloc : memref<!tpu.dma_semaphore, #tpu.memory_space<semaphore_mem>>
      %dma_start3A_213 = arith.constant 0 : i32
      %dma_start3A_214 = arith.constant 0 : i32
      %dma_start3A_215 = tpu.memref_slice %arg10[%dma_start3A_213, %dma_start3A_214] : memref<10240x128xf32, #tpu.memory_space<vmem_shared>> -> memref<10240x128xf32, #tpu.memory_space<vmem_shared>>
      tpu.enqueue_indirect_dma source(%arg8 : memref<80x128xf32, #tpu.memory_space<vmem>>) target(%dma_start3A_215 : memref<10240x128xf32, #tpu.memory_space<vmem_shared>>) offsets(%arg7 : memref<80xi32, #tpu.memory_space<vmem>>) semaphore(%run_scoped3A_212 : memref<!tpu.dma_semaphore, #tpu.memory_space<semaphore_mem>>) {add = true}
      %dma_wait3A_216 = arith.constant 0 : i32
      %dma_wait3A_217 = arith.constant 0 : i32
      %dma_wait3A_218 = tpu.memref_slice %arg10[%dma_wait3A_216, %dma_wait3A_217] : memref<10240x128xf32, #tpu.memory_space<vmem_shared>> -> memref<10240x128xf32, #tpu.memory_space<vmem_shared>>
      tpu.wait_indirect_dma semaphore(%run_scoped3A_212 : memref<!tpu.dma_semaphore, #tpu.memory_space<semaphore_mem>>) src(%arg8 : memref<80x128xf32, #tpu.memory_space<vmem>>) dst(%dma_wait3A_218 : memref<10240x128xf32, #tpu.memory_space<vmem_shared>>)
      tpu.yield
    }) : () -> ()
    %barrier3A_179 = arith.constant 0 : index
    tpu.barrier barrier_id(%barrier3A_179)
    %mul3A_180 = arith.constant 640 : i32
    %mul3A_181 = arith.muli %arg1, %mul3A_180 : i32
    %add3A_182 = arith.constant 0 : i32
    %add3A_183 = arith.addi %mul3A_181, %add3A_182 : i32
    "tpu.region"() ({
      %run_scoped3A_212 = tpu.sem_alloc : memref<!tpu.dma_semaphore, #tpu.memory_space<semaphore_mem>>
      %dma_start3A_213 = arith.constant 0 : i32
      %dma_start3A_214 = tpu.memref_slice %arg4[%arg0, %add3A_183, %dma_start3A_213] : memref<2x10240x128xf32, #tpu.memory_space<hbm>> -> memref<1x80x128xf32, #tpu.memory_space<hbm>>
      %dma_start3A_215 = tpu.memref_squeeze %dma_start3A_214 : memref<1x80x128xf32, #tpu.memory_space<hbm>> -> memref<80x128xf32, #tpu.memory_space<hbm>>
      %dma_start3A_216 = arith.constant 0 : i32
      %dma_start3A_217 = tpu.memref_slice %arg10[%add3A_183, %dma_start3A_216] : memref<10240x128xf32, #tpu.memory_space<vmem_shared>> -> memref<80x128xf32, #tpu.memory_space<vmem_shared>>
      tpu.enqueue_dma source(%dma_start3A_217 : memref<80x128xf32, #tpu.memory_space<vmem_shared>>) target(%dma_start3A_215 : memref<80x128xf32, #tpu.memory_space<hbm>>) target_semaphore(%run_scoped3A_212 : memref<!tpu.dma_semaphore, #tpu.memory_space<semaphore_mem>>)
      %dma_wait3A_218 = arith.constant 0 : i32
      %dma_wait3A_219 = tpu.memref_slice %arg4[%arg0, %add3A_183, %dma_wait3A_218] : memref<2x10240x128xf32, #tpu.memory_space<hbm>> -> memref<1x80x128xf32, #tpu.memory_space<hbm>>
      %dma_wait3A_220 = tpu.memref_squeeze %dma_wait3A_219 : memref<1x80x128xf32, #tpu.memory_space<hbm>> -> memref<80x128xf32, #tpu.memory_space<hbm>>
      %dma_wait3A_221 = arith.constant 0 : i32
      %dma_wait3A_222 = tpu.memref_slice %arg10[%add3A_183, %dma_wait3A_221] : memref<10240x128xf32, #tpu.memory_space<vmem_shared>> -> memref<80x128xf32, #tpu.memory_space<vmem_shared>>
      tpu.wait_dma2 semaphore(%run_scoped3A_212 : memref<!tpu.dma_semaphore, #tpu.memory_space<semaphore_mem>>) src(%dma_wait3A_222 : memref<80x128xf32, #tpu.memory_space<vmem_shared>>) dst(%dma_wait3A_220 : memref<80x128xf32, #tpu.memory_space<hbm>>)
      tpu.yield
    }) : () -> ()
    %mul3A_184 = arith.constant 640 : i32
    %mul3A_185 = arith.muli %arg1, %mul3A_184 : i32
    %add3A_186 = arith.constant 80 : i32
    %add3A_187 = arith.addi %mul3A_185, %add3A_186 : i32
    "tpu.region"() ({
      %run_scoped3A_212 = tpu.sem_alloc : memref<!tpu.dma_semaphore, #tpu.memory_space<semaphore_mem>>
      %dma_start3A_213 = arith.constant 0 : i32
      %dma_start3A_214 = tpu.memref_slice %arg4[%arg0, %add3A_187, %dma_start3A_213] : memref<2x10240x128xf32, #tpu.memory_space<hbm>> -> memref<1x80x128xf32, #tpu.memory_space<hbm>>
      %dma_start3A_215 = tpu.memref_squeeze %dma_start3A_214 : memref<1x80x128xf32, #tpu.memory_space<hbm>> -> memref<80x128xf32, #tpu.memory_space<hbm>>
      %dma_start3A_216 = arith.constant 0 : i32
      %dma_start3A_217 = tpu.memref_slice %arg10[%add3A_187, %dma_start3A_216] : memref<10240x128xf32, #tpu.memory_space<vmem_shared>> -> memref<80x128xf32, #tpu.memory_space<vmem_shared>>
      tpu.enqueue_dma source(%dma_start3A_217 : memref<80x128xf32, #tpu.memory_space<vmem_shared>>) target(%dma_start3A_215 : memref<80x128xf32, #tpu.memory_space<hbm>>) target_semaphore(%run_scoped3A_212 : memref<!tpu.dma_semaphore, #tpu.memory_space<semaphore_mem>>)
      %dma_wait3A_218 = arith.constant 0 : i32
      %dma_wait3A_219 = tpu.memref_slice %arg4[%arg0, %add3A_187, %dma_wait3A_218] : memref<2x10240x128xf32, #tpu.memory_space<hbm>> -> memref<1x80x128xf32, #tpu.memory_space<hbm>>
      %dma_wait3A_220 = tpu.memref_squeeze %dma_wait3A_219 : memref<1x80x128xf32, #tpu.memory_space<hbm>> -> memref<80x128xf32, #tpu.memory_space<hbm>>
      %dma_wait3A_221 = arith.constant 0 : i32
      %dma_wait3A_222 = tpu.memref_slice %arg10[%add3A_187, %dma_wait3A_221] : memref<10240x128xf32, #tpu.memory_space<vmem_shared>> -> memref<80x128xf32, #tpu.memory_space<vmem_shared>>
      tpu.wait_dma2 semaphore(%run_scoped3A_212 : memref<!tpu.dma_semaphore, #tpu.memory_space<semaphore_mem>>) src(%dma_wait3A_222 : memref<80x128xf32, #tpu.memory_space<vmem_shared>>) dst(%dma_wait3A_220 : memref<80x128xf32, #tpu.memory_space<hbm>>)
      tpu.yield
    }) : () -> ()
    %mul3A_188 = arith.constant 640 : i32
    %mul3A_189 = arith.muli %arg1, %mul3A_188 : i32
    %add3A_190 = arith.constant 160 : i32
    %add3A_191 = arith.addi %mul3A_189, %add3A_190 : i32
    "tpu.region"() ({
      %run_scoped3A_212 = tpu.sem_alloc : memref<!tpu.dma_semaphore, #tpu.memory_space<semaphore_mem>>
      %dma_start3A_213 = arith.constant 0 : i32
      %dma_start3A_214 = tpu.memref_slice %arg4[%arg0, %add3A_191, %dma_start3A_213] : memref<2x10240x128xf32, #tpu.memory_space<hbm>> -> memref<1x80x128xf32, #tpu.memory_space<hbm>>
      %dma_start3A_215 = tpu.memref_squeeze %dma_start3A_214 : memref<1x80x128xf32, #tpu.memory_space<hbm>> -> memref<80x128xf32, #tpu.memory_space<hbm>>
      %dma_start3A_216 = arith.constant 0 : i32
      %dma_start3A_217 = tpu.memref_slice %arg10[%add3A_191, %dma_start3A_216] : memref<10240x128xf32, #tpu.memory_space<vmem_shared>> -> memref<80x128xf32, #tpu.memory_space<vmem_shared>>
      tpu.enqueue_dma source(%dma_start3A_217 : memref<80x128xf32, #tpu.memory_space<vmem_shared>>) target(%dma_start3A_215 : memref<80x128xf32, #tpu.memory_space<hbm>>) target_semaphore(%run_scoped3A_212 : memref<!tpu.dma_semaphore, #tpu.memory_space<semaphore_mem>>)
      %dma_wait3A_218 = arith.constant 0 : i32
      %dma_wait3A_219 = tpu.memref_slice %arg4[%arg0, %add3A_191, %dma_wait3A_218] : memref<2x10240x128xf32, #tpu.memory_space<hbm>> -> memref<1x80x128xf32, #tpu.memory_space<hbm>>
      %dma_wait3A_220 = tpu.memref_squeeze %dma_wait3A_219 : memref<1x80x128xf32, #tpu.memory_space<hbm>> -> memref<80x128xf32, #tpu.memory_space<hbm>>
      %dma_wait3A_221 = arith.constant 0 : i32
      %dma_wait3A_222 = tpu.memref_slice %arg10[%add3A_191, %dma_wait3A_221] : memref<10240x128xf32, #tpu.memory_space<vmem_shared>> -> memref<80x128xf32, #tpu.memory_space<vmem_shared>>
      tpu.wait_dma2 semaphore(%run_scoped3A_212 : memref<!tpu.dma_semaphore, #tpu.memory_space<semaphore_mem>>) src(%dma_wait3A_222 : memref<80x128xf32, #tpu.memory_space<vmem_shared>>) dst(%dma_wait3A_220 : memref<80x128xf32, #tpu.memory_space<hbm>>)
      tpu.yield
    }) : () -> ()
    %mul3A_192 = arith.constant 640 : i32
    %mul3A_193 = arith.muli %arg1, %mul3A_192 : i32
    %add3A_194 = arith.constant 240 : i32
    %add3A_195 = arith.addi %mul3A_193, %add3A_194 : i32
    "tpu.region"() ({
      %run_scoped3A_212 = tpu.sem_alloc : memref<!tpu.dma_semaphore, #tpu.memory_space<semaphore_mem>>
      %dma_start3A_213 = arith.constant 0 : i32
      %dma_start3A_214 = tpu.memref_slice %arg4[%arg0, %add3A_195, %dma_start3A_213] : memref<2x10240x128xf32, #tpu.memory_space<hbm>> -> memref<1x80x128xf32, #tpu.memory_space<hbm>>
      %dma_start3A_215 = tpu.memref_squeeze %dma_start3A_214 : memref<1x80x128xf32, #tpu.memory_space<hbm>> -> memref<80x128xf32, #tpu.memory_space<hbm>>
      %dma_start3A_216 = arith.constant 0 : i32
      %dma_start3A_217 = tpu.memref_slice %arg10[%add3A_195, %dma_start3A_216] : memref<10240x128xf32, #tpu.memory_space<vmem_shared>> -> memref<80x128xf32, #tpu.memory_space<vmem_shared>>
      tpu.enqueue_dma source(%dma_start3A_217 : memref<80x128xf32, #tpu.memory_space<vmem_shared>>) target(%dma_start3A_215 : memref<80x128xf32, #tpu.memory_space<hbm>>) target_semaphore(%run_scoped3A_212 : memref<!tpu.dma_semaphore, #tpu.memory_space<semaphore_mem>>)
      %dma_wait3A_218 = arith.constant 0 : i32
      %dma_wait3A_219 = tpu.memref_slice %arg4[%arg0, %add3A_195, %dma_wait3A_218] : memref<2x10240x128xf32, #tpu.memory_space<hbm>> -> memref<1x80x128xf32, #tpu.memory_space<hbm>>
      %dma_wait3A_220 = tpu.memref_squeeze %dma_wait3A_219 : memref<1x80x128xf32, #tpu.memory_space<hbm>> -> memref<80x128xf32, #tpu.memory_space<hbm>>
      %dma_wait3A_221 = arith.constant 0 : i32
      %dma_wait3A_222 = tpu.memref_slice %arg10[%add3A_195, %dma_wait3A_221] : memref<10240x128xf32, #tpu.memory_space<vmem_shared>> -> memref<80x128xf32, #tpu.memory_space<vmem_shared>>
      tpu.wait_dma2 semaphore(%run_scoped3A_212 : memref<!tpu.dma_semaphore, #tpu.memory_space<semaphore_mem>>) src(%dma_wait3A_222 : memref<80x128xf32, #tpu.memory_space<vmem_shared>>) dst(%dma_wait3A_220 : memref<80x128xf32, #tpu.memory_space<hbm>>)
      tpu.yield
    }) : () -> ()
    %mul3A_196 = arith.constant 640 : i32
    %mul3A_197 = arith.muli %arg1, %mul3A_196 : i32
    %add3A_198 = arith.constant 320 : i32
    %add3A_199 = arith.addi %mul3A_197, %add3A_198 : i32
    "tpu.region"() ({
      %run_scoped3A_212 = tpu.sem_alloc : memref<!tpu.dma_semaphore, #tpu.memory_space<semaphore_mem>>
      %dma_start3A_213 = arith.constant 0 : i32
      %dma_start3A_214 = tpu.memref_slice %arg4[%arg0, %add3A_199, %dma_start3A_213] : memref<2x10240x128xf32, #tpu.memory_space<hbm>> -> memref<1x80x128xf32, #tpu.memory_space<hbm>>
      %dma_start3A_215 = tpu.memref_squeeze %dma_start3A_214 : memref<1x80x128xf32, #tpu.memory_space<hbm>> -> memref<80x128xf32, #tpu.memory_space<hbm>>
      %dma_start3A_216 = arith.constant 0 : i32
      %dma_start3A_217 = tpu.memref_slice %arg10[%add3A_199, %dma_start3A_216] : memref<10240x128xf32, #tpu.memory_space<vmem_shared>> -> memref<80x128xf32, #tpu.memory_space<vmem_shared>>
      tpu.enqueue_dma source(%dma_start3A_217 : memref<80x128xf32, #tpu.memory_space<vmem_shared>>) target(%dma_start3A_215 : memref<80x128xf32, #tpu.memory_space<hbm>>) target_semaphore(%run_scoped3A_212 : memref<!tpu.dma_semaphore, #tpu.memory_space<semaphore_mem>>)
      %dma_wait3A_218 = arith.constant 0 : i32
      %dma_wait3A_219 = tpu.memref_slice %arg4[%arg0, %add3A_199, %dma_wait3A_218] : memref<2x10240x128xf32, #tpu.memory_space<hbm>> -> memref<1x80x128xf32, #tpu.memory_space<hbm>>
      %dma_wait3A_220 = tpu.memref_squeeze %dma_wait3A_219 : memref<1x80x128xf32, #tpu.memory_space<hbm>> -> memref<80x128xf32, #tpu.memory_space<hbm>>
      %dma_wait3A_221 = arith.constant 0 : i32
      %dma_wait3A_222 = tpu.memref_slice %arg10[%add3A_199, %dma_wait3A_221] : memref<10240x128xf32, #tpu.memory_space<vmem_shared>> -> memref<80x128xf32, #tpu.memory_space<vmem_shared>>
      tpu.wait_dma2 semaphore(%run_scoped3A_212 : memref<!tpu.dma_semaphore, #tpu.memory_space<semaphore_mem>>) src(%dma_wait3A_222 : memref<80x128xf32, #tpu.memory_space<vmem_shared>>) dst(%dma_wait3A_220 : memref<80x128xf32, #tpu.memory_space<hbm>>)
      tpu.yield
    }) : () -> ()
    %mul3A_200 = arith.constant 640 : i32
    %mul3A_201 = arith.muli %arg1, %mul3A_200 : i32
    %add3A_202 = arith.constant 400 : i32
    %add3A_203 = arith.addi %mul3A_201, %add3A_202 : i32
    "tpu.region"() ({
      %run_scoped3A_212 = tpu.sem_alloc : memref<!tpu.dma_semaphore, #tpu.memory_space<semaphore_mem>>
      %dma_start3A_213 = arith.constant 0 : i32
      %dma_start3A_214 = tpu.memref_slice %arg4[%arg0, %add3A_203, %dma_start3A_213] : memref<2x10240x128xf32, #tpu.memory_space<hbm>> -> memref<1x80x128xf32, #tpu.memory_space<hbm>>
      %dma_start3A_215 = tpu.memref_squeeze %dma_start3A_214 : memref<1x80x128xf32, #tpu.memory_space<hbm>> -> memref<80x128xf32, #tpu.memory_space<hbm>>
      %dma_start3A_216 = arith.constant 0 : i32
      %dma_start3A_217 = tpu.memref_slice %arg10[%add3A_203, %dma_start3A_216] : memref<10240x128xf32, #tpu.memory_space<vmem_shared>> -> memref<80x128xf32, #tpu.memory_space<vmem_shared>>
      tpu.enqueue_dma source(%dma_start3A_217 : memref<80x128xf32, #tpu.memory_space<vmem_shared>>) target(%dma_start3A_215 : memref<80x128xf32, #tpu.memory_space<hbm>>) target_semaphore(%run_scoped3A_212 : memref<!tpu.dma_semaphore, #tpu.memory_space<semaphore_mem>>)
      %dma_wait3A_218 = arith.constant 0 : i32
      %dma_wait3A_219 = tpu.memref_slice %arg4[%arg0, %add3A_203, %dma_wait3A_218] : memref<2x10240x128xf32, #tpu.memory_space<hbm>> -> memref<1x80x128xf32, #tpu.memory_space<hbm>>
      %dma_wait3A_220 = tpu.memref_squeeze %dma_wait3A_219 : memref<1x80x128xf32, #tpu.memory_space<hbm>> -> memref<80x128xf32, #tpu.memory_space<hbm>>
      %dma_wait3A_221 = arith.constant 0 : i32
      %dma_wait3A_222 = tpu.memref_slice %arg10[%add3A_203, %dma_wait3A_221] : memref<10240x128xf32, #tpu.memory_space<vmem_shared>> -> memref<80x128xf32, #tpu.memory_space<vmem_shared>>
      tpu.wait_dma2 semaphore(%run_scoped3A_212 : memref<!tpu.dma_semaphore, #tpu.memory_space<semaphore_mem>>) src(%dma_wait3A_222 : memref<80x128xf32, #tpu.memory_space<vmem_shared>>) dst(%dma_wait3A_220 : memref<80x128xf32, #tpu.memory_space<hbm>>)
      tpu.yield
    }) : () -> ()
    %mul3A_204 = arith.constant 640 : i32
    %mul3A_205 = arith.muli %arg1, %mul3A_204 : i32
    %add3A_206 = arith.constant 480 : i32
    %add3A_207 = arith.addi %mul3A_205, %add3A_206 : i32
    "tpu.region"() ({
      %run_scoped3A_212 = tpu.sem_alloc : memref<!tpu.dma_semaphore, #tpu.memory_space<semaphore_mem>>
      %dma_start3A_213 = arith.constant 0 : i32
      %dma_start3A_214 = tpu.memref_slice %arg4[%arg0, %add3A_207, %dma_start3A_213] : memref<2x10240x128xf32, #tpu.memory_space<hbm>> -> memref<1x80x128xf32, #tpu.memory_space<hbm>>
      %dma_start3A_215 = tpu.memref_squeeze %dma_start3A_214 : memref<1x80x128xf32, #tpu.memory_space<hbm>> -> memref<80x128xf32, #tpu.memory_space<hbm>>
      %dma_start3A_216 = arith.constant 0 : i32
      %dma_start3A_217 = tpu.memref_slice %arg10[%add3A_207, %dma_start3A_216] : memref<10240x128xf32, #tpu.memory_space<vmem_shared>> -> memref<80x128xf32, #tpu.memory_space<vmem_shared>>
      tpu.enqueue_dma source(%dma_start3A_217 : memref<80x128xf32, #tpu.memory_space<vmem_shared>>) target(%dma_start3A_215 : memref<80x128xf32, #tpu.memory_space<hbm>>) target_semaphore(%run_scoped3A_212 : memref<!tpu.dma_semaphore, #tpu.memory_space<semaphore_mem>>)
      %dma_wait3A_218 = arith.constant 0 : i32
      %dma_wait3A_219 = tpu.memref_slice %arg4[%arg0, %add3A_207, %dma_wait3A_218] : memref<2x10240x128xf32, #tpu.memory_space<hbm>> -> memref<1x80x128xf32, #tpu.memory_space<hbm>>
      %dma_wait3A_220 = tpu.memref_squeeze %dma_wait3A_219 : memref<1x80x128xf32, #tpu.memory_space<hbm>> -> memref<80x128xf32, #tpu.memory_space<hbm>>
      %dma_wait3A_221 = arith.constant 0 : i32
      %dma_wait3A_222 = tpu.memref_slice %arg10[%add3A_207, %dma_wait3A_221] : memref<10240x128xf32, #tpu.memory_space<vmem_shared>> -> memref<80x128xf32, #tpu.memory_space<vmem_shared>>
      tpu.wait_dma2 semaphore(%run_scoped3A_212 : memref<!tpu.dma_semaphore, #tpu.memory_space<semaphore_mem>>) src(%dma_wait3A_222 : memref<80x128xf32, #tpu.memory_space<vmem_shared>>) dst(%dma_wait3A_220 : memref<80x128xf32, #tpu.memory_space<hbm>>)
      tpu.yield
    }) : () -> ()
    %mul3A_208 = arith.constant 640 : i32
    %mul3A_209 = arith.muli %arg1, %mul3A_208 : i32
    %add3A_210 = arith.constant 560 : i32
    %add3A_211 = arith.addi %mul3A_209, %add3A_210 : i32
    "tpu.region"() ({
      %run_scoped3A_212 = tpu.sem_alloc : memref<!tpu.dma_semaphore, #tpu.memory_space<semaphore_mem>>
      %dma_start3A_213 = arith.constant 0 : i32
      %dma_start3A_214 = tpu.memref_slice %arg4[%arg0, %add3A_211, %dma_start3A_213] : memref<2x10240x128xf32, #tpu.memory_space<hbm>> -> memref<1x80x128xf32, #tpu.memory_space<hbm>>
      %dma_start3A_215 = tpu.memref_squeeze %dma_start3A_214 : memref<1x80x128xf32, #tpu.memory_space<hbm>> -> memref<80x128xf32, #tpu.memory_space<hbm>>
      %dma_start3A_216 = arith.constant 0 : i32
      %dma_start3A_217 = tpu.memref_slice %arg10[%add3A_211, %dma_start3A_216] : memref<10240x128xf32, #tpu.memory_space<vmem_shared>> -> memref<80x128xf32, #tpu.memory_space<vmem_shared>>
      tpu.enqueue_dma source(%dma_start3A_217 : memref<80x128xf32, #tpu.memory_space<vmem_shared>>) target(%dma_start3A_215 : memref<80x128xf32, #tpu.memory_space<hbm>>) target_semaphore(%run_scoped3A_212 : memref<!tpu.dma_semaphore, #tpu.memory_space<semaphore_mem>>)
      %dma_wait3A_218 = arith.constant 0 : i32
      %dma_wait3A_219 = tpu.memref_slice %arg4[%arg0, %add3A_211, %dma_wait3A_218] : memref<2x10240x128xf32, #tpu.memory_space<hbm>> -> memref<1x80x128xf32, #tpu.memory_space<hbm>>
      %dma_wait3A_220 = tpu.memref_squeeze %dma_wait3A_219 : memref<1x80x128xf32, #tpu.memory_space<hbm>> -> memref<80x128xf32, #tpu.memory_space<hbm>>
      %dma_wait3A_221 = arith.constant 0 : i32
      %dma_wait3A_222 = tpu.memref_slice %arg10[%add3A_211, %dma_wait3A_221] : memref<10240x128xf32, #tpu.memory_space<vmem_shared>> -> memref<80x128xf32, #tpu.memory_space<vmem_shared>>
      tpu.wait_dma2 semaphore(%run_scoped3A_212 : memref<!tpu.dma_semaphore, #tpu.memory_space<semaphore_mem>>) src(%dma_wait3A_222 : memref<80x128xf32, #tpu.memory_space<vmem_shared>>) dst(%dma_wait3A_220 : memref<80x128xf32, #tpu.memory_space<hbm>>)
      tpu.yield
    }) : () -> ()
    return
  }
}

#map = affine_map<(d0, d1) -> (0, 0)>
#map1 = affine_map<(d0, d1) -> (0, 0, 0)>
module attributes {stable_mosaic.version = 14 : i64} {
  func.func @sc_agg(%arg0: i32, %arg1: i32, %arg2: memref<10000x128xf32, #tpu.memory_space<hbm>>, %arg3: memref<2x32x10000xi32, #tpu.memory_space<hbm>>, %arg4: memref<2x10240x128xf32, #tpu.memory_space<hbm>>, %arg5: memref<10000xi32, #tpu.memory_space<vmem>>, %arg6: memref<10000xi32, #tpu.memory_space<vmem>>, %arg7: memref<80xi32, #tpu.memory_space<vmem>>, %arg8: memref<80x128xf32, #tpu.memory_space<vmem>>, %arg9: memref<80x128xf32, #tpu.memory_space<vmem>>, %arg10: memref<10240x128xf32, #tpu.memory_space<vmem_shared>>, %arg11: memref<!tpu.dma_semaphore, #tpu.memory_space<semaphore_mem>>, %arg12: memref<!tpu.dma_semaphore, #tpu.memory_space<semaphore_mem>>) attributes {dimension_semantics = [#tpu.dimension_semantics<core_parallel>, #tpu.dimension_semantics<subcore_parallel>], iteration_bounds = array<i64: 2, 16>, scalar_prefetch = 0 : i64, scratch_operands = 8 : i64, tpu.core_type = #tpu.core_type<sc_vector_subcore>, window_params = [{transform_indices = #map}, {transform_indices = #map1}, {transform_indices = #map1}]} {
    %mul3A = arith.constant 2 : i32
    %mul3A_0 = arith.muli %arg1, %mul3A : i32
    %add3A = arith.addi %mul3A_0, %arg0 : i32
    %broadcast_in_dim3A = arith.constant 0.000000e+00 : f32
    %broadcast_in_dim3A_1 = vector.broadcast %broadcast_in_dim3A : f32 to vector<16xf32>
    %run_scoped3A = arith.constant 0 : i32
    "tpu.region"() ({
      %run_scoped3A_212 = tpu.sem_alloc : memref<!tpu.dma_semaphore, #tpu.memory_space<semaphore_mem>>
      %dma_start3A_213 = arith.constant 0 : i32
      %dma_start3A_214 = tpu.memref_slice %arg3[%run_scoped3A, %add3A, %dma_start3A_213] : memref<2x32x10000xi32, #tpu.memory_space<hbm>> -> memref<1x1x10000xi32, #tpu.memory_space<hbm>>
      %dma_start3A_215 = tpu.memref_squeeze %dma_start3A_214 : memref<1x1x10000xi32, #tpu.memory_space<hbm>> -> memref<10000xi32, #tpu.memory_space<hbm>>
      %dma_start3A_216 = arith.constant 0 : i32
      %dma_start3A_217 = tpu.memref_slice %arg3[%run_scoped3A, %add3A, %dma_start3A_216] : memref<2x32x10000xi32, #tpu.memory_space<hbm>> -> memref<1x1x10000xi32, #tpu.memory_space<hbm>>
      %dma_start3A_218 = tpu.memref_squeeze %dma_start3A_217 : memref<1x1x10000xi32, #tpu.memory_space<hbm>> -> memref<10000xi32, #tpu.memory_space<hbm>>
      tpu.enqueue_dma source(%dma_start3A_218 : memref<10000xi32, #tpu.memory_space<hbm>>) target(%arg5 : memref<10000xi32, #tpu.memory_space<vmem>>) target_semaphore(%run_scoped3A_212 : memref<!tpu.dma_semaphore, #tpu.memory_space<semaphore_mem>>)
      %dma_wait3A_219 = arith.constant 0 : i32
      %dma_wait3A_220 = tpu.memref_slice %arg3[%run_scoped3A, %add3A, %dma_wait3A_219] : memref<2x32x10000xi32, #tpu.memory_space<hbm>> -> memref<1x1x10000xi32, #tpu.memory_space<hbm>>
      %dma_wait3A_221 = tpu.memref_squeeze %dma_wait3A_220 : memref<1x1x10000xi32, #tpu.memory_space<hbm>> -> memref<10000xi32, #tpu.memory_space<hbm>>
      %dma_wait3A_222 = arith.constant 0 : i32
      %dma_wait3A_223 = tpu.memref_slice %arg3[%run_scoped3A, %add3A, %dma_wait3A_222] : memref<2x32x10000xi32, #tpu.memory_space<hbm>> -> memref<1x1x10000xi32, #tpu.memory_space<hbm>>
      %dma_wait3A_224 = tpu.memref_squeeze %dma_wait3A_223 : memref<1x1x10000xi32, #tpu.memory_space<hbm>> -> memref<10000xi32, #tpu.memory_space<hbm>>
      tpu.wait_dma2 semaphore(%run_scoped3A_212 : memref<!tpu.dma_semaphore, #tpu.memory_space<semaphore_mem>>) src(%dma_wait3A_224 : memref<10000xi32, #tpu.memory_space<hbm>>) dst(%arg5 : memref<10000xi32, #tpu.memory_space<vmem>>)
      tpu.yield
    }) : () -> ()
    %run_scoped3A_2 = arith.constant 1 : i32
    "tpu.region"() ({
      %run_scoped3A_212 = tpu.sem_alloc : memref<!tpu.dma_semaphore, #tpu.memory_space<semaphore_mem>>
      %dma_start3A_213 = arith.constant 0 : i32
      %dma_start3A_214 = tpu.memref_slice %arg3[%run_scoped3A_2, %add3A, %dma_start3A_213] : memref<2x32x10000xi32, #tpu.memory_space<hbm>> -> memref<1x1x10000xi32, #tpu.memory_space<hbm>>
      %dma_start3A_215 = tpu.memref_squeeze %dma_start3A_214 : memref<1x1x10000xi32, #tpu.memory_space<hbm>> -> memref<10000xi32, #tpu.memory_space<hbm>>
      %dma_start3A_216 = arith.constant 0 : i32
      %dma_start3A_217 = tpu.memref_slice %arg3[%run_scoped3A_2, %add3A, %dma_start3A_216] : memref<2x32x10000xi32, #tpu.memory_space<hbm>> -> memref<1x1x10000xi32, #tpu.memory_space<hbm>>
      %dma_start3A_218 = tpu.memref_squeeze %dma_start3A_217 : memref<1x1x10000xi32, #tpu.memory_space<hbm>> -> memref<10000xi32, #tpu.memory_space<hbm>>
      tpu.enqueue_dma source(%dma_start3A_218 : memref<10000xi32, #tpu.memory_space<hbm>>) target(%arg6 : memref<10000xi32, #tpu.memory_space<vmem>>) target_semaphore(%run_scoped3A_212 : memref<!tpu.dma_semaphore, #tpu.memory_space<semaphore_mem>>)
      %dma_wait3A_219 = arith.constant 0 : i32
      %dma_wait3A_220 = tpu.memref_slice %arg3[%run_scoped3A_2, %add3A, %dma_wait3A_219] : memref<2x32x10000xi32, #tpu.memory_space<hbm>> -> memref<1x1x10000xi32, #tpu.memory_space<hbm>>
      %dma_wait3A_221 = tpu.memref_squeeze %dma_wait3A_220 : memref<1x1x10000xi32, #tpu.memory_space<hbm>> -> memref<10000xi32, #tpu.memory_space<hbm>>
      %dma_wait3A_222 = arith.constant 0 : i32
      %dma_wait3A_223 = tpu.memref_slice %arg3[%run_scoped3A_2, %add3A, %dma_wait3A_222] : memref<2x32x10000xi32, #tpu.memory_space<hbm>> -> memref<1x1x10000xi32, #tpu.memory_space<hbm>>
      %dma_wait3A_224 = tpu.memref_squeeze %dma_wait3A_223 : memref<1x1x10000xi32, #tpu.memory_space<hbm>> -> memref<10000xi32, #tpu.memory_space<hbm>>
      tpu.wait_dma2 semaphore(%run_scoped3A_212 : memref<!tpu.dma_semaphore, #tpu.memory_space<semaphore_mem>>) src(%dma_wait3A_224 : memref<10000xi32, #tpu.memory_space<hbm>>) dst(%arg6 : memref<10000xi32, #tpu.memory_space<vmem>>)
      tpu.yield
    }) : () -> ()
    %scan3A = arith.constant 0 : i32
    %scan3A_3 = arith.constant 0 : i32
    %scan3A_4 = arith.constant 80 : i32
    %scan3A_5 = arith.addi %scan3A_3, %scan3A_4 : i32
    %scan3A_6 = arith.constant 1 : i32
    %scan3A_7 = scf.for %scan3A_212 = %scan3A_3 to %scan3A_5 step %scan3A_6 iter_args(%scan3A_213 = %scan3A) -> (i32)  : i32 {
      %swap3A_214 = arith.index_cast %scan3A_212 : i32 to index
      %swap3A_215 = arith.constant 0 : index
      %swap3A_216 = tpu.vector_load %arg8[%swap3A_214, %swap3A_215] {strides = array<i32>} : memref<80x128xf32, #tpu.memory_space<vmem>>, vector<1x16xf32>,
      %swap3A_217 = vector.shape_cast %swap3A_216 : vector<1x16xf32> to vector<16xf32>
      %swap3A_218 = vector.shape_cast %broadcast_in_dim3A_1 : vector<16xf32> to vector<1x16xf32>
      tpu.vector_store %arg8[%swap3A_214, %swap3A_215], %swap3A_218 {strides = array<i32>} : memref<80x128xf32, #tpu.memory_space<vmem>>, vector<1x16xf32>,
      %swap3A_219 = arith.index_cast %scan3A_212 : i32 to index
      %swap3A_220 = arith.constant 16 : index
      %swap3A_221 = tpu.vector_load %arg8[%swap3A_219, %swap3A_220] {strides = array<i32>} : memref<80x128xf32, #tpu.memory_space<vmem>>, vector<1x16xf32>,
      %swap3A_222 = vector.shape_cast %swap3A_221 : vector<1x16xf32> to vector<16xf32>
      %swap3A_223 = vector.shape_cast %broadcast_in_dim3A_1 : vector<16xf32> to vector<1x16xf32>
      tpu.vector_store %arg8[%swap3A_219, %swap3A_220], %swap3A_223 {strides = array<i32>} : memref<80x128xf32, #tpu.memory_space<vmem>>, vector<1x16xf32>,
      %swap3A_224 = arith.index_cast %scan3A_212 : i32 to index
      %swap3A_225 = arith.constant 32 : index
      %swap3A_226 = tpu.vector_load %arg8[%swap3A_224, %swap3A_225] {strides = array<i32>} : memref<80x128xf32, #tpu.memory_space<vmem>>, vector<1x16xf32>,
      %swap3A_227 = vector.shape_cast %swap3A_226 : vector<1x16xf32> to vector<16xf32>
      %swap3A_228 = vector.shape_cast %broadcast_in_dim3A_1 : vector<16xf32> to vector<1x16xf32>
      tpu.vector_store %arg8[%swap3A_224, %swap3A_225], %swap3A_228 {strides = array<i32>} : memref<80x128xf32, #tpu.memory_space<vmem>>, vector<1x16xf32>,
      %swap3A_229 = arith.index_cast %scan3A_212 : i32 to index
      %swap3A_230 = arith.constant 48 : index
      %swap3A_231 = tpu.vector_load %arg8[%swap3A_229, %swap3A_230] {strides = array<i32>} : memref<80x128xf32, #tpu.memory_space<vmem>>, vector<1x16xf32>,
      %swap3A_232 = vector.shape_cast %swap3A_231 : vector<1x16xf32> to vector<16xf32>
      %swap3A_233 = vector.shape_cast %broadcast_in_dim3A_1 : vector<16xf32> to vector<1x16xf32>
      tpu.vector_store %arg8[%swap3A_229, %swap3A_230], %swap3A_233 {strides = array<i32>} : memref<80x128xf32, #tpu.memory_space<vmem>>, vector<1x16xf32>,
      %swap3A_234 = arith.index_cast %scan3A_212 : i32 to index
      %swap3A_235 = arith.constant 64 : index
      %swap3A_236 = tpu.vector_load %arg8[%swap3A_234, %swap3A_235] {strides = array<i32>} : memref<80x128xf32, #tpu.memory_space<vmem>>, vector<1x16xf32>,
      %swap3A_237 = vector.shape_cast %swap3A_236 : vector<1x16xf32> to vector<16xf32>
      %swap3A_238 = vector.shape_cast %broadcast_in_dim3A_1 : vector<16xf32> to vector<1x16xf32>
      tpu.vector_store %arg8[%swap3A_234, %swap3A_235], %swap3A_238 {strides = array<i32>} : memref<80x128xf32, #tpu.memory_space<vmem>>, vector<1x16xf32>,
      %swap3A_239 = arith.index_cast %scan3A_212 : i32 to index
      %swap3A_240 = arith.constant 80 : index
      %swap3A_241 = tpu.vector_load %arg8[%swap3A_239, %swap3A_240] {strides = array<i32>} : memref<80x128xf32, #tpu.memory_space<vmem>>, vector<1x16xf32>,
      %swap3A_242 = vector.shape_cast %swap3A_241 : vector<1x16xf32> to vector<16xf32>
      %swap3A_243 = vector.shape_cast %broadcast_in_dim3A_1 : vector<16xf32> to vector<1x16xf32>
      tpu.vector_store %arg8[%swap3A_239, %swap3A_240], %swap3A_243 {strides = array<i32>} : memref<80x128xf32, #tpu.memory_space<vmem>>, vector<1x16xf32>,
      %swap3A_244 = arith.index_cast %scan3A_212 : i32 to index
      %swap3A_245 = arith.constant 96 : index
      %swap3A_246 = tpu.vector_load %arg8[%swap3A_244, %swap3A_245] {strides = array<i32>} : memref<80x128xf32, #tpu.memory_space<vmem>>, vector<1x16xf32>,
      %swap3A_247 = vector.shape_cast %swap3A_246 : vector<1x16xf32> to vector<16xf32>
      %swap3A_248 = vector.shape_cast %broadcast_in_dim3A_1 : vector<16xf32> to vector<1x16xf32>
      tpu.vector_store %arg8[%swap3A_244, %swap3A_245], %swap3A_248 {strides = array<i32>} : memref<80x128xf32, #tpu.memory_space<vmem>>, vector<1x16xf32>,
      %swap3A_249 = arith.index_cast %scan3A_212 : i32 to index
      %swap3A_250 = arith.constant 112 : index
      %swap3A_251 = tpu.vector_load %arg8[%swap3A_249, %swap3A_250] {strides = array<i32>} : memref<80x128xf32, #tpu.memory_space<vmem>>, vector<1x16xf32>,
      %swap3A_252 = vector.shape_cast %swap3A_251 : vector<1x16xf32> to vector<16xf32>
      %swap3A_253 = vector.shape_cast %broadcast_in_dim3A_1 : vector<16xf32> to vector<1x16xf32>
      tpu.vector_store %arg8[%swap3A_249, %swap3A_250], %swap3A_253 {strides = array<i32>} : memref<80x128xf32, #tpu.memory_space<vmem>>, vector<1x16xf32>,
      %scan3A_254 = arith.constant 0 : i32
      scf.yield %scan3A_254 : i32
    }
    %scan3A_8 = arith.constant 80 : i32
    %mul3A_9 = arith.constant 640 : i32
    %mul3A_10 = arith.muli %arg1, %mul3A_9 : i32
    %add3A_11 = arith.constant 0 : i32
    %add3A_12 = arith.addi %mul3A_10, %add3A_11 : i32
    "tpu.region"() ({
      %run_scoped3A_212 = tpu.sem_alloc : memref<!tpu.dma_semaphore, #tpu.memory_space<semaphore_mem>>
      %dma_start3A_213 = arith.constant 0 : i32
      %dma_start3A_214 = tpu.memref_slice %arg10[%add3A_12, %dma_start3A_213] : memref<10240x128xf32, #tpu.memory_space<vmem_shared>> -> memref<80x128xf32, #tpu.memory_space<vmem_shared>>
      %dma_start3A_215 = arith.constant 0 : i32
      %dma_start3A_216 = tpu.memref_slice %arg10[%add3A_12, %dma_start3A_215] : memref<10240x128xf32, #tpu.memory_space<vmem_shared>> -> memref<80x128xf32, #tpu.memory_space<vmem_shared>>
      tpu.enqueue_dma source(%arg8 : memref<80x128xf32, #tpu.memory_space<vmem>>) target(%dma_start3A_216 : memref<80x128xf32, #tpu.memory_space<vmem_shared>>) target_semaphore(%run_scoped3A_212 : memref<!tpu.dma_semaphore, #tpu.memory_space<semaphore_mem>>)
      %dma_wait3A_217 = arith.constant 0 : i32
      %dma_wait3A_218 = tpu.memref_slice %arg10[%add3A_12, %dma_wait3A_217] : memref<10240x128xf32, #tpu.memory_space<vmem_shared>> -> memref<80x128xf32, #tpu.memory_space<vmem_shared>>
      %dma_wait3A_219 = arith.constant 0 : i32
      %dma_wait3A_220 = tpu.memref_slice %arg10[%add3A_12, %dma_wait3A_219] : memref<10240x128xf32, #tpu.memory_space<vmem_shared>> -> memref<80x128xf32, #tpu.memory_space<vmem_shared>>
      tpu.wait_dma2 semaphore(%run_scoped3A_212 : memref<!tpu.dma_semaphore, #tpu.memory_space<semaphore_mem>>) src(%arg8 : memref<80x128xf32, #tpu.memory_space<vmem>>) dst(%dma_wait3A_220 : memref<80x128xf32, #tpu.memory_space<vmem_shared>>)
      tpu.yield
    }) : () -> ()
    %mul3A_13 = arith.constant 640 : i32
    %mul3A_14 = arith.muli %arg1, %mul3A_13 : i32
    %add3A_15 = arith.constant 80 : i32
    %add3A_16 = arith.addi %mul3A_14, %add3A_15 : i32
    "tpu.region"() ({
      %run_scoped3A_212 = tpu.sem_alloc : memref<!tpu.dma_semaphore, #tpu.memory_space<semaphore_mem>>
      %dma_start3A_213 = arith.constant 0 : i32
      %dma_start3A_214 = tpu.memref_slice %arg10[%add3A_16, %dma_start3A_213] : memref<10240x128xf32, #tpu.memory_space<vmem_shared>> -> memref<80x128xf32, #tpu.memory_space<vmem_shared>>
      %dma_start3A_215 = arith.constant 0 : i32
      %dma_start3A_216 = tpu.memref_slice %arg10[%add3A_16, %dma_start3A_215] : memref<10240x128xf32, #tpu.memory_space<vmem_shared>> -> memref<80x128xf32, #tpu.memory_space<vmem_shared>>
      tpu.enqueue_dma source(%arg8 : memref<80x128xf32, #tpu.memory_space<vmem>>) target(%dma_start3A_216 : memref<80x128xf32, #tpu.memory_space<vmem_shared>>) target_semaphore(%run_scoped3A_212 : memref<!tpu.dma_semaphore, #tpu.memory_space<semaphore_mem>>)
      %dma_wait3A_217 = arith.constant 0 : i32
      %dma_wait3A_218 = tpu.memref_slice %arg10[%add3A_16, %dma_wait3A_217] : memref<10240x128xf32, #tpu.memory_space<vmem_shared>> -> memref<80x128xf32, #tpu.memory_space<vmem_shared>>
      %dma_wait3A_219 = arith.constant 0 : i32
      %dma_wait3A_220 = tpu.memref_slice %arg10[%add3A_16, %dma_wait3A_219] : memref<10240x128xf32, #tpu.memory_space<vmem_shared>> -> memref<80x128xf32, #tpu.memory_space<vmem_shared>>
      tpu.wait_dma2 semaphore(%run_scoped3A_212 : memref<!tpu.dma_semaphore, #tpu.memory_space<semaphore_mem>>) src(%arg8 : memref<80x128xf32, #tpu.memory_space<vmem>>) dst(%dma_wait3A_220 : memref<80x128xf32, #tpu.memory_space<vmem_shared>>)
      tpu.yield
    }) : () -> ()
    %mul3A_17 = arith.constant 640 : i32
    %mul3A_18 = arith.muli %arg1, %mul3A_17 : i32
    %add3A_19 = arith.constant 160 : i32
    %add3A_20 = arith.addi %mul3A_18, %add3A_19 : i32
    "tpu.region"() ({
      %run_scoped3A_212 = tpu.sem_alloc : memref<!tpu.dma_semaphore, #tpu.memory_space<semaphore_mem>>
      %dma_start3A_213 = arith.constant 0 : i32
      %dma_start3A_214 = tpu.memref_slice %arg10[%add3A_20, %dma_start3A_213] : memref<10240x128xf32, #tpu.memory_space<vmem_shared>> -> memref<80x128xf32, #tpu.memory_space<vmem_shared>>
      %dma_start3A_215 = arith.constant 0 : i32
      %dma_start3A_216 = tpu.memref_slice %arg10[%add3A_20, %dma_start3A_215] : memref<10240x128xf32, #tpu.memory_space<vmem_shared>> -> memref<80x128xf32, #tpu.memory_space<vmem_shared>>
      tpu.enqueue_dma source(%arg8 : memref<80x128xf32, #tpu.memory_space<vmem>>) target(%dma_start3A_216 : memref<80x128xf32, #tpu.memory_space<vmem_shared>>) target_semaphore(%run_scoped3A_212 : memref<!tpu.dma_semaphore, #tpu.memory_space<semaphore_mem>>)
      %dma_wait3A_217 = arith.constant 0 : i32
      %dma_wait3A_218 = tpu.memref_slice %arg10[%add3A_20, %dma_wait3A_217] : memref<10240x128xf32, #tpu.memory_space<vmem_shared>> -> memref<80x128xf32, #tpu.memory_space<vmem_shared>>
      %dma_wait3A_219 = arith.constant 0 : i32
      %dma_wait3A_220 = tpu.memref_slice %arg10[%add3A_20, %dma_wait3A_219] : memref<10240x128xf32, #tpu.memory_space<vmem_shared>> -> memref<80x128xf32, #tpu.memory_space<vmem_shared>>
      tpu.wait_dma2 semaphore(%run_scoped3A_212 : memref<!tpu.dma_semaphore, #tpu.memory_space<semaphore_mem>>) src(%arg8 : memref<80x128xf32, #tpu.memory_space<vmem>>) dst(%dma_wait3A_220 : memref<80x128xf32, #tpu.memory_space<vmem_shared>>)
      tpu.yield
    }) : () -> ()
    %mul3A_21 = arith.constant 640 : i32
    %mul3A_22 = arith.muli %arg1, %mul3A_21 : i32
    %add3A_23 = arith.constant 240 : i32
    %add3A_24 = arith.addi %mul3A_22, %add3A_23 : i32
    "tpu.region"() ({
      %run_scoped3A_212 = tpu.sem_alloc : memref<!tpu.dma_semaphore, #tpu.memory_space<semaphore_mem>>
      %dma_start3A_213 = arith.constant 0 : i32
      %dma_start3A_214 = tpu.memref_slice %arg10[%add3A_24, %dma_start3A_213] : memref<10240x128xf32, #tpu.memory_space<vmem_shared>> -> memref<80x128xf32, #tpu.memory_space<vmem_shared>>
      %dma_start3A_215 = arith.constant 0 : i32
      %dma_start3A_216 = tpu.memref_slice %arg10[%add3A_24, %dma_start3A_215] : memref<10240x128xf32, #tpu.memory_space<vmem_shared>> -> memref<80x128xf32, #tpu.memory_space<vmem_shared>>
      tpu.enqueue_dma source(%arg8 : memref<80x128xf32, #tpu.memory_space<vmem>>) target(%dma_start3A_216 : memref<80x128xf32, #tpu.memory_space<vmem_shared>>) target_semaphore(%run_scoped3A_212 : memref<!tpu.dma_semaphore, #tpu.memory_space<semaphore_mem>>)
      %dma_wait3A_217 = arith.constant 0 : i32
      %dma_wait3A_218 = tpu.memref_slice %arg10[%add3A_24, %dma_wait3A_217] : memref<10240x128xf32, #tpu.memory_space<vmem_shared>> -> memref<80x128xf32, #tpu.memory_space<vmem_shared>>
      %dma_wait3A_219 = arith.constant 0 : i32
      %dma_wait3A_220 = tpu.memref_slice %arg10[%add3A_24, %dma_wait3A_219] : memref<10240x128xf32, #tpu.memory_space<vmem_shared>> -> memref<80x128xf32, #tpu.memory_space<vmem_shared>>
      tpu.wait_dma2 semaphore(%run_scoped3A_212 : memref<!tpu.dma_semaphore, #tpu.memory_space<semaphore_mem>>) src(%arg8 : memref<80x128xf32, #tpu.memory_space<vmem>>) dst(%dma_wait3A_220 : memref<80x128xf32, #tpu.memory_space<vmem_shared>>)
      tpu.yield
    }) : () -> ()
    %mul3A_25 = arith.constant 640 : i32
    %mul3A_26 = arith.muli %arg1, %mul3A_25 : i32
    %add3A_27 = arith.constant 320 : i32
    %add3A_28 = arith.addi %mul3A_26, %add3A_27 : i32
    "tpu.region"() ({
      %run_scoped3A_212 = tpu.sem_alloc : memref<!tpu.dma_semaphore, #tpu.memory_space<semaphore_mem>>
      %dma_start3A_213 = arith.constant 0 : i32
      %dma_start3A_214 = tpu.memref_slice %arg10[%add3A_28, %dma_start3A_213] : memref<10240x128xf32, #tpu.memory_space<vmem_shared>> -> memref<80x128xf32, #tpu.memory_space<vmem_shared>>
      %dma_start3A_215 = arith.constant 0 : i32
      %dma_start3A_216 = tpu.memref_slice %arg10[%add3A_28, %dma_start3A_215] : memref<10240x128xf32, #tpu.memory_space<vmem_shared>> -> memref<80x128xf32, #tpu.memory_space<vmem_shared>>
      tpu.enqueue_dma source(%arg8 : memref<80x128xf32, #tpu.memory_space<vmem>>) target(%dma_start3A_216 : memref<80x128xf32, #tpu.memory_space<vmem_shared>>) target_semaphore(%run_scoped3A_212 : memref<!tpu.dma_semaphore, #tpu.memory_space<semaphore_mem>>)
      %dma_wait3A_217 = arith.constant 0 : i32
      %dma_wait3A_218 = tpu.memref_slice %arg10[%add3A_28, %dma_wait3A_217] : memref<10240x128xf32, #tpu.memory_space<vmem_shared>> -> memref<80x128xf32, #tpu.memory_space<vmem_shared>>
      %dma_wait3A_219 = arith.constant 0 : i32
      %dma_wait3A_220 = tpu.memref_slice %arg10[%add3A_28, %dma_wait3A_219] : memref<10240x128xf32, #tpu.memory_space<vmem_shared>> -> memref<80x128xf32, #tpu.memory_space<vmem_shared>>
      tpu.wait_dma2 semaphore(%run_scoped3A_212 : memref<!tpu.dma_semaphore, #tpu.memory_space<semaphore_mem>>) src(%arg8 : memref<80x128xf32, #tpu.memory_space<vmem>>) dst(%dma_wait3A_220 : memref<80x128xf32, #tpu.memory_space<vmem_shared>>)
      tpu.yield
    }) : () -> ()
    %mul3A_29 = arith.constant 640 : i32
    %mul3A_30 = arith.muli %arg1, %mul3A_29 : i32
    %add3A_31 = arith.constant 400 : i32
    %add3A_32 = arith.addi %mul3A_30, %add3A_31 : i32
    "tpu.region"() ({
      %run_scoped3A_212 = tpu.sem_alloc : memref<!tpu.dma_semaphore, #tpu.memory_space<semaphore_mem>>
      %dma_start3A_213 = arith.constant 0 : i32
      %dma_start3A_214 = tpu.memref_slice %arg10[%add3A_32, %dma_start3A_213] : memref<10240x128xf32, #tpu.memory_space<vmem_shared>> -> memref<80x128xf32, #tpu.memory_space<vmem_shared>>
      %dma_start3A_215 = arith.constant 0 : i32
      %dma_start3A_216 = tpu.memref_slice %arg10[%add3A_32, %dma_start3A_215] : memref<10240x128xf32, #tpu.memory_space<vmem_shared>> -> memref<80x128xf32, #tpu.memory_space<vmem_shared>>
      tpu.enqueue_dma source(%arg8 : memref<80x128xf32, #tpu.memory_space<vmem>>) target(%dma_start3A_216 : memref<80x128xf32, #tpu.memory_space<vmem_shared>>) target_semaphore(%run_scoped3A_212 : memref<!tpu.dma_semaphore, #tpu.memory_space<semaphore_mem>>)
      %dma_wait3A_217 = arith.constant 0 : i32
      %dma_wait3A_218 = tpu.memref_slice %arg10[%add3A_32, %dma_wait3A_217] : memref<10240x128xf32, #tpu.memory_space<vmem_shared>> -> memref<80x128xf32, #tpu.memory_space<vmem_shared>>
      %dma_wait3A_219 = arith.constant 0 : i32
      %dma_wait3A_220 = tpu.memref_slice %arg10[%add3A_32, %dma_wait3A_219] : memref<10240x128xf32, #tpu.memory_space<vmem_shared>> -> memref<80x128xf32, #tpu.memory_space<vmem_shared>>
      tpu.wait_dma2 semaphore(%run_scoped3A_212 : memref<!tpu.dma_semaphore, #tpu.memory_space<semaphore_mem>>) src(%arg8 : memref<80x128xf32, #tpu.memory_space<vmem>>) dst(%dma_wait3A_220 : memref<80x128xf32, #tpu.memory_space<vmem_shared>>)
      tpu.yield
    }) : () -> ()
    %mul3A_33 = arith.constant 640 : i32
    %mul3A_34 = arith.muli %arg1, %mul3A_33 : i32
    %add3A_35 = arith.constant 480 : i32
    %add3A_36 = arith.addi %mul3A_34, %add3A_35 : i32
    "tpu.region"() ({
      %run_scoped3A_212 = tpu.sem_alloc : memref<!tpu.dma_semaphore, #tpu.memory_space<semaphore_mem>>
      %dma_start3A_213 = arith.constant 0 : i32
      %dma_start3A_214 = tpu.memref_slice %arg10[%add3A_36, %dma_start3A_213] : memref<10240x128xf32, #tpu.memory_space<vmem_shared>> -> memref<80x128xf32, #tpu.memory_space<vmem_shared>>
      %dma_start3A_215 = arith.constant 0 : i32
      %dma_start3A_216 = tpu.memref_slice %arg10[%add3A_36, %dma_start3A_215] : memref<10240x128xf32, #tpu.memory_space<vmem_shared>> -> memref<80x128xf32, #tpu.memory_space<vmem_shared>>
      tpu.enqueue_dma source(%arg8 : memref<80x128xf32, #tpu.memory_space<vmem>>) target(%dma_start3A_216 : memref<80x128xf32, #tpu.memory_space<vmem_shared>>) target_semaphore(%run_scoped3A_212 : memref<!tpu.dma_semaphore, #tpu.memory_space<semaphore_mem>>)
      %dma_wait3A_217 = arith.constant 0 : i32
      %dma_wait3A_218 = tpu.memref_slice %arg10[%add3A_36, %dma_wait3A_217] : memref<10240x128xf32, #tpu.memory_space<vmem_shared>> -> memref<80x128xf32, #tpu.memory_space<vmem_shared>>
      %dma_wait3A_219 = arith.constant 0 : i32
      %dma_wait3A_220 = tpu.memref_slice %arg10[%add3A_36, %dma_wait3A_219] : memref<10240x128xf32, #tpu.memory_space<vmem_shared>> -> memref<80x128xf32, #tpu.memory_space<vmem_shared>>
      tpu.wait_dma2 semaphore(%run_scoped3A_212 : memref<!tpu.dma_semaphore, #tpu.memory_space<semaphore_mem>>) src(%arg8 : memref<80x128xf32, #tpu.memory_space<vmem>>) dst(%dma_wait3A_220 : memref<80x128xf32, #tpu.memory_space<vmem_shared>>)
      tpu.yield
    }) : () -> ()
    %mul3A_37 = arith.constant 640 : i32
    %mul3A_38 = arith.muli %arg1, %mul3A_37 : i32
    %add3A_39 = arith.constant 560 : i32
    %add3A_40 = arith.addi %mul3A_38, %add3A_39 : i32
    "tpu.region"() ({
      %run_scoped3A_212 = tpu.sem_alloc : memref<!tpu.dma_semaphore, #tpu.memory_space<semaphore_mem>>
      %dma_start3A_213 = arith.constant 0 : i32
      %dma_start3A_214 = tpu.memref_slice %arg10[%add3A_40, %dma_start3A_213] : memref<10240x128xf32, #tpu.memory_space<vmem_shared>> -> memref<80x128xf32, #tpu.memory_space<vmem_shared>>
      %dma_start3A_215 = arith.constant 0 : i32
      %dma_start3A_216 = tpu.memref_slice %arg10[%add3A_40, %dma_start3A_215] : memref<10240x128xf32, #tpu.memory_space<vmem_shared>> -> memref<80x128xf32, #tpu.memory_space<vmem_shared>>
      tpu.enqueue_dma source(%arg8 : memref<80x128xf32, #tpu.memory_space<vmem>>) target(%dma_start3A_216 : memref<80x128xf32, #tpu.memory_space<vmem_shared>>) target_semaphore(%run_scoped3A_212 : memref<!tpu.dma_semaphore, #tpu.memory_space<semaphore_mem>>)
      %dma_wait3A_217 = arith.constant 0 : i32
      %dma_wait3A_218 = tpu.memref_slice %arg10[%add3A_40, %dma_wait3A_217] : memref<10240x128xf32, #tpu.memory_space<vmem_shared>> -> memref<80x128xf32, #tpu.memory_space<vmem_shared>>
      %dma_wait3A_219 = arith.constant 0 : i32
      %dma_wait3A_220 = tpu.memref_slice %arg10[%add3A_40, %dma_wait3A_219] : memref<10240x128xf32, #tpu.memory_space<vmem_shared>> -> memref<80x128xf32, #tpu.memory_space<vmem_shared>>
      tpu.wait_dma2 semaphore(%run_scoped3A_212 : memref<!tpu.dma_semaphore, #tpu.memory_space<semaphore_mem>>) src(%arg8 : memref<80x128xf32, #tpu.memory_space<vmem>>) dst(%dma_wait3A_220 : memref<80x128xf32, #tpu.memory_space<vmem_shared>>)
      tpu.yield
    }) : () -> ()
    %barrier3A = arith.constant 0 : index
    tpu.barrier barrier_id(%barrier3A)
    %dma_start3A = arith.constant 0 : i32
    %dma_start3A_41 = tpu.memref_slice %arg5[%dma_start3A] : memref<10000xi32, #tpu.memory_space<vmem>> -> memref<80xi32, #tpu.memory_space<vmem>>
    %dma_start3A_42 = arith.constant 0 : i32
    %dma_start3A_43 = arith.constant 0 : i32
    %dma_start3A_44 = tpu.memref_slice %arg2[%dma_start3A_42, %dma_start3A_43] : memref<10000x128xf32, #tpu.memory_space<hbm>> -> memref<10000x128xf32, #tpu.memory_space<hbm>>
    tpu.enqueue_indirect_dma source(%dma_start3A_44 : memref<10000x128xf32, #tpu.memory_space<hbm>>) target(%arg8 : memref<80x128xf32, #tpu.memory_space<vmem>>) offsets(%dma_start3A_41 : memref<80xi32, #tpu.memory_space<vmem>>) semaphore(%arg11 : memref<!tpu.dma_semaphore, #tpu.memory_space<semaphore_mem>>)
    %dma_start3A_45 = arith.constant 80 : i32
    %dma_start3A_46 = tpu.memref_slice %arg5[%dma_start3A_45] : memref<10000xi32, #tpu.memory_space<vmem>> -> memref<80xi32, #tpu.memory_space<vmem>>
    %dma_start3A_47 = arith.constant 0 : i32
    %dma_start3A_48 = arith.constant 0 : i32
    %dma_start3A_49 = tpu.memref_slice %arg2[%dma_start3A_47, %dma_start3A_48] : memref<10000x128xf32, #tpu.memory_space<hbm>> -> memref<10000x128xf32, #tpu.memory_space<hbm>>
    tpu.enqueue_indirect_dma source(%dma_start3A_49 : memref<10000x128xf32, #tpu.memory_space<hbm>>) target(%arg9 : memref<80x128xf32, #tpu.memory_space<vmem>>) offsets(%dma_start3A_46 : memref<80xi32, #tpu.memory_space<vmem>>) semaphore(%arg12 : memref<!tpu.dma_semaphore, #tpu.memory_space<semaphore_mem>>)
    %scan3A_50 = arith.constant 0 : i32
    %scan3A_51 = arith.constant 0 : i32
    %scan3A_52 = arith.constant 61 : i32
    %scan3A_53 = arith.addi %scan3A_51, %scan3A_52 : i32
    %scan3A_54 = arith.constant 1 : i32
    %scan3A_55 = scf.for %scan3A_212 = %scan3A_51 to %scan3A_53 step %scan3A_54 iter_args(%scan3A_213 = %scan3A_50) -> (i32)  : i32 {
      %mul3A_214 = arith.constant 2 : i32
      %mul3A_215 = arith.muli %mul3A_214, %scan3A_212 : i32
      %dma_wait3A_216 = arith.constant 0 : i32
      %dma_wait3A_217 = tpu.memref_slice %arg5[%dma_wait3A_216] : memref<10000xi32, #tpu.memory_space<vmem>> -> memref<80xi32, #tpu.memory_space<vmem>>
      %dma_wait3A_218 = arith.constant 0 : i32
      %dma_wait3A_219 = arith.constant 0 : i32
      %dma_wait3A_220 = tpu.memref_slice %arg2[%dma_wait3A_218, %dma_wait3A_219] : memref<10000x128xf32, #tpu.memory_space<hbm>> -> memref<10000x128xf32, #tpu.memory_space<hbm>>
      tpu.wait_indirect_dma semaphore(%arg11 : memref<!tpu.dma_semaphore, #tpu.memory_space<semaphore_mem>>) src(%dma_wait3A_220 : memref<10000x128xf32, #tpu.memory_space<hbm>>) dst(%arg8 : memref<80x128xf32, #tpu.memory_space<vmem>>)
      %mul3A_221 = arith.constant 80 : i32
      %mul3A_222 = arith.muli %mul3A_215, %mul3A_221 : i32
      %add3A_223 = arith.constant 0 : i32
      %add3A_224 = arith.addi %mul3A_222, %add3A_223 : i32
      %get3A_225 = arith.index_cast %add3A_224 : i32 to index
      %get3A_226 = tpu.vector_load %arg6[%get3A_225] {strides = array<i32>} : memref<10000xi32, #tpu.memory_space<vmem>>, vector<16xi32>,
      %get3A_227 = vector.shape_cast %get3A_226 : vector<16xi32> to vector<16xi32>
      %swap3A_228 = arith.constant 0 : index
      %swap3A_229 = tpu.vector_load %arg7[%swap3A_228] {strides = array<i32>} : memref<80xi32, #tpu.memory_space<vmem>>, vector<16xi32>,
      %swap3A_230 = vector.shape_cast %swap3A_229 : vector<16xi32> to vector<16xi32>
      %swap3A_231 = vector.shape_cast %get3A_227 : vector<16xi32> to vector<16xi32>
      tpu.vector_store %arg7[%swap3A_228], %swap3A_231 {strides = array<i32>} : memref<80xi32, #tpu.memory_space<vmem>>, vector<16xi32>,
      %mul3A_232 = arith.constant 80 : i32
      %mul3A_233 = arith.muli %mul3A_215, %mul3A_232 : i32
      %add3A_234 = arith.constant 16 : i32
      %add3A_235 = arith.addi %mul3A_233, %add3A_234 : i32
      %get3A_236 = arith.index_cast %add3A_235 : i32 to index
      %get3A_237 = tpu.vector_load %arg6[%get3A_236] {strides = array<i32>} : memref<10000xi32, #tpu.memory_space<vmem>>, vector<16xi32>,
      %get3A_238 = vector.shape_cast %get3A_237 : vector<16xi32> to vector<16xi32>
      %swap3A_239 = arith.constant 16 : index
      %swap3A_240 = tpu.vector_load %arg7[%swap3A_239] {strides = array<i32>} : memref<80xi32, #tpu.memory_space<vmem>>, vector<16xi32>,
      %swap3A_241 = vector.shape_cast %swap3A_240 : vector<16xi32> to vector<16xi32>
      %swap3A_242 = vector.shape_cast %get3A_238 : vector<16xi32> to vector<16xi32>
      tpu.vector_store %arg7[%swap3A_239], %swap3A_242 {strides = array<i32>} : memref<80xi32, #tpu.memory_space<vmem>>, vector<16xi32>,
      %mul3A_243 = arith.constant 80 : i32
      %mul3A_244 = arith.muli %mul3A_215, %mul3A_243 : i32
      %add3A_245 = arith.constant 32 : i32
      %add3A_246 = arith.addi %mul3A_244, %add3A_245 : i32
      %get3A_247 = arith.index_cast %add3A_246 : i32 to index
      %get3A_248 = tpu.vector_load %arg6[%get3A_247] {strides = array<i32>} : memref<10000xi32, #tpu.memory_space<vmem>>, vector<16xi32>,
      %get3A_249 = vector.shape_cast %get3A_248 : vector<16xi32> to vector<16xi32>
      %swap3A_250 = arith.constant 32 : index
      %swap3A_251 = tpu.vector_load %arg7[%swap3A_250] {strides = array<i32>} : memref<80xi32, #tpu.memory_space<vmem>>, vector<16xi32>,
      %swap3A_252 = vector.shape_cast %swap3A_251 : vector<16xi32> to vector<16xi32>
      %swap3A_253 = vector.shape_cast %get3A_249 : vector<16xi32> to vector<16xi32>
      tpu.vector_store %arg7[%swap3A_250], %swap3A_253 {strides = array<i32>} : memref<80xi32, #tpu.memory_space<vmem>>, vector<16xi32>,
      %mul3A_254 = arith.constant 80 : i32
      %mul3A_255 = arith.muli %mul3A_215, %mul3A_254 : i32
      %add3A_256 = arith.constant 48 : i32
      %add3A_257 = arith.addi %mul3A_255, %add3A_256 : i32
      %get3A_258 = arith.index_cast %add3A_257 : i32 to index
      %get3A_259 = tpu.vector_load %arg6[%get3A_258] {strides = array<i32>} : memref<10000xi32, #tpu.memory_space<vmem>>, vector<16xi32>,
      %get3A_260 = vector.shape_cast %get3A_259 : vector<16xi32> to vector<16xi32>
      %swap3A_261 = arith.constant 48 : index
      %swap3A_262 = tpu.vector_load %arg7[%swap3A_261] {strides = array<i32>} : memref<80xi32, #tpu.memory_space<vmem>>, vector<16xi32>,
      %swap3A_263 = vector.shape_cast %swap3A_262 : vector<16xi32> to vector<16xi32>
      %swap3A_264 = vector.shape_cast %get3A_260 : vector<16xi32> to vector<16xi32>
      tpu.vector_store %arg7[%swap3A_261], %swap3A_264 {strides = array<i32>} : memref<80xi32, #tpu.memory_space<vmem>>, vector<16xi32>,
      %mul3A_265 = arith.constant 80 : i32
      %mul3A_266 = arith.muli %mul3A_215, %mul3A_265 : i32
      %add3A_267 = arith.constant 64 : i32
      %add3A_268 = arith.addi %mul3A_266, %add3A_267 : i32
      %get3A_269 = arith.index_cast %add3A_268 : i32 to index
      %get3A_270 = tpu.vector_load %arg6[%get3A_269] {strides = array<i32>} : memref<10000xi32, #tpu.memory_space<vmem>>, vector<16xi32>,
      %get3A_271 = vector.shape_cast %get3A_270 : vector<16xi32> to vector<16xi32>
      %swap3A_272 = arith.constant 64 : index
      %swap3A_273 = tpu.vector_load %arg7[%swap3A_272] {strides = array<i32>} : memref<80xi32, #tpu.memory_space<vmem>>, vector<16xi32>,
      %swap3A_274 = vector.shape_cast %swap3A_273 : vector<16xi32> to vector<16xi32>
      %swap3A_275 = vector.shape_cast %get3A_271 : vector<16xi32> to vector<16xi32>
      tpu.vector_store %arg7[%swap3A_272], %swap3A_275 {strides = array<i32>} : memref<80xi32, #tpu.memory_space<vmem>>, vector<16xi32>,
      "tpu.region"() ({
        %run_scoped3A_355 = tpu.sem_alloc : memref<!tpu.dma_semaphore, #tpu.memory_space<semaphore_mem>>
        %dma_start3A_356 = arith.constant 0 : i32
        %dma_start3A_357 = arith.constant 0 : i32
        %dma_start3A_358 = tpu.memref_slice %arg10[%dma_start3A_356, %dma_start3A_357] : memref<10240x128xf32, #tpu.memory_space<vmem_shared>> -> memref<10240x128xf32, #tpu.memory_space<vmem_shared>>
        tpu.enqueue_indirect_dma source(%arg8 : memref<80x128xf32, #tpu.memory_space<vmem>>) target(%dma_start3A_358 : memref<10240x128xf32, #tpu.memory_space<vmem_shared>>) offsets(%arg7 : memref<80xi32, #tpu.memory_space<vmem>>) semaphore(%run_scoped3A_355 : memref<!tpu.dma_semaphore, #tpu.memory_space<semaphore_mem>>) {add = true}
        %dma_wait3A_359 = arith.constant 0 : i32
        %dma_wait3A_360 = arith.constant 0 : i32
        %dma_wait3A_361 = tpu.memref_slice %arg10[%dma_wait3A_359, %dma_wait3A_360] : memref<10240x128xf32, #tpu.memory_space<vmem_shared>> -> memref<10240x128xf32, #tpu.memory_space<vmem_shared>>
        tpu.wait_indirect_dma semaphore(%run_scoped3A_355 : memref<!tpu.dma_semaphore, #tpu.memory_space<semaphore_mem>>) src(%arg8 : memref<80x128xf32, #tpu.memory_space<vmem>>) dst(%dma_wait3A_361 : memref<10240x128xf32, #tpu.memory_space<vmem_shared>>)
        tpu.yield
      }) : () -> ()
      %add3A_276 = arith.constant 2 : i32
      %add3A_277 = arith.addi %mul3A_215, %add3A_276 : i32
      %mul3A_278 = arith.constant 80 : i32
      %mul3A_279 = arith.muli %add3A_277, %mul3A_278 : i32
      %dma_start3A_280 = tpu.memref_slice %arg5[%mul3A_279] : memref<10000xi32, #tpu.memory_space<vmem>> -> memref<80xi32, #tpu.memory_space<vmem>>
      %dma_start3A_281 = arith.constant 0 : i32
      %dma_start3A_282 = arith.constant 0 : i32
      %dma_start3A_283 = tpu.memref_slice %arg2[%dma_start3A_281, %dma_start3A_282] : memref<10000x128xf32, #tpu.memory_space<hbm>> -> memref<10000x128xf32, #tpu.memory_space<hbm>>
      tpu.enqueue_indirect_dma source(%dma_start3A_283 : memref<10000x128xf32, #tpu.memory_space<hbm>>) target(%arg8 : memref<80x128xf32, #tpu.memory_space<vmem>>) offsets(%dma_start3A_280 : memref<80xi32, #tpu.memory_space<vmem>>) semaphore(%arg11 : memref<!tpu.dma_semaphore, #tpu.memory_space<semaphore_mem>>)
      %dma_wait3A_284 = arith.constant 0 : i32
      %dma_wait3A_285 = tpu.memref_slice %arg5[%dma_wait3A_284] : memref<10000xi32, #tpu.memory_space<vmem>> -> memref<80xi32, #tpu.memory_space<vmem>>
      %dma_wait3A_286 = arith.constant 0 : i32
      %dma_wait3A_287 = arith.constant 0 : i32
      %dma_wait3A_288 = tpu.memref_slice %arg2[%dma_wait3A_286, %dma_wait3A_287] : memref<10000x128xf32, #tpu.memory_space<hbm>> -> memref<10000x128xf32, #tpu.memory_space<hbm>>
      tpu.wait_indirect_dma semaphore(%arg12 : memref<!tpu.dma_semaphore, #tpu.memory_space<semaphore_mem>>) src(%dma_wait3A_288 : memref<10000x128xf32, #tpu.memory_space<hbm>>) dst(%arg9 : memref<80x128xf32, #tpu.memory_space<vmem>>)
      %add3A_289 = arith.constant 1 : i32
      %add3A_290 = arith.addi %mul3A_215, %add3A_289 : i32
      %mul3A_291 = arith.constant 80 : i32
      %mul3A_292 = arith.muli %add3A_290, %mul3A_291 : i32
      %add3A_293 = arith.constant 0 : i32
      %add3A_294 = arith.addi %mul3A_292, %add3A_293 : i32
      %get3A_295 = arith.index_cast %add3A_294 : i32 to index
      %get3A_296 = tpu.vector_load %arg6[%get3A_295] {strides = array<i32>} : memref<10000xi32, #tpu.memory_space<vmem>>, vector<16xi32>,
      %get3A_297 = vector.shape_cast %get3A_296 : vector<16xi32> to vector<16xi32>
      %swap3A_298 = arith.constant 0 : index
      %swap3A_299 = tpu.vector_load %arg7[%swap3A_298] {strides = array<i32>} : memref<80xi32, #tpu.memory_space<vmem>>, vector<16xi32>,
      %swap3A_300 = vector.shape_cast %swap3A_299 : vector<16xi32> to vector<16xi32>
      %swap3A_301 = vector.shape_cast %get3A_297 : vector<16xi32> to vector<16xi32>
      tpu.vector_store %arg7[%swap3A_298], %swap3A_301 {strides = array<i32>} : memref<80xi32, #tpu.memory_space<vmem>>, vector<16xi32>,
      %mul3A_302 = arith.constant 80 : i32
      %mul3A_303 = arith.muli %add3A_290, %mul3A_302 : i32
      %add3A_304 = arith.constant 16 : i32
      %add3A_305 = arith.addi %mul3A_303, %add3A_304 : i32
      %get3A_306 = arith.index_cast %add3A_305 : i32 to index
      %get3A_307 = tpu.vector_load %arg6[%get3A_306] {strides = array<i32>} : memref<10000xi32, #tpu.memory_space<vmem>>, vector<16xi32>,
      %get3A_308 = vector.shape_cast %get3A_307 : vector<16xi32> to vector<16xi32>
      %swap3A_309 = arith.constant 16 : index
      %swap3A_310 = tpu.vector_load %arg7[%swap3A_309] {strides = array<i32>} : memref<80xi32, #tpu.memory_space<vmem>>, vector<16xi32>,
      %swap3A_311 = vector.shape_cast %swap3A_310 : vector<16xi32> to vector<16xi32>
      %swap3A_312 = vector.shape_cast %get3A_308 : vector<16xi32> to vector<16xi32>
      tpu.vector_store %arg7[%swap3A_309], %swap3A_312 {strides = array<i32>} : memref<80xi32, #tpu.memory_space<vmem>>, vector<16xi32>,
      %mul3A_313 = arith.constant 80 : i32
      %mul3A_314 = arith.muli %add3A_290, %mul3A_313 : i32
      %add3A_315 = arith.constant 32 : i32
      %add3A_316 = arith.addi %mul3A_314, %add3A_315 : i32
      %get3A_317 = arith.index_cast %add3A_316 : i32 to index
      %get3A_318 = tpu.vector_load %arg6[%get3A_317] {strides = array<i32>} : memref<10000xi32, #tpu.memory_space<vmem>>, vector<16xi32>,
      %get3A_319 = vector.shape_cast %get3A_318 : vector<16xi32> to vector<16xi32>
      %swap3A_320 = arith.constant 32 : index
      %swap3A_321 = tpu.vector_load %arg7[%swap3A_320] {strides = array<i32>} : memref<80xi32, #tpu.memory_space<vmem>>, vector<16xi32>,
      %swap3A_322 = vector.shape_cast %swap3A_321 : vector<16xi32> to vector<16xi32>
      %swap3A_323 = vector.shape_cast %get3A_319 : vector<16xi32> to vector<16xi32>
      tpu.vector_store %arg7[%swap3A_320], %swap3A_323 {strides = array<i32>} : memref<80xi32, #tpu.memory_space<vmem>>, vector<16xi32>,
      %mul3A_324 = arith.constant 80 : i32
      %mul3A_325 = arith.muli %add3A_290, %mul3A_324 : i32
      %add3A_326 = arith.constant 48 : i32
      %add3A_327 = arith.addi %mul3A_325, %add3A_326 : i32
      %get3A_328 = arith.index_cast %add3A_327 : i32 to index
      %get3A_329 = tpu.vector_load %arg6[%get3A_328] {strides = array<i32>} : memref<10000xi32, #tpu.memory_space<vmem>>, vector<16xi32>,
      %get3A_330 = vector.shape_cast %get3A_329 : vector<16xi32> to vector<16xi32>
      %swap3A_331 = arith.constant 48 : index
      %swap3A_332 = tpu.vector_load %arg7[%swap3A_331] {strides = array<i32>} : memref<80xi32, #tpu.memory_space<vmem>>, vector<16xi32>,
      %swap3A_333 = vector.shape_cast %swap3A_332 : vector<16xi32> to vector<16xi32>
      %swap3A_334 = vector.shape_cast %get3A_330 : vector<16xi32> to vector<16xi32>
      tpu.vector_store %arg7[%swap3A_331], %swap3A_334 {strides = array<i32>} : memref<80xi32, #tpu.memory_space<vmem>>, vector<16xi32>,
      %mul3A_335 = arith.constant 80 : i32
      %mul3A_336 = arith.muli %add3A_290, %mul3A_335 : i32
      %add3A_337 = arith.constant 64 : i32
      %add3A_338 = arith.addi %mul3A_336, %add3A_337 : i32
      %get3A_339 = arith.index_cast %add3A_338 : i32 to index
      %get3A_340 = tpu.vector_load %arg6[%get3A_339] {strides = array<i32>} : memref<10000xi32, #tpu.memory_space<vmem>>, vector<16xi32>,
      %get3A_341 = vector.shape_cast %get3A_340 : vector<16xi32> to vector<16xi32>
      %swap3A_342 = arith.constant 64 : index
      %swap3A_343 = tpu.vector_load %arg7[%swap3A_342] {strides = array<i32>} : memref<80xi32, #tpu.memory_space<vmem>>, vector<16xi32>,
      %swap3A_344 = vector.shape_cast %swap3A_343 : vector<16xi32> to vector<16xi32>
      %swap3A_345 = vector.shape_cast %get3A_341 : vector<16xi32> to vector<16xi32>
      tpu.vector_store %arg7[%swap3A_342], %swap3A_345 {strides = array<i32>} : memref<80xi32, #tpu.memory_space<vmem>>, vector<16xi32>,
      "tpu.region"() ({
        %run_scoped3A_355 = tpu.sem_alloc : memref<!tpu.dma_semaphore, #tpu.memory_space<semaphore_mem>>
        %dma_start3A_356 = arith.constant 0 : i32
        %dma_start3A_357 = arith.constant 0 : i32
        %dma_start3A_358 = tpu.memref_slice %arg10[%dma_start3A_356, %dma_start3A_357] : memref<10240x128xf32, #tpu.memory_space<vmem_shared>> -> memref<10240x128xf32, #tpu.memory_space<vmem_shared>>
        tpu.enqueue_indirect_dma source(%arg9 : memref<80x128xf32, #tpu.memory_space<vmem>>) target(%dma_start3A_358 : memref<10240x128xf32, #tpu.memory_space<vmem_shared>>) offsets(%arg7 : memref<80xi32, #tpu.memory_space<vmem>>) semaphore(%run_scoped3A_355 : memref<!tpu.dma_semaphore, #tpu.memory_space<semaphore_mem>>) {add = true}
        %dma_wait3A_359 = arith.constant 0 : i32
        %dma_wait3A_360 = arith.constant 0 : i32
        %dma_wait3A_361 = tpu.memref_slice %arg10[%dma_wait3A_359, %dma_wait3A_360] : memref<10240x128xf32, #tpu.memory_space<vmem_shared>> -> memref<10240x128xf32, #tpu.memory_space<vmem_shared>>
        tpu.wait_indirect_dma semaphore(%run_scoped3A_355 : memref<!tpu.dma_semaphore, #tpu.memory_space<semaphore_mem>>) src(%arg9 : memref<80x128xf32, #tpu.memory_space<vmem>>) dst(%dma_wait3A_361 : memref<10240x128xf32, #tpu.memory_space<vmem_shared>>)
        tpu.yield
      }) : () -> ()
      %add3A_346 = arith.constant 3 : i32
      %add3A_347 = arith.addi %mul3A_215, %add3A_346 : i32
      %mul3A_348 = arith.constant 80 : i32
      %mul3A_349 = arith.muli %add3A_347, %mul3A_348 : i32
      %dma_start3A_350 = tpu.memref_slice %arg5[%mul3A_349] : memref<10000xi32, #tpu.memory_space<vmem>> -> memref<80xi32, #tpu.memory_space<vmem>>
      %dma_start3A_351 = arith.constant 0 : i32
      %dma_start3A_352 = arith.constant 0 : i32
      %dma_start3A_353 = tpu.memref_slice %arg2[%dma_start3A_351, %dma_start3A_352] : memref<10000x128xf32, #tpu.memory_space<hbm>> -> memref<10000x128xf32, #tpu.memory_space<hbm>>
      tpu.enqueue_indirect_dma source(%dma_start3A_353 : memref<10000x128xf32, #tpu.memory_space<hbm>>) target(%arg9 : memref<80x128xf32, #tpu.memory_space<vmem>>) offsets(%dma_start3A_350 : memref<80xi32, #tpu.memory_space<vmem>>) semaphore(%arg12 : memref<!tpu.dma_semaphore, #tpu.memory_space<semaphore_mem>>)
      %scan3A_354 = arith.constant 0 : i32
      scf.yield %scan3A_354 : i32
    }
    %scan3A_56 = arith.constant 61 : i32
    %dma_wait3A = arith.constant 0 : i32
    %dma_wait3A_57 = tpu.memref_slice %arg5[%dma_wait3A] : memref<10000xi32, #tpu.memory_space<vmem>> -> memref<80xi32, #tpu.memory_space<vmem>>
    %dma_wait3A_58 = arith.constant 0 : i32
    %dma_wait3A_59 = arith.constant 0 : i32
    %dma_wait3A_60 = tpu.memref_slice %arg2[%dma_wait3A_58, %dma_wait3A_59] : memref<10000x128xf32, #tpu.memory_space<hbm>> -> memref<10000x128xf32, #tpu.memory_space<hbm>>
    tpu.wait_indirect_dma semaphore(%arg11 : memref<!tpu.dma_semaphore, #tpu.memory_space<semaphore_mem>>) src(%dma_wait3A_60 : memref<10000x128xf32, #tpu.memory_space<hbm>>) dst(%arg8 : memref<80x128xf32, #tpu.memory_space<vmem>>)
    %get3A = arith.constant 9760 : index
    %get3A_61 = tpu.vector_load %arg6[%get3A] {strides = array<i32>} : memref<10000xi32, #tpu.memory_space<vmem>>, vector<16xi32>,
    %get3A_62 = vector.shape_cast %get3A_61 : vector<16xi32> to vector<16xi32>
    %swap3A = arith.constant 0 : index
    %swap3A_63 = tpu.vector_load %arg7[%swap3A] {strides = array<i32>} : memref<80xi32, #tpu.memory_space<vmem>>, vector<16xi32>,
    %swap3A_64 = vector.shape_cast %swap3A_63 : vector<16xi32> to vector<16xi32>
    %swap3A_65 = vector.shape_cast %get3A_62 : vector<16xi32> to vector<16xi32>
    tpu.vector_store %arg7[%swap3A], %swap3A_65 {strides = array<i32>} : memref<80xi32, #tpu.memory_space<vmem>>, vector<16xi32>,
    %get3A_66 = arith.constant 9776 : index
    %get3A_67 = tpu.vector_load %arg6[%get3A_66] {strides = array<i32>} : memref<10000xi32, #tpu.memory_space<vmem>>, vector<16xi32>,
    %get3A_68 = vector.shape_cast %get3A_67 : vector<16xi32> to vector<16xi32>
    %swap3A_69 = arith.constant 16 : index
    %swap3A_70 = tpu.vector_load %arg7[%swap3A_69] {strides = array<i32>} : memref<80xi32, #tpu.memory_space<vmem>>, vector<16xi32>,
    %swap3A_71 = vector.shape_cast %swap3A_70 : vector<16xi32> to vector<16xi32>
    %swap3A_72 = vector.shape_cast %get3A_68 : vector<16xi32> to vector<16xi32>
    tpu.vector_store %arg7[%swap3A_69], %swap3A_72 {strides = array<i32>} : memref<80xi32, #tpu.memory_space<vmem>>, vector<16xi32>,
    %get3A_73 = arith.constant 9792 : index
    %get3A_74 = tpu.vector_load %arg6[%get3A_73] {strides = array<i32>} : memref<10000xi32, #tpu.memory_space<vmem>>, vector<16xi32>,
    %get3A_75 = vector.shape_cast %get3A_74 : vector<16xi32> to vector<16xi32>
    %swap3A_76 = arith.constant 32 : index
    %swap3A_77 = tpu.vector_load %arg7[%swap3A_76] {strides = array<i32>} : memref<80xi32, #tpu.memory_space<vmem>>, vector<16xi32>,
    %swap3A_78 = vector.shape_cast %swap3A_77 : vector<16xi32> to vector<16xi32>
    %swap3A_79 = vector.shape_cast %get3A_75 : vector<16xi32> to vector<16xi32>
    tpu.vector_store %arg7[%swap3A_76], %swap3A_79 {strides = array<i32>} : memref<80xi32, #tpu.memory_space<vmem>>, vector<16xi32>,
    %get3A_80 = arith.constant 9808 : index
    %get3A_81 = tpu.vector_load %arg6[%get3A_80] {strides = array<i32>} : memref<10000xi32, #tpu.memory_space<vmem>>, vector<16xi32>,
    %get3A_82 = vector.shape_cast %get3A_81 : vector<16xi32> to vector<16xi32>
    %swap3A_83 = arith.constant 48 : index
    %swap3A_84 = tpu.vector_load %arg7[%swap3A_83] {strides = array<i32>} : memref<80xi32, #tpu.memory_space<vmem>>, vector<16xi32>,
    %swap3A_85 = vector.shape_cast %swap3A_84 : vector<16xi32> to vector<16xi32>
    %swap3A_86 = vector.shape_cast %get3A_82 : vector<16xi32> to vector<16xi32>
    tpu.vector_store %arg7[%swap3A_83], %swap3A_86 {strides = array<i32>} : memref<80xi32, #tpu.memory_space<vmem>>, vector<16xi32>,
    %get3A_87 = arith.constant 9824 : index
    %get3A_88 = tpu.vector_load %arg6[%get3A_87] {strides = array<i32>} : memref<10000xi32, #tpu.memory_space<vmem>>, vector<16xi32>,
    %get3A_89 = vector.shape_cast %get3A_88 : vector<16xi32> to vector<16xi32>
    %swap3A_90 = arith.constant 64 : index
    %swap3A_91 = tpu.vector_load %arg7[%swap3A_90] {strides = array<i32>} : memref<80xi32, #tpu.memory_space<vmem>>, vector<16xi32>,
    %swap3A_92 = vector.shape_cast %swap3A_91 : vector<16xi32> to vector<16xi32>
    %swap3A_93 = vector.shape_cast %get3A_89 : vector<16xi32> to vector<16xi32>
    tpu.vector_store %arg7[%swap3A_90], %swap3A_93 {strides = array<i32>} : memref<80xi32, #tpu.memory_space<vmem>>, vector<16xi32>,
    "tpu.region"() ({
      %run_scoped3A_212 = tpu.sem_alloc : memref<!tpu.dma_semaphore, #tpu.memory_space<semaphore_mem>>
      %dma_start3A_213 = arith.constant 0 : i32
      %dma_start3A_214 = arith.constant 0 : i32
      %dma_start3A_215 = tpu.memref_slice %arg10[%dma_start3A_213, %dma_start3A_214] : memref<10240x128xf32, #tpu.memory_space<vmem_shared>> -> memref<10240x128xf32, #tpu.memory_space<vmem_shared>>
      tpu.enqueue_indirect_dma source(%arg8 : memref<80x128xf32, #tpu.memory_space<vmem>>) target(%dma_start3A_215 : memref<10240x128xf32, #tpu.memory_space<vmem_shared>>) offsets(%arg7 : memref<80xi32, #tpu.memory_space<vmem>>) semaphore(%run_scoped3A_212 : memref<!tpu.dma_semaphore, #tpu.memory_space<semaphore_mem>>) {add = true}
      %dma_wait3A_216 = arith.constant 0 : i32
      %dma_wait3A_217 = arith.constant 0 : i32
      %dma_wait3A_218 = tpu.memref_slice %arg10[%dma_wait3A_216, %dma_wait3A_217] : memref<10240x128xf32, #tpu.memory_space<vmem_shared>> -> memref<10240x128xf32, #tpu.memory_space<vmem_shared>>
      tpu.wait_indirect_dma semaphore(%run_scoped3A_212 : memref<!tpu.dma_semaphore, #tpu.memory_space<semaphore_mem>>) src(%arg8 : memref<80x128xf32, #tpu.memory_space<vmem>>) dst(%dma_wait3A_218 : memref<10240x128xf32, #tpu.memory_space<vmem_shared>>)
      tpu.yield
    }) : () -> ()
    %dma_start3A_94 = arith.constant 9920 : i32
    %dma_start3A_95 = tpu.memref_slice %arg5[%dma_start3A_94] : memref<10000xi32, #tpu.memory_space<vmem>> -> memref<80xi32, #tpu.memory_space<vmem>>
    %dma_start3A_96 = arith.constant 0 : i32
    %dma_start3A_97 = arith.constant 0 : i32
    %dma_start3A_98 = tpu.memref_slice %arg2[%dma_start3A_96, %dma_start3A_97] : memref<10000x128xf32, #tpu.memory_space<hbm>> -> memref<10000x128xf32, #tpu.memory_space<hbm>>
    tpu.enqueue_indirect_dma source(%dma_start3A_98 : memref<10000x128xf32, #tpu.memory_space<hbm>>) target(%arg8 : memref<80x128xf32, #tpu.memory_space<vmem>>) offsets(%dma_start3A_95 : memref<80xi32, #tpu.memory_space<vmem>>) semaphore(%arg11 : memref<!tpu.dma_semaphore, #tpu.memory_space<semaphore_mem>>)
    %dma_wait3A_99 = arith.constant 0 : i32
    %dma_wait3A_100 = tpu.memref_slice %arg5[%dma_wait3A_99] : memref<10000xi32, #tpu.memory_space<vmem>> -> memref<80xi32, #tpu.memory_space<vmem>>
    %dma_wait3A_101 = arith.constant 0 : i32
    %dma_wait3A_102 = arith.constant 0 : i32
    %dma_wait3A_103 = tpu.memref_slice %arg2[%dma_wait3A_101, %dma_wait3A_102] : memref<10000x128xf32, #tpu.memory_space<hbm>> -> memref<10000x128xf32, #tpu.memory_space<hbm>>
    tpu.wait_indirect_dma semaphore(%arg12 : memref<!tpu.dma_semaphore, #tpu.memory_space<semaphore_mem>>) src(%dma_wait3A_103 : memref<10000x128xf32, #tpu.memory_space<hbm>>) dst(%arg9 : memref<80x128xf32, #tpu.memory_space<vmem>>)
    %get3A_104 = arith.constant 9840 : index
    %get3A_105 = tpu.vector_load %arg6[%get3A_104] {strides = array<i32>} : memref<10000xi32, #tpu.memory_space<vmem>>, vector<16xi32>,
    %get3A_106 = vector.shape_cast %get3A_105 : vector<16xi32> to vector<16xi32>
    %swap3A_107 = arith.constant 0 : index
    %swap3A_108 = tpu.vector_load %arg7[%swap3A_107] {strides = array<i32>} : memref<80xi32, #tpu.memory_space<vmem>>, vector<16xi32>,
    %swap3A_109 = vector.shape_cast %swap3A_108 : vector<16xi32> to vector<16xi32>
    %swap3A_110 = vector.shape_cast %get3A_106 : vector<16xi32> to vector<16xi32>
    tpu.vector_store %arg7[%swap3A_107], %swap3A_110 {strides = array<i32>} : memref<80xi32, #tpu.memory_space<vmem>>, vector<16xi32>,
    %get3A_111 = arith.constant 9856 : index
    %get3A_112 = tpu.vector_load %arg6[%get3A_111] {strides = array<i32>} : memref<10000xi32, #tpu.memory_space<vmem>>, vector<16xi32>,
    %get3A_113 = vector.shape_cast %get3A_112 : vector<16xi32> to vector<16xi32>
    %swap3A_114 = arith.constant 16 : index
    %swap3A_115 = tpu.vector_load %arg7[%swap3A_114] {strides = array<i32>} : memref<80xi32, #tpu.memory_space<vmem>>, vector<16xi32>,
    %swap3A_116 = vector.shape_cast %swap3A_115 : vector<16xi32> to vector<16xi32>
    %swap3A_117 = vector.shape_cast %get3A_113 : vector<16xi32> to vector<16xi32>
    tpu.vector_store %arg7[%swap3A_114], %swap3A_117 {strides = array<i32>} : memref<80xi32, #tpu.memory_space<vmem>>, vector<16xi32>,
    %get3A_118 = arith.constant 9872 : index
    %get3A_119 = tpu.vector_load %arg6[%get3A_118] {strides = array<i32>} : memref<10000xi32, #tpu.memory_space<vmem>>, vector<16xi32>,
    %get3A_120 = vector.shape_cast %get3A_119 : vector<16xi32> to vector<16xi32>
    %swap3A_121 = arith.constant 32 : index
    %swap3A_122 = tpu.vector_load %arg7[%swap3A_121] {strides = array<i32>} : memref<80xi32, #tpu.memory_space<vmem>>, vector<16xi32>,
    %swap3A_123 = vector.shape_cast %swap3A_122 : vector<16xi32> to vector<16xi32>
    %swap3A_124 = vector.shape_cast %get3A_120 : vector<16xi32> to vector<16xi32>
    tpu.vector_store %arg7[%swap3A_121], %swap3A_124 {strides = array<i32>} : memref<80xi32, #tpu.memory_space<vmem>>, vector<16xi32>,
    %get3A_125 = arith.constant 9888 : index
    %get3A_126 = tpu.vector_load %arg6[%get3A_125] {strides = array<i32>} : memref<10000xi32, #tpu.memory_space<vmem>>, vector<16xi32>,
    %get3A_127 = vector.shape_cast %get3A_126 : vector<16xi32> to vector<16xi32>
    %swap3A_128 = arith.constant 48 : index
    %swap3A_129 = tpu.vector_load %arg7[%swap3A_128] {strides = array<i32>} : memref<80xi32, #tpu.memory_space<vmem>>, vector<16xi32>,
    %swap3A_130 = vector.shape_cast %swap3A_129 : vector<16xi32> to vector<16xi32>
    %swap3A_131 = vector.shape_cast %get3A_127 : vector<16xi32> to vector<16xi32>
    tpu.vector_store %arg7[%swap3A_128], %swap3A_131 {strides = array<i32>} : memref<80xi32, #tpu.memory_space<vmem>>, vector<16xi32>,
    %get3A_132 = arith.constant 9904 : index
    %get3A_133 = tpu.vector_load %arg6[%get3A_132] {strides = array<i32>} : memref<10000xi32, #tpu.memory_space<vmem>>, vector<16xi32>,
    %get3A_134 = vector.shape_cast %get3A_133 : vector<16xi32> to vector<16xi32>
    %swap3A_135 = arith.constant 64 : index
    %swap3A_136 = tpu.vector_load %arg7[%swap3A_135] {strides = array<i32>} : memref<80xi32, #tpu.memory_space<vmem>>, vector<16xi32>,
    %swap3A_137 = vector.shape_cast %swap3A_136 : vector<16xi32> to vector<16xi32>
    %swap3A_138 = vector.shape_cast %get3A_134 : vector<16xi32> to vector<16xi32>
    tpu.vector_store %arg7[%swap3A_135], %swap3A_138 {strides = array<i32>} : memref<80xi32, #tpu.memory_space<vmem>>, vector<16xi32>,
    "tpu.region"() ({
      %run_scoped3A_212 = tpu.sem_alloc : memref<!tpu.dma_semaphore, #tpu.memory_space<semaphore_mem>>
      %dma_start3A_213 = arith.constant 0 : i32
      %dma_start3A_214 = arith.constant 0 : i32
      %dma_start3A_215 = tpu.memref_slice %arg10[%dma_start3A_213, %dma_start3A_214] : memref<10240x128xf32, #tpu.memory_space<vmem_shared>> -> memref<10240x128xf32, #tpu.memory_space<vmem_shared>>
      tpu.enqueue_indirect_dma source(%arg9 : memref<80x128xf32, #tpu.memory_space<vmem>>) target(%dma_start3A_215 : memref<10240x128xf32, #tpu.memory_space<vmem_shared>>) offsets(%arg7 : memref<80xi32, #tpu.memory_space<vmem>>) semaphore(%run_scoped3A_212 : memref<!tpu.dma_semaphore, #tpu.memory_space<semaphore_mem>>) {add = true}
      %dma_wait3A_216 = arith.constant 0 : i32
      %dma_wait3A_217 = arith.constant 0 : i32
      %dma_wait3A_218 = tpu.memref_slice %arg10[%dma_wait3A_216, %dma_wait3A_217] : memref<10240x128xf32, #tpu.memory_space<vmem_shared>> -> memref<10240x128xf32, #tpu.memory_space<vmem_shared>>
      tpu.wait_indirect_dma semaphore(%run_scoped3A_212 : memref<!tpu.dma_semaphore, #tpu.memory_space<semaphore_mem>>) src(%arg9 : memref<80x128xf32, #tpu.memory_space<vmem>>) dst(%dma_wait3A_218 : memref<10240x128xf32, #tpu.memory_space<vmem_shared>>)
      tpu.yield
    }) : () -> ()
    %dma_wait3A_139 = arith.constant 0 : i32
    %dma_wait3A_140 = tpu.memref_slice %arg5[%dma_wait3A_139] : memref<10000xi32, #tpu.memory_space<vmem>> -> memref<80xi32, #tpu.memory_space<vmem>>
    %dma_wait3A_141 = arith.constant 0 : i32
    %dma_wait3A_142 = arith.constant 0 : i32
    %dma_wait3A_143 = tpu.memref_slice %arg2[%dma_wait3A_141, %dma_wait3A_142] : memref<10000x128xf32, #tpu.memory_space<hbm>> -> memref<10000x128xf32, #tpu.memory_space<hbm>>
    tpu.wait_indirect_dma semaphore(%arg11 : memref<!tpu.dma_semaphore, #tpu.memory_space<semaphore_mem>>) src(%dma_wait3A_143 : memref<10000x128xf32, #tpu.memory_space<hbm>>) dst(%arg8 : memref<80x128xf32, #tpu.memory_space<vmem>>)
    %get3A_144 = arith.constant 9920 : index
    %get3A_145 = tpu.vector_load %arg6[%get3A_144] {strides = array<i32>} : memref<10000xi32, #tpu.memory_space<vmem>>, vector<16xi32>,
    %get3A_146 = vector.shape_cast %get3A_145 : vector<16xi32> to vector<16xi32>
    %swap3A_147 = arith.constant 0 : index
    %swap3A_148 = tpu.vector_load %arg7[%swap3A_147] {strides = array<i32>} : memref<80xi32, #tpu.memory_space<vmem>>, vector<16xi32>,
    %swap3A_149 = vector.shape_cast %swap3A_148 : vector<16xi32> to vector<16xi32>
    %swap3A_150 = vector.shape_cast %get3A_146 : vector<16xi32> to vector<16xi32>
    tpu.vector_store %arg7[%swap3A_147], %swap3A_150 {strides = array<i32>} : memref<80xi32, #tpu.memory_space<vmem>>, vector<16xi32>,
    %get3A_151 = arith.constant 9936 : index
    %get3A_152 = tpu.vector_load %arg6[%get3A_151] {strides = array<i32>} : memref<10000xi32, #tpu.memory_space<vmem>>, vector<16xi32>,
    %get3A_153 = vector.shape_cast %get3A_152 : vector<16xi32> to vector<16xi32>
    %swap3A_154 = arith.constant 16 : index
    %swap3A_155 = tpu.vector_load %arg7[%swap3A_154] {strides = array<i32>} : memref<80xi32, #tpu.memory_space<vmem>>, vector<16xi32>,
    %swap3A_156 = vector.shape_cast %swap3A_155 : vector<16xi32> to vector<16xi32>
    %swap3A_157 = vector.shape_cast %get3A_153 : vector<16xi32> to vector<16xi32>
    tpu.vector_store %arg7[%swap3A_154], %swap3A_157 {strides = array<i32>} : memref<80xi32, #tpu.memory_space<vmem>>, vector<16xi32>,
    %get3A_158 = arith.constant 9952 : index
    %get3A_159 = tpu.vector_load %arg6[%get3A_158] {strides = array<i32>} : memref<10000xi32, #tpu.memory_space<vmem>>, vector<16xi32>,
    %get3A_160 = vector.shape_cast %get3A_159 : vector<16xi32> to vector<16xi32>
    %swap3A_161 = arith.constant 32 : index
    %swap3A_162 = tpu.vector_load %arg7[%swap3A_161] {strides = array<i32>} : memref<80xi32, #tpu.memory_space<vmem>>, vector<16xi32>,
    %swap3A_163 = vector.shape_cast %swap3A_162 : vector<16xi32> to vector<16xi32>
    %swap3A_164 = vector.shape_cast %get3A_160 : vector<16xi32> to vector<16xi32>
    tpu.vector_store %arg7[%swap3A_161], %swap3A_164 {strides = array<i32>} : memref<80xi32, #tpu.memory_space<vmem>>, vector<16xi32>,
    %get3A_165 = arith.constant 9968 : index
    %get3A_166 = tpu.vector_load %arg6[%get3A_165] {strides = array<i32>} : memref<10000xi32, #tpu.memory_space<vmem>>, vector<16xi32>,
    %get3A_167 = vector.shape_cast %get3A_166 : vector<16xi32> to vector<16xi32>
    %swap3A_168 = arith.constant 48 : index
    %swap3A_169 = tpu.vector_load %arg7[%swap3A_168] {strides = array<i32>} : memref<80xi32, #tpu.memory_space<vmem>>, vector<16xi32>,
    %swap3A_170 = vector.shape_cast %swap3A_169 : vector<16xi32> to vector<16xi32>
    %swap3A_171 = vector.shape_cast %get3A_167 : vector<16xi32> to vector<16xi32>
    tpu.vector_store %arg7[%swap3A_168], %swap3A_171 {strides = array<i32>} : memref<80xi32, #tpu.memory_space<vmem>>, vector<16xi32>,
    %get3A_172 = arith.constant 9984 : index
    %get3A_173 = tpu.vector_load %arg6[%get3A_172] {strides = array<i32>} : memref<10000xi32, #tpu.memory_space<vmem>>, vector<16xi32>,
    %get3A_174 = vector.shape_cast %get3A_173 : vector<16xi32> to vector<16xi32>
    %swap3A_175 = arith.constant 64 : index
    %swap3A_176 = tpu.vector_load %arg7[%swap3A_175] {strides = array<i32>} : memref<80xi32, #tpu.memory_space<vmem>>, vector<16xi32>,
    %swap3A_177 = vector.shape_cast %swap3A_176 : vector<16xi32> to vector<16xi32>
    %swap3A_178 = vector.shape_cast %get3A_174 : vector<16xi32> to vector<16xi32>
    tpu.vector_store %arg7[%swap3A_175], %swap3A_178 {strides = array<i32>} : memref<80xi32, #tpu.memory_space<vmem>>, vector<16xi32>,
    "tpu.region"() ({
      %run_scoped3A_212 = tpu.sem_alloc : memref<!tpu.dma_semaphore, #tpu.memory_space<semaphore_mem>>
      %dma_start3A_213 = arith.constant 0 : i32
      %dma_start3A_214 = arith.constant 0 : i32
      %dma_start3A_215 = tpu.memref_slice %arg10[%dma_start3A_213, %dma_start3A_214] : memref<10240x128xf32, #tpu.memory_space<vmem_shared>> -> memref<10240x128xf32, #tpu.memory_space<vmem_shared>>
      tpu.enqueue_indirect_dma source(%arg8 : memref<80x128xf32, #tpu.memory_space<vmem>>) target(%dma_start3A_215 : memref<10240x128xf32, #tpu.memory_space<vmem_shared>>) offsets(%arg7 : memref<80xi32, #tpu.memory_space<vmem>>) semaphore(%run_scoped3A_212 : memref<!tpu.dma_semaphore, #tpu.memory_space<semaphore_mem>>) {add = true}
      %dma_wait3A_216 = arith.constant 0 : i32
      %dma_wait3A_217 = arith.constant 0 : i32
      %dma_wait3A_218 = tpu.memref_slice %arg10[%dma_wait3A_216, %dma_wait3A_217] : memref<10240x128xf32, #tpu.memory_space<vmem_shared>> -> memref<10240x128xf32, #tpu.memory_space<vmem_shared>>
      tpu.wait_indirect_dma semaphore(%run_scoped3A_212 : memref<!tpu.dma_semaphore, #tpu.memory_space<semaphore_mem>>) src(%arg8 : memref<80x128xf32, #tpu.memory_space<vmem>>) dst(%dma_wait3A_218 : memref<10240x128xf32, #tpu.memory_space<vmem_shared>>)
      tpu.yield
    }) : () -> ()
    %barrier3A_179 = arith.constant 0 : index
    tpu.barrier barrier_id(%barrier3A_179)
    %mul3A_180 = arith.constant 640 : i32
    %mul3A_181 = arith.muli %arg1, %mul3A_180 : i32
    %add3A_182 = arith.constant 0 : i32
    %add3A_183 = arith.addi %mul3A_181, %add3A_182 : i32
    "tpu.region"() ({
      %run_scoped3A_212 = tpu.sem_alloc : memref<!tpu.dma_semaphore, #tpu.memory_space<semaphore_mem>>
      %dma_start3A_213 = arith.constant 0 : i32
      %dma_start3A_214 = tpu.memref_slice %arg4[%arg0, %add3A_183, %dma_start3A_213] : memref<2x10240x128xf32, #tpu.memory_space<hbm>> -> memref<1x80x128xf32, #tpu.memory_space<hbm>>
      %dma_start3A_215 = tpu.memref_squeeze %dma_start3A_214 : memref<1x80x128xf32, #tpu.memory_space<hbm>> -> memref<80x128xf32, #tpu.memory_space<hbm>>
      %dma_start3A_216 = arith.constant 0 : i32
      %dma_start3A_217 = tpu.memref_slice %arg10[%add3A_183, %dma_start3A_216] : memref<10240x128xf32, #tpu.memory_space<vmem_shared>> -> memref<80x128xf32, #tpu.memory_space<vmem_shared>>
      tpu.enqueue_dma source(%dma_start3A_217 : memref<80x128xf32, #tpu.memory_space<vmem_shared>>) target(%dma_start3A_215 : memref<80x128xf32, #tpu.memory_space<hbm>>) target_semaphore(%run_scoped3A_212 : memref<!tpu.dma_semaphore, #tpu.memory_space<semaphore_mem>>)
      %dma_wait3A_218 = arith.constant 0 : i32
      %dma_wait3A_219 = tpu.memref_slice %arg4[%arg0, %add3A_183, %dma_wait3A_218] : memref<2x10240x128xf32, #tpu.memory_space<hbm>> -> memref<1x80x128xf32, #tpu.memory_space<hbm>>
      %dma_wait3A_220 = tpu.memref_squeeze %dma_wait3A_219 : memref<1x80x128xf32, #tpu.memory_space<hbm>> -> memref<80x128xf32, #tpu.memory_space<hbm>>
      %dma_wait3A_221 = arith.constant 0 : i32
      %dma_wait3A_222 = tpu.memref_slice %arg10[%add3A_183, %dma_wait3A_221] : memref<10240x128xf32, #tpu.memory_space<vmem_shared>> -> memref<80x128xf32, #tpu.memory_space<vmem_shared>>
      tpu.wait_dma2 semaphore(%run_scoped3A_212 : memref<!tpu.dma_semaphore, #tpu.memory_space<semaphore_mem>>) src(%dma_wait3A_222 : memref<80x128xf32, #tpu.memory_space<vmem_shared>>) dst(%dma_wait3A_220 : memref<80x128xf32, #tpu.memory_space<hbm>>)
      tpu.yield
    }) : () -> ()
    %mul3A_184 = arith.constant 640 : i32
    %mul3A_185 = arith.muli %arg1, %mul3A_184 : i32
    %add3A_186 = arith.constant 80 : i32
    %add3A_187 = arith.addi %mul3A_185, %add3A_186 : i32
    "tpu.region"() ({
      %run_scoped3A_212 = tpu.sem_alloc : memref<!tpu.dma_semaphore, #tpu.memory_space<semaphore_mem>>
      %dma_start3A_213 = arith.constant 0 : i32
      %dma_start3A_214 = tpu.memref_slice %arg4[%arg0, %add3A_187, %dma_start3A_213] : memref<2x10240x128xf32, #tpu.memory_space<hbm>> -> memref<1x80x128xf32, #tpu.memory_space<hbm>>
      %dma_start3A_215 = tpu.memref_squeeze %dma_start3A_214 : memref<1x80x128xf32, #tpu.memory_space<hbm>> -> memref<80x128xf32, #tpu.memory_space<hbm>>
      %dma_start3A_216 = arith.constant 0 : i32
      %dma_start3A_217 = tpu.memref_slice %arg10[%add3A_187, %dma_start3A_216] : memref<10240x128xf32, #tpu.memory_space<vmem_shared>> -> memref<80x128xf32, #tpu.memory_space<vmem_shared>>
      tpu.enqueue_dma source(%dma_start3A_217 : memref<80x128xf32, #tpu.memory_space<vmem_shared>>) target(%dma_start3A_215 : memref<80x128xf32, #tpu.memory_space<hbm>>) target_semaphore(%run_scoped3A_212 : memref<!tpu.dma_semaphore, #tpu.memory_space<semaphore_mem>>)
      %dma_wait3A_218 = arith.constant 0 : i32
      %dma_wait3A_219 = tpu.memref_slice %arg4[%arg0, %add3A_187, %dma_wait3A_218] : memref<2x10240x128xf32, #tpu.memory_space<hbm>> -> memref<1x80x128xf32, #tpu.memory_space<hbm>>
      %dma_wait3A_220 = tpu.memref_squeeze %dma_wait3A_219 : memref<1x80x128xf32, #tpu.memory_space<hbm>> -> memref<80x128xf32, #tpu.memory_space<hbm>>
      %dma_wait3A_221 = arith.constant 0 : i32
      %dma_wait3A_222 = tpu.memref_slice %arg10[%add3A_187, %dma_wait3A_221] : memref<10240x128xf32, #tpu.memory_space<vmem_shared>> -> memref<80x128xf32, #tpu.memory_space<vmem_shared>>
      tpu.wait_dma2 semaphore(%run_scoped3A_212 : memref<!tpu.dma_semaphore, #tpu.memory_space<semaphore_mem>>) src(%dma_wait3A_222 : memref<80x128xf32, #tpu.memory_space<vmem_shared>>) dst(%dma_wait3A_220 : memref<80x128xf32, #tpu.memory_space<hbm>>)
      tpu.yield
    }) : () -> ()
    %mul3A_188 = arith.constant 640 : i32
    %mul3A_189 = arith.muli %arg1, %mul3A_188 : i32
    %add3A_190 = arith.constant 160 : i32
    %add3A_191 = arith.addi %mul3A_189, %add3A_190 : i32
    "tpu.region"() ({
      %run_scoped3A_212 = tpu.sem_alloc : memref<!tpu.dma_semaphore, #tpu.memory_space<semaphore_mem>>
      %dma_start3A_213 = arith.constant 0 : i32
      %dma_start3A_214 = tpu.memref_slice %arg4[%arg0, %add3A_191, %dma_start3A_213] : memref<2x10240x128xf32, #tpu.memory_space<hbm>> -> memref<1x80x128xf32, #tpu.memory_space<hbm>>
      %dma_start3A_215 = tpu.memref_squeeze %dma_start3A_214 : memref<1x80x128xf32, #tpu.memory_space<hbm>> -> memref<80x128xf32, #tpu.memory_space<hbm>>
      %dma_start3A_216 = arith.constant 0 : i32
      %dma_start3A_217 = tpu.memref_slice %arg10[%add3A_191, %dma_start3A_216] : memref<10240x128xf32, #tpu.memory_space<vmem_shared>> -> memref<80x128xf32, #tpu.memory_space<vmem_shared>>
      tpu.enqueue_dma source(%dma_start3A_217 : memref<80x128xf32, #tpu.memory_space<vmem_shared>>) target(%dma_start3A_215 : memref<80x128xf32, #tpu.memory_space<hbm>>) target_semaphore(%run_scoped3A_212 : memref<!tpu.dma_semaphore, #tpu.memory_space<semaphore_mem>>)
      %dma_wait3A_218 = arith.constant 0 : i32
      %dma_wait3A_219 = tpu.memref_slice %arg4[%arg0, %add3A_191, %dma_wait3A_218] : memref<2x10240x128xf32, #tpu.memory_space<hbm>> -> memref<1x80x128xf32, #tpu.memory_space<hbm>>
      %dma_wait3A_220 = tpu.memref_squeeze %dma_wait3A_219 : memref<1x80x128xf32, #tpu.memory_space<hbm>> -> memref<80x128xf32, #tpu.memory_space<hbm>>
      %dma_wait3A_221 = arith.constant 0 : i32
      %dma_wait3A_222 = tpu.memref_slice %arg10[%add3A_191, %dma_wait3A_221] : memref<10240x128xf32, #tpu.memory_space<vmem_shared>> -> memref<80x128xf32, #tpu.memory_space<vmem_shared>>
      tpu.wait_dma2 semaphore(%run_scoped3A_212 : memref<!tpu.dma_semaphore, #tpu.memory_space<semaphore_mem>>) src(%dma_wait3A_222 : memref<80x128xf32, #tpu.memory_space<vmem_shared>>) dst(%dma_wait3A_220 : memref<80x128xf32, #tpu.memory_space<hbm>>)
      tpu.yield
    }) : () -> ()
    %mul3A_192 = arith.constant 640 : i32
    %mul3A_193 = arith.muli %arg1, %mul3A_192 : i32
    %add3A_194 = arith.constant 240 : i32
    %add3A_195 = arith.addi %mul3A_193, %add3A_194 : i32
    "tpu.region"() ({
      %run_scoped3A_212 = tpu.sem_alloc : memref<!tpu.dma_semaphore, #tpu.memory_space<semaphore_mem>>
      %dma_start3A_213 = arith.constant 0 : i32
      %dma_start3A_214 = tpu.memref_slice %arg4[%arg0, %add3A_195, %dma_start3A_213] : memref<2x10240x128xf32, #tpu.memory_space<hbm>> -> memref<1x80x128xf32, #tpu.memory_space<hbm>>
      %dma_start3A_215 = tpu.memref_squeeze %dma_start3A_214 : memref<1x80x128xf32, #tpu.memory_space<hbm>> -> memref<80x128xf32, #tpu.memory_space<hbm>>
      %dma_start3A_216 = arith.constant 0 : i32
      %dma_start3A_217 = tpu.memref_slice %arg10[%add3A_195, %dma_start3A_216] : memref<10240x128xf32, #tpu.memory_space<vmem_shared>> -> memref<80x128xf32, #tpu.memory_space<vmem_shared>>
      tpu.enqueue_dma source(%dma_start3A_217 : memref<80x128xf32, #tpu.memory_space<vmem_shared>>) target(%dma_start3A_215 : memref<80x128xf32, #tpu.memory_space<hbm>>) target_semaphore(%run_scoped3A_212 : memref<!tpu.dma_semaphore, #tpu.memory_space<semaphore_mem>>)
      %dma_wait3A_218 = arith.constant 0 : i32
      %dma_wait3A_219 = tpu.memref_slice %arg4[%arg0, %add3A_195, %dma_wait3A_218] : memref<2x10240x128xf32, #tpu.memory_space<hbm>> -> memref<1x80x128xf32, #tpu.memory_space<hbm>>
      %dma_wait3A_220 = tpu.memref_squeeze %dma_wait3A_219 : memref<1x80x128xf32, #tpu.memory_space<hbm>> -> memref<80x128xf32, #tpu.memory_space<hbm>>
      %dma_wait3A_221 = arith.constant 0 : i32
      %dma_wait3A_222 = tpu.memref_slice %arg10[%add3A_195, %dma_wait3A_221] : memref<10240x128xf32, #tpu.memory_space<vmem_shared>> -> memref<80x128xf32, #tpu.memory_space<vmem_shared>>
      tpu.wait_dma2 semaphore(%run_scoped3A_212 : memref<!tpu.dma_semaphore, #tpu.memory_space<semaphore_mem>>) src(%dma_wait3A_222 : memref<80x128xf32, #tpu.memory_space<vmem_shared>>) dst(%dma_wait3A_220 : memref<80x128xf32, #tpu.memory_space<hbm>>)
      tpu.yield
    }) : () -> ()
    %mul3A_196 = arith.constant 640 : i32
    %mul3A_197 = arith.muli %arg1, %mul3A_196 : i32
    %add3A_198 = arith.constant 320 : i32
    %add3A_199 = arith.addi %mul3A_197, %add3A_198 : i32
    "tpu.region"() ({
      %run_scoped3A_212 = tpu.sem_alloc : memref<!tpu.dma_semaphore, #tpu.memory_space<semaphore_mem>>
      %dma_start3A_213 = arith.constant 0 : i32
      %dma_start3A_214 = tpu.memref_slice %arg4[%arg0, %add3A_199, %dma_start3A_213] : memref<2x10240x128xf32, #tpu.memory_space<hbm>> -> memref<1x80x128xf32, #tpu.memory_space<hbm>>
      %dma_start3A_215 = tpu.memref_squeeze %dma_start3A_214 : memref<1x80x128xf32, #tpu.memory_space<hbm>> -> memref<80x128xf32, #tpu.memory_space<hbm>>
      %dma_start3A_216 = arith.constant 0 : i32
      %dma_start3A_217 = tpu.memref_slice %arg10[%add3A_199, %dma_start3A_216] : memref<10240x128xf32, #tpu.memory_space<vmem_shared>> -> memref<80x128xf32, #tpu.memory_space<vmem_shared>>
      tpu.enqueue_dma source(%dma_start3A_217 : memref<80x128xf32, #tpu.memory_space<vmem_shared>>) target(%dma_start3A_215 : memref<80x128xf32, #tpu.memory_space<hbm>>) target_semaphore(%run_scoped3A_212 : memref<!tpu.dma_semaphore, #tpu.memory_space<semaphore_mem>>)
      %dma_wait3A_218 = arith.constant 0 : i32
      %dma_wait3A_219 = tpu.memref_slice %arg4[%arg0, %add3A_199, %dma_wait3A_218] : memref<2x10240x128xf32, #tpu.memory_space<hbm>> -> memref<1x80x128xf32, #tpu.memory_space<hbm>>
      %dma_wait3A_220 = tpu.memref_squeeze %dma_wait3A_219 : memref<1x80x128xf32, #tpu.memory_space<hbm>> -> memref<80x128xf32, #tpu.memory_space<hbm>>
      %dma_wait3A_221 = arith.constant 0 : i32
      %dma_wait3A_222 = tpu.memref_slice %arg10[%add3A_199, %dma_wait3A_221] : memref<10240x128xf32, #tpu.memory_space<vmem_shared>> -> memref<80x128xf32, #tpu.memory_space<vmem_shared>>
      tpu.wait_dma2 semaphore(%run_scoped3A_212 : memref<!tpu.dma_semaphore, #tpu.memory_space<semaphore_mem>>) src(%dma_wait3A_222 : memref<80x128xf32, #tpu.memory_space<vmem_shared>>) dst(%dma_wait3A_220 : memref<80x128xf32, #tpu.memory_space<hbm>>)
      tpu.yield
    }) : () -> ()
    %mul3A_200 = arith.constant 640 : i32
    %mul3A_201 = arith.muli %arg1, %mul3A_200 : i32
    %add3A_202 = arith.constant 400 : i32
    %add3A_203 = arith.addi %mul3A_201, %add3A_202 : i32
    "tpu.region"() ({
      %run_scoped3A_212 = tpu.sem_alloc : memref<!tpu.dma_semaphore, #tpu.memory_space<semaphore_mem>>
      %dma_start3A_213 = arith.constant 0 : i32
      %dma_start3A_214 = tpu.memref_slice %arg4[%arg0, %add3A_203, %dma_start3A_213] : memref<2x10240x128xf32, #tpu.memory_space<hbm>> -> memref<1x80x128xf32, #tpu.memory_space<hbm>>
      %dma_start3A_215 = tpu.memref_squeeze %dma_start3A_214 : memref<1x80x128xf32, #tpu.memory_space<hbm>> -> memref<80x128xf32, #tpu.memory_space<hbm>>
      %dma_start3A_216 = arith.constant 0 : i32
      %dma_start3A_217 = tpu.memref_slice %arg10[%add3A_203, %dma_start3A_216] : memref<10240x128xf32, #tpu.memory_space<vmem_shared>> -> memref<80x128xf32, #tpu.memory_space<vmem_shared>>
      tpu.enqueue_dma source(%dma_start3A_217 : memref<80x128xf32, #tpu.memory_space<vmem_shared>>) target(%dma_start3A_215 : memref<80x128xf32, #tpu.memory_space<hbm>>) target_semaphore(%run_scoped3A_212 : memref<!tpu.dma_semaphore, #tpu.memory_space<semaphore_mem>>)
      %dma_wait3A_218 = arith.constant 0 : i32
      %dma_wait3A_219 = tpu.memref_slice %arg4[%arg0, %add3A_203, %dma_wait3A_218] : memref<2x10240x128xf32, #tpu.memory_space<hbm>> -> memref<1x80x128xf32, #tpu.memory_space<hbm>>
      %dma_wait3A_220 = tpu.memref_squeeze %dma_wait3A_219 : memref<1x80x128xf32, #tpu.memory_space<hbm>> -> memref<80x128xf32, #tpu.memory_space<hbm>>
      %dma_wait3A_221 = arith.constant 0 : i32
      %dma_wait3A_222 = tpu.memref_slice %arg10[%add3A_203, %dma_wait3A_221] : memref<10240x128xf32, #tpu.memory_space<vmem_shared>> -> memref<80x128xf32, #tpu.memory_space<vmem_shared>>
      tpu.wait_dma2 semaphore(%run_scoped3A_212 : memref<!tpu.dma_semaphore, #tpu.memory_space<semaphore_mem>>) src(%dma_wait3A_222 : memref<80x128xf32, #tpu.memory_space<vmem_shared>>) dst(%dma_wait3A_220 : memref<80x128xf32, #tpu.memory_space<hbm>>)
      tpu.yield
    }) : () -> ()
    %mul3A_204 = arith.constant 640 : i32
    %mul3A_205 = arith.muli %arg1, %mul3A_204 : i32
    %add3A_206 = arith.constant 480 : i32
    %add3A_207 = arith.addi %mul3A_205, %add3A_206 : i32
    "tpu.region"() ({
      %run_scoped3A_212 = tpu.sem_alloc : memref<!tpu.dma_semaphore, #tpu.memory_space<semaphore_mem>>
      %dma_start3A_213 = arith.constant 0 : i32
      %dma_start3A_214 = tpu.memref_slice %arg4[%arg0, %add3A_207, %dma_start3A_213] : memref<2x10240x128xf32, #tpu.memory_space<hbm>> -> memref<1x80x128xf32, #tpu.memory_space<hbm>>
      %dma_start3A_215 = tpu.memref_squeeze %dma_start3A_214 : memref<1x80x128xf32, #tpu.memory_space<hbm>> -> memref<80x128xf32, #tpu.memory_space<hbm>>
      %dma_start3A_216 = arith.constant 0 : i32
      %dma_start3A_217 = tpu.memref_slice %arg10[%add3A_207, %dma_start3A_216] : memref<10240x128xf32, #tpu.memory_space<vmem_shared>> -> memref<80x128xf32, #tpu.memory_space<vmem_shared>>
      tpu.enqueue_dma source(%dma_start3A_217 : memref<80x128xf32, #tpu.memory_space<vmem_shared>>) target(%dma_start3A_215 : memref<80x128xf32, #tpu.memory_space<hbm>>) target_semaphore(%run_scoped3A_212 : memref<!tpu.dma_semaphore, #tpu.memory_space<semaphore_mem>>)
      %dma_wait3A_218 = arith.constant 0 : i32
      %dma_wait3A_219 = tpu.memref_slice %arg4[%arg0, %add3A_207, %dma_wait3A_218] : memref<2x10240x128xf32, #tpu.memory_space<hbm>> -> memref<1x80x128xf32, #tpu.memory_space<hbm>>
      %dma_wait3A_220 = tpu.memref_squeeze %dma_wait3A_219 : memref<1x80x128xf32, #tpu.memory_space<hbm>> -> memref<80x128xf32, #tpu.memory_space<hbm>>
      %dma_wait3A_221 = arith.constant 0 : i32
      %dma_wait3A_222 = tpu.memref_slice %arg10[%add3A_207, %dma_wait3A_221] : memref<10240x128xf32, #tpu.memory_space<vmem_shared>> -> memref<80x128xf32, #tpu.memory_space<vmem_shared>>
      tpu.wait_dma2 semaphore(%run_scoped3A_212 : memref<!tpu.dma_semaphore, #tpu.memory_space<semaphore_mem>>) src(%dma_wait3A_222 : memref<80x128xf32, #tpu.memory_space<vmem_shared>>) dst(%dma_wait3A_220 : memref<80x128xf32, #tpu.memory_space<hbm>>)
      tpu.yield
    }) : () -> ()
    %mul3A_208 = arith.constant 640 : i32
    %mul3A_209 = arith.muli %arg1, %mul3A_208 : i32
    %add3A_210 = arith.constant 560 : i32
    %add3A_211 = arith.addi %mul3A_209, %add3A_210 : i32
    "tpu.region"() ({
      %run_scoped3A_212 = tpu.sem_alloc : memref<!tpu.dma_semaphore, #tpu.memory_space<semaphore_mem>>
      %dma_start3A_213 = arith.constant 0 : i32
      %dma_start3A_214 = tpu.memref_slice %arg4[%arg0, %add3A_211, %dma_start3A_213] : memref<2x10240x128xf32, #tpu.memory_space<hbm>> -> memref<1x80x128xf32, #tpu.memory_space<hbm>>
      %dma_start3A_215 = tpu.memref_squeeze %dma_start3A_214 : memref<1x80x128xf32, #tpu.memory_space<hbm>> -> memref<80x128xf32, #tpu.memory_space<hbm>>
      %dma_start3A_216 = arith.constant 0 : i32
      %dma_start3A_217 = tpu.memref_slice %arg10[%add3A_211, %dma_start3A_216] : memref<10240x128xf32, #tpu.memory_space<vmem_shared>> -> memref<80x128xf32, #tpu.memory_space<vmem_shared>>
      tpu.enqueue_dma source(%dma_start3A_217 : memref<80x128xf32, #tpu.memory_space<vmem_shared>>) target(%dma_start3A_215 : memref<80x128xf32, #tpu.memory_space<hbm>>) target_semaphore(%run_scoped3A_212 : memref<!tpu.dma_semaphore, #tpu.memory_space<semaphore_mem>>)
      %dma_wait3A_218 = arith.constant 0 : i32
      %dma_wait3A_219 = tpu.memref_slice %arg4[%arg0, %add3A_211, %dma_wait3A_218] : memref<2x10240x128xf32, #tpu.memory_space<hbm>> -> memref<1x80x128xf32, #tpu.memory_space<hbm>>
      %dma_wait3A_220 = tpu.memref_squeeze %dma_wait3A_219 : memref<1x80x128xf32, #tpu.memory_space<hbm>> -> memref<80x128xf32, #tpu.memory_space<hbm>>
      %dma_wait3A_221 = arith.constant 0 : i32
      %dma_wait3A_222 = tpu.memref_slice %arg10[%add3A_211, %dma_wait3A_221] : memref<10240x128xf32, #tpu.memory_space<vmem_shared>> -> memref<80x128xf32, #tpu.memory_space<vmem_shared>>
      tpu.wait_dma2 semaphore(%run_scoped3A_212 : memref<!tpu.dma_semaphore, #tpu.memory_space<semaphore_mem>>) src(%dma_wait3A_222 : memref<80x128xf32, #tpu.memory_space<vmem_shared>>) dst(%dma_wait3A_220 : memref<80x128xf32, #tpu.memory_space<hbm>>)
      tpu.yield
    }) : () -> ()
    return
  }
}

#map = affine_map<(d0, d1) -> (0, 0)>
#map1 = affine_map<(d0, d1) -> (0, 0, 0)>
module attributes {stable_mosaic.version = 14 : i64} {
  func.func @sc_agg(%arg0: i32, %arg1: i32, %arg2: memref<10000x128xf32, #tpu.memory_space<hbm>>, %arg3: memref<2x32x10000xi32, #tpu.memory_space<hbm>>, %arg4: memref<2x10240x128xf32, #tpu.memory_space<hbm>>, %arg5: memref<10000xi32, #tpu.memory_space<vmem>>, %arg6: memref<10000xi32, #tpu.memory_space<vmem>>, %arg7: memref<80xi32, #tpu.memory_space<vmem>>, %arg8: memref<80x128xf32, #tpu.memory_space<vmem>>, %arg9: memref<80x128xf32, #tpu.memory_space<vmem>>, %arg10: memref<10240x128xf32, #tpu.memory_space<vmem_shared>>, %arg11: memref<!tpu.dma_semaphore, #tpu.memory_space<semaphore_mem>>, %arg12: memref<!tpu.dma_semaphore, #tpu.memory_space<semaphore_mem>>) attributes {dimension_semantics = [#tpu.dimension_semantics<core_parallel>, #tpu.dimension_semantics<subcore_parallel>], iteration_bounds = array<i64: 2, 16>, scalar_prefetch = 0 : i64, scratch_operands = 8 : i64, tpu.core_type = #tpu.core_type<sc_vector_subcore>, window_params = [{transform_indices = #map}, {transform_indices = #map1}, {transform_indices = #map1}]} {
    %mul3A = arith.constant 2 : i32
    %mul3A_0 = arith.muli %arg1, %mul3A : i32
    %add3A = arith.addi %mul3A_0, %arg0 : i32
    %broadcast_in_dim3A = arith.constant 0.000000e+00 : f32
    %broadcast_in_dim3A_1 = vector.broadcast %broadcast_in_dim3A : f32 to vector<16xf32>
    %run_scoped3A = arith.constant 0 : i32
    "tpu.region"() ({
      %run_scoped3A_212 = tpu.sem_alloc : memref<!tpu.dma_semaphore, #tpu.memory_space<semaphore_mem>>
      %dma_start3A_213 = arith.constant 0 : i32
      %dma_start3A_214 = tpu.memref_slice %arg3[%run_scoped3A, %add3A, %dma_start3A_213] : memref<2x32x10000xi32, #tpu.memory_space<hbm>> -> memref<1x1x10000xi32, #tpu.memory_space<hbm>>
      %dma_start3A_215 = tpu.memref_squeeze %dma_start3A_214 : memref<1x1x10000xi32, #tpu.memory_space<hbm>> -> memref<10000xi32, #tpu.memory_space<hbm>>
      %dma_start3A_216 = arith.constant 0 : i32
      %dma_start3A_217 = tpu.memref_slice %arg3[%run_scoped3A, %add3A, %dma_start3A_216] : memref<2x32x10000xi32, #tpu.memory_space<hbm>> -> memref<1x1x10000xi32, #tpu.memory_space<hbm>>
      %dma_start3A_218 = tpu.memref_squeeze %dma_start3A_217 : memref<1x1x10000xi32, #tpu.memory_space<hbm>> -> memref<10000xi32, #tpu.memory_space<hbm>>
      tpu.enqueue_dma source(%dma_start3A_218 : memref<10000xi32, #tpu.memory_space<hbm>>) target(%arg5 : memref<10000xi32, #tpu.memory_space<vmem>>) target_semaphore(%run_scoped3A_212 : memref<!tpu.dma_semaphore, #tpu.memory_space<semaphore_mem>>)
      %dma_wait3A_219 = arith.constant 0 : i32
      %dma_wait3A_220 = tpu.memref_slice %arg3[%run_scoped3A, %add3A, %dma_wait3A_219] : memref<2x32x10000xi32, #tpu.memory_space<hbm>> -> memref<1x1x10000xi32, #tpu.memory_space<hbm>>
      %dma_wait3A_221 = tpu.memref_squeeze %dma_wait3A_220 : memref<1x1x10000xi32, #tpu.memory_space<hbm>> -> memref<10000xi32, #tpu.memory_space<hbm>>
      %dma_wait3A_222 = arith.constant 0 : i32
      %dma_wait3A_223 = tpu.memref_slice %arg3[%run_scoped3A, %add3A, %dma_wait3A_222] : memref<2x32x10000xi32, #tpu.memory_space<hbm>> -> memref<1x1x10000xi32, #tpu.memory_space<hbm>>
      %dma_wait3A_224 = tpu.memref_squeeze %dma_wait3A_223 : memref<1x1x10000xi32, #tpu.memory_space<hbm>> -> memref<10000xi32, #tpu.memory_space<hbm>>
      tpu.wait_dma2 semaphore(%run_scoped3A_212 : memref<!tpu.dma_semaphore, #tpu.memory_space<semaphore_mem>>) src(%dma_wait3A_224 : memref<10000xi32, #tpu.memory_space<hbm>>) dst(%arg5 : memref<10000xi32, #tpu.memory_space<vmem>>)
      tpu.yield
    }) : () -> ()
    %run_scoped3A_2 = arith.constant 1 : i32
    "tpu.region"() ({
      %run_scoped3A_212 = tpu.sem_alloc : memref<!tpu.dma_semaphore, #tpu.memory_space<semaphore_mem>>
      %dma_start3A_213 = arith.constant 0 : i32
      %dma_start3A_214 = tpu.memref_slice %arg3[%run_scoped3A_2, %add3A, %dma_start3A_213] : memref<2x32x10000xi32, #tpu.memory_space<hbm>> -> memref<1x1x10000xi32, #tpu.memory_space<hbm>>
      %dma_start3A_215 = tpu.memref_squeeze %dma_start3A_214 : memref<1x1x10000xi32, #tpu.memory_space<hbm>> -> memref<10000xi32, #tpu.memory_space<hbm>>
      %dma_start3A_216 = arith.constant 0 : i32
      %dma_start3A_217 = tpu.memref_slice %arg3[%run_scoped3A_2, %add3A, %dma_start3A_216] : memref<2x32x10000xi32, #tpu.memory_space<hbm>> -> memref<1x1x10000xi32, #tpu.memory_space<hbm>>
      %dma_start3A_218 = tpu.memref_squeeze %dma_start3A_217 : memref<1x1x10000xi32, #tpu.memory_space<hbm>> -> memref<10000xi32, #tpu.memory_space<hbm>>
      tpu.enqueue_dma source(%dma_start3A_218 : memref<10000xi32, #tpu.memory_space<hbm>>) target(%arg6 : memref<10000xi32, #tpu.memory_space<vmem>>) target_semaphore(%run_scoped3A_212 : memref<!tpu.dma_semaphore, #tpu.memory_space<semaphore_mem>>)
      %dma_wait3A_219 = arith.constant 0 : i32
      %dma_wait3A_220 = tpu.memref_slice %arg3[%run_scoped3A_2, %add3A, %dma_wait3A_219] : memref<2x32x10000xi32, #tpu.memory_space<hbm>> -> memref<1x1x10000xi32, #tpu.memory_space<hbm>>
      %dma_wait3A_221 = tpu.memref_squeeze %dma_wait3A_220 : memref<1x1x10000xi32, #tpu.memory_space<hbm>> -> memref<10000xi32, #tpu.memory_space<hbm>>
      %dma_wait3A_222 = arith.constant 0 : i32
      %dma_wait3A_223 = tpu.memref_slice %arg3[%run_scoped3A_2, %add3A, %dma_wait3A_222] : memref<2x32x10000xi32, #tpu.memory_space<hbm>> -> memref<1x1x10000xi32, #tpu.memory_space<hbm>>
      %dma_wait3A_224 = tpu.memref_squeeze %dma_wait3A_223 : memref<1x1x10000xi32, #tpu.memory_space<hbm>> -> memref<10000xi32, #tpu.memory_space<hbm>>
      tpu.wait_dma2 semaphore(%run_scoped3A_212 : memref<!tpu.dma_semaphore, #tpu.memory_space<semaphore_mem>>) src(%dma_wait3A_224 : memref<10000xi32, #tpu.memory_space<hbm>>) dst(%arg6 : memref<10000xi32, #tpu.memory_space<vmem>>)
      tpu.yield
    }) : () -> ()
    %scan3A = arith.constant 0 : i32
    %scan3A_3 = arith.constant 0 : i32
    %scan3A_4 = arith.constant 80 : i32
    %scan3A_5 = arith.addi %scan3A_3, %scan3A_4 : i32
    %scan3A_6 = arith.constant 1 : i32
    %scan3A_7 = scf.for %scan3A_212 = %scan3A_3 to %scan3A_5 step %scan3A_6 iter_args(%scan3A_213 = %scan3A) -> (i32)  : i32 {
      %swap3A_214 = arith.index_cast %scan3A_212 : i32 to index
      %swap3A_215 = arith.constant 0 : index
      %swap3A_216 = tpu.vector_load %arg8[%swap3A_214, %swap3A_215] {strides = array<i32>} : memref<80x128xf32, #tpu.memory_space<vmem>>, vector<1x16xf32>,
      %swap3A_217 = vector.shape_cast %swap3A_216 : vector<1x16xf32> to vector<16xf32>
      %swap3A_218 = vector.shape_cast %broadcast_in_dim3A_1 : vector<16xf32> to vector<1x16xf32>
      tpu.vector_store %arg8[%swap3A_214, %swap3A_215], %swap3A_218 {strides = array<i32>} : memref<80x128xf32, #tpu.memory_space<vmem>>, vector<1x16xf32>,
      %swap3A_219 = arith.index_cast %scan3A_212 : i32 to index
      %swap3A_220 = arith.constant 16 : index
      %swap3A_221 = tpu.vector_load %arg8[%swap3A_219, %swap3A_220] {strides = array<i32>} : memref<80x128xf32, #tpu.memory_space<vmem>>, vector<1x16xf32>,
      %swap3A_222 = vector.shape_cast %swap3A_221 : vector<1x16xf32> to vector<16xf32>
      %swap3A_223 = vector.shape_cast %broadcast_in_dim3A_1 : vector<16xf32> to vector<1x16xf32>
      tpu.vector_store %arg8[%swap3A_219, %swap3A_220], %swap3A_223 {strides = array<i32>} : memref<80x128xf32, #tpu.memory_space<vmem>>, vector<1x16xf32>,
      %swap3A_224 = arith.index_cast %scan3A_212 : i32 to index
      %swap3A_225 = arith.constant 32 : index
      %swap3A_226 = tpu.vector_load %arg8[%swap3A_224, %swap3A_225] {strides = array<i32>} : memref<80x128xf32, #tpu.memory_space<vmem>>, vector<1x16xf32>,
      %swap3A_227 = vector.shape_cast %swap3A_226 : vector<1x16xf32> to vector<16xf32>
      %swap3A_228 = vector.shape_cast %broadcast_in_dim3A_1 : vector<16xf32> to vector<1x16xf32>
      tpu.vector_store %arg8[%swap3A_224, %swap3A_225], %swap3A_228 {strides = array<i32>} : memref<80x128xf32, #tpu.memory_space<vmem>>, vector<1x16xf32>,
      %swap3A_229 = arith.index_cast %scan3A_212 : i32 to index
      %swap3A_230 = arith.constant 48 : index
      %swap3A_231 = tpu.vector_load %arg8[%swap3A_229, %swap3A_230] {strides = array<i32>} : memref<80x128xf32, #tpu.memory_space<vmem>>, vector<1x16xf32>,
      %swap3A_232 = vector.shape_cast %swap3A_231 : vector<1x16xf32> to vector<16xf32>
      %swap3A_233 = vector.shape_cast %broadcast_in_dim3A_1 : vector<16xf32> to vector<1x16xf32>
      tpu.vector_store %arg8[%swap3A_229, %swap3A_230], %swap3A_233 {strides = array<i32>} : memref<80x128xf32, #tpu.memory_space<vmem>>, vector<1x16xf32>,
      %swap3A_234 = arith.index_cast %scan3A_212 : i32 to index
      %swap3A_235 = arith.constant 64 : index
      %swap3A_236 = tpu.vector_load %arg8[%swap3A_234, %swap3A_235] {strides = array<i32>} : memref<80x128xf32, #tpu.memory_space<vmem>>, vector<1x16xf32>,
      %swap3A_237 = vector.shape_cast %swap3A_236 : vector<1x16xf32> to vector<16xf32>
      %swap3A_238 = vector.shape_cast %broadcast_in_dim3A_1 : vector<16xf32> to vector<1x16xf32>
      tpu.vector_store %arg8[%swap3A_234, %swap3A_235], %swap3A_238 {strides = array<i32>} : memref<80x128xf32, #tpu.memory_space<vmem>>, vector<1x16xf32>,
      %swap3A_239 = arith.index_cast %scan3A_212 : i32 to index
      %swap3A_240 = arith.constant 80 : index
      %swap3A_241 = tpu.vector_load %arg8[%swap3A_239, %swap3A_240] {strides = array<i32>} : memref<80x128xf32, #tpu.memory_space<vmem>>, vector<1x16xf32>,
      %swap3A_242 = vector.shape_cast %swap3A_241 : vector<1x16xf32> to vector<16xf32>
      %swap3A_243 = vector.shape_cast %broadcast_in_dim3A_1 : vector<16xf32> to vector<1x16xf32>
      tpu.vector_store %arg8[%swap3A_239, %swap3A_240], %swap3A_243 {strides = array<i32>} : memref<80x128xf32, #tpu.memory_space<vmem>>, vector<1x16xf32>,
      %swap3A_244 = arith.index_cast %scan3A_212 : i32 to index
      %swap3A_245 = arith.constant 96 : index
      %swap3A_246 = tpu.vector_load %arg8[%swap3A_244, %swap3A_245] {strides = array<i32>} : memref<80x128xf32, #tpu.memory_space<vmem>>, vector<1x16xf32>,
      %swap3A_247 = vector.shape_cast %swap3A_246 : vector<1x16xf32> to vector<16xf32>
      %swap3A_248 = vector.shape_cast %broadcast_in_dim3A_1 : vector<16xf32> to vector<1x16xf32>
      tpu.vector_store %arg8[%swap3A_244, %swap3A_245], %swap3A_248 {strides = array<i32>} : memref<80x128xf32, #tpu.memory_space<vmem>>, vector<1x16xf32>,
      %swap3A_249 = arith.index_cast %scan3A_212 : i32 to index
      %swap3A_250 = arith.constant 112 : index
      %swap3A_251 = tpu.vector_load %arg8[%swap3A_249, %swap3A_250] {strides = array<i32>} : memref<80x128xf32, #tpu.memory_space<vmem>>, vector<1x16xf32>,
      %swap3A_252 = vector.shape_cast %swap3A_251 : vector<1x16xf32> to vector<16xf32>
      %swap3A_253 = vector.shape_cast %broadcast_in_dim3A_1 : vector<16xf32> to vector<1x16xf32>
      tpu.vector_store %arg8[%swap3A_249, %swap3A_250], %swap3A_253 {strides = array<i32>} : memref<80x128xf32, #tpu.memory_space<vmem>>, vector<1x16xf32>,
      %scan3A_254 = arith.constant 0 : i32
      scf.yield %scan3A_254 : i32
    }
    %scan3A_8 = arith.constant 80 : i32
    %mul3A_9 = arith.constant 640 : i32
    %mul3A_10 = arith.muli %arg1, %mul3A_9 : i32
    %add3A_11 = arith.constant 0 : i32
    %add3A_12 = arith.addi %mul3A_10, %add3A_11 : i32
    "tpu.region"() ({
      %run_scoped3A_212 = tpu.sem_alloc : memref<!tpu.dma_semaphore, #tpu.memory_space<semaphore_mem>>
      %dma_start3A_213 = arith.constant 0 : i32
      %dma_start3A_214 = tpu.memref_slice %arg10[%add3A_12, %dma_start3A_213] : memref<10240x128xf32, #tpu.memory_space<vmem_shared>> -> memref<80x128xf32, #tpu.memory_space<vmem_shared>>
      %dma_start3A_215 = arith.constant 0 : i32
      %dma_start3A_216 = tpu.memref_slice %arg10[%add3A_12, %dma_start3A_215] : memref<10240x128xf32, #tpu.memory_space<vmem_shared>> -> memref<80x128xf32, #tpu.memory_space<vmem_shared>>
      tpu.enqueue_dma source(%arg8 : memref<80x128xf32, #tpu.memory_space<vmem>>) target(%dma_start3A_216 : memref<80x128xf32, #tpu.memory_space<vmem_shared>>) target_semaphore(%run_scoped3A_212 : memref<!tpu.dma_semaphore, #tpu.memory_space<semaphore_mem>>)
      %dma_wait3A_217 = arith.constant 0 : i32
      %dma_wait3A_218 = tpu.memref_slice %arg10[%add3A_12, %dma_wait3A_217] : memref<10240x128xf32, #tpu.memory_space<vmem_shared>> -> memref<80x128xf32, #tpu.memory_space<vmem_shared>>
      %dma_wait3A_219 = arith.constant 0 : i32
      %dma_wait3A_220 = tpu.memref_slice %arg10[%add3A_12, %dma_wait3A_219] : memref<10240x128xf32, #tpu.memory_space<vmem_shared>> -> memref<80x128xf32, #tpu.memory_space<vmem_shared>>
      tpu.wait_dma2 semaphore(%run_scoped3A_212 : memref<!tpu.dma_semaphore, #tpu.memory_space<semaphore_mem>>) src(%arg8 : memref<80x128xf32, #tpu.memory_space<vmem>>) dst(%dma_wait3A_220 : memref<80x128xf32, #tpu.memory_space<vmem_shared>>)
      tpu.yield
    }) : () -> ()
    %mul3A_13 = arith.constant 640 : i32
    %mul3A_14 = arith.muli %arg1, %mul3A_13 : i32
    %add3A_15 = arith.constant 80 : i32
    %add3A_16 = arith.addi %mul3A_14, %add3A_15 : i32
    "tpu.region"() ({
      %run_scoped3A_212 = tpu.sem_alloc : memref<!tpu.dma_semaphore, #tpu.memory_space<semaphore_mem>>
      %dma_start3A_213 = arith.constant 0 : i32
      %dma_start3A_214 = tpu.memref_slice %arg10[%add3A_16, %dma_start3A_213] : memref<10240x128xf32, #tpu.memory_space<vmem_shared>> -> memref<80x128xf32, #tpu.memory_space<vmem_shared>>
      %dma_start3A_215 = arith.constant 0 : i32
      %dma_start3A_216 = tpu.memref_slice %arg10[%add3A_16, %dma_start3A_215] : memref<10240x128xf32, #tpu.memory_space<vmem_shared>> -> memref<80x128xf32, #tpu.memory_space<vmem_shared>>
      tpu.enqueue_dma source(%arg8 : memref<80x128xf32, #tpu.memory_space<vmem>>) target(%dma_start3A_216 : memref<80x128xf32, #tpu.memory_space<vmem_shared>>) target_semaphore(%run_scoped3A_212 : memref<!tpu.dma_semaphore, #tpu.memory_space<semaphore_mem>>)
      %dma_wait3A_217 = arith.constant 0 : i32
      %dma_wait3A_218 = tpu.memref_slice %arg10[%add3A_16, %dma_wait3A_217] : memref<10240x128xf32, #tpu.memory_space<vmem_shared>> -> memref<80x128xf32, #tpu.memory_space<vmem_shared>>
      %dma_wait3A_219 = arith.constant 0 : i32
      %dma_wait3A_220 = tpu.memref_slice %arg10[%add3A_16, %dma_wait3A_219] : memref<10240x128xf32, #tpu.memory_space<vmem_shared>> -> memref<80x128xf32, #tpu.memory_space<vmem_shared>>
      tpu.wait_dma2 semaphore(%run_scoped3A_212 : memref<!tpu.dma_semaphore, #tpu.memory_space<semaphore_mem>>) src(%arg8 : memref<80x128xf32, #tpu.memory_space<vmem>>) dst(%dma_wait3A_220 : memref<80x128xf32, #tpu.memory_space<vmem_shared>>)
      tpu.yield
    }) : () -> ()
    %mul3A_17 = arith.constant 640 : i32
    %mul3A_18 = arith.muli %arg1, %mul3A_17 : i32
    %add3A_19 = arith.constant 160 : i32
    %add3A_20 = arith.addi %mul3A_18, %add3A_19 : i32
    "tpu.region"() ({
      %run_scoped3A_212 = tpu.sem_alloc : memref<!tpu.dma_semaphore, #tpu.memory_space<semaphore_mem>>
      %dma_start3A_213 = arith.constant 0 : i32
      %dma_start3A_214 = tpu.memref_slice %arg10[%add3A_20, %dma_start3A_213] : memref<10240x128xf32, #tpu.memory_space<vmem_shared>> -> memref<80x128xf32, #tpu.memory_space<vmem_shared>>
      %dma_start3A_215 = arith.constant 0 : i32
      %dma_start3A_216 = tpu.memref_slice %arg10[%add3A_20, %dma_start3A_215] : memref<10240x128xf32, #tpu.memory_space<vmem_shared>> -> memref<80x128xf32, #tpu.memory_space<vmem_shared>>
      tpu.enqueue_dma source(%arg8 : memref<80x128xf32, #tpu.memory_space<vmem>>) target(%dma_start3A_216 : memref<80x128xf32, #tpu.memory_space<vmem_shared>>) target_semaphore(%run_scoped3A_212 : memref<!tpu.dma_semaphore, #tpu.memory_space<semaphore_mem>>)
      %dma_wait3A_217 = arith.constant 0 : i32
      %dma_wait3A_218 = tpu.memref_slice %arg10[%add3A_20, %dma_wait3A_217] : memref<10240x128xf32, #tpu.memory_space<vmem_shared>> -> memref<80x128xf32, #tpu.memory_space<vmem_shared>>
      %dma_wait3A_219 = arith.constant 0 : i32
      %dma_wait3A_220 = tpu.memref_slice %arg10[%add3A_20, %dma_wait3A_219] : memref<10240x128xf32, #tpu.memory_space<vmem_shared>> -> memref<80x128xf32, #tpu.memory_space<vmem_shared>>
      tpu.wait_dma2 semaphore(%run_scoped3A_212 : memref<!tpu.dma_semaphore, #tpu.memory_space<semaphore_mem>>) src(%arg8 : memref<80x128xf32, #tpu.memory_space<vmem>>) dst(%dma_wait3A_220 : memref<80x128xf32, #tpu.memory_space<vmem_shared>>)
      tpu.yield
    }) : () -> ()
    %mul3A_21 = arith.constant 640 : i32
    %mul3A_22 = arith.muli %arg1, %mul3A_21 : i32
    %add3A_23 = arith.constant 240 : i32
    %add3A_24 = arith.addi %mul3A_22, %add3A_23 : i32
    "tpu.region"() ({
      %run_scoped3A_212 = tpu.sem_alloc : memref<!tpu.dma_semaphore, #tpu.memory_space<semaphore_mem>>
      %dma_start3A_213 = arith.constant 0 : i32
      %dma_start3A_214 = tpu.memref_slice %arg10[%add3A_24, %dma_start3A_213] : memref<10240x128xf32, #tpu.memory_space<vmem_shared>> -> memref<80x128xf32, #tpu.memory_space<vmem_shared>>
      %dma_start3A_215 = arith.constant 0 : i32
      %dma_start3A_216 = tpu.memref_slice %arg10[%add3A_24, %dma_start3A_215] : memref<10240x128xf32, #tpu.memory_space<vmem_shared>> -> memref<80x128xf32, #tpu.memory_space<vmem_shared>>
      tpu.enqueue_dma source(%arg8 : memref<80x128xf32, #tpu.memory_space<vmem>>) target(%dma_start3A_216 : memref<80x128xf32, #tpu.memory_space<vmem_shared>>) target_semaphore(%run_scoped3A_212 : memref<!tpu.dma_semaphore, #tpu.memory_space<semaphore_mem>>)
      %dma_wait3A_217 = arith.constant 0 : i32
      %dma_wait3A_218 = tpu.memref_slice %arg10[%add3A_24, %dma_wait3A_217] : memref<10240x128xf32, #tpu.memory_space<vmem_shared>> -> memref<80x128xf32, #tpu.memory_space<vmem_shared>>
      %dma_wait3A_219 = arith.constant 0 : i32
      %dma_wait3A_220 = tpu.memref_slice %arg10[%add3A_24, %dma_wait3A_219] : memref<10240x128xf32, #tpu.memory_space<vmem_shared>> -> memref<80x128xf32, #tpu.memory_space<vmem_shared>>
      tpu.wait_dma2 semaphore(%run_scoped3A_212 : memref<!tpu.dma_semaphore, #tpu.memory_space<semaphore_mem>>) src(%arg8 : memref<80x128xf32, #tpu.memory_space<vmem>>) dst(%dma_wait3A_220 : memref<80x128xf32, #tpu.memory_space<vmem_shared>>)
      tpu.yield
    }) : () -> ()
    %mul3A_25 = arith.constant 640 : i32
    %mul3A_26 = arith.muli %arg1, %mul3A_25 : i32
    %add3A_27 = arith.constant 320 : i32
    %add3A_28 = arith.addi %mul3A_26, %add3A_27 : i32
    "tpu.region"() ({
      %run_scoped3A_212 = tpu.sem_alloc : memref<!tpu.dma_semaphore, #tpu.memory_space<semaphore_mem>>
      %dma_start3A_213 = arith.constant 0 : i32
      %dma_start3A_214 = tpu.memref_slice %arg10[%add3A_28, %dma_start3A_213] : memref<10240x128xf32, #tpu.memory_space<vmem_shared>> -> memref<80x128xf32, #tpu.memory_space<vmem_shared>>
      %dma_start3A_215 = arith.constant 0 : i32
      %dma_start3A_216 = tpu.memref_slice %arg10[%add3A_28, %dma_start3A_215] : memref<10240x128xf32, #tpu.memory_space<vmem_shared>> -> memref<80x128xf32, #tpu.memory_space<vmem_shared>>
      tpu.enqueue_dma source(%arg8 : memref<80x128xf32, #tpu.memory_space<vmem>>) target(%dma_start3A_216 : memref<80x128xf32, #tpu.memory_space<vmem_shared>>) target_semaphore(%run_scoped3A_212 : memref<!tpu.dma_semaphore, #tpu.memory_space<semaphore_mem>>)
      %dma_wait3A_217 = arith.constant 0 : i32
      %dma_wait3A_218 = tpu.memref_slice %arg10[%add3A_28, %dma_wait3A_217] : memref<10240x128xf32, #tpu.memory_space<vmem_shared>> -> memref<80x128xf32, #tpu.memory_space<vmem_shared>>
      %dma_wait3A_219 = arith.constant 0 : i32
      %dma_wait3A_220 = tpu.memref_slice %arg10[%add3A_28, %dma_wait3A_219] : memref<10240x128xf32, #tpu.memory_space<vmem_shared>> -> memref<80x128xf32, #tpu.memory_space<vmem_shared>>
      tpu.wait_dma2 semaphore(%run_scoped3A_212 : memref<!tpu.dma_semaphore, #tpu.memory_space<semaphore_mem>>) src(%arg8 : memref<80x128xf32, #tpu.memory_space<vmem>>) dst(%dma_wait3A_220 : memref<80x128xf32, #tpu.memory_space<vmem_shared>>)
      tpu.yield
    }) : () -> ()
    %mul3A_29 = arith.constant 640 : i32
    %mul3A_30 = arith.muli %arg1, %mul3A_29 : i32
    %add3A_31 = arith.constant 400 : i32
    %add3A_32 = arith.addi %mul3A_30, %add3A_31 : i32
    "tpu.region"() ({
      %run_scoped3A_212 = tpu.sem_alloc : memref<!tpu.dma_semaphore, #tpu.memory_space<semaphore_mem>>
      %dma_start3A_213 = arith.constant 0 : i32
      %dma_start3A_214 = tpu.memref_slice %arg10[%add3A_32, %dma_start3A_213] : memref<10240x128xf32, #tpu.memory_space<vmem_shared>> -> memref<80x128xf32, #tpu.memory_space<vmem_shared>>
      %dma_start3A_215 = arith.constant 0 : i32
      %dma_start3A_216 = tpu.memref_slice %arg10[%add3A_32, %dma_start3A_215] : memref<10240x128xf32, #tpu.memory_space<vmem_shared>> -> memref<80x128xf32, #tpu.memory_space<vmem_shared>>
      tpu.enqueue_dma source(%arg8 : memref<80x128xf32, #tpu.memory_space<vmem>>) target(%dma_start3A_216 : memref<80x128xf32, #tpu.memory_space<vmem_shared>>) target_semaphore(%run_scoped3A_212 : memref<!tpu.dma_semaphore, #tpu.memory_space<semaphore_mem>>)
      %dma_wait3A_217 = arith.constant 0 : i32
      %dma_wait3A_218 = tpu.memref_slice %arg10[%add3A_32, %dma_wait3A_217] : memref<10240x128xf32, #tpu.memory_space<vmem_shared>> -> memref<80x128xf32, #tpu.memory_space<vmem_shared>>
      %dma_wait3A_219 = arith.constant 0 : i32
      %dma_wait3A_220 = tpu.memref_slice %arg10[%add3A_32, %dma_wait3A_219] : memref<10240x128xf32, #tpu.memory_space<vmem_shared>> -> memref<80x128xf32, #tpu.memory_space<vmem_shared>>
      tpu.wait_dma2 semaphore(%run_scoped3A_212 : memref<!tpu.dma_semaphore, #tpu.memory_space<semaphore_mem>>) src(%arg8 : memref<80x128xf32, #tpu.memory_space<vmem>>) dst(%dma_wait3A_220 : memref<80x128xf32, #tpu.memory_space<vmem_shared>>)
      tpu.yield
    }) : () -> ()
    %mul3A_33 = arith.constant 640 : i32
    %mul3A_34 = arith.muli %arg1, %mul3A_33 : i32
    %add3A_35 = arith.constant 480 : i32
    %add3A_36 = arith.addi %mul3A_34, %add3A_35 : i32
    "tpu.region"() ({
      %run_scoped3A_212 = tpu.sem_alloc : memref<!tpu.dma_semaphore, #tpu.memory_space<semaphore_mem>>
      %dma_start3A_213 = arith.constant 0 : i32
      %dma_start3A_214 = tpu.memref_slice %arg10[%add3A_36, %dma_start3A_213] : memref<10240x128xf32, #tpu.memory_space<vmem_shared>> -> memref<80x128xf32, #tpu.memory_space<vmem_shared>>
      %dma_start3A_215 = arith.constant 0 : i32
      %dma_start3A_216 = tpu.memref_slice %arg10[%add3A_36, %dma_start3A_215] : memref<10240x128xf32, #tpu.memory_space<vmem_shared>> -> memref<80x128xf32, #tpu.memory_space<vmem_shared>>
      tpu.enqueue_dma source(%arg8 : memref<80x128xf32, #tpu.memory_space<vmem>>) target(%dma_start3A_216 : memref<80x128xf32, #tpu.memory_space<vmem_shared>>) target_semaphore(%run_scoped3A_212 : memref<!tpu.dma_semaphore, #tpu.memory_space<semaphore_mem>>)
      %dma_wait3A_217 = arith.constant 0 : i32
      %dma_wait3A_218 = tpu.memref_slice %arg10[%add3A_36, %dma_wait3A_217] : memref<10240x128xf32, #tpu.memory_space<vmem_shared>> -> memref<80x128xf32, #tpu.memory_space<vmem_shared>>
      %dma_wait3A_219 = arith.constant 0 : i32
      %dma_wait3A_220 = tpu.memref_slice %arg10[%add3A_36, %dma_wait3A_219] : memref<10240x128xf32, #tpu.memory_space<vmem_shared>> -> memref<80x128xf32, #tpu.memory_space<vmem_shared>>
      tpu.wait_dma2 semaphore(%run_scoped3A_212 : memref<!tpu.dma_semaphore, #tpu.memory_space<semaphore_mem>>) src(%arg8 : memref<80x128xf32, #tpu.memory_space<vmem>>) dst(%dma_wait3A_220 : memref<80x128xf32, #tpu.memory_space<vmem_shared>>)
      tpu.yield
    }) : () -> ()
    %mul3A_37 = arith.constant 640 : i32
    %mul3A_38 = arith.muli %arg1, %mul3A_37 : i32
    %add3A_39 = arith.constant 560 : i32
    %add3A_40 = arith.addi %mul3A_38, %add3A_39 : i32
    "tpu.region"() ({
      %run_scoped3A_212 = tpu.sem_alloc : memref<!tpu.dma_semaphore, #tpu.memory_space<semaphore_mem>>
      %dma_start3A_213 = arith.constant 0 : i32
      %dma_start3A_214 = tpu.memref_slice %arg10[%add3A_40, %dma_start3A_213] : memref<10240x128xf32, #tpu.memory_space<vmem_shared>> -> memref<80x128xf32, #tpu.memory_space<vmem_shared>>
      %dma_start3A_215 = arith.constant 0 : i32
      %dma_start3A_216 = tpu.memref_slice %arg10[%add3A_40, %dma_start3A_215] : memref<10240x128xf32, #tpu.memory_space<vmem_shared>> -> memref<80x128xf32, #tpu.memory_space<vmem_shared>>
      tpu.enqueue_dma source(%arg8 : memref<80x128xf32, #tpu.memory_space<vmem>>) target(%dma_start3A_216 : memref<80x128xf32, #tpu.memory_space<vmem_shared>>) target_semaphore(%run_scoped3A_212 : memref<!tpu.dma_semaphore, #tpu.memory_space<semaphore_mem>>)
      %dma_wait3A_217 = arith.constant 0 : i32
      %dma_wait3A_218 = tpu.memref_slice %arg10[%add3A_40, %dma_wait3A_217] : memref<10240x128xf32, #tpu.memory_space<vmem_shared>> -> memref<80x128xf32, #tpu.memory_space<vmem_shared>>
      %dma_wait3A_219 = arith.constant 0 : i32
      %dma_wait3A_220 = tpu.memref_slice %arg10[%add3A_40, %dma_wait3A_219] : memref<10240x128xf32, #tpu.memory_space<vmem_shared>> -> memref<80x128xf32, #tpu.memory_space<vmem_shared>>
      tpu.wait_dma2 semaphore(%run_scoped3A_212 : memref<!tpu.dma_semaphore, #tpu.memory_space<semaphore_mem>>) src(%arg8 : memref<80x128xf32, #tpu.memory_space<vmem>>) dst(%dma_wait3A_220 : memref<80x128xf32, #tpu.memory_space<vmem_shared>>)
      tpu.yield
    }) : () -> ()
    %barrier3A = arith.constant 0 : index
    tpu.barrier barrier_id(%barrier3A)
    %dma_start3A = arith.constant 0 : i32
    %dma_start3A_41 = tpu.memref_slice %arg5[%dma_start3A] : memref<10000xi32, #tpu.memory_space<vmem>> -> memref<80xi32, #tpu.memory_space<vmem>>
    %dma_start3A_42 = arith.constant 0 : i32
    %dma_start3A_43 = arith.constant 0 : i32
    %dma_start3A_44 = tpu.memref_slice %arg2[%dma_start3A_42, %dma_start3A_43] : memref<10000x128xf32, #tpu.memory_space<hbm>> -> memref<10000x128xf32, #tpu.memory_space<hbm>>
    tpu.enqueue_indirect_dma source(%dma_start3A_44 : memref<10000x128xf32, #tpu.memory_space<hbm>>) target(%arg8 : memref<80x128xf32, #tpu.memory_space<vmem>>) offsets(%dma_start3A_41 : memref<80xi32, #tpu.memory_space<vmem>>) semaphore(%arg11 : memref<!tpu.dma_semaphore, #tpu.memory_space<semaphore_mem>>)
    %dma_start3A_45 = arith.constant 80 : i32
    %dma_start3A_46 = tpu.memref_slice %arg5[%dma_start3A_45] : memref<10000xi32, #tpu.memory_space<vmem>> -> memref<80xi32, #tpu.memory_space<vmem>>
    %dma_start3A_47 = arith.constant 0 : i32
    %dma_start3A_48 = arith.constant 0 : i32
    %dma_start3A_49 = tpu.memref_slice %arg2[%dma_start3A_47, %dma_start3A_48] : memref<10000x128xf32, #tpu.memory_space<hbm>> -> memref<10000x128xf32, #tpu.memory_space<hbm>>
    tpu.enqueue_indirect_dma source(%dma_start3A_49 : memref<10000x128xf32, #tpu.memory_space<hbm>>) target(%arg9 : memref<80x128xf32, #tpu.memory_space<vmem>>) offsets(%dma_start3A_46 : memref<80xi32, #tpu.memory_space<vmem>>) semaphore(%arg12 : memref<!tpu.dma_semaphore, #tpu.memory_space<semaphore_mem>>)
    %scan3A_50 = arith.constant 0 : i32
    %scan3A_51 = arith.constant 0 : i32
    %scan3A_52 = arith.constant 61 : i32
    %scan3A_53 = arith.addi %scan3A_51, %scan3A_52 : i32
    %scan3A_54 = arith.constant 1 : i32
    %scan3A_55 = scf.for %scan3A_212 = %scan3A_51 to %scan3A_53 step %scan3A_54 iter_args(%scan3A_213 = %scan3A_50) -> (i32)  : i32 {
      %mul3A_214 = arith.constant 2 : i32
      %mul3A_215 = arith.muli %mul3A_214, %scan3A_212 : i32
      %dma_wait3A_216 = arith.constant 0 : i32
      %dma_wait3A_217 = tpu.memref_slice %arg5[%dma_wait3A_216] : memref<10000xi32, #tpu.memory_space<vmem>> -> memref<80xi32, #tpu.memory_space<vmem>>
      %dma_wait3A_218 = arith.constant 0 : i32
      %dma_wait3A_219 = arith.constant 0 : i32
      %dma_wait3A_220 = tpu.memref_slice %arg2[%dma_wait3A_218, %dma_wait3A_219] : memref<10000x128xf32, #tpu.memory_space<hbm>> -> memref<10000x128xf32, #tpu.memory_space<hbm>>
      tpu.wait_indirect_dma semaphore(%arg11 : memref<!tpu.dma_semaphore, #tpu.memory_space<semaphore_mem>>) src(%dma_wait3A_220 : memref<10000x128xf32, #tpu.memory_space<hbm>>) dst(%arg8 : memref<80x128xf32, #tpu.memory_space<vmem>>)
      %mul3A_221 = arith.constant 80 : i32
      %mul3A_222 = arith.muli %mul3A_215, %mul3A_221 : i32
      %add3A_223 = arith.constant 0 : i32
      %add3A_224 = arith.addi %mul3A_222, %add3A_223 : i32
      %get3A_225 = arith.index_cast %add3A_224 : i32 to index
      %get3A_226 = tpu.vector_load %arg6[%get3A_225] {strides = array<i32>} : memref<10000xi32, #tpu.memory_space<vmem>>, vector<16xi32>,
      %get3A_227 = vector.shape_cast %get3A_226 : vector<16xi32> to vector<16xi32>
      %swap3A_228 = arith.constant 0 : index
      %swap3A_229 = tpu.vector_load %arg7[%swap3A_228] {strides = array<i32>} : memref<80xi32, #tpu.memory_space<vmem>>, vector<16xi32>,
      %swap3A_230 = vector.shape_cast %swap3A_229 : vector<16xi32> to vector<16xi32>
      %swap3A_231 = vector.shape_cast %get3A_227 : vector<16xi32> to vector<16xi32>
      tpu.vector_store %arg7[%swap3A_228], %swap3A_231 {strides = array<i32>} : memref<80xi32, #tpu.memory_space<vmem>>, vector<16xi32>,
      %mul3A_232 = arith.constant 80 : i32
      %mul3A_233 = arith.muli %mul3A_215, %mul3A_232 : i32
      %add3A_234 = arith.constant 16 : i32
      %add3A_235 = arith.addi %mul3A_233, %add3A_234 : i32
      %get3A_236 = arith.index_cast %add3A_235 : i32 to index
      %get3A_237 = tpu.vector_load %arg6[%get3A_236] {strides = array<i32>} : memref<10000xi32, #tpu.memory_space<vmem>>, vector<16xi32>,
      %get3A_238 = vector.shape_cast %get3A_237 : vector<16xi32> to vector<16xi32>
      %swap3A_239 = arith.constant 16 : index
      %swap3A_240 = tpu.vector_load %arg7[%swap3A_239] {strides = array<i32>} : memref<80xi32, #tpu.memory_space<vmem>>, vector<16xi32>,
      %swap3A_241 = vector.shape_cast %swap3A_240 : vector<16xi32> to vector<16xi32>
      %swap3A_242 = vector.shape_cast %get3A_238 : vector<16xi32> to vector<16xi32>
      tpu.vector_store %arg7[%swap3A_239], %swap3A_242 {strides = array<i32>} : memref<80xi32, #tpu.memory_space<vmem>>, vector<16xi32>,
      %mul3A_243 = arith.constant 80 : i32
      %mul3A_244 = arith.muli %mul3A_215, %mul3A_243 : i32
      %add3A_245 = arith.constant 32 : i32
      %add3A_246 = arith.addi %mul3A_244, %add3A_245 : i32
      %get3A_247 = arith.index_cast %add3A_246 : i32 to index
      %get3A_248 = tpu.vector_load %arg6[%get3A_247] {strides = array<i32>} : memref<10000xi32, #tpu.memory_space<vmem>>, vector<16xi32>,
      %get3A_249 = vector.shape_cast %get3A_248 : vector<16xi32> to vector<16xi32>
      %swap3A_250 = arith.constant 32 : index
      %swap3A_251 = tpu.vector_load %arg7[%swap3A_250] {strides = array<i32>} : memref<80xi32, #tpu.memory_space<vmem>>, vector<16xi32>,
      %swap3A_252 = vector.shape_cast %swap3A_251 : vector<16xi32> to vector<16xi32>
      %swap3A_253 = vector.shape_cast %get3A_249 : vector<16xi32> to vector<16xi32>
      tpu.vector_store %arg7[%swap3A_250], %swap3A_253 {strides = array<i32>} : memref<80xi32, #tpu.memory_space<vmem>>, vector<16xi32>,
      %mul3A_254 = arith.constant 80 : i32
      %mul3A_255 = arith.muli %mul3A_215, %mul3A_254 : i32
      %add3A_256 = arith.constant 48 : i32
      %add3A_257 = arith.addi %mul3A_255, %add3A_256 : i32
      %get3A_258 = arith.index_cast %add3A_257 : i32 to index
      %get3A_259 = tpu.vector_load %arg6[%get3A_258] {strides = array<i32>} : memref<10000xi32, #tpu.memory_space<vmem>>, vector<16xi32>,
      %get3A_260 = vector.shape_cast %get3A_259 : vector<16xi32> to vector<16xi32>
      %swap3A_261 = arith.constant 48 : index
      %swap3A_262 = tpu.vector_load %arg7[%swap3A_261] {strides = array<i32>} : memref<80xi32, #tpu.memory_space<vmem>>, vector<16xi32>,
      %swap3A_263 = vector.shape_cast %swap3A_262 : vector<16xi32> to vector<16xi32>
      %swap3A_264 = vector.shape_cast %get3A_260 : vector<16xi32> to vector<16xi32>
      tpu.vector_store %arg7[%swap3A_261], %swap3A_264 {strides = array<i32>} : memref<80xi32, #tpu.memory_space<vmem>>, vector<16xi32>,
      %mul3A_265 = arith.constant 80 : i32
      %mul3A_266 = arith.muli %mul3A_215, %mul3A_265 : i32
      %add3A_267 = arith.constant 64 : i32
      %add3A_268 = arith.addi %mul3A_266, %add3A_267 : i32
      %get3A_269 = arith.index_cast %add3A_268 : i32 to index
      %get3A_270 = tpu.vector_load %arg6[%get3A_269] {strides = array<i32>} : memref<10000xi32, #tpu.memory_space<vmem>>, vector<16xi32>,
      %get3A_271 = vector.shape_cast %get3A_270 : vector<16xi32> to vector<16xi32>
      %swap3A_272 = arith.constant 64 : index
      %swap3A_273 = tpu.vector_load %arg7[%swap3A_272] {strides = array<i32>} : memref<80xi32, #tpu.memory_space<vmem>>, vector<16xi32>,
      %swap3A_274 = vector.shape_cast %swap3A_273 : vector<16xi32> to vector<16xi32>
      %swap3A_275 = vector.shape_cast %get3A_271 : vector<16xi32> to vector<16xi32>
      tpu.vector_store %arg7[%swap3A_272], %swap3A_275 {strides = array<i32>} : memref<80xi32, #tpu.memory_space<vmem>>, vector<16xi32>,
      "tpu.region"() ({
        %run_scoped3A_355 = tpu.sem_alloc : memref<!tpu.dma_semaphore, #tpu.memory_space<semaphore_mem>>
        %dma_start3A_356 = arith.constant 0 : i32
        %dma_start3A_357 = arith.constant 0 : i32
        %dma_start3A_358 = tpu.memref_slice %arg10[%dma_start3A_356, %dma_start3A_357] : memref<10240x128xf32, #tpu.memory_space<vmem_shared>> -> memref<10240x128xf32, #tpu.memory_space<vmem_shared>>
        tpu.enqueue_indirect_dma source(%arg8 : memref<80x128xf32, #tpu.memory_space<vmem>>) target(%dma_start3A_358 : memref<10240x128xf32, #tpu.memory_space<vmem_shared>>) offsets(%arg7 : memref<80xi32, #tpu.memory_space<vmem>>) semaphore(%run_scoped3A_355 : memref<!tpu.dma_semaphore, #tpu.memory_space<semaphore_mem>>) {add = true}
        %dma_wait3A_359 = arith.constant 0 : i32
        %dma_wait3A_360 = arith.constant 0 : i32
        %dma_wait3A_361 = tpu.memref_slice %arg10[%dma_wait3A_359, %dma_wait3A_360] : memref<10240x128xf32, #tpu.memory_space<vmem_shared>> -> memref<10240x128xf32, #tpu.memory_space<vmem_shared>>
        tpu.wait_indirect_dma semaphore(%run_scoped3A_355 : memref<!tpu.dma_semaphore, #tpu.memory_space<semaphore_mem>>) src(%arg8 : memref<80x128xf32, #tpu.memory_space<vmem>>) dst(%dma_wait3A_361 : memref<10240x128xf32, #tpu.memory_space<vmem_shared>>)
        tpu.yield
      }) : () -> ()
      %add3A_276 = arith.constant 2 : i32
      %add3A_277 = arith.addi %mul3A_215, %add3A_276 : i32
      %mul3A_278 = arith.constant 80 : i32
      %mul3A_279 = arith.muli %add3A_277, %mul3A_278 : i32
      %dma_start3A_280 = tpu.memref_slice %arg5[%mul3A_279] : memref<10000xi32, #tpu.memory_space<vmem>> -> memref<80xi32, #tpu.memory_space<vmem>>
      %dma_start3A_281 = arith.constant 0 : i32
      %dma_start3A_282 = arith.constant 0 : i32
      %dma_start3A_283 = tpu.memref_slice %arg2[%dma_start3A_281, %dma_start3A_282] : memref<10000x128xf32, #tpu.memory_space<hbm>> -> memref<10000x128xf32, #tpu.memory_space<hbm>>
      tpu.enqueue_indirect_dma source(%dma_start3A_283 : memref<10000x128xf32, #tpu.memory_space<hbm>>) target(%arg8 : memref<80x128xf32, #tpu.memory_space<vmem>>) offsets(%dma_start3A_280 : memref<80xi32, #tpu.memory_space<vmem>>) semaphore(%arg11 : memref<!tpu.dma_semaphore, #tpu.memory_space<semaphore_mem>>)
      %dma_wait3A_284 = arith.constant 0 : i32
      %dma_wait3A_285 = tpu.memref_slice %arg5[%dma_wait3A_284] : memref<10000xi32, #tpu.memory_space<vmem>> -> memref<80xi32, #tpu.memory_space<vmem>>
      %dma_wait3A_286 = arith.constant 0 : i32
      %dma_wait3A_287 = arith.constant 0 : i32
      %dma_wait3A_288 = tpu.memref_slice %arg2[%dma_wait3A_286, %dma_wait3A_287] : memref<10000x128xf32, #tpu.memory_space<hbm>> -> memref<10000x128xf32, #tpu.memory_space<hbm>>
      tpu.wait_indirect_dma semaphore(%arg12 : memref<!tpu.dma_semaphore, #tpu.memory_space<semaphore_mem>>) src(%dma_wait3A_288 : memref<10000x128xf32, #tpu.memory_space<hbm>>) dst(%arg9 : memref<80x128xf32, #tpu.memory_space<vmem>>)
      %add3A_289 = arith.constant 1 : i32
      %add3A_290 = arith.addi %mul3A_215, %add3A_289 : i32
      %mul3A_291 = arith.constant 80 : i32
      %mul3A_292 = arith.muli %add3A_290, %mul3A_291 : i32
      %add3A_293 = arith.constant 0 : i32
      %add3A_294 = arith.addi %mul3A_292, %add3A_293 : i32
      %get3A_295 = arith.index_cast %add3A_294 : i32 to index
      %get3A_296 = tpu.vector_load %arg6[%get3A_295] {strides = array<i32>} : memref<10000xi32, #tpu.memory_space<vmem>>, vector<16xi32>,
      %get3A_297 = vector.shape_cast %get3A_296 : vector<16xi32> to vector<16xi32>
      %swap3A_298 = arith.constant 0 : index
      %swap3A_299 = tpu.vector_load %arg7[%swap3A_298] {strides = array<i32>} : memref<80xi32, #tpu.memory_space<vmem>>, vector<16xi32>,
      %swap3A_300 = vector.shape_cast %swap3A_299 : vector<16xi32> to vector<16xi32>
      %swap3A_301 = vector.shape_cast %get3A_297 : vector<16xi32> to vector<16xi32>
      tpu.vector_store %arg7[%swap3A_298], %swap3A_301 {strides = array<i32>} : memref<80xi32, #tpu.memory_space<vmem>>, vector<16xi32>,
      %mul3A_302 = arith.constant 80 : i32
      %mul3A_303 = arith.muli %add3A_290, %mul3A_302 : i32
      %add3A_304 = arith.constant 16 : i32
      %add3A_305 = arith.addi %mul3A_303, %add3A_304 : i32
      %get3A_306 = arith.index_cast %add3A_305 : i32 to index
      %get3A_307 = tpu.vector_load %arg6[%get3A_306] {strides = array<i32>} : memref<10000xi32, #tpu.memory_space<vmem>>, vector<16xi32>,
      %get3A_308 = vector.shape_cast %get3A_307 : vector<16xi32> to vector<16xi32>
      %swap3A_309 = arith.constant 16 : index
      %swap3A_310 = tpu.vector_load %arg7[%swap3A_309] {strides = array<i32>} : memref<80xi32, #tpu.memory_space<vmem>>, vector<16xi32>,
      %swap3A_311 = vector.shape_cast %swap3A_310 : vector<16xi32> to vector<16xi32>
      %swap3A_312 = vector.shape_cast %get3A_308 : vector<16xi32> to vector<16xi32>
      tpu.vector_store %arg7[%swap3A_309], %swap3A_312 {strides = array<i32>} : memref<80xi32, #tpu.memory_space<vmem>>, vector<16xi32>,
      %mul3A_313 = arith.constant 80 : i32
      %mul3A_314 = arith.muli %add3A_290, %mul3A_313 : i32
      %add3A_315 = arith.constant 32 : i32
      %add3A_316 = arith.addi %mul3A_314, %add3A_315 : i32
      %get3A_317 = arith.index_cast %add3A_316 : i32 to index
      %get3A_318 = tpu.vector_load %arg6[%get3A_317] {strides = array<i32>} : memref<10000xi32, #tpu.memory_space<vmem>>, vector<16xi32>,
      %get3A_319 = vector.shape_cast %get3A_318 : vector<16xi32> to vector<16xi32>
      %swap3A_320 = arith.constant 32 : index
      %swap3A_321 = tpu.vector_load %arg7[%swap3A_320] {strides = array<i32>} : memref<80xi32, #tpu.memory_space<vmem>>, vector<16xi32>,
      %swap3A_322 = vector.shape_cast %swap3A_321 : vector<16xi32> to vector<16xi32>
      %swap3A_323 = vector.shape_cast %get3A_319 : vector<16xi32> to vector<16xi32>
      tpu.vector_store %arg7[%swap3A_320], %swap3A_323 {strides = array<i32>} : memref<80xi32, #tpu.memory_space<vmem>>, vector<16xi32>,
      %mul3A_324 = arith.constant 80 : i32
      %mul3A_325 = arith.muli %add3A_290, %mul3A_324 : i32
      %add3A_326 = arith.constant 48 : i32
      %add3A_327 = arith.addi %mul3A_325, %add3A_326 : i32
      %get3A_328 = arith.index_cast %add3A_327 : i32 to index
      %get3A_329 = tpu.vector_load %arg6[%get3A_328] {strides = array<i32>} : memref<10000xi32, #tpu.memory_space<vmem>>, vector<16xi32>,
      %get3A_330 = vector.shape_cast %get3A_329 : vector<16xi32> to vector<16xi32>
      %swap3A_331 = arith.constant 48 : index
      %swap3A_332 = tpu.vector_load %arg7[%swap3A_331] {strides = array<i32>} : memref<80xi32, #tpu.memory_space<vmem>>, vector<16xi32>,
      %swap3A_333 = vector.shape_cast %swap3A_332 : vector<16xi32> to vector<16xi32>
      %swap3A_334 = vector.shape_cast %get3A_330 : vector<16xi32> to vector<16xi32>
      tpu.vector_store %arg7[%swap3A_331], %swap3A_334 {strides = array<i32>} : memref<80xi32, #tpu.memory_space<vmem>>, vector<16xi32>,
      %mul3A_335 = arith.constant 80 : i32
      %mul3A_336 = arith.muli %add3A_290, %mul3A_335 : i32
      %add3A_337 = arith.constant 64 : i32
      %add3A_338 = arith.addi %mul3A_336, %add3A_337 : i32
      %get3A_339 = arith.index_cast %add3A_338 : i32 to index
      %get3A_340 = tpu.vector_load %arg6[%get3A_339] {strides = array<i32>} : memref<10000xi32, #tpu.memory_space<vmem>>, vector<16xi32>,
      %get3A_341 = vector.shape_cast %get3A_340 : vector<16xi32> to vector<16xi32>
      %swap3A_342 = arith.constant 64 : index
      %swap3A_343 = tpu.vector_load %arg7[%swap3A_342] {strides = array<i32>} : memref<80xi32, #tpu.memory_space<vmem>>, vector<16xi32>,
      %swap3A_344 = vector.shape_cast %swap3A_343 : vector<16xi32> to vector<16xi32>
      %swap3A_345 = vector.shape_cast %get3A_341 : vector<16xi32> to vector<16xi32>
      tpu.vector_store %arg7[%swap3A_342], %swap3A_345 {strides = array<i32>} : memref<80xi32, #tpu.memory_space<vmem>>, vector<16xi32>,
      "tpu.region"() ({
        %run_scoped3A_355 = tpu.sem_alloc : memref<!tpu.dma_semaphore, #tpu.memory_space<semaphore_mem>>
        %dma_start3A_356 = arith.constant 0 : i32
        %dma_start3A_357 = arith.constant 0 : i32
        %dma_start3A_358 = tpu.memref_slice %arg10[%dma_start3A_356, %dma_start3A_357] : memref<10240x128xf32, #tpu.memory_space<vmem_shared>> -> memref<10240x128xf32, #tpu.memory_space<vmem_shared>>
        tpu.enqueue_indirect_dma source(%arg9 : memref<80x128xf32, #tpu.memory_space<vmem>>) target(%dma_start3A_358 : memref<10240x128xf32, #tpu.memory_space<vmem_shared>>) offsets(%arg7 : memref<80xi32, #tpu.memory_space<vmem>>) semaphore(%run_scoped3A_355 : memref<!tpu.dma_semaphore, #tpu.memory_space<semaphore_mem>>) {add = true}
        %dma_wait3A_359 = arith.constant 0 : i32
        %dma_wait3A_360 = arith.constant 0 : i32
        %dma_wait3A_361 = tpu.memref_slice %arg10[%dma_wait3A_359, %dma_wait3A_360] : memref<10240x128xf32, #tpu.memory_space<vmem_shared>> -> memref<10240x128xf32, #tpu.memory_space<vmem_shared>>
        tpu.wait_indirect_dma semaphore(%run_scoped3A_355 : memref<!tpu.dma_semaphore, #tpu.memory_space<semaphore_mem>>) src(%arg9 : memref<80x128xf32, #tpu.memory_space<vmem>>) dst(%dma_wait3A_361 : memref<10240x128xf32, #tpu.memory_space<vmem_shared>>)
        tpu.yield
      }) : () -> ()
      %add3A_346 = arith.constant 3 : i32
      %add3A_347 = arith.addi %mul3A_215, %add3A_346 : i32
      %mul3A_348 = arith.constant 80 : i32
      %mul3A_349 = arith.muli %add3A_347, %mul3A_348 : i32
      %dma_start3A_350 = tpu.memref_slice %arg5[%mul3A_349] : memref<10000xi32, #tpu.memory_space<vmem>> -> memref<80xi32, #tpu.memory_space<vmem>>
      %dma_start3A_351 = arith.constant 0 : i32
      %dma_start3A_352 = arith.constant 0 : i32
      %dma_start3A_353 = tpu.memref_slice %arg2[%dma_start3A_351, %dma_start3A_352] : memref<10000x128xf32, #tpu.memory_space<hbm>> -> memref<10000x128xf32, #tpu.memory_space<hbm>>
      tpu.enqueue_indirect_dma source(%dma_start3A_353 : memref<10000x128xf32, #tpu.memory_space<hbm>>) target(%arg9 : memref<80x128xf32, #tpu.memory_space<vmem>>) offsets(%dma_start3A_350 : memref<80xi32, #tpu.memory_space<vmem>>) semaphore(%arg12 : memref<!tpu.dma_semaphore, #tpu.memory_space<semaphore_mem>>)
      %scan3A_354 = arith.constant 0 : i32
      scf.yield %scan3A_354 : i32
    }
    %scan3A_56 = arith.constant 61 : i32
    %dma_wait3A = arith.constant 0 : i32
    %dma_wait3A_57 = tpu.memref_slice %arg5[%dma_wait3A] : memref<10000xi32, #tpu.memory_space<vmem>> -> memref<80xi32, #tpu.memory_space<vmem>>
    %dma_wait3A_58 = arith.constant 0 : i32
    %dma_wait3A_59 = arith.constant 0 : i32
    %dma_wait3A_60 = tpu.memref_slice %arg2[%dma_wait3A_58, %dma_wait3A_59] : memref<10000x128xf32, #tpu.memory_space<hbm>> -> memref<10000x128xf32, #tpu.memory_space<hbm>>
    tpu.wait_indirect_dma semaphore(%arg11 : memref<!tpu.dma_semaphore, #tpu.memory_space<semaphore_mem>>) src(%dma_wait3A_60 : memref<10000x128xf32, #tpu.memory_space<hbm>>) dst(%arg8 : memref<80x128xf32, #tpu.memory_space<vmem>>)
    %get3A = arith.constant 9760 : index
    %get3A_61 = tpu.vector_load %arg6[%get3A] {strides = array<i32>} : memref<10000xi32, #tpu.memory_space<vmem>>, vector<16xi32>,
    %get3A_62 = vector.shape_cast %get3A_61 : vector<16xi32> to vector<16xi32>
    %swap3A = arith.constant 0 : index
    %swap3A_63 = tpu.vector_load %arg7[%swap3A] {strides = array<i32>} : memref<80xi32, #tpu.memory_space<vmem>>, vector<16xi32>,
    %swap3A_64 = vector.shape_cast %swap3A_63 : vector<16xi32> to vector<16xi32>
    %swap3A_65 = vector.shape_cast %get3A_62 : vector<16xi32> to vector<16xi32>
    tpu.vector_store %arg7[%swap3A], %swap3A_65 {strides = array<i32>} : memref<80xi32, #tpu.memory_space<vmem>>, vector<16xi32>,
    %get3A_66 = arith.constant 9776 : index
    %get3A_67 = tpu.vector_load %arg6[%get3A_66] {strides = array<i32>} : memref<10000xi32, #tpu.memory_space<vmem>>, vector<16xi32>,
    %get3A_68 = vector.shape_cast %get3A_67 : vector<16xi32> to vector<16xi32>
    %swap3A_69 = arith.constant 16 : index
    %swap3A_70 = tpu.vector_load %arg7[%swap3A_69] {strides = array<i32>} : memref<80xi32, #tpu.memory_space<vmem>>, vector<16xi32>,
    %swap3A_71 = vector.shape_cast %swap3A_70 : vector<16xi32> to vector<16xi32>
    %swap3A_72 = vector.shape_cast %get3A_68 : vector<16xi32> to vector<16xi32>
    tpu.vector_store %arg7[%swap3A_69], %swap3A_72 {strides = array<i32>} : memref<80xi32, #tpu.memory_space<vmem>>, vector<16xi32>,
    %get3A_73 = arith.constant 9792 : index
    %get3A_74 = tpu.vector_load %arg6[%get3A_73] {strides = array<i32>} : memref<10000xi32, #tpu.memory_space<vmem>>, vector<16xi32>,
    %get3A_75 = vector.shape_cast %get3A_74 : vector<16xi32> to vector<16xi32>
    %swap3A_76 = arith.constant 32 : index
    %swap3A_77 = tpu.vector_load %arg7[%swap3A_76] {strides = array<i32>} : memref<80xi32, #tpu.memory_space<vmem>>, vector<16xi32>,
    %swap3A_78 = vector.shape_cast %swap3A_77 : vector<16xi32> to vector<16xi32>
    %swap3A_79 = vector.shape_cast %get3A_75 : vector<16xi32> to vector<16xi32>
    tpu.vector_store %arg7[%swap3A_76], %swap3A_79 {strides = array<i32>} : memref<80xi32, #tpu.memory_space<vmem>>, vector<16xi32>,
    %get3A_80 = arith.constant 9808 : index
    %get3A_81 = tpu.vector_load %arg6[%get3A_80] {strides = array<i32>} : memref<10000xi32, #tpu.memory_space<vmem>>, vector<16xi32>,
    %get3A_82 = vector.shape_cast %get3A_81 : vector<16xi32> to vector<16xi32>
    %swap3A_83 = arith.constant 48 : index
    %swap3A_84 = tpu.vector_load %arg7[%swap3A_83] {strides = array<i32>} : memref<80xi32, #tpu.memory_space<vmem>>, vector<16xi32>,
    %swap3A_85 = vector.shape_cast %swap3A_84 : vector<16xi32> to vector<16xi32>
    %swap3A_86 = vector.shape_cast %get3A_82 : vector<16xi32> to vector<16xi32>
    tpu.vector_store %arg7[%swap3A_83], %swap3A_86 {strides = array<i32>} : memref<80xi32, #tpu.memory_space<vmem>>, vector<16xi32>,
    %get3A_87 = arith.constant 9824 : index
    %get3A_88 = tpu.vector_load %arg6[%get3A_87] {strides = array<i32>} : memref<10000xi32, #tpu.memory_space<vmem>>, vector<16xi32>,
    %get3A_89 = vector.shape_cast %get3A_88 : vector<16xi32> to vector<16xi32>
    %swap3A_90 = arith.constant 64 : index
    %swap3A_91 = tpu.vector_load %arg7[%swap3A_90] {strides = array<i32>} : memref<80xi32, #tpu.memory_space<vmem>>, vector<16xi32>,
    %swap3A_92 = vector.shape_cast %swap3A_91 : vector<16xi32> to vector<16xi32>
    %swap3A_93 = vector.shape_cast %get3A_89 : vector<16xi32> to vector<16xi32>
    tpu.vector_store %arg7[%swap3A_90], %swap3A_93 {strides = array<i32>} : memref<80xi32, #tpu.memory_space<vmem>>, vector<16xi32>,
    "tpu.region"() ({
      %run_scoped3A_212 = tpu.sem_alloc : memref<!tpu.dma_semaphore, #tpu.memory_space<semaphore_mem>>
      %dma_start3A_213 = arith.constant 0 : i32
      %dma_start3A_214 = arith.constant 0 : i32
      %dma_start3A_215 = tpu.memref_slice %arg10[%dma_start3A_213, %dma_start3A_214] : memref<10240x128xf32, #tpu.memory_space<vmem_shared>> -> memref<10240x128xf32, #tpu.memory_space<vmem_shared>>
      tpu.enqueue_indirect_dma source(%arg8 : memref<80x128xf32, #tpu.memory_space<vmem>>) target(%dma_start3A_215 : memref<10240x128xf32, #tpu.memory_space<vmem_shared>>) offsets(%arg7 : memref<80xi32, #tpu.memory_space<vmem>>) semaphore(%run_scoped3A_212 : memref<!tpu.dma_semaphore, #tpu.memory_space<semaphore_mem>>) {add = true}
      %dma_wait3A_216 = arith.constant 0 : i32
      %dma_wait3A_217 = arith.constant 0 : i32
      %dma_wait3A_218 = tpu.memref_slice %arg10[%dma_wait3A_216, %dma_wait3A_217] : memref<10240x128xf32, #tpu.memory_space<vmem_shared>> -> memref<10240x128xf32, #tpu.memory_space<vmem_shared>>
      tpu.wait_indirect_dma semaphore(%run_scoped3A_212 : memref<!tpu.dma_semaphore, #tpu.memory_space<semaphore_mem>>) src(%arg8 : memref<80x128xf32, #tpu.memory_space<vmem>>) dst(%dma_wait3A_218 : memref<10240x128xf32, #tpu.memory_space<vmem_shared>>)
      tpu.yield
    }) : () -> ()
    %dma_start3A_94 = arith.constant 9920 : i32
    %dma_start3A_95 = tpu.memref_slice %arg5[%dma_start3A_94] : memref<10000xi32, #tpu.memory_space<vmem>> -> memref<80xi32, #tpu.memory_space<vmem>>
    %dma_start3A_96 = arith.constant 0 : i32
    %dma_start3A_97 = arith.constant 0 : i32
    %dma_start3A_98 = tpu.memref_slice %arg2[%dma_start3A_96, %dma_start3A_97] : memref<10000x128xf32, #tpu.memory_space<hbm>> -> memref<10000x128xf32, #tpu.memory_space<hbm>>
    tpu.enqueue_indirect_dma source(%dma_start3A_98 : memref<10000x128xf32, #tpu.memory_space<hbm>>) target(%arg8 : memref<80x128xf32, #tpu.memory_space<vmem>>) offsets(%dma_start3A_95 : memref<80xi32, #tpu.memory_space<vmem>>) semaphore(%arg11 : memref<!tpu.dma_semaphore, #tpu.memory_space<semaphore_mem>>)
    %dma_wait3A_99 = arith.constant 0 : i32
    %dma_wait3A_100 = tpu.memref_slice %arg5[%dma_wait3A_99] : memref<10000xi32, #tpu.memory_space<vmem>> -> memref<80xi32, #tpu.memory_space<vmem>>
    %dma_wait3A_101 = arith.constant 0 : i32
    %dma_wait3A_102 = arith.constant 0 : i32
    %dma_wait3A_103 = tpu.memref_slice %arg2[%dma_wait3A_101, %dma_wait3A_102] : memref<10000x128xf32, #tpu.memory_space<hbm>> -> memref<10000x128xf32, #tpu.memory_space<hbm>>
    tpu.wait_indirect_dma semaphore(%arg12 : memref<!tpu.dma_semaphore, #tpu.memory_space<semaphore_mem>>) src(%dma_wait3A_103 : memref<10000x128xf32, #tpu.memory_space<hbm>>) dst(%arg9 : memref<80x128xf32, #tpu.memory_space<vmem>>)
    %get3A_104 = arith.constant 9840 : index
    %get3A_105 = tpu.vector_load %arg6[%get3A_104] {strides = array<i32>} : memref<10000xi32, #tpu.memory_space<vmem>>, vector<16xi32>,
    %get3A_106 = vector.shape_cast %get3A_105 : vector<16xi32> to vector<16xi32>
    %swap3A_107 = arith.constant 0 : index
    %swap3A_108 = tpu.vector_load %arg7[%swap3A_107] {strides = array<i32>} : memref<80xi32, #tpu.memory_space<vmem>>, vector<16xi32>,
    %swap3A_109 = vector.shape_cast %swap3A_108 : vector<16xi32> to vector<16xi32>
    %swap3A_110 = vector.shape_cast %get3A_106 : vector<16xi32> to vector<16xi32>
    tpu.vector_store %arg7[%swap3A_107], %swap3A_110 {strides = array<i32>} : memref<80xi32, #tpu.memory_space<vmem>>, vector<16xi32>,
    %get3A_111 = arith.constant 9856 : index
    %get3A_112 = tpu.vector_load %arg6[%get3A_111] {strides = array<i32>} : memref<10000xi32, #tpu.memory_space<vmem>>, vector<16xi32>,
    %get3A_113 = vector.shape_cast %get3A_112 : vector<16xi32> to vector<16xi32>
    %swap3A_114 = arith.constant 16 : index
    %swap3A_115 = tpu.vector_load %arg7[%swap3A_114] {strides = array<i32>} : memref<80xi32, #tpu.memory_space<vmem>>, vector<16xi32>,
    %swap3A_116 = vector.shape_cast %swap3A_115 : vector<16xi32> to vector<16xi32>
    %swap3A_117 = vector.shape_cast %get3A_113 : vector<16xi32> to vector<16xi32>
    tpu.vector_store %arg7[%swap3A_114], %swap3A_117 {strides = array<i32>} : memref<80xi32, #tpu.memory_space<vmem>>, vector<16xi32>,
    %get3A_118 = arith.constant 9872 : index
    %get3A_119 = tpu.vector_load %arg6[%get3A_118] {strides = array<i32>} : memref<10000xi32, #tpu.memory_space<vmem>>, vector<16xi32>,
    %get3A_120 = vector.shape_cast %get3A_119 : vector<16xi32> to vector<16xi32>
    %swap3A_121 = arith.constant 32 : index
    %swap3A_122 = tpu.vector_load %arg7[%swap3A_121] {strides = array<i32>} : memref<80xi32, #tpu.memory_space<vmem>>, vector<16xi32>,
    %swap3A_123 = vector.shape_cast %swap3A_122 : vector<16xi32> to vector<16xi32>
    %swap3A_124 = vector.shape_cast %get3A_120 : vector<16xi32> to vector<16xi32>
    tpu.vector_store %arg7[%swap3A_121], %swap3A_124 {strides = array<i32>} : memref<80xi32, #tpu.memory_space<vmem>>, vector<16xi32>,
    %get3A_125 = arith.constant 9888 : index
    %get3A_126 = tpu.vector_load %arg6[%get3A_125] {strides = array<i32>} : memref<10000xi32, #tpu.memory_space<vmem>>, vector<16xi32>,
    %get3A_127 = vector.shape_cast %get3A_126 : vector<16xi32> to vector<16xi32>
    %swap3A_128 = arith.constant 48 : index
    %swap3A_129 = tpu.vector_load %arg7[%swap3A_128] {strides = array<i32>} : memref<80xi32, #tpu.memory_space<vmem>>, vector<16xi32>,
    %swap3A_130 = vector.shape_cast %swap3A_129 : vector<16xi32> to vector<16xi32>
    %swap3A_131 = vector.shape_cast %get3A_127 : vector<16xi32> to vector<16xi32>
    tpu.vector_store %arg7[%swap3A_128], %swap3A_131 {strides = array<i32>} : memref<80xi32, #tpu.memory_space<vmem>>, vector<16xi32>,
    %get3A_132 = arith.constant 9904 : index
    %get3A_133 = tpu.vector_load %arg6[%get3A_132] {strides = array<i32>} : memref<10000xi32, #tpu.memory_space<vmem>>, vector<16xi32>,
    %get3A_134 = vector.shape_cast %get3A_133 : vector<16xi32> to vector<16xi32>
    %swap3A_135 = arith.constant 64 : index
    %swap3A_136 = tpu.vector_load %arg7[%swap3A_135] {strides = array<i32>} : memref<80xi32, #tpu.memory_space<vmem>>, vector<16xi32>,
    %swap3A_137 = vector.shape_cast %swap3A_136 : vector<16xi32> to vector<16xi32>
    %swap3A_138 = vector.shape_cast %get3A_134 : vector<16xi32> to vector<16xi32>
    tpu.vector_store %arg7[%swap3A_135], %swap3A_138 {strides = array<i32>} : memref<80xi32, #tpu.memory_space<vmem>>, vector<16xi32>,
    "tpu.region"() ({
      %run_scoped3A_212 = tpu.sem_alloc : memref<!tpu.dma_semaphore, #tpu.memory_space<semaphore_mem>>
      %dma_start3A_213 = arith.constant 0 : i32
      %dma_start3A_214 = arith.constant 0 : i32
      %dma_start3A_215 = tpu.memref_slice %arg10[%dma_start3A_213, %dma_start3A_214] : memref<10240x128xf32, #tpu.memory_space<vmem_shared>> -> memref<10240x128xf32, #tpu.memory_space<vmem_shared>>
      tpu.enqueue_indirect_dma source(%arg9 : memref<80x128xf32, #tpu.memory_space<vmem>>) target(%dma_start3A_215 : memref<10240x128xf32, #tpu.memory_space<vmem_shared>>) offsets(%arg7 : memref<80xi32, #tpu.memory_space<vmem>>) semaphore(%run_scoped3A_212 : memref<!tpu.dma_semaphore, #tpu.memory_space<semaphore_mem>>) {add = true}
      %dma_wait3A_216 = arith.constant 0 : i32
      %dma_wait3A_217 = arith.constant 0 : i32
      %dma_wait3A_218 = tpu.memref_slice %arg10[%dma_wait3A_216, %dma_wait3A_217] : memref<10240x128xf32, #tpu.memory_space<vmem_shared>> -> memref<10240x128xf32, #tpu.memory_space<vmem_shared>>
      tpu.wait_indirect_dma semaphore(%run_scoped3A_212 : memref<!tpu.dma_semaphore, #tpu.memory_space<semaphore_mem>>) src(%arg9 : memref<80x128xf32, #tpu.memory_space<vmem>>) dst(%dma_wait3A_218 : memref<10240x128xf32, #tpu.memory_space<vmem_shared>>)
      tpu.yield
    }) : () -> ()
    %dma_wait3A_139 = arith.constant 0 : i32
    %dma_wait3A_140 = tpu.memref_slice %arg5[%dma_wait3A_139] : memref<10000xi32, #tpu.memory_space<vmem>> -> memref<80xi32, #tpu.memory_space<vmem>>
    %dma_wait3A_141 = arith.constant 0 : i32
    %dma_wait3A_142 = arith.constant 0 : i32
    %dma_wait3A_143 = tpu.memref_slice %arg2[%dma_wait3A_141, %dma_wait3A_142] : memref<10000x128xf32, #tpu.memory_space<hbm>> -> memref<10000x128xf32, #tpu.memory_space<hbm>>
    tpu.wait_indirect_dma semaphore(%arg11 : memref<!tpu.dma_semaphore, #tpu.memory_space<semaphore_mem>>) src(%dma_wait3A_143 : memref<10000x128xf32, #tpu.memory_space<hbm>>) dst(%arg8 : memref<80x128xf32, #tpu.memory_space<vmem>>)
    %get3A_144 = arith.constant 9920 : index
    %get3A_145 = tpu.vector_load %arg6[%get3A_144] {strides = array<i32>} : memref<10000xi32, #tpu.memory_space<vmem>>, vector<16xi32>,
    %get3A_146 = vector.shape_cast %get3A_145 : vector<16xi32> to vector<16xi32>
    %swap3A_147 = arith.constant 0 : index
    %swap3A_148 = tpu.vector_load %arg7[%swap3A_147] {strides = array<i32>} : memref<80xi32, #tpu.memory_space<vmem>>, vector<16xi32>,
    %swap3A_149 = vector.shape_cast %swap3A_148 : vector<16xi32> to vector<16xi32>
    %swap3A_150 = vector.shape_cast %get3A_146 : vector<16xi32> to vector<16xi32>
    tpu.vector_store %arg7[%swap3A_147], %swap3A_150 {strides = array<i32>} : memref<80xi32, #tpu.memory_space<vmem>>, vector<16xi32>,
    %get3A_151 = arith.constant 9936 : index
    %get3A_152 = tpu.vector_load %arg6[%get3A_151] {strides = array<i32>} : memref<10000xi32, #tpu.memory_space<vmem>>, vector<16xi32>,
    %get3A_153 = vector.shape_cast %get3A_152 : vector<16xi32> to vector<16xi32>
    %swap3A_154 = arith.constant 16 : index
    %swap3A_155 = tpu.vector_load %arg7[%swap3A_154] {strides = array<i32>} : memref<80xi32, #tpu.memory_space<vmem>>, vector<16xi32>,
    %swap3A_156 = vector.shape_cast %swap3A_155 : vector<16xi32> to vector<16xi32>
    %swap3A_157 = vector.shape_cast %get3A_153 : vector<16xi32> to vector<16xi32>
    tpu.vector_store %arg7[%swap3A_154], %swap3A_157 {strides = array<i32>} : memref<80xi32, #tpu.memory_space<vmem>>, vector<16xi32>,
    %get3A_158 = arith.constant 9952 : index
    %get3A_159 = tpu.vector_load %arg6[%get3A_158] {strides = array<i32>} : memref<10000xi32, #tpu.memory_space<vmem>>, vector<16xi32>,
    %get3A_160 = vector.shape_cast %get3A_159 : vector<16xi32> to vector<16xi32>
    %swap3A_161 = arith.constant 32 : index
    %swap3A_162 = tpu.vector_load %arg7[%swap3A_161] {strides = array<i32>} : memref<80xi32, #tpu.memory_space<vmem>>, vector<16xi32>,
    %swap3A_163 = vector.shape_cast %swap3A_162 : vector<16xi32> to vector<16xi32>
    %swap3A_164 = vector.shape_cast %get3A_160 : vector<16xi32> to vector<16xi32>
    tpu.vector_store %arg7[%swap3A_161], %swap3A_164 {strides = array<i32>} : memref<80xi32, #tpu.memory_space<vmem>>, vector<16xi32>,
    %get3A_165 = arith.constant 9968 : index
    %get3A_166 = tpu.vector_load %arg6[%get3A_165] {strides = array<i32>} : memref<10000xi32, #tpu.memory_space<vmem>>, vector<16xi32>,
    %get3A_167 = vector.shape_cast %get3A_166 : vector<16xi32> to vector<16xi32>
    %swap3A_168 = arith.constant 48 : index
    %swap3A_169 = tpu.vector_load %arg7[%swap3A_168] {strides = array<i32>} : memref<80xi32, #tpu.memory_space<vmem>>, vector<16xi32>,
    %swap3A_170 = vector.shape_cast %swap3A_169 : vector<16xi32> to vector<16xi32>
    %swap3A_171 = vector.shape_cast %get3A_167 : vector<16xi32> to vector<16xi32>
    tpu.vector_store %arg7[%swap3A_168], %swap3A_171 {strides = array<i32>} : memref<80xi32, #tpu.memory_space<vmem>>, vector<16xi32>,
    %get3A_172 = arith.constant 9984 : index
    %get3A_173 = tpu.vector_load %arg6[%get3A_172] {strides = array<i32>} : memref<10000xi32, #tpu.memory_space<vmem>>, vector<16xi32>,
    %get3A_174 = vector.shape_cast %get3A_173 : vector<16xi32> to vector<16xi32>
    %swap3A_175 = arith.constant 64 : index
    %swap3A_176 = tpu.vector_load %arg7[%swap3A_175] {strides = array<i32>} : memref<80xi32, #tpu.memory_space<vmem>>, vector<16xi32>,
    %swap3A_177 = vector.shape_cast %swap3A_176 : vector<16xi32> to vector<16xi32>
    %swap3A_178 = vector.shape_cast %get3A_174 : vector<16xi32> to vector<16xi32>
    tpu.vector_store %arg7[%swap3A_175], %swap3A_178 {strides = array<i32>} : memref<80xi32, #tpu.memory_space<vmem>>, vector<16xi32>,
    "tpu.region"() ({
      %run_scoped3A_212 = tpu.sem_alloc : memref<!tpu.dma_semaphore, #tpu.memory_space<semaphore_mem>>
      %dma_start3A_213 = arith.constant 0 : i32
      %dma_start3A_214 = arith.constant 0 : i32
      %dma_start3A_215 = tpu.memref_slice %arg10[%dma_start3A_213, %dma_start3A_214] : memref<10240x128xf32, #tpu.memory_space<vmem_shared>> -> memref<10240x128xf32, #tpu.memory_space<vmem_shared>>
      tpu.enqueue_indirect_dma source(%arg8 : memref<80x128xf32, #tpu.memory_space<vmem>>) target(%dma_start3A_215 : memref<10240x128xf32, #tpu.memory_space<vmem_shared>>) offsets(%arg7 : memref<80xi32, #tpu.memory_space<vmem>>) semaphore(%run_scoped3A_212 : memref<!tpu.dma_semaphore, #tpu.memory_space<semaphore_mem>>) {add = true}
      %dma_wait3A_216 = arith.constant 0 : i32
      %dma_wait3A_217 = arith.constant 0 : i32
      %dma_wait3A_218 = tpu.memref_slice %arg10[%dma_wait3A_216, %dma_wait3A_217] : memref<10240x128xf32, #tpu.memory_space<vmem_shared>> -> memref<10240x128xf32, #tpu.memory_space<vmem_shared>>
      tpu.wait_indirect_dma semaphore(%run_scoped3A_212 : memref<!tpu.dma_semaphore, #tpu.memory_space<semaphore_mem>>) src(%arg8 : memref<80x128xf32, #tpu.memory_space<vmem>>) dst(%dma_wait3A_218 : memref<10240x128xf32, #tpu.memory_space<vmem_shared>>)
      tpu.yield
    }) : () -> ()
    %barrier3A_179 = arith.constant 0 : index
    tpu.barrier barrier_id(%barrier3A_179)
    %mul3A_180 = arith.constant 640 : i32
    %mul3A_181 = arith.muli %arg1, %mul3A_180 : i32
    %add3A_182 = arith.constant 0 : i32
    %add3A_183 = arith.addi %mul3A_181, %add3A_182 : i32
    "tpu.region"() ({
      %run_scoped3A_212 = tpu.sem_alloc : memref<!tpu.dma_semaphore, #tpu.memory_space<semaphore_mem>>
      %dma_start3A_213 = arith.constant 0 : i32
      %dma_start3A_214 = tpu.memref_slice %arg4[%arg0, %add3A_183, %dma_start3A_213] : memref<2x10240x128xf32, #tpu.memory_space<hbm>> -> memref<1x80x128xf32, #tpu.memory_space<hbm>>
      %dma_start3A_215 = tpu.memref_squeeze %dma_start3A_214 : memref<1x80x128xf32, #tpu.memory_space<hbm>> -> memref<80x128xf32, #tpu.memory_space<hbm>>
      %dma_start3A_216 = arith.constant 0 : i32
      %dma_start3A_217 = tpu.memref_slice %arg10[%add3A_183, %dma_start3A_216] : memref<10240x128xf32, #tpu.memory_space<vmem_shared>> -> memref<80x128xf32, #tpu.memory_space<vmem_shared>>
      tpu.enqueue_dma source(%dma_start3A_217 : memref<80x128xf32, #tpu.memory_space<vmem_shared>>) target(%dma_start3A_215 : memref<80x128xf32, #tpu.memory_space<hbm>>) target_semaphore(%run_scoped3A_212 : memref<!tpu.dma_semaphore, #tpu.memory_space<semaphore_mem>>)
      %dma_wait3A_218 = arith.constant 0 : i32
      %dma_wait3A_219 = tpu.memref_slice %arg4[%arg0, %add3A_183, %dma_wait3A_218] : memref<2x10240x128xf32, #tpu.memory_space<hbm>> -> memref<1x80x128xf32, #tpu.memory_space<hbm>>
      %dma_wait3A_220 = tpu.memref_squeeze %dma_wait3A_219 : memref<1x80x128xf32, #tpu.memory_space<hbm>> -> memref<80x128xf32, #tpu.memory_space<hbm>>
      %dma_wait3A_221 = arith.constant 0 : i32
      %dma_wait3A_222 = tpu.memref_slice %arg10[%add3A_183, %dma_wait3A_221] : memref<10240x128xf32, #tpu.memory_space<vmem_shared>> -> memref<80x128xf32, #tpu.memory_space<vmem_shared>>
      tpu.wait_dma2 semaphore(%run_scoped3A_212 : memref<!tpu.dma_semaphore, #tpu.memory_space<semaphore_mem>>) src(%dma_wait3A_222 : memref<80x128xf32, #tpu.memory_space<vmem_shared>>) dst(%dma_wait3A_220 : memref<80x128xf32, #tpu.memory_space<hbm>>)
      tpu.yield
    }) : () -> ()
    %mul3A_184 = arith.constant 640 : i32
    %mul3A_185 = arith.muli %arg1, %mul3A_184 : i32
    %add3A_186 = arith.constant 80 : i32
    %add3A_187 = arith.addi %mul3A_185, %add3A_186 : i32
    "tpu.region"() ({
      %run_scoped3A_212 = tpu.sem_alloc : memref<!tpu.dma_semaphore, #tpu.memory_space<semaphore_mem>>
      %dma_start3A_213 = arith.constant 0 : i32
      %dma_start3A_214 = tpu.memref_slice %arg4[%arg0, %add3A_187, %dma_start3A_213] : memref<2x10240x128xf32, #tpu.memory_space<hbm>> -> memref<1x80x128xf32, #tpu.memory_space<hbm>>
      %dma_start3A_215 = tpu.memref_squeeze %dma_start3A_214 : memref<1x80x128xf32, #tpu.memory_space<hbm>> -> memref<80x128xf32, #tpu.memory_space<hbm>>
      %dma_start3A_216 = arith.constant 0 : i32
      %dma_start3A_217 = tpu.memref_slice %arg10[%add3A_187, %dma_start3A_216] : memref<10240x128xf32, #tpu.memory_space<vmem_shared>> -> memref<80x128xf32, #tpu.memory_space<vmem_shared>>
      tpu.enqueue_dma source(%dma_start3A_217 : memref<80x128xf32, #tpu.memory_space<vmem_shared>>) target(%dma_start3A_215 : memref<80x128xf32, #tpu.memory_space<hbm>>) target_semaphore(%run_scoped3A_212 : memref<!tpu.dma_semaphore, #tpu.memory_space<semaphore_mem>>)
      %dma_wait3A_218 = arith.constant 0 : i32
      %dma_wait3A_219 = tpu.memref_slice %arg4[%arg0, %add3A_187, %dma_wait3A_218] : memref<2x10240x128xf32, #tpu.memory_space<hbm>> -> memref<1x80x128xf32, #tpu.memory_space<hbm>>
      %dma_wait3A_220 = tpu.memref_squeeze %dma_wait3A_219 : memref<1x80x128xf32, #tpu.memory_space<hbm>> -> memref<80x128xf32, #tpu.memory_space<hbm>>
      %dma_wait3A_221 = arith.constant 0 : i32
      %dma_wait3A_222 = tpu.memref_slice %arg10[%add3A_187, %dma_wait3A_221] : memref<10240x128xf32, #tpu.memory_space<vmem_shared>> -> memref<80x128xf32, #tpu.memory_space<vmem_shared>>
      tpu.wait_dma2 semaphore(%run_scoped3A_212 : memref<!tpu.dma_semaphore, #tpu.memory_space<semaphore_mem>>) src(%dma_wait3A_222 : memref<80x128xf32, #tpu.memory_space<vmem_shared>>) dst(%dma_wait3A_220 : memref<80x128xf32, #tpu.memory_space<hbm>>)
      tpu.yield
    }) : () -> ()
    %mul3A_188 = arith.constant 640 : i32
    %mul3A_189 = arith.muli %arg1, %mul3A_188 : i32
    %add3A_190 = arith.constant 160 : i32
    %add3A_191 = arith.addi %mul3A_189, %add3A_190 : i32
    "tpu.region"() ({
      %run_scoped3A_212 = tpu.sem_alloc : memref<!tpu.dma_semaphore, #tpu.memory_space<semaphore_mem>>
      %dma_start3A_213 = arith.constant 0 : i32
      %dma_start3A_214 = tpu.memref_slice %arg4[%arg0, %add3A_191, %dma_start3A_213] : memref<2x10240x128xf32, #tpu.memory_space<hbm>> -> memref<1x80x128xf32, #tpu.memory_space<hbm>>
      %dma_start3A_215 = tpu.memref_squeeze %dma_start3A_214 : memref<1x80x128xf32, #tpu.memory_space<hbm>> -> memref<80x128xf32, #tpu.memory_space<hbm>>
      %dma_start3A_216 = arith.constant 0 : i32
      %dma_start3A_217 = tpu.memref_slice %arg10[%add3A_191, %dma_start3A_216] : memref<10240x128xf32, #tpu.memory_space<vmem_shared>> -> memref<80x128xf32, #tpu.memory_space<vmem_shared>>
      tpu.enqueue_dma source(%dma_start3A_217 : memref<80x128xf32, #tpu.memory_space<vmem_shared>>) target(%dma_start3A_215 : memref<80x128xf32, #tpu.memory_space<hbm>>) target_semaphore(%run_scoped3A_212 : memref<!tpu.dma_semaphore, #tpu.memory_space<semaphore_mem>>)
      %dma_wait3A_218 = arith.constant 0 : i32
      %dma_wait3A_219 = tpu.memref_slice %arg4[%arg0, %add3A_191, %dma_wait3A_218] : memref<2x10240x128xf32, #tpu.memory_space<hbm>> -> memref<1x80x128xf32, #tpu.memory_space<hbm>>
      %dma_wait3A_220 = tpu.memref_squeeze %dma_wait3A_219 : memref<1x80x128xf32, #tpu.memory_space<hbm>> -> memref<80x128xf32, #tpu.memory_space<hbm>>
      %dma_wait3A_221 = arith.constant 0 : i32
      %dma_wait3A_222 = tpu.memref_slice %arg10[%add3A_191, %dma_wait3A_221] : memref<10240x128xf32, #tpu.memory_space<vmem_shared>> -> memref<80x128xf32, #tpu.memory_space<vmem_shared>>
      tpu.wait_dma2 semaphore(%run_scoped3A_212 : memref<!tpu.dma_semaphore, #tpu.memory_space<semaphore_mem>>) src(%dma_wait3A_222 : memref<80x128xf32, #tpu.memory_space<vmem_shared>>) dst(%dma_wait3A_220 : memref<80x128xf32, #tpu.memory_space<hbm>>)
      tpu.yield
    }) : () -> ()
    %mul3A_192 = arith.constant 640 : i32
    %mul3A_193 = arith.muli %arg1, %mul3A_192 : i32
    %add3A_194 = arith.constant 240 : i32
    %add3A_195 = arith.addi %mul3A_193, %add3A_194 : i32
    "tpu.region"() ({
      %run_scoped3A_212 = tpu.sem_alloc : memref<!tpu.dma_semaphore, #tpu.memory_space<semaphore_mem>>
      %dma_start3A_213 = arith.constant 0 : i32
      %dma_start3A_214 = tpu.memref_slice %arg4[%arg0, %add3A_195, %dma_start3A_213] : memref<2x10240x128xf32, #tpu.memory_space<hbm>> -> memref<1x80x128xf32, #tpu.memory_space<hbm>>
      %dma_start3A_215 = tpu.memref_squeeze %dma_start3A_214 : memref<1x80x128xf32, #tpu.memory_space<hbm>> -> memref<80x128xf32, #tpu.memory_space<hbm>>
      %dma_start3A_216 = arith.constant 0 : i32
      %dma_start3A_217 = tpu.memref_slice %arg10[%add3A_195, %dma_start3A_216] : memref<10240x128xf32, #tpu.memory_space<vmem_shared>> -> memref<80x128xf32, #tpu.memory_space<vmem_shared>>
      tpu.enqueue_dma source(%dma_start3A_217 : memref<80x128xf32, #tpu.memory_space<vmem_shared>>) target(%dma_start3A_215 : memref<80x128xf32, #tpu.memory_space<hbm>>) target_semaphore(%run_scoped3A_212 : memref<!tpu.dma_semaphore, #tpu.memory_space<semaphore_mem>>)
      %dma_wait3A_218 = arith.constant 0 : i32
      %dma_wait3A_219 = tpu.memref_slice %arg4[%arg0, %add3A_195, %dma_wait3A_218] : memref<2x10240x128xf32, #tpu.memory_space<hbm>> -> memref<1x80x128xf32, #tpu.memory_space<hbm>>
      %dma_wait3A_220 = tpu.memref_squeeze %dma_wait3A_219 : memref<1x80x128xf32, #tpu.memory_space<hbm>> -> memref<80x128xf32, #tpu.memory_space<hbm>>
      %dma_wait3A_221 = arith.constant 0 : i32
      %dma_wait3A_222 = tpu.memref_slice %arg10[%add3A_195, %dma_wait3A_221] : memref<10240x128xf32, #tpu.memory_space<vmem_shared>> -> memref<80x128xf32, #tpu.memory_space<vmem_shared>>
      tpu.wait_dma2 semaphore(%run_scoped3A_212 : memref<!tpu.dma_semaphore, #tpu.memory_space<semaphore_mem>>) src(%dma_wait3A_222 : memref<80x128xf32, #tpu.memory_space<vmem_shared>>) dst(%dma_wait3A_220 : memref<80x128xf32, #tpu.memory_space<hbm>>)
      tpu.yield
    }) : () -> ()
    %mul3A_196 = arith.constant 640 : i32
    %mul3A_197 = arith.muli %arg1, %mul3A_196 : i32
    %add3A_198 = arith.constant 320 : i32
    %add3A_199 = arith.addi %mul3A_197, %add3A_198 : i32
    "tpu.region"() ({
      %run_scoped3A_212 = tpu.sem_alloc : memref<!tpu.dma_semaphore, #tpu.memory_space<semaphore_mem>>
      %dma_start3A_213 = arith.constant 0 : i32
      %dma_start3A_214 = tpu.memref_slice %arg4[%arg0, %add3A_199, %dma_start3A_213] : memref<2x10240x128xf32, #tpu.memory_space<hbm>> -> memref<1x80x128xf32, #tpu.memory_space<hbm>>
      %dma_start3A_215 = tpu.memref_squeeze %dma_start3A_214 : memref<1x80x128xf32, #tpu.memory_space<hbm>> -> memref<80x128xf32, #tpu.memory_space<hbm>>
      %dma_start3A_216 = arith.constant 0 : i32
      %dma_start3A_217 = tpu.memref_slice %arg10[%add3A_199, %dma_start3A_216] : memref<10240x128xf32, #tpu.memory_space<vmem_shared>> -> memref<80x128xf32, #tpu.memory_space<vmem_shared>>
      tpu.enqueue_dma source(%dma_start3A_217 : memref<80x128xf32, #tpu.memory_space<vmem_shared>>) target(%dma_start3A_215 : memref<80x128xf32, #tpu.memory_space<hbm>>) target_semaphore(%run_scoped3A_212 : memref<!tpu.dma_semaphore, #tpu.memory_space<semaphore_mem>>)
      %dma_wait3A_218 = arith.constant 0 : i32
      %dma_wait3A_219 = tpu.memref_slice %arg4[%arg0, %add3A_199, %dma_wait3A_218] : memref<2x10240x128xf32, #tpu.memory_space<hbm>> -> memref<1x80x128xf32, #tpu.memory_space<hbm>>
      %dma_wait3A_220 = tpu.memref_squeeze %dma_wait3A_219 : memref<1x80x128xf32, #tpu.memory_space<hbm>> -> memref<80x128xf32, #tpu.memory_space<hbm>>
      %dma_wait3A_221 = arith.constant 0 : i32
      %dma_wait3A_222 = tpu.memref_slice %arg10[%add3A_199, %dma_wait3A_221] : memref<10240x128xf32, #tpu.memory_space<vmem_shared>> -> memref<80x128xf32, #tpu.memory_space<vmem_shared>>
      tpu.wait_dma2 semaphore(%run_scoped3A_212 : memref<!tpu.dma_semaphore, #tpu.memory_space<semaphore_mem>>) src(%dma_wait3A_222 : memref<80x128xf32, #tpu.memory_space<vmem_shared>>) dst(%dma_wait3A_220 : memref<80x128xf32, #tpu.memory_space<hbm>>)
      tpu.yield
    }) : () -> ()
    %mul3A_200 = arith.constant 640 : i32
    %mul3A_201 = arith.muli %arg1, %mul3A_200 : i32
    %add3A_202 = arith.constant 400 : i32
    %add3A_203 = arith.addi %mul3A_201, %add3A_202 : i32
    "tpu.region"() ({
      %run_scoped3A_212 = tpu.sem_alloc : memref<!tpu.dma_semaphore, #tpu.memory_space<semaphore_mem>>
      %dma_start3A_213 = arith.constant 0 : i32
      %dma_start3A_214 = tpu.memref_slice %arg4[%arg0, %add3A_203, %dma_start3A_213] : memref<2x10240x128xf32, #tpu.memory_space<hbm>> -> memref<1x80x128xf32, #tpu.memory_space<hbm>>
      %dma_start3A_215 = tpu.memref_squeeze %dma_start3A_214 : memref<1x80x128xf32, #tpu.memory_space<hbm>> -> memref<80x128xf32, #tpu.memory_space<hbm>>
      %dma_start3A_216 = arith.constant 0 : i32
      %dma_start3A_217 = tpu.memref_slice %arg10[%add3A_203, %dma_start3A_216] : memref<10240x128xf32, #tpu.memory_space<vmem_shared>> -> memref<80x128xf32, #tpu.memory_space<vmem_shared>>
      tpu.enqueue_dma source(%dma_start3A_217 : memref<80x128xf32, #tpu.memory_space<vmem_shared>>) target(%dma_start3A_215 : memref<80x128xf32, #tpu.memory_space<hbm>>) target_semaphore(%run_scoped3A_212 : memref<!tpu.dma_semaphore, #tpu.memory_space<semaphore_mem>>)
      %dma_wait3A_218 = arith.constant 0 : i32
      %dma_wait3A_219 = tpu.memref_slice %arg4[%arg0, %add3A_203, %dma_wait3A_218] : memref<2x10240x128xf32, #tpu.memory_space<hbm>> -> memref<1x80x128xf32, #tpu.memory_space<hbm>>
      %dma_wait3A_220 = tpu.memref_squeeze %dma_wait3A_219 : memref<1x80x128xf32, #tpu.memory_space<hbm>> -> memref<80x128xf32, #tpu.memory_space<hbm>>
      %dma_wait3A_221 = arith.constant 0 : i32
      %dma_wait3A_222 = tpu.memref_slice %arg10[%add3A_203, %dma_wait3A_221] : memref<10240x128xf32, #tpu.memory_space<vmem_shared>> -> memref<80x128xf32, #tpu.memory_space<vmem_shared>>
      tpu.wait_dma2 semaphore(%run_scoped3A_212 : memref<!tpu.dma_semaphore, #tpu.memory_space<semaphore_mem>>) src(%dma_wait3A_222 : memref<80x128xf32, #tpu.memory_space<vmem_shared>>) dst(%dma_wait3A_220 : memref<80x128xf32, #tpu.memory_space<hbm>>)
      tpu.yield
    }) : () -> ()
    %mul3A_204 = arith.constant 640 : i32
    %mul3A_205 = arith.muli %arg1, %mul3A_204 : i32
    %add3A_206 = arith.constant 480 : i32
    %add3A_207 = arith.addi %mul3A_205, %add3A_206 : i32
    "tpu.region"() ({
      %run_scoped3A_212 = tpu.sem_alloc : memref<!tpu.dma_semaphore, #tpu.memory_space<semaphore_mem>>
      %dma_start3A_213 = arith.constant 0 : i32
      %dma_start3A_214 = tpu.memref_slice %arg4[%arg0, %add3A_207, %dma_start3A_213] : memref<2x10240x128xf32, #tpu.memory_space<hbm>> -> memref<1x80x128xf32, #tpu.memory_space<hbm>>
      %dma_start3A_215 = tpu.memref_squeeze %dma_start3A_214 : memref<1x80x128xf32, #tpu.memory_space<hbm>> -> memref<80x128xf32, #tpu.memory_space<hbm>>
      %dma_start3A_216 = arith.constant 0 : i32
      %dma_start3A_217 = tpu.memref_slice %arg10[%add3A_207, %dma_start3A_216] : memref<10240x128xf32, #tpu.memory_space<vmem_shared>> -> memref<80x128xf32, #tpu.memory_space<vmem_shared>>
      tpu.enqueue_dma source(%dma_start3A_217 : memref<80x128xf32, #tpu.memory_space<vmem_shared>>) target(%dma_start3A_215 : memref<80x128xf32, #tpu.memory_space<hbm>>) target_semaphore(%run_scoped3A_212 : memref<!tpu.dma_semaphore, #tpu.memory_space<semaphore_mem>>)
      %dma_wait3A_218 = arith.constant 0 : i32
      %dma_wait3A_219 = tpu.memref_slice %arg4[%arg0, %add3A_207, %dma_wait3A_218] : memref<2x10240x128xf32, #tpu.memory_space<hbm>> -> memref<1x80x128xf32, #tpu.memory_space<hbm>>
      %dma_wait3A_220 = tpu.memref_squeeze %dma_wait3A_219 : memref<1x80x128xf32, #tpu.memory_space<hbm>> -> memref<80x128xf32, #tpu.memory_space<hbm>>
      %dma_wait3A_221 = arith.constant 0 : i32
      %dma_wait3A_222 = tpu.memref_slice %arg10[%add3A_207, %dma_wait3A_221] : memref<10240x128xf32, #tpu.memory_space<vmem_shared>> -> memref<80x128xf32, #tpu.memory_space<vmem_shared>>
      tpu.wait_dma2 semaphore(%run_scoped3A_212 : memref<!tpu.dma_semaphore, #tpu.memory_space<semaphore_mem>>) src(%dma_wait3A_222 : memref<80x128xf32, #tpu.memory_space<vmem_shared>>) dst(%dma_wait3A_220 : memref<80x128xf32, #tpu.memory_space<hbm>>)
      tpu.yield
    }) : () -> ()
    %mul3A_208 = arith.constant 640 : i32
    %mul3A_209 = arith.muli %arg1, %mul3A_208 : i32
    %add3A_210 = arith.constant 560 : i32
    %add3A_211 = arith.addi %mul3A_209, %add3A_210 : i32
    "tpu.region"() ({
      %run_scoped3A_212 = tpu.sem_alloc : memref<!tpu.dma_semaphore, #tpu.memory_space<semaphore_mem>>
      %dma_start3A_213 = arith.constant 0 : i32
      %dma_start3A_214 = tpu.memref_slice %arg4[%arg0, %add3A_211, %dma_start3A_213] : memref<2x10240x128xf32, #tpu.memory_space<hbm>> -> memref<1x80x128xf32, #tpu.memory_space<hbm>>
      %dma_start3A_215 = tpu.memref_squeeze %dma_start3A_214 : memref<1x80x128xf32, #tpu.memory_space<hbm>> -> memref<80x128xf32, #tpu.memory_space<hbm>>
      %dma_start3A_216 = arith.constant 0 : i32
      %dma_start3A_217 = tpu.memref_slice %arg10[%add3A_211, %dma_start3A_216] : memref<10240x128xf32, #tpu.memory_space<vmem_shared>> -> memref<80x128xf32, #tpu.memory_space<vmem_shared>>
      tpu.enqueue_dma source(%dma_start3A_217 : memref<80x128xf32, #tpu.memory_space<vmem_shared>>) target(%dma_start3A_215 : memref<80x128xf32, #tpu.memory_space<hbm>>) target_semaphore(%run_scoped3A_212 : memref<!tpu.dma_semaphore, #tpu.memory_space<semaphore_mem>>)
      %dma_wait3A_218 = arith.constant 0 : i32
      %dma_wait3A_219 = tpu.memref_slice %arg4[%arg0, %add3A_211, %dma_wait3A_218] : memref<2x10240x128xf32, #tpu.memory_space<hbm>> -> memref<1x80x128xf32, #tpu.memory_space<hbm>>
      %dma_wait3A_220 = tpu.memref_squeeze %dma_wait3A_219 : memref<1x80x128xf32, #tpu.memory_space<hbm>> -> memref<80x128xf32, #tpu.memory_space<hbm>>
      %dma_wait3A_221 = arith.constant 0 : i32
      %dma_wait3A_222 = tpu.memref_slice %arg10[%add3A_211, %dma_wait3A_221] : memref<10240x128xf32, #tpu.memory_space<vmem_shared>> -> memref<80x128xf32, #tpu.memory_space<vmem_shared>>
      tpu.wait_dma2 semaphore(%run_scoped3A_212 : memref<!tpu.dma_semaphore, #tpu.memory_space<semaphore_mem>>) src(%dma_wait3A_222 : memref<80x128xf32, #tpu.memory_space<vmem_shared>>) dst(%dma_wait3A_220 : memref<80x128xf32, #tpu.memory_space<hbm>>)
      tpu.yield
    }) : () -> ()
    return
  }
}

module attributes {stable_mosaic.version = 14 : i64} {
  func.func @tc_stage_relu(%arg0: memref<2x10240x128xf32, #tpu.memory_space<vmem>>, %arg1: memref<2x10240x128xf32, #tpu.memory_space<vmem>>, %arg2: memref<10000x128xf32, #tpu.memory_space<vmem>>, %arg3: memref<128x128xf32, #tpu.memory_space<vmem>>, %arg4: memref<1x128xf32, #tpu.memory_space<vmem>>, %arg5: memref<128x128xf32, #tpu.memory_space<vmem>>, %arg6: memref<1x128xf32, #tpu.memory_space<vmem>>, %arg7: memref<1x128xf32, #tpu.memory_space<vmem>>, %arg8: memref<10000x128xf32, #tpu.memory_space<vmem>>) attributes {dimension_semantics = [], scalar_prefetch = 0 : i64, scratch_operands = 0 : i64, tpu.core_type = #tpu.core_type<tc>} {
    %get3A = arith.constant 0 : index
    %get3A_0 = arith.constant 0 : index
    %get3A_1 = arith.constant 0 : index
    %get3A_2 = vector.load %arg0[%get3A, %get3A_0, %get3A_1] : memref<2x10240x128xf32, #tpu.memory_space<vmem>>, vector<1x10240x128xf32>
    %get3A_3 = vector.shape_cast %get3A_2 : vector<1x10240x128xf32> to vector<10240x128xf32>
    %get3A_4 = arith.constant 1 : index
    %get3A_5 = arith.constant 0 : index
    %get3A_6 = arith.constant 0 : index
    %get3A_7 = vector.load %arg0[%get3A_4, %get3A_5, %get3A_6] : memref<2x10240x128xf32, #tpu.memory_space<vmem>>, vector<1x10240x128xf32>
    %get3A_8 = vector.shape_cast %get3A_7 : vector<1x10240x128xf32> to vector<10240x128xf32>
    %add3A = arith.addf %get3A_3, %get3A_8 : vector<10240x128xf32>
    %slice3A = vector.extract_strided_slice %add3A {offsets = [0, 0], sizes = [10000, 128], strides = [1, 1]} : vector<10240x128xf32> to vector<10000x128xf32>
    %get3A_9 = arith.constant 0 : index
    %get3A_10 = arith.constant 0 : index
    %get3A_11 = arith.constant 0 : index
    %get3A_12 = vector.load %arg1[%get3A_9, %get3A_10, %get3A_11] : memref<2x10240x128xf32, #tpu.memory_space<vmem>>, vector<1x10240x128xf32>
    %get3A_13 = vector.shape_cast %get3A_12 : vector<1x10240x128xf32> to vector<10240x128xf32>
    %get3A_14 = arith.constant 1 : index
    %get3A_15 = arith.constant 0 : index
    %get3A_16 = arith.constant 0 : index
    %get3A_17 = vector.load %arg1[%get3A_14, %get3A_15, %get3A_16] : memref<2x10240x128xf32, #tpu.memory_space<vmem>>, vector<1x10240x128xf32>
    %get3A_18 = vector.shape_cast %get3A_17 : vector<1x10240x128xf32> to vector<10240x128xf32>
    %add3A_19 = arith.addf %get3A_13, %get3A_18 : vector<10240x128xf32>
    %slice3A_20 = vector.extract_strided_slice %add3A_19 {offsets = [0, 0], sizes = [10000, 1], strides = [1, 1]} : vector<10240x128xf32> to vector<10000x1xf32>
    %max3A = arith.constant 1.000000e+00 : f32
    %max3A_21 = vector.broadcast %max3A : f32 to vector<10000x1xf32>
    %max3A_22 = arith.maximumf %slice3A_20, %max3A_21 : vector<10000x1xf32>
    %div3A = arith.constant 1.000000e+00 : f32
    %div3A_23 = vector.broadcast %div3A : f32 to vector<10000x1xf32>
    %div3A_24 = arith.divf %div3A_23, %max3A_22 : vector<10000x1xf32>
    %mul3A = vector.broadcast %div3A_24 : vector<10000x1xf32> to vector<10000x128xf32>
    %mul3A_25 = arith.mulf %slice3A, %mul3A : vector<10000x128xf32>
    %get3A_26 = arith.constant 0 : index
    %get3A_27 = arith.constant 0 : index
    %get3A_28 = vector.load %arg3[%get3A_26, %get3A_27] : memref<128x128xf32, #tpu.memory_space<vmem>>, vector<128x128xf32>
    %dot_general3A = arith.constant dense<0.000000e+00> : vector<10000x128xf32>
    %dot_general3A_29 = tpu.matmul %mul3A_25, %get3A_28, %dot_general3A {dimension_numbers = #tpu.dot_dimension_numbers<[1], [0], [0], [1], [0, 0, 1, 1], [], []>, transpose_lhs_hint = false} : vector<10000x128xf32>, vector<128x128xf32>, vector<10000x128xf32> -> vector<10000x128xf32>
    %get3A_30 = arith.constant 0 : index
    %get3A_31 = arith.constant 0 : index
    %get3A_32 = vector.load %arg2[%get3A_30, %get3A_31] : memref<10000x128xf32, #tpu.memory_space<vmem>>, vector<10000x128xf32>
    %get3A_33 = arith.constant 0 : index
    %get3A_34 = arith.constant 0 : index
    %get3A_35 = vector.load %arg5[%get3A_33, %get3A_34] : memref<128x128xf32, #tpu.memory_space<vmem>>, vector<128x128xf32>
    %dot_general3A_36 = arith.constant dense<0.000000e+00> : vector<10000x128xf32>
    %dot_general3A_37 = tpu.matmul %get3A_32, %get3A_35, %dot_general3A_36 {dimension_numbers = #tpu.dot_dimension_numbers<[1], [0], [0], [1], [0, 0, 1, 1], [], []>, transpose_lhs_hint = false} : vector<10000x128xf32>, vector<128x128xf32>, vector<10000x128xf32> -> vector<10000x128xf32>
    %add3A_38 = arith.addf %dot_general3A_29, %dot_general3A_37 : vector<10000x128xf32>
    %get3A_39 = arith.constant 0 : index
    %get3A_40 = arith.constant 0 : index
    %get3A_41 = vector.load %arg4[%get3A_39, %get3A_40] : memref<1x128xf32, #tpu.memory_space<vmem>>, vector<1x128xf32>
    %add3A_42 = vector.broadcast %get3A_41 : vector<1x128xf32> to vector<10000x128xf32>
    %add3A_43 = arith.addf %add3A_38, %add3A_42 : vector<10000x128xf32>
    %reduce_sum3A = arith.constant dense<0.000000e+00> : vector<128xf32>
    %reduce_sum3A_44 = vector.multi_reduction <add>, %add3A_43, %reduce_sum3A [0] : vector<10000x128xf32> to vector<128xf32>
    %broadcast_in_dim3A = vector.shape_cast %reduce_sum3A_44 : vector<128xf32> to vector<1x128xf32>
    %div3A_45 = arith.constant 1.000000e+04 : f32
    %div3A_46 = vector.broadcast %div3A_45 : f32 to vector<1x128xf32>
    %div3A_47 = arith.divf %broadcast_in_dim3A, %div3A_46 : vector<1x128xf32>
    %sub3A = vector.broadcast %div3A_47 : vector<1x128xf32> to vector<10000x128xf32>
    %sub3A_48 = arith.subf %add3A_43, %sub3A : vector<10000x128xf32>
    %sub3A_49 = vector.broadcast %div3A_47 : vector<1x128xf32> to vector<10000x128xf32>
    %sub3A_50 = arith.subf %add3A_43, %sub3A_49 : vector<10000x128xf32>
    %mul3A_51 = arith.mulf %sub3A_48, %sub3A_50 : vector<10000x128xf32>
    %reduce_sum3A_52 = arith.constant dense<0.000000e+00> : vector<128xf32>
    %reduce_sum3A_53 = vector.multi_reduction <add>, %mul3A_51, %reduce_sum3A_52 [0] : vector<10000x128xf32> to vector<128xf32>
    %broadcast_in_dim3A_54 = vector.shape_cast %reduce_sum3A_53 : vector<128xf32> to vector<1x128xf32>
    %div3A_55 = arith.constant 1.000000e+04 : f32
    %div3A_56 = vector.broadcast %div3A_55 : f32 to vector<1x128xf32>
    %div3A_57 = arith.divf %broadcast_in_dim3A_54, %div3A_56 : vector<1x128xf32>
    %sub3A_58 = vector.broadcast %div3A_47 : vector<1x128xf32> to vector<10000x128xf32>
    %sub3A_59 = arith.subf %add3A_43, %sub3A_58 : vector<10000x128xf32>
    %add3A_60 = arith.constant 9.99999974E-6 : f32
    %add3A_61 = vector.broadcast %add3A_60 : f32 to vector<1x128xf32>
    %add3A_62 = arith.addf %div3A_57, %add3A_61 : vector<1x128xf32>
    %rsqrt3A = math.rsqrt %add3A_62 : vector<1x128xf32>
    %mul3A_63 = vector.broadcast %rsqrt3A : vector<1x128xf32> to vector<10000x128xf32>
    %mul3A_64 = arith.mulf %sub3A_59, %mul3A_63 : vector<10000x128xf32>
    %get3A_65 = arith.constant 0 : index
    %get3A_66 = arith.constant 0 : index
    %get3A_67 = vector.load %arg6[%get3A_65, %get3A_66] : memref<1x128xf32, #tpu.memory_space<vmem>>, vector<1x128xf32>
    %mul3A_68 = vector.broadcast %get3A_67 : vector<1x128xf32> to vector<10000x128xf32>
    %mul3A_69 = arith.mulf %mul3A_64, %mul3A_68 : vector<10000x128xf32>
    %get3A_70 = arith.constant 0 : index
    %get3A_71 = arith.constant 0 : index
    %get3A_72 = vector.load %arg7[%get3A_70, %get3A_71] : memref<1x128xf32, #tpu.memory_space<vmem>>, vector<1x128xf32>
    %add3A_73 = vector.broadcast %get3A_72 : vector<1x128xf32> to vector<10000x128xf32>
    %add3A_74 = arith.addf %mul3A_69, %add3A_73 : vector<10000x128xf32>
    %max3A_75 = arith.constant 0.000000e+00 : f32
    %max3A_76 = vector.broadcast %max3A_75 : f32 to vector<10000x128xf32>
    %max3A_77 = arith.maximumf %add3A_74, %max3A_76 : vector<10000x128xf32>
    %get3A_78 = arith.constant 0 : index
    %get3A_79 = arith.constant 0 : index
    %get3A_80 = vector.load %arg2[%get3A_78, %get3A_79] : memref<10000x128xf32, #tpu.memory_space<vmem>>, vector<10000x128xf32>
    %add3A_81 = arith.addf %max3A_77, %get3A_80 : vector<10000x128xf32>
    %swap3A = arith.constant 0 : index
    %swap3A_82 = arith.constant 0 : index
    %swap3A_83 = vector.load %arg8[%swap3A, %swap3A_82] : memref<10000x128xf32, #tpu.memory_space<vmem>>, vector<10000x128xf32>
    tpu.vector_store %arg8[%swap3A, %swap3A_82], %add3A_81 {strides = array<i32>} : memref<10000x128xf32, #tpu.memory_space<vmem>>, vector<10000x128xf32>,
    return
  }
}

module attributes {stable_mosaic.version = 14 : i64} {
  func.func @tc_mask(%arg0: memref<10000x128xf32, #tpu.memory_space<vmem>>, %arg1: memref<1x128xf32, #tpu.memory_space<vmem>>, %arg2: memref<10000x128xf32, #tpu.memory_space<vmem>>) attributes {dimension_semantics = [], scalar_prefetch = 0 : i64, scratch_operands = 0 : i64, tpu.core_type = #tpu.core_type<tc>} {
    %get3A = arith.constant 0 : index
    %get3A_0 = arith.constant 0 : index
    %get3A_1 = vector.load %arg0[%get3A, %get3A_0] : memref<10000x128xf32, #tpu.memory_space<vmem>>, vector<10000x128xf32>
    %swap3A = arith.constant 0 : index
    %swap3A_2 = arith.constant 0 : index
    %swap3A_3 = vector.load %arg2[%swap3A, %swap3A_2] : memref<10000x128xf32, #tpu.memory_space<vmem>>, vector<10000x128xf32>
    tpu.vector_store %arg2[%swap3A, %swap3A_2], %get3A_1 {strides = array<i32>} : memref<10000x128xf32, #tpu.memory_space<vmem>>, vector<10000x128xf32>,
    %get3A_4 = arith.constant 0 : index
    %get3A_5 = arith.constant 0 : index
    %get3A_6 = vector.load %arg1[%get3A_4, %get3A_5] : memref<1x128xf32, #tpu.memory_space<vmem>>, vector<1x128xf32>
    %swap3A_7 = arith.constant 0 : index
    %swap3A_8 = arith.constant 0 : index
    %swap3A_9 = vector.load %arg2[%swap3A_7, %swap3A_8] : memref<10000x128xf32, #tpu.memory_space<vmem>>, vector<1x128xf32>
    tpu.vector_store %arg2[%swap3A_7, %swap3A_8], %get3A_6 {strides = array<i32>} : memref<10000x128xf32, #tpu.memory_space<vmem>>, vector<1x128xf32>,
    return
  }
}

module attributes {stable_mosaic.version = 14 : i64} {
  func.func @tc_stage(%arg0: memref<2x10240x128xf32, #tpu.memory_space<vmem>>, %arg1: memref<2x10240x128xf32, #tpu.memory_space<vmem>>, %arg2: memref<10000x128xf32, #tpu.memory_space<vmem>>, %arg3: memref<128x128xf32, #tpu.memory_space<vmem>>, %arg4: memref<1x128xf32, #tpu.memory_space<vmem>>, %arg5: memref<128x128xf32, #tpu.memory_space<vmem>>, %arg6: memref<1x128xf32, #tpu.memory_space<vmem>>, %arg7: memref<1x128xf32, #tpu.memory_space<vmem>>, %arg8: memref<10000x128xf32, #tpu.memory_space<vmem>>) attributes {dimension_semantics = [], scalar_prefetch = 0 : i64, scratch_operands = 0 : i64, tpu.core_type = #tpu.core_type<tc>} {
    %get3A = arith.constant 0 : index
    %get3A_0 = arith.constant 0 : index
    %get3A_1 = arith.constant 0 : index
    %get3A_2 = vector.load %arg0[%get3A, %get3A_0, %get3A_1] : memref<2x10240x128xf32, #tpu.memory_space<vmem>>, vector<1x10240x128xf32>
    %get3A_3 = vector.shape_cast %get3A_2 : vector<1x10240x128xf32> to vector<10240x128xf32>
    %get3A_4 = arith.constant 1 : index
    %get3A_5 = arith.constant 0 : index
    %get3A_6 = arith.constant 0 : index
    %get3A_7 = vector.load %arg0[%get3A_4, %get3A_5, %get3A_6] : memref<2x10240x128xf32, #tpu.memory_space<vmem>>, vector<1x10240x128xf32>
    %get3A_8 = vector.shape_cast %get3A_7 : vector<1x10240x128xf32> to vector<10240x128xf32>
    %add3A = arith.addf %get3A_3, %get3A_8 : vector<10240x128xf32>
    %slice3A = vector.extract_strided_slice %add3A {offsets = [0, 0], sizes = [10000, 128], strides = [1, 1]} : vector<10240x128xf32> to vector<10000x128xf32>
    %get3A_9 = arith.constant 0 : index
    %get3A_10 = arith.constant 0 : index
    %get3A_11 = arith.constant 0 : index
    %get3A_12 = vector.load %arg1[%get3A_9, %get3A_10, %get3A_11] : memref<2x10240x128xf32, #tpu.memory_space<vmem>>, vector<1x10240x128xf32>
    %get3A_13 = vector.shape_cast %get3A_12 : vector<1x10240x128xf32> to vector<10240x128xf32>
    %get3A_14 = arith.constant 1 : index
    %get3A_15 = arith.constant 0 : index
    %get3A_16 = arith.constant 0 : index
    %get3A_17 = vector.load %arg1[%get3A_14, %get3A_15, %get3A_16] : memref<2x10240x128xf32, #tpu.memory_space<vmem>>, vector<1x10240x128xf32>
    %get3A_18 = vector.shape_cast %get3A_17 : vector<1x10240x128xf32> to vector<10240x128xf32>
    %add3A_19 = arith.addf %get3A_13, %get3A_18 : vector<10240x128xf32>
    %slice3A_20 = vector.extract_strided_slice %add3A_19 {offsets = [0, 0], sizes = [10000, 1], strides = [1, 1]} : vector<10240x128xf32> to vector<10000x1xf32>
    %max3A = arith.constant 1.000000e+00 : f32
    %max3A_21 = vector.broadcast %max3A : f32 to vector<10000x1xf32>
    %max3A_22 = arith.maximumf %slice3A_20, %max3A_21 : vector<10000x1xf32>
    %div3A = arith.constant 1.000000e+00 : f32
    %div3A_23 = vector.broadcast %div3A : f32 to vector<10000x1xf32>
    %div3A_24 = arith.divf %div3A_23, %max3A_22 : vector<10000x1xf32>
    %mul3A = vector.broadcast %div3A_24 : vector<10000x1xf32> to vector<10000x128xf32>
    %mul3A_25 = arith.mulf %slice3A, %mul3A : vector<10000x128xf32>
    %get3A_26 = arith.constant 0 : index
    %get3A_27 = arith.constant 0 : index
    %get3A_28 = vector.load %arg3[%get3A_26, %get3A_27] : memref<128x128xf32, #tpu.memory_space<vmem>>, vector<128x128xf32>
    %dot_general3A = arith.constant dense<0.000000e+00> : vector<10000x128xf32>
    %dot_general3A_29 = tpu.matmul %mul3A_25, %get3A_28, %dot_general3A {dimension_numbers = #tpu.dot_dimension_numbers<[1], [0], [0], [1], [0, 0, 1, 1], [], []>, transpose_lhs_hint = false} : vector<10000x128xf32>, vector<128x128xf32>, vector<10000x128xf32> -> vector<10000x128xf32>
    %get3A_30 = arith.constant 0 : index
    %get3A_31 = arith.constant 0 : index
    %get3A_32 = vector.load %arg2[%get3A_30, %get3A_31] : memref<10000x128xf32, #tpu.memory_space<vmem>>, vector<10000x128xf32>
    %get3A_33 = arith.constant 0 : index
    %get3A_34 = arith.constant 0 : index
    %get3A_35 = vector.load %arg5[%get3A_33, %get3A_34] : memref<128x128xf32, #tpu.memory_space<vmem>>, vector<128x128xf32>
    %dot_general3A_36 = arith.constant dense<0.000000e+00> : vector<10000x128xf32>
    %dot_general3A_37 = tpu.matmul %get3A_32, %get3A_35, %dot_general3A_36 {dimension_numbers = #tpu.dot_dimension_numbers<[1], [0], [0], [1], [0, 0, 1, 1], [], []>, transpose_lhs_hint = false} : vector<10000x128xf32>, vector<128x128xf32>, vector<10000x128xf32> -> vector<10000x128xf32>
    %add3A_38 = arith.addf %dot_general3A_29, %dot_general3A_37 : vector<10000x128xf32>
    %get3A_39 = arith.constant 0 : index
    %get3A_40 = arith.constant 0 : index
    %get3A_41 = vector.load %arg4[%get3A_39, %get3A_40] : memref<1x128xf32, #tpu.memory_space<vmem>>, vector<1x128xf32>
    %add3A_42 = vector.broadcast %get3A_41 : vector<1x128xf32> to vector<10000x128xf32>
    %add3A_43 = arith.addf %add3A_38, %add3A_42 : vector<10000x128xf32>
    %reduce_sum3A = arith.constant dense<0.000000e+00> : vector<128xf32>
    %reduce_sum3A_44 = vector.multi_reduction <add>, %add3A_43, %reduce_sum3A [0] : vector<10000x128xf32> to vector<128xf32>
    %broadcast_in_dim3A = vector.shape_cast %reduce_sum3A_44 : vector<128xf32> to vector<1x128xf32>
    %div3A_45 = arith.constant 1.000000e+04 : f32
    %div3A_46 = vector.broadcast %div3A_45 : f32 to vector<1x128xf32>
    %div3A_47 = arith.divf %broadcast_in_dim3A, %div3A_46 : vector<1x128xf32>
    %sub3A = vector.broadcast %div3A_47 : vector<1x128xf32> to vector<10000x128xf32>
    %sub3A_48 = arith.subf %add3A_43, %sub3A : vector<10000x128xf32>
    %sub3A_49 = vector.broadcast %div3A_47 : vector<1x128xf32> to vector<10000x128xf32>
    %sub3A_50 = arith.subf %add3A_43, %sub3A_49 : vector<10000x128xf32>
    %mul3A_51 = arith.mulf %sub3A_48, %sub3A_50 : vector<10000x128xf32>
    %reduce_sum3A_52 = arith.constant dense<0.000000e+00> : vector<128xf32>
    %reduce_sum3A_53 = vector.multi_reduction <add>, %mul3A_51, %reduce_sum3A_52 [0] : vector<10000x128xf32> to vector<128xf32>
    %broadcast_in_dim3A_54 = vector.shape_cast %reduce_sum3A_53 : vector<128xf32> to vector<1x128xf32>
    %div3A_55 = arith.constant 1.000000e+04 : f32
    %div3A_56 = vector.broadcast %div3A_55 : f32 to vector<1x128xf32>
    %div3A_57 = arith.divf %broadcast_in_dim3A_54, %div3A_56 : vector<1x128xf32>
    %sub3A_58 = vector.broadcast %div3A_47 : vector<1x128xf32> to vector<10000x128xf32>
    %sub3A_59 = arith.subf %add3A_43, %sub3A_58 : vector<10000x128xf32>
    %add3A_60 = arith.constant 9.99999974E-6 : f32
    %add3A_61 = vector.broadcast %add3A_60 : f32 to vector<1x128xf32>
    %add3A_62 = arith.addf %div3A_57, %add3A_61 : vector<1x128xf32>
    %rsqrt3A = math.rsqrt %add3A_62 : vector<1x128xf32>
    %mul3A_63 = vector.broadcast %rsqrt3A : vector<1x128xf32> to vector<10000x128xf32>
    %mul3A_64 = arith.mulf %sub3A_59, %mul3A_63 : vector<10000x128xf32>
    %get3A_65 = arith.constant 0 : index
    %get3A_66 = arith.constant 0 : index
    %get3A_67 = vector.load %arg6[%get3A_65, %get3A_66] : memref<1x128xf32, #tpu.memory_space<vmem>>, vector<1x128xf32>
    %mul3A_68 = vector.broadcast %get3A_67 : vector<1x128xf32> to vector<10000x128xf32>
    %mul3A_69 = arith.mulf %mul3A_64, %mul3A_68 : vector<10000x128xf32>
    %get3A_70 = arith.constant 0 : index
    %get3A_71 = arith.constant 0 : index
    %get3A_72 = vector.load %arg7[%get3A_70, %get3A_71] : memref<1x128xf32, #tpu.memory_space<vmem>>, vector<1x128xf32>
    %add3A_73 = vector.broadcast %get3A_72 : vector<1x128xf32> to vector<10000x128xf32>
    %add3A_74 = arith.addf %mul3A_69, %add3A_73 : vector<10000x128xf32>
    %get3A_75 = arith.constant 0 : index
    %get3A_76 = arith.constant 0 : index
    %get3A_77 = vector.load %arg2[%get3A_75, %get3A_76] : memref<10000x128xf32, #tpu.memory_space<vmem>>, vector<10000x128xf32>
    %add3A_78 = arith.addf %add3A_74, %get3A_77 : vector<10000x128xf32>
    %swap3A = arith.constant 0 : index
    %swap3A_79 = arith.constant 0 : index
    %swap3A_80 = vector.load %arg8[%swap3A, %swap3A_79] : memref<10000x128xf32, #tpu.memory_space<vmem>>, vector<10000x128xf32>
    tpu.vector_store %arg8[%swap3A, %swap3A_79], %add3A_78 {strides = array<i32>} : memref<10000x128xf32, #tpu.memory_space<vmem>>, vector<10000x128xf32>,
    return
  }
}

</mosaic_0001>

<sc_bundles>
// kernel: sc_agg.11.cloned.1.call-start
scs
__scs_entry_jumppad:
0x0: {  	(pc) =	sbr.rel $0x88, $3  }
0x1: {  	(tag) =	ssettag $0x0;
	lr =	simm.s32 $0x1  }
0x2: {  	[smem:$0x3F8F] =	sst lr;
	_ =	strace $0xD0000000  }
0x3: {  	_ = 	snop  }
0x4: {  	_ = 	snop  }
0x5: {  	_ = 	snop  }
0x6: {  	_ = 	snop  }
0x7: {  	_ = 	snop  }
__scs_overlays_trampoline_lowered:
0x8: {  	[smem:$0x3F9E] =	sst s0  }
0x9: {  	[smem:$0x3F9F] =	sst s1  }
0xa: {  	[smem:$0x3FA0] =	sst s2  }
0xb: {  	[smem:$0x3FA1] =	sst s3  }
0xc: {  	[smem:$0x3FA2] =	sst s4  }
0xd: {  	[smem:$0x3FA3] =	sst s5  }
0xe: {  	[smem:$0x3FA4] =	sst s6  }
0xf: {  	[smem:$0x3FA5] =	sst s7  }
0x10: {  	[smem:$0x3FA6] =	sst s8  }
0x11: {  	[smem:$0x3FA7] =	sst s9;
	s0 =	simm.s32 @!p0 $0x0  }
0x12: {  	s1 =	sld [smem:$0x3F8D];
	s0 =	simm.s32 @p0 $0x1  }
0x13: {  	[smem:$0x3FA8] =	sst s0;
	s0 =	simm.s32 @!p1 $0x0  }
0x14: {  	s2 =	sld [smem:$0x3F8C];
	s0 =	simm.s32 @p1 $0x1  }
0x15: {  	[smem:$0x3FA9] =	sst s0;
	s0 =	simm.s32 @!p2 $0x0  }
0x16: {  	s3 =	sld [smem:$0x3FDB];
	s0 =	simm.s32 @p2 $0x1  }
0x17: {  	s4 =	simm.s32 $0x1BF5;
	[smem:$0x3FAB] =	sst s0  }
0x18: {  	s0 =	sld [smem:$0x3F8E];
	_ =	swait.ge [sflag:s4], $0x0  }
0x19: {  	s7 =	sld [smem:$0x3F8F]  }
0x1a: {  	s8 =	sadd.s32 $0xFFFFE003, lr  }
0x1b: {  	s9 =	sadd.s32 $0xFFFFFEF7, lr;
	s5 =	simm.s32 $0xFFFFFFFF;
	p2 =	slt.u32 s8, $0xFFFFF086  }
0x1c: {  	p1 =	slt.u32 s9, $0xF7A;
	s5 =	simm.s32 @!p2 $0x0  }
0x1d: {  	s5 =	simm.s32 @p1 $0x1;
	p0 =	seq.s32 s7, s2  }
0x1e: {  	s7 =	smul.u32 @!p0 $0xF7A, s2;
	p2 =	seq.s32 @!p0 s5, $0x0  }
0x1f: {  	s9 =	smul.u32 $0xF7A, s1;
	s8 =	simm.s32 @!p0 $0x1BF5;
	p2 =	por !p2, p0  }
0x20: {  	[sflag:s8] =	ssyncset.s32 @!p0 $0xFFFFF086;
	s6 =	sadd.s32 @!p0 s3, s7;
	s7 =	simm.s32 @!p0 $0x108  }
0x21: {  	s3 =	sadd.s32 s3, s9;
	s6 =	sadd.s32 @!p0 $0x88, s6;
	s7 =	simm.s32 @p2 $0x1082  }
0x22: {  	[simem:s7], [sflag:s8] =	dma.local @!p0 [hbm:s6], $0xF7A  }
0x23: {  	s9 =	sor.u32 $0xD0000000, s2;
	s6 =	simm.s32 $0x108;
	_ =	swait.ge @!p0 [sflag:s8], $0x0  }
0x24: {  	s3 =	sadd.s32 $0x88, s3;
	s6 =	simm.s32 @!p1 $0x1082;
	[sflag:s4] =	ssyncset.s32 $0xFFFFF086  }
0x25: {  	[simem:s6], [sflag:s4] =	dma.local [hbm:s3], $0xF7A  }
0x26: {  	[smem:$0x3F8F] =	sst s1;
	(tag) =	ssettag s2;
	_ =	strace s9  }
0x27: {  	s1 =	sld [smem:$0x3F9F]  }
0x28: {  	s2 =	sld [smem:$0x3FA0]  }
0x29: {  	s4 =	sld [smem:$0x3FA2]  }
0x2a: {  	p0 =	seq.s32 s5, $0x0;
	s5 =	sld [smem:$0x3FA3]  }
0x2b: {  	s6 =	sld [smem:$0x3FA4]  }
0x2c: {  	s7 =	sld [smem:$0x3FA5]  }
0x2d: {  	s3 =	simm.s32 $0x108;
	s8 =	sld [smem:$0x3FA6]  }
0x2e: {  	s3 =	simm.s32 @!p0 $0x1082;
	s9 =	sld [smem:$0x3FA7]  }
0x2f: {  	lr =	sadd.s32 s0, s3;
	s0 =	sld [smem:$0x3F9E]  }
0x30: {  	s3 =	sld [smem:$0x3FA1]  }
0x31: {  	[smem:$0x3FAA] =	sst s10  }
0x32: {  	s10 =	sld [smem:$0x3FA8];
	_ =	sdelay $0x3  }
0x33: {  	p0 =	seq.s32 s10, $0x1;
	s10 =	sld [smem:$0x3FAA];
	_ =	sdelay $0x3  }
0x34: {  	[smem:$0x3FAA] =	sst s10  }
0x35: {  	s10 =	sld [smem:$0x3FA9];
	_ =	sdelay $0x3  }
0x36: {  	p1 =	seq.s32 s10, $0x1;
	s10 =	sld [smem:$0x3FAA];
	_ =	sdelay $0x3  }
0x37: {  	[smem:$0x3FAA] =	sst s10  }
0x38: {  	s10 =	sld [smem:$0x3FAB]  }
0x39: {  	_ = 	snop;
	(pc) =	sbr.ind lr, $3  }
0x3a: {  	_ = 	snop  }
0x3b: {  	_ = 	snop  }
0x3c: {  	p2 =	seq.s32 s10, $0x1;
	s10 =	sld [smem:$0x3FAA]  }
0x3d: {  	_ =	shalt  }
0x3e: {  	_ =	shalt  }
0x3f: {  	_ =	shalt  }
0x40: {  	_ =	shalt  }
0x41: {  	_ =	shalt  }
0x42: {  	_ =	shalt  }
0x43: {  	_ =	shalt  }
0x44: {  	_ =	shalt  }
0x45: {  	_ =	shalt  }
0x46: {  	_ =	shalt  }
0x47: {  	_ =	shalt  }
0x48: {  	_ =	shalt  }
0x49: {  	_ =	shalt  }
0x4a: {  	_ =	shalt  }
0x4b: {  	_ =	shalt  }
0x4c: {  	_ =	shalt  }
0x4d: {  	_ =	shalt  }
0x4e: {  	_ =	shalt  }
0x4f: {  	_ =	shalt  }
0x50: {  	_ =	shalt  }
0x51: {  	_ =	shalt  }
0x52: {  	_ =	shalt  }
0x53: {  	_ =	shalt  }
0x54: {  	_ =	shalt  }
0x55: {  	_ =	shalt  }
0x56: {  	_ =	shalt  }
0x57: {  	_ =	shalt  }
0x58: {  	_ =	shalt  }
0x59: {  	_ =	shalt  }
0x5a: {  	_ =	shalt  }
0x5b: {  	_ =	shalt  }
0x5c: {  	_ =	shalt  }
0x5d: {  	_ =	shalt  }
0x5e: {  	_ =	shalt  }
0x5f: {  	_ =	shalt  }
0x60: {  	_ =	shalt  }
0x61: {  	_ =	shalt  }
0x62: {  	_ =	shalt  }
0x63: {  	_ =	shalt  }
0x64: {  	_ =	shalt  }
0x65: {  	_ =	shalt  }
0x66: {  	_ =	shalt  }
0x67: {  	_ =	shalt  }
0x68: {  	_ =	shalt  }
0x69: {  	_ =	shalt  }
0x6a: {  	_ =	shalt  }
0x6b: {  	_ =	shalt  }
0x6c: {  	_ =	shalt  }
0x6d: {  	_ =	shalt  }
0x6e: {  	_ =	shalt  }
0x6f: {  	_ =	shalt  }
0x70: {  	_ =	shalt  }
0x71: {  	_ =	shalt  }
0x72: {  	_ =	shalt  }
0x73: {  	_ =	shalt  }
0x74: {  	_ =	shalt  }
0x75: {  	_ =	shalt  }
0x76: {  	_ =	shalt  }
0x77: {  	_ =	shalt  }
0x78: {  	_ =	shalt  }
0x79: {  	_ =	shalt  }
0x7a: {  	_ =	shalt  }
0x7b: {  	_ =	shalt  }
0x7c: {  	_ =	shalt  }
0x7d: {  	_ =	shalt  }
0x7e: {  	_ =	shalt  }
0x7f: {  	_ =	shalt  }
0x80: {  	_ =	shalt  }
0x81: {  	_ =	shalt  }
0x82: {  	_ =	shalt  }
0x83: {  	_ =	shalt  }
0x84: {  	_ =	shalt  }
0x85: {  	_ =	shalt  }
0x86: {  	_ =	shalt  }
0x87: {  	_ =	shalt  }
.Lfunc_end0:
.L_simem_size_0:
called_computation.3_lowered:
.L_overlay_start_0:
0x88: {  	s2 =	sld [smem:$0x3FD9]  }
0x89: {  	s3 =	sld [smem:$0x3FFE];
	_ =	sdelay $0x1  }
0x8a: {  	s1 =	srdreg.scid  }
0x8b: {  	s0 =	sand.u32 $0x1, s1  }
0x8c: {  	s17 =	sshll.u32 s0, $0xA;
	s2 =	sadd.s32 s3, s2  }
0x8d: {  	s2 =	sadd.s32 s2, s17  }
0x8e: {  	[smem:$0x3FB6] =	sst s2  }
0x8f: {  	_ = 	snop  }
0x90: {  	s2 =	sld [smem:$0x3FD0];
	(tm) =	ssettm $0x1  }
0x91: {  	s18 =	sld [smem:$0x3FFB];
	_ =	sdelay $0x3  }
0x92: {  	_ =	strace s18  }
0x93: {  	s3 =	sld [smem:$0x3FFC];
	_ =	sdelay $0x3  }
0x94: {  	_ =	strace s3  }
0x95: {  	s3 =	sld [smem:$0x3FFD];
	_ =	sdelay $0x3  }
0x96: {  	_ =	strace s3  }
0x97: {  	_ =	strace $0x8FFFFFFF  }
0x98: {  	s19 =	sld [smem:$0x3FDB];
	_ =	sdelay $0x1  }
0x99: {  	s4 =	simm.s32 $_scs_section_size  }
0x9a: {  	s5 =	simm.s32 $_size__tile_overlayer_lowered;
	s6 =	simm.s32 $_tile_overlayer_lowered  }
0x9b: {  	s22 =	simm.s32 $0x1BFF;
	s21 =	sshll.u32 s6, $0x1;
	s3 =	sadd.s32 s4, s19  }
0x9c: {  	s7 =	simm.s32 $0x0;
	s20 =	sshll.u32 s5, $0x1;
	s5 =	sadd.s32 s21, s3  }
0x9d: {  	[timem:s7], [sflag:s22] =	dma.local [hbm:s5], s20  }
0x9e: {  	_ =	swait.ge [sflag:s22], s20  }
0x9f: {  	s4 =	ssub.s32 $0x0, s20;
	[sflag:s22] =	ssyncset.done $0x0  }
0xa0: {  	[sflag:s22] =	ssyncadd.s32 s4;
	_ =	sdelay $0x1  }
0xa1: {  	s23 =	simm.s32 $0x1B8B  }
0xa2: {  	_ =	swait.ge [sflag:s23], $0x1  }
0xa3: {  	[sflag:s23] =	ssyncset.done $0x0  }
0xa4: {  	s25 =	simm.s32 $0x1B8E;
	s24 =	sld [smem:$0x3FFE];
	[sflag:s23] =	ssyncadd.s32 $0xFFFFFFFF  }
0xa5: {  	s26 =	simm.s32 $execute0_lowered;
	[smem:$0x3FD2] =	sst s25  }
0xa6: {  	s5 =	sshll.u32 s26, $0x1;
	_ =	strace $0x8000004F;
	[dreg:$0x1] =	wrdreg $0xFFFFFFFF  }
0xa7: {  	s28 =	simm.s32 $_size_execute0_lowered;
	s3 =	sadd.s32 s3, s5;
	[dreg:$0x0] =	wrdreg $0x0  }
0xa8: {  	s5 =	sshll.u32 s28, $0x1;
	[dreg:$0x2] =	wrdreg s3  }
0xa9: {  	[dreg:$0x3] =	wrdreg s5  }
0xaa: {  	[dreg:$0x4] =	wrdreg $0xC0  }
0xab: {  	_ =	task [dreg:s7], $0x5FFFF  }
0xac: {  	[dreg:$0x1] =	wrdreg $0xFFFFFFFF  }
0xad: {  	[dreg:$0x0] =	wrdreg $0x60  }
0xae: {  	[dreg:$0x2] =	wrdreg s2  }
0xaf: {  	[dreg:$0x3] =	wrdreg s24  }
0xb0: {  	[dreg:$0x4] =	wrdreg $0x9F800  }
0xb1: {  	[dreg:$0x5] =	wrdreg $0x9  }
0xb2: {  	_ =	task.clear_ibuf [dreg:s7], $0x6FFFF;
	_ =	strace $0x9000004F  }
0xb3: {  	s29 =	simm.s32 $0x9;
	_ =	strace $0x80000051  }
0xb4: {  	_ =	swait.ge [sflag:s29], $0x1  }
0xb5: {  	[sflag:s29] =	ssyncadd.s32 $0xFFFFFFFF  }
0xb6: {  	_ =	strace $0x90000051  }
0xb7: {  	_ =	sfence  }
0xb8: {  	s30 =	sld [smem:$0x0];
	_ =	sdelay $0x2  }
0xb9: {  	s31 =	sshll.u32 s1, $0xD;
	s1 =	sshrl.u32 s1, $0x2  }
0xba: {  	s3 =	sand.u32 $0x4000, s31;
	s1 =	sadd.s32 s1, s30  }
0xbb: {  	s0 =	sor.u32 s3, s0;
	s1 =	sshll.u32 s1, $0x11  }
0xbc: {  	s0 =	sor.u32 s1, s0  }
0xbd: {  	s0 =	sadd.s32 $0x8F2B, s0  }
0xbe: {  	[sflag:s0] =	ssyncadd.remote.s32 $0x1  }
0xbf: {  	_ =	sfence.sel $0xFFFF  }
0xc0: {  	[dreg:$0x0] =	wrdreg $0xFFFFFFFF;
	(pc) =	sbr.abs _section_cstart, $3  }
0xc1: {  	[dreg:$0x1] =	wrdreg $0xFFFFFFFF  }
0xc2: {  	_ =	task.clear_ibuf [dreg:s7], $0x2FFFF;
	_ =	strace $0x9FFFFFFF  }
0xc3: {  	(tm) =	ssettm $0x7FFFFFFF  }
tec
execute0_lowered:
.L_overlay_start_1:
0x0: {  	(tag) =	ssettag $0x1  }
0x1: {  	s1 =	rddreg [dreg:$0x0]  }
0x2: {  	s0 =	rddreg [dreg:$0x1]  }
0x3: {  	s2 =	rddreg [dreg:$0x2];
	s3 =	simm.s32 $0x0;
	s22 =	srdreg.scid  }
0x4: {  	s10 =	stileid.u32;
	s29 =	simm.s32 $0x4F80;
	s30 =	simm.s32 $0x50  }
0x5: {  	s31 =	simm.s32 $0x7780;
	s28 =	simm.s32 $0x0;
	[smem:$0x7FF] =	sst s3  }
0x6: {  	s4 =	sadd.s32 $0x4A00, s0;
	s3 =	sand.u32 $0x1, s22;
	s6 =	sshrl.u32 s10, $0x2  }
0x7: {  	s7 =	sshll.u32 s10, $0x8;
	s0 =	sadd.s32 $0x68600, s0;
	s23 =	smul.u32 $0x50000, s10  }
0x8: {  	s14 =	smul.u32 $0x14000, s10;
	_ =	strace $0x80000050;
	s5 =	ssub.s32 $0x2, s3  }
0x9: {  	s6 =	smul.u32 $0x13C00, s6;
	s8 =	sshll.u32 s3, $0x7;
	s7 =	sand.u32 $0x300, s7  }
0xa: {  	s3 =	smul.u32 $0x140000, s3;
	s9 =	sshrl.u32 s5, $0x1;
	s7 =	sor.u32 s8, s7  }
0xb: {  	s25 =	sor.u32 $0x2800, s14;
	s26 =	sadd.s32 $0x5000, s14;
	s15 =	sadd.s32 $0x7800, s14  }
0xc: {  	s16 =	sadd.s32 $0xA000, s14;
	s17 =	sadd.s32 $0xC800, s14;
	s20 =	sadd.s32 $0xF000, s14  }
0xd: {  	s21 =	sadd.s32 $0x11800, s14;
	s5 =	ssub.s32 s5, s9;
	s6 =	sor.u32 s6, s7  }
0xe: {  	s7 =	sshrl.u32 s23, $0x2;
	s9 =	sadd.s32 s26, s2;
	s10 =	sadd.s32 s15, s2  }
0xf: {  	s11 =	sadd.s32 s16, s2;
	s12 =	sadd.s32 s17, s2;
	s13 =	sadd.s32 s20, s2  }
0x10: {  	s18 =	sadd.s32 s14, s3;
	s14 =	sadd.s32 s21, s2;
	s19 =	sadd.s32 s3, s16  }
0x11: {  	s24 =	sshrl.u32 s6, $0x3;
	s6 =	sadd.s32 $0x4F000, s6;
	s7 =	sadd.s32 s7, s2  }
0x12: {  	s18 =	sshrl.u32 s18, $0x3;
	s23 =	sshrl.u32 s19, $0x3;
	s8 =	sadd.s32 s4, s24  }
0x13: {  	s6 =	sshrl.u32 s6, $0x3;
	s18 =	sadd.s32 s0, s18;
	s19 =	sadd.s32 s0, s23  }
0x14: {  	s24 =	sadd.s32 s3, s17;
	s23 =	smax.u32 s5, $0x1;
	[dreg:$0x4] =	wrdreg s8  }
0x15: {  	s4 =	sadd.s32 s4, s6;
	s8 =	sadd.s32 s25, s2;
	[dreg:$0x6] =	wrdreg s18  }
0x16: {  	s18 =	sadd.s32 s3, s15;
	[dreg:$0x5] =	wrdreg s4;
	s4 =	sadd.s32 s3, s25  }
0x17: {  	s6 =	sadd.s32 s3, s26;
	s22 =	sshrl.u32 s18, $0x3;
	s4 =	sshrl.u32 s4, $0x3  }
0x18: {  	s25 =	sadd.s32 s3, s20;
	s3 =	sadd.s32 s3, s21;
	s4 =	sadd.s32 s0, s4  }
0x19: {  	s26 =	sshrl.u32 s25, $0x3;
	[dreg:$0x7] =	wrdreg s4;
	s4 =	sshrl.u32 s6, $0x3  }
0x1a: {  	s3 =	sshrl.u32 s3, $0x3;
	s25 =	simm.s32 $0x400;
	s4 =	sadd.s32 s0, s4  }
0x1b: {  	s21 =	sadd.s32 s0, s26;
	s26 =	simm.s32 $0x3;
	[dreg:$0x8] =	wrdreg s4  }
0x1c: {  	s4 =	sadd.s32 s0, s22;
	s22 =	sadd.s32 s0, s3;
	s3 =	simm.s32 $0x4F00  }
0x1d: {  	[dreg:$0x9] =	wrdreg s4;
	s4 =	sshrl.u32 s24, $0x3;
	s24 =	simm.s32 $0x80  }
0x1e: {  	v0 =	vimm.f32 $0.0e+00;
	s20 =	sadd.s32 s0, s4;
	s0 =	simm.s32 $0x1;
	s4 =	simm.s32 $0x2  }
.LBB2_1:
0x1f: {  	s5 =	simm.s32 $0x0;
	s6 =	rddreg [dreg:$0x4]  }
0x20: {  	[tilespmem:s5], [sflag:$0x3] =	stream.strided.gather [hbm4b:s6+s24], $0x2780, s25, s24, $0x38;
	[tilespmem:$0x1DF80] =	vst v63  }
0x21: {  	_ =	swait.ge [sflag:s26], $0x2780  }
0x22: {  	[sflag:s26] =	ssyncset.done $0x0  }
0x23: {  	s18 =	simm.s32 $0x2780;
	s17 =	rddreg [dreg:$0x5];
	[sflag:s26] =	ssyncadd.s32 $0xFFFFD880  }
0x24: {  	[tilespmem:s18], [sflag:$0x3] =	stream.strided.gather [hbm4b:s17+s24], $0x2780, s25, s24, $0x38;
	[tilespmem:$0x1DF80] =	vst v63  }
0x25: {  	_ =	swait.ge [sflag:s26], $0x2780  }
0x26: {  	[sflag:s26] =	ssyncset.done $0x0  }
0x27: {  	s5 =	simm.s32 $0x0;
	s6 =	simm.s32 $0x200;
	[sflag:s26] =	ssyncadd.s32 $0xFFFFD880  }
.LBB2_2:
0x28: {  	p0 =	sne.s32 s6, $0x9E00;
	[tilespmem:s5+$0x4FF0] =	vst v0  }
0x29: {  	[tilespmem:s5+$0x4F80] =	vst v0  }
0x2a: {  	[tilespmem:s5+$0x4F90] =	vst v0  }
.Ltmp0:
0x2b: {  	[tilespmem:s5+$0x4FA0] =	vst v0;
	(pc) =	sbr.rel @p0 .LBB2_2-.Ltmp0, $4  }
0x2c: {  	[tilespmem:s5+$0x4FB0] =	vst v0  }
0x2d: {  	[tilespmem:s5+$0x4FC0] =	vst v0  }
0x2e: {  	[tilespmem:s5+$0x4FD0] =	vst v0  }
0x2f: {  	[tilespmem:s5+$0x4FE0] =	vst v0;
	s5 =	sshra.s32 s6, $0x2;
	s6 =	sadd.s32 $0x200, s6  }
0x30: {  	[tilespmem:s5+$0x4FF0] =	vst v0  }
0x31: {  	[tilespmem:s5+$0x4F80] =	vst v0  }
0x32: {  	[tilespmem:s5+$0x4F90] =	vst v0  }
0x33: {  	[tilespmem:s5+$0x4FA0] =	vst v0  }
0x34: {  	[tilespmem:s5+$0x4FB0] =	vst v0  }
0x35: {  	[tilespmem:s5+$0x4FC0] =	vst v0  }
0x36: {  	[tilespmem:s5+$0x4FD0] =	vst v0  }
0x37: {  	[tilespmem:s5+$0x4FE0] =	vst v0  }
0x38: {  	[spmem:s7] =	stream.linear.scatter [tilespmem:s29], [sflag:$0x3], $0x2800, $0x38;
	[tilespmem:$0x1DF80] =	vst v63  }
0x39: {  	_ =	swait.ge [sflag:s26], $0x2800  }
0x3a: {  	[sflag:s26] =	ssyncset.done $0x0  }
0x3b: {  	[sflag:s26] =	ssyncadd.s32 $0xFFFFD800  }
0x3c: {  	[spmem:s8] =	stream.linear.scatter [tilespmem:s29], [sflag:$0x3], $0x2800, $0x38;
	[tilespmem:$0x1DF80] =	vst v63  }
0x3d: {  	_ =	swait.ge [sflag:s26], $0x2800  }
0x3e: {  	[sflag:s26] =	ssyncset.done $0x0  }
0x3f: {  	[sflag:s26] =	ssyncadd.s32 $0xFFFFD800  }
0x40: {  	[spmem:s9] =	stream.linear.scatter [tilespmem:s29], [sflag:$0x3], $0x2800, $0x38;
	[tilespmem:$0x1DF80] =	vst v63  }
0x41: {  	_ =	swait.ge [sflag:s26], $0x2800  }
0x42: {  	[sflag:s26] =	ssyncset.done $0x0  }
0x43: {  	[sflag:s26] =	ssyncadd.s32 $0xFFFFD800  }
0x44: {  	[spmem:s10] =	stream.linear.scatter [tilespmem:s29], [sflag:$0x3], $0x2800, $0x38;
	[tilespmem:$0x1DF80] =	vst v63  }
0x45: {  	_ =	swait.ge [sflag:s26], $0x2800  }
0x46: {  	[sflag:s26] =	ssyncset.done $0x0  }
0x47: {  	[sflag:s26] =	ssyncadd.s32 $0xFFFFD800  }
0x48: {  	[spmem:s11] =	stream.linear.scatter [tilespmem:s29], [sflag:$0x3], $0x2800, $0x38;
	[tilespmem:$0x1DF80] =	vst v63  }
0x49: {  	_ =	swait.ge [sflag:s26], $0x2800  }
0x4a: {  	[sflag:s26] =	ssyncset.done $0x0  }
0x4b: {  	[sflag:s26] =	ssyncadd.s32 $0xFFFFD800  }
0x4c: {  	[spmem:s12] =	stream.linear.scatter [tilespmem:s29], [sflag:$0x3], $0x2800, $0x38;
	[tilespmem:$0x1DF80] =	vst v63  }
0x4d: {  	_ =	swait.ge [sflag:s26], $0x2800  }
0x4e: {  	[sflag:s26] =	ssyncset.done $0x0  }
0x4f: {  	[sflag:s26] =	ssyncadd.s32 $0xFFFFD800  }
0x50: {  	[spmem:s13] =	stream.linear.scatter [tilespmem:s29], [sflag:$0x3], $0x2800, $0x38;
	[tilespmem:$0x1DF80] =	vst v63  }
0x51: {  	_ =	swait.ge [sflag:s26], $0x2800  }
0x52: {  	[sflag:s26] =	ssyncset.done $0x0  }
0x53: {  	[sflag:s26] =	ssyncadd.s32 $0xFFFFD800  }
0x54: {  	[spmem:s14] =	stream.linear.scatter [tilespmem:s29], [sflag:$0x3], $0x2800, $0x38;
	[tilespmem:$0x1DF80] =	vst v63  }
0x55: {  	_ =	swait.ge [sflag:s26], $0x2800  }
0x56: {  	[sflag:s26] =	ssyncset.done $0x0  }
0x57: {  	[sflag:s26] =	ssyncadd.s32 $0xFFFFD800  }
0x58: {  	s18 =	simm.s32 $0x0;
	[bflag:$0x0] =	sbarrier.arrive $0xFFFF  }
0x59: {  	[tilespmem:s29], [sflag:$0x1] =	stream.indirect.gather [hbm4b:s1+s30], $0x80, s18, s30, $0xb8;
	[tilespmem:$0x1DF80] =	vst v63  }
0x5a: {  	_ = 	snop  }
0x5b: {  	[tilespmem:s31], [sflag:$0x2] =	stream.indirect.gather [hbm4b:s1+s30], $0x80, s30, s30, $0xb8;
	[tilespmem:$0x1DF80] =	vst v63  }
0x5c: {  	_ =	swait.ge [sflag:s0], $0x2800  }
0x5d: {  	[sflag:s0] =	ssyncset.done $0x0  }
0x5e: {  	s6 =	simm.s32 $0x27D0;
	[sflag:s0] =	ssyncadd.s32 $0xFFFFD800  }
0x5f: {  	v1 =	vld [tilespmem:s6+$0xFFFFFFB0];
	_ =	sdelay $0x4  }
0x60: {  	[tilespmem:$0x4F00] =	vst v1  }
0x61: {  	v1 =	vld [tilespmem:s6+$0xFFFFFFC0];
	_ =	sdelay $0x4  }
0x62: {  	[tilespmem:$0x4F10] =	vst v1  }
0x63: {  	v1 =	vld [tilespmem:s6+$0xFFFFFFD0];
	_ =	sdelay $0x4  }
0x64: {  	[tilespmem:$0x4F20] =	vst v1  }
0x65: {  	v1 =	vld [tilespmem:s6+$0xFFFFFFE0];
	_ =	sdelay $0x4  }
0x66: {  	[tilespmem:$0x4F30] =	vst v1  }
0x67: {  	v1 =	vld [tilespmem:s6+$0xFFFFFFF0];
	_ =	sdelay $0x4  }
0x68: {  	[tilespmem:$0x4F40] =	vst v1  }
0x69: {  	[spmem:s2] =	stream.indirect.scatter.add.f32 [tilespmem:s29], [sflag:$0x3], $0x80, s3, s30, $0xb8;
	[tilespmem:$0x1DF80] =	vst v63  }
0x6a: {  	_ =	swait.ge [sflag:s26], $0x2800  }
0x6b: {  	[sflag:s26] =	ssyncset.done $0x0  }
0x6c: {  	s15 =	simm.s32 $0xA0;
	[sflag:s26] =	ssyncadd.s32 $0xFFFFD800  }
0x6d: {  	[tilespmem:s29], [sflag:$0x1] =	stream.indirect.gather [hbm4b:s1+s30], $0x80, s15, s30, $0xb8;
	[tilespmem:$0x1DF80] =	vst v63  }
0x6e: {  	_ =	swait.ge [sflag:s4], $0x2800  }
0x6f: {  	[sflag:s4] =	ssyncset.done $0x0  }
0x70: {  	[sflag:s4] =	ssyncadd.s32 $0xFFFFD800  }
0x71: {  	v1 =	vld [tilespmem:s6+$0x0];
	_ =	sdelay $0x4  }
0x72: {  	[tilespmem:$0x4F00] =	vst v1  }
0x73: {  	v1 =	vld [tilespmem:s6+$0x10];
	_ =	sdelay $0x4  }
0x74: {  	[tilespmem:$0x4F10] =	vst v1  }
0x75: {  	v1 =	vld [tilespmem:s6+$0x20];
	_ =	sdelay $0x4  }
0x76: {  	s5 =	sand.u32 $0x3FE0, s18;
	[tilespmem:$0x4F20] =	vst v1  }
0x77: {  	v1 =	vld [tilespmem:s5+$0x2800];
	_ =	sdelay $0x4  }
0x78: {  	[tilespmem:$0x4F30] =	vst v1  }
0x79: {  	v1 =	vld [tilespmem:s6+$0x40];
	_ =	sdelay $0x4  }
0x7a: {  	[tilespmem:$0x4F40] =	vst v1  }
0x7b: {  	[spmem:s2] =	stream.indirect.scatter.add.f32 [tilespmem:s31], [sflag:$0x3], $0x80, s3, s30, $0xb8;
	[tilespmem:$0x1DF80] =	vst v63  }
0x7c: {  	_ =	swait.ge [sflag:s26], $0x2800  }
0x7d: {  	s16 =	simm.s32 $0x2870;
	s15 =	simm.s32 $0x190;
	[sflag:s26] =	ssyncset.done $0x0  }
0x7e: {  	s5 =	simm.s32 $0xF0;
	s6 =	simm.s32 $0xA0;
	[sflag:s26] =	ssyncadd.s32 $0xFFFFD800  }
.LBB2_4:
0x7f: {  	[tilespmem:s31], [sflag:$0x2] =	stream.indirect.gather [hbm4b:s1+s30], $0x80, s5, s30, $0xb8;
	[tilespmem:$0x1DF80] =	vst v63  }
0x80: {  	s17 =	smov.u32 s6;
	s5 =	smov.u32 s15  }
0x81: {  	p0 =	sne.s32 s6, $0x2580;
	s6 =	sadd.s32 $0xA0, s6;
	_ =	swait.ge [sflag:s0], $0x2800  }
0x82: {  	[sflag:s0] =	ssyncset.done $0x0  }
0x83: {  	[sflag:s0] =	ssyncadd.s32 $0xFFFFD800  }
0x84: {  	v1 =	vld [tilespmem:s16+$0xFFFFFFB0];
	_ =	sdelay $0x4  }
0x85: {  	[tilespmem:$0x4F00] =	vst v1  }
0x86: {  	v1 =	vld [tilespmem:s16+$0xFFFFFFC0];
	_ =	sdelay $0x4  }
0x87: {  	[tilespmem:$0x4F10] =	vst v1  }
0x88: {  	v1 =	vld [tilespmem:s16+$0xFFFFFFD0];
	_ =	sdelay $0x4  }
0x89: {  	[tilespmem:$0x4F20] =	vst v1  }
0x8a: {  	v1 =	vld [tilespmem:s16+$0xFFFFFFE0];
	_ =	sdelay $0x4  }
0x8b: {  	[tilespmem:$0x4F30] =	vst v1  }
0x8c: {  	v1 =	vld [tilespmem:s16+$0xFFFFFFF0];
	_ =	sdelay $0x4  }
0x8d: {  	[tilespmem:$0x4F40] =	vst v1  }
0x8e: {  	[spmem:s2] =	stream.indirect.scatter.add.f32 [tilespmem:s29], [sflag:$0x3], $0x80, s3, s30, $0xb8;
	[tilespmem:$0x1DF80] =	vst v63  }
0x8f: {  	_ =	swait.ge [sflag:s26], $0x2800  }
0x90: {  	[sflag:s26] =	ssyncset.done $0x0  }
0x91: {  	s18 =	sadd.s32 $0xFFFFFFB0, s15;
	[sflag:s26] =	ssyncadd.s32 $0xFFFFD800  }
0x92: {  	[tilespmem:s29], [sflag:$0x1] =	stream.indirect.gather [hbm4b:s1+s30], $0x80, s18, s30, $0xb8;
	[tilespmem:$0x1DF80] =	vst v63  }
0x93: {  	_ =	swait.ge [sflag:s4], $0x2800  }
0x94: {  	[sflag:s4] =	ssyncset.done $0x0  }
0x95: {  	[sflag:s4] =	ssyncadd.s32 $0xFFFFD800  }
0x96: {  	v1 =	vld [tilespmem:s16+$0x0];
	_ =	sdelay $0x4  }
0x97: {  	[tilespmem:$0x4F00] =	vst v1  }
0x98: {  	v1 =	vld [tilespmem:s16+$0x10];
	_ =	sdelay $0x4  }
0x99: {  	[tilespmem:$0x4F10] =	vst v1  }
0x9a: {  	v1 =	vld [tilespmem:s16+$0x20];
	_ =	sdelay $0x4  }
0x9b: {  	s17 =	sand.u32 $0x3FE0, s17;
	[tilespmem:$0x4F20] =	vst v1  }
0x9c: {  	v1 =	vld [tilespmem:s17+$0x2800];
	_ =	sdelay $0x4  }
0x9d: {  	[tilespmem:$0x4F30] =	vst v1  }
0x9e: {  	v1 =	vld [tilespmem:s16+$0x40];
	_ =	sdelay $0x4  }
.Ltmp1:
0x9f: {  	[tilespmem:$0x4F40] =	vst v1;
	(pc) =	sbr.rel @p0 .LBB2_4-.Ltmp1, $4  }
0xa0: {  	[spmem:s2] =	stream.indirect.scatter.add.f32 [tilespmem:s31], [sflag:$0x3], $0x80, s3, s30, $0xb8;
	[tilespmem:$0x1DF80] =	vst v63  }
0xa1: {  	_ =	swait.ge [sflag:s26], $0x2800  }
0xa2: {  	[sflag:s26] =	ssyncset.done $0x0  }
0xa3: {  	s15 =	sadd.s32 $0xA0, s15;
	s16 =	sadd.s32 $0xA0, s16;
	[sflag:s26] =	ssyncadd.s32 $0xFFFFD800  }
0xa4: {  	[tilespmem:s31], [sflag:$0x2] =	stream.indirect.gather [hbm4b:s1+s30], $0x80, s5, s30, $0xb8;
	[tilespmem:$0x1DF80] =	vst v63  }
0xa5: {  	_ =	swait.ge [sflag:s0], $0x2800  }
0xa6: {  	[sflag:s0] =	ssyncset.done $0x0  }
0xa7: {  	[sflag:s0] =	ssyncadd.s32 $0xFFFFD800  }
0xa8: {  	v1 =	vld [tilespmem:$0x4DA0]  }
0xa9: {  	v2 =	vld [tilespmem:$0x4DB0]  }
0xaa: {  	v3 =	vld [tilespmem:$0x4DC0]  }
0xab: {  	v4 =	vld [tilespmem:$0x4DD0]  }
0xac: {  	v5 =	vld [tilespmem:$0x4DE0]  }
0xad: {  	[tilespmem:$0x4F00] =	vst v1  }
0xae: {  	[tilespmem:$0x4F10] =	vst v2  }
0xaf: {  	[tilespmem:$0x4F20] =	vst v3  }
0xb0: {  	[tilespmem:$0x4F30] =	vst v4  }
0xb1: {  	[tilespmem:$0x4F40] =	vst v5  }
0xb2: {  	[spmem:s2] =	stream.indirect.scatter.add.f32 [tilespmem:s29], [sflag:$0x3], $0x80, s3, s30, $0xb8;
	[tilespmem:$0x1DF80] =	vst v63  }
0xb3: {  	_ =	swait.ge [sflag:s26], $0x2800  }
0xb4: {  	[sflag:s26] =	ssyncset.done $0x0  }
0xb5: {  	s15 =	simm.s32 $0x26C0;
	[sflag:s26] =	ssyncadd.s32 $0xFFFFD800  }
0xb6: {  	[tilespmem:s29], [sflag:$0x1] =	stream.indirect.gather [hbm4b:s1+s30], $0x80, s15, s30, $0xb8;
	[tilespmem:$0x1DF80] =	vst v63  }
0xb7: {  	_ =	swait.ge [sflag:s4], $0x2800  }
0xb8: {  	[sflag:s4] =	ssyncset.done $0x0  }
0xb9: {  	[sflag:s4] =	ssyncadd.s32 $0xFFFFD800  }
0xba: {  	v1 =	vld [tilespmem:$0x4DF0]  }
0xbb: {  	v2 =	vld [tilespmem:$0x4E00]  }
0xbc: {  	v3 =	vld [tilespmem:$0x4E10]  }
0xbd: {  	v60 =	vld [tilespmem:$0x4E20]  }
0xbe: {  	v61 =	vld [tilespmem:$0x4E30]  }
0xbf: {  	[tilespmem:$0x4F00] =	vst v1  }
0xc0: {  	[tilespmem:$0x4F10] =	vst v2  }
0xc1: {  	[tilespmem:$0x4F20] =	vst v3  }
0xc2: {  	[tilespmem:$0x4F30] =	vst v60  }
0xc3: {  	[tilespmem:$0x4F40] =	vst v61  }
0xc4: {  	[spmem:s2] =	stream.indirect.scatter.add.f32 [tilespmem:s31], [sflag:$0x3], $0x80, s3, s30, $0xb8;
	[tilespmem:$0x1DF80] =	vst v63  }
0xc5: {  	_ =	swait.ge [sflag:s26], $0x2800  }
0xc6: {  	[sflag:s26] =	ssyncset.done $0x0  }
0xc7: {  	[sflag:s26] =	ssyncadd.s32 $0xFFFFD800  }
0xc8: {  	_ =	swait.ge [sflag:s0], $0x2800  }
0xc9: {  	[sflag:s0] =	ssyncset.done $0x0  }
0xca: {  	[sflag:s0] =	ssyncadd.s32 $0xFFFFD800  }
0xcb: {  	v1 =	vld [tilespmem:$0x4E40]  }
0xcc: {  	v2 =	vld [tilespmem:$0x4E50]  }
0xcd: {  	v3 =	vld [tilespmem:$0x4E60]  }
0xce: {  	v62 =	vld [tilespmem:$0x4E70]  }
0xcf: {  	v63 =	vld [tilespmem:$0x4E80]  }
0xd0: {  	[tilespmem:$0x4F00] =	vst v1  }
0xd1: {  	[tilespmem:$0x4F10] =	vst v2  }
0xd2: {  	[tilespmem:$0x4F20] =	vst v3  }
0xd3: {  	[tilespmem:$0x4F30] =	vst v62  }
0xd4: {  	[tilespmem:$0x4F40] =	vst v63  }
0xd5: {  	[spmem:s2] =	stream.indirect.scatter.add.f32 [tilespmem:s29], [sflag:$0x3], $0x80, s3, s30, $0xb8;
	[tilespmem:$0x1DF80] =	vst v63  }
0xd6: {  	_ =	swait.ge [sflag:s26], $0x2800  }
0xd7: {  	[sflag:s26] =	ssyncset.done $0x0  }
0xd8: {  	s16 =	stileid.u32;
	[sflag:s26] =	ssyncadd.s32 $0xFFFFD800  }
0xd9: {  	s5 =	sshll.u32 s16, $0x6;
	[bflag:$0x0] =	sbarrier.arrive $0xFFFF  }
0xda: {  	s6 =	sshrl.u32 s7, $0x3;
	s5 =	sor.u32 $0x1C03, s5;
	s15 =	rddreg [dreg:$0x6]  }
0xdb: {  	[hbm:s15], [sflag:s5] =	dma.local [spmem:s6], $0x500  }
0xdc: {  	_ =	swait.ge [sflag:s26], $0x500  }
0xdd: {  	[sflag:s26] =	ssyncset.done $0x0  }
0xde: {  	s17 =	sshrl.u32 s8, $0x3;
	s18 =	rddreg [dreg:$0x7];
	[sflag:s26] =	ssyncadd.s32 $0xFFFFFB00  }
0xdf: {  	[hbm:s18], [sflag:s5] =	dma.local [spmem:s17], $0x500  }
0xe0: {  	_ =	swait.ge [sflag:s26], $0x500  }
0xe1: {  	[sflag:s26] =	ssyncset.done $0x0  }
0xe2: {  	s15 =	sshrl.u32 s9, $0x3;
	s16 =	rddreg [dreg:$0x8];
	[sflag:s26] =	ssyncadd.s32 $0xFFFFFB00  }
0xe3: {  	[hbm:s16], [sflag:s5] =	dma.local [spmem:s15], $0x500  }
0xe4: {  	_ =	swait.ge [sflag:s26], $0x500  }
0xe5: {  	[sflag:s26] =	ssyncset.done $0x0  }
0xe6: {  	s17 =	sshrl.u32 s10, $0x3;
	s18 =	rddreg [dreg:$0x9];
	[sflag:s26] =	ssyncadd.s32 $0xFFFFFB00  }
0xe7: {  	[hbm:s18], [sflag:s5] =	dma.local [spmem:s17], $0x500  }
0xe8: {  	_ =	swait.ge [sflag:s26], $0x500  }
0xe9: {  	[sflag:s26] =	ssyncset.done $0x0  }
0xea: {  	s15 =	sshrl.u32 s11, $0x3;
	[sflag:s26] =	ssyncadd.s32 $0xFFFFFB00  }
0xeb: {  	[hbm:s19], [sflag:s5] =	dma.local [spmem:s15], $0x500  }
0xec: {  	_ =	swait.ge [sflag:s26], $0x500  }
0xed: {  	[sflag:s26] =	ssyncset.done $0x0  }
0xee: {  	s16 =	sshrl.u32 s12, $0x3;
	[sflag:s26] =	ssyncadd.s32 $0xFFFFFB00  }
0xef: {  	[hbm:s20], [sflag:s5] =	dma.local [spmem:s16], $0x500  }
0xf0: {  	_ =	swait.ge [sflag:s26], $0x500  }
0xf1: {  	[sflag:s26] =	ssyncset.done $0x0  }
0xf2: {  	s17 =	sshrl.u32 s13, $0x3;
	[sflag:s26] =	ssyncadd.s32 $0xFFFFFB00  }
0xf3: {  	[hbm:s21], [sflag:s5] =	dma.local [spmem:s17], $0x500  }
0xf4: {  	s28 =	sadd.s32 $0x1, s28;
	_ =	swait.ge [sflag:s26], $0x500  }
0xf5: {  	p0 =	sne.s32 s28, s23;
	[sflag:s26] =	ssyncset.done $0x0  }
.Ltmp2:
0xf6: {  	s18 =	sshrl.u32 s14, $0x3;
	[sflag:s26] =	ssyncadd.s32 $0xFFFFFB00;
	(pc) =	sbr.rel @p0 .LBB2_1-.Ltmp2, $4  }
0xf7: {  	[hbm:s22], [sflag:s5] =	dma.local [spmem:s18], $0x500  }
0xf8: {  	_ =	swait.ge [sflag:s26], $0x500  }
0xf9: {  	[sflag:s26] =	ssyncset.done $0x0  }
0xfa: {  	[sflag:s26] =	ssyncadd.s32 $0xFFFFFB00  }
0xfb: {  	_ =	sfence.sel $0x180000  }
0xfc: {  	[bflag:$0x0] =	sbarrier.arrive $0xFFFF  }
0xfd: {  	_ =	strace $0x90000050  }
0xfe: {  	s0 =	stileid.u32;
	[bflag:$0x2] =	sbarrier.arrive $0xFFFF  }
0xff: {  	p0 =	sne.s32 s0, $0x0;
	s0 =	rddreg [dreg:$0x3]  }
0x100: {  	s0 =	sadd.s32 @!p0 $0x100000, s0  }
0x101: {  	[sflag:s0] =	ssyncadd.tile.s32 @!p0 $0x1;
	_ =	shalt  }
.Lfunc_end2:
_tile_overlayer_lowered:
.L_overlay_start_2:
0x102: {  	(tag) =	ssettag $0x2  }
0x103: {  	s0 =	rddreg [dreg:$0x0];
	s2 =	stileid.u32  }
0x104: {  	s1 =	rddreg [dreg:$0x1];
	p0 =	sne.s32 s2, $0x0  }
0x105: {  	s3 =	rddreg [dreg:$0x2];
	[bflag:$0x3] =	sbarrier.arrive $0xFFFF;
	s2 =	simm.s32 @!p0 $0x1C03  }
0x106: {  	[timem:s3], [sflag:s2] =	dma.local @!p0 [hbm:s0], s1  }
0x107: {  	s0 =	simm.s32 @!p0 $0x3  }
0x108: {  	_ =	swait.ge @!p0 [sflag:s0], s1  }
0x109: {  	s1 =	ssub.s32 @!p0 $0x0, s1;
	[sflag:s0] =	ssyncset.done @!p0 $0x0  }
0x10a: {  	[sflag:s0] =	ssyncadd.s32 @!p0 s1  }
0x10b: {  	[bflag:$0x3] =	sbarrier.arrive $0xFFFF  }
0x10c: {  	_ =	shalt  }

// kernel: sc_agg.5.cloned.1.call-start
scs
__scs_entry_jumppad:
0x0: {  	(pc) =	sbr.rel $0x88, $3  }
0x1: {  	(tag) =	ssettag $0x0;
	lr =	simm.s32 $0x1  }
0x2: {  	[smem:$0x3F8F] =	sst lr;
	_ =	strace $0xD0000000  }
0x3: {  	_ = 	snop  }
0x4: {  	_ = 	snop  }
0x5: {  	_ = 	snop  }
0x6: {  	_ = 	snop  }
0x7: {  	_ = 	snop  }
__scs_overlays_trampoline_lowered:
0x8: {  	[smem:$0x3F9E] =	sst s0  }
0x9: {  	[smem:$0x3F9F] =	sst s1  }
0xa: {  	[smem:$0x3FA0] =	sst s2  }
0xb: {  	[smem:$0x3FA1] =	sst s3  }
0xc: {  	[smem:$0x3FA2] =	sst s4  }
0xd: {  	[smem:$0x3FA3] =	sst s5  }
0xe: {  	[smem:$0x3FA4] =	sst s6  }
0xf: {  	[smem:$0x3FA5] =	sst s7  }
0x10: {  	[smem:$0x3FA6] =	sst s8  }
0x11: {  	[smem:$0x3FA7] =	sst s9;
	s0 =	simm.s32 @!p0 $0x0  }
0x12: {  	s1 =	sld [smem:$0x3F8D];
	s0 =	simm.s32 @p0 $0x1  }
0x13: {  	[smem:$0x3FA8] =	sst s0;
	s0 =	simm.s32 @!p1 $0x0  }
0x14: {  	s2 =	sld [smem:$0x3F8C];
	s0 =	simm.s32 @p1 $0x1  }
0x15: {  	[smem:$0x3FA9] =	sst s0;
	s0 =	simm.s32 @!p2 $0x0  }
0x16: {  	s3 =	sld [smem:$0x3FDB];
	s0 =	simm.s32 @p2 $0x1  }
0x17: {  	s4 =	simm.s32 $0x1BF5;
	[smem:$0x3FAB] =	sst s0  }
0x18: {  	s0 =	sld [smem:$0x3F8E];
	_ =	swait.ge [sflag:s4], $0x0  }
0x19: {  	s7 =	sld [smem:$0x3F8F]  }
0x1a: {  	s8 =	sadd.s32 $0xFFFFE003, lr  }
0x1b: {  	s9 =	sadd.s32 $0xFFFFFEF7, lr;
	s5 =	simm.s32 $0xFFFFFFFF;
	p2 =	slt.u32 s8, $0xFFFFF086  }
0x1c: {  	p1 =	slt.u32 s9, $0xF7A;
	s5 =	simm.s32 @!p2 $0x0  }
0x1d: {  	s5 =	simm.s32 @p1 $0x1;
	p0 =	seq.s32 s7, s2  }
0x1e: {  	s7 =	smul.u32 @!p0 $0xF7A, s2;
	p2 =	seq.s32 @!p0 s5, $0x0  }
0x1f: {  	s9 =	smul.u32 $0xF7A, s1;
	s8 =	simm.s32 @!p0 $0x1BF5;
	p2 =	por !p2, p0  }
0x20: {  	[sflag:s8] =	ssyncset.s32 @!p0 $0xFFFFF086;
	s6 =	sadd.s32 @!p0 s3, s7;
	s7 =	simm.s32 @!p0 $0x108  }
0x21: {  	s3 =	sadd.s32 s3, s9;
	s6 =	sadd.s32 @!p0 $0x88, s6;
	s7 =	simm.s32 @p2 $0x1082  }
0x22: {  	[simem:s7], [sflag:s8] =	dma.local @!p0 [hbm:s6], $0xF7A  }
0x23: {  	s9 =	sor.u32 $0xD0000000, s2;
	s6 =	simm.s32 $0x108;
	_ =	swait.ge @!p0 [sflag:s8], $0x0  }
0x24: {  	s3 =	sadd.s32 $0x88, s3;
	s6 =	simm.s32 @!p1 $0x1082;
	[sflag:s4] =	ssyncset.s32 $0xFFFFF086  }
0x25: {  	[simem:s6], [sflag:s4] =	dma.local [hbm:s3], $0xF7A  }
0x26: {  	[smem:$0x3F8F] =	sst s1;
	(tag) =	ssettag s2;
	_ =	strace s9  }
0x27: {  	s1 =	sld [smem:$0x3F9F]  }
0x28: {  	s2 =	sld [smem:$0x3FA0]  }
0x29: {  	s4 =	sld [smem:$0x3FA2]  }
0x2a: {  	p0 =	seq.s32 s5, $0x0;
	s5 =	sld [smem:$0x3FA3]  }
0x2b: {  	s6 =	sld [smem:$0x3FA4]  }
0x2c: {  	s7 =	sld [smem:$0x3FA5]  }
0x2d: {  	s3 =	simm.s32 $0x108;
	s8 =	sld [smem:$0x3FA6]  }
0x2e: {  	s3 =	simm.s32 @!p0 $0x1082;
	s9 =	sld [smem:$0x3FA7]  }
0x2f: {  	lr =	sadd.s32 s0, s3;
	s0 =	sld [smem:$0x3F9E]  }
0x30: {  	s3 =	sld [smem:$0x3FA1]  }
0x31: {  	[smem:$0x3FAA] =	sst s10  }
0x32: {  	s10 =	sld [smem:$0x3FA8];
	_ =	sdelay $0x3  }
0x33: {  	p0 =	seq.s32 s10, $0x1;
	s10 =	sld [smem:$0x3FAA];
	_ =	sdelay $0x3  }
0x34: {  	[smem:$0x3FAA] =	sst s10  }
0x35: {  	s10 =	sld [smem:$0x3FA9];
	_ =	sdelay $0x3  }
0x36: {  	p1 =	seq.s32 s10, $0x1;
	s10 =	sld [smem:$0x3FAA];
	_ =	sdelay $0x3  }
0x37: {  	[smem:$0x3FAA] =	sst s10  }
0x38: {  	s10 =	sld [smem:$0x3FAB]  }
0x39: {  	_ = 	snop;
	(pc) =	sbr.ind lr, $3  }
0x3a: {  	_ = 	snop  }
0x3b: {  	_ = 	snop  }
0x3c: {  	p2 =	seq.s32 s10, $0x1;
	s10 =	sld [smem:$0x3FAA]  }
0x3d: {  	_ =	shalt  }
0x3e: {  	_ =	shalt  }
0x3f: {  	_ =	shalt  }
0x40: {  	_ =	shalt  }
0x41: {  	_ =	shalt  }
0x42: {  	_ =	shalt  }
0x43: {  	_ =	shalt  }
0x44: {  	_ =	shalt  }
0x45: {  	_ =	shalt  }
0x46: {  	_ =	shalt  }
0x47: {  	_ =	shalt  }
0x48: {  	_ =	shalt  }
0x49: {  	_ =	shalt  }
0x4a: {  	_ =	shalt  }
0x4b: {  	_ =	shalt  }
0x4c: {  	_ =	shalt  }
0x4d: {  	_ =	shalt  }
0x4e: {  	_ =	shalt  }
0x4f: {  	_ =	shalt  }
0x50: {  	_ =	shalt  }
0x51: {  	_ =	shalt  }
0x52: {  	_ =	shalt  }
0x53: {  	_ =	shalt  }
0x54: {  	_ =	shalt  }
0x55: {  	_ =	shalt  }
0x56: {  	_ =	shalt  }
0x57: {  	_ =	shalt  }
0x58: {  	_ =	shalt  }
0x59: {  	_ =	shalt  }
0x5a: {  	_ =	shalt  }
0x5b: {  	_ =	shalt  }
0x5c: {  	_ =	shalt  }
0x5d: {  	_ =	shalt  }
0x5e: {  	_ =	shalt  }
0x5f: {  	_ =	shalt  }
0x60: {  	_ =	shalt  }
0x61: {  	_ =	shalt  }
0x62: {  	_ =	shalt  }
0x63: {  	_ =	shalt  }
0x64: {  	_ =	shalt  }
0x65: {  	_ =	shalt  }
0x66: {  	_ =	shalt  }
0x67: {  	_ =	shalt  }
0x68: {  	_ =	shalt  }
0x69: {  	_ =	shalt  }
0x6a: {  	_ =	shalt  }
0x6b: {  	_ =	shalt  }
0x6c: {  	_ =	shalt  }
0x6d: {  	_ =	shalt  }
0x6e: {  	_ =	shalt  }
0x6f: {  	_ =	shalt  }
0x70: {  	_ =	shalt  }
0x71: {  	_ =	shalt  }
0x72: {  	_ =	shalt  }
0x73: {  	_ =	shalt  }
0x74: {  	_ =	shalt  }
0x75: {  	_ =	shalt  }
0x76: {  	_ =	shalt  }
0x77: {  	_ =	shalt  }
0x78: {  	_ =	shalt  }
0x79: {  	_ =	shalt  }
0x7a: {  	_ =	shalt  }
0x7b: {  	_ =	shalt  }
0x7c: {  	_ =	shalt  }
0x7d: {  	_ =	shalt  }
0x7e: {  	_ =	shalt  }
0x7f: {  	_ =	shalt  }
0x80: {  	_ =	shalt  }
0x81: {  	_ =	shalt  }
0x82: {  	_ =	shalt  }
0x83: {  	_ =	shalt  }
0x84: {  	_ =	shalt  }
0x85: {  	_ =	shalt  }
0x86: {  	_ =	shalt  }
0x87: {  	_ =	shalt  }
.Lfunc_end0:
.L_simem_size_0:
called_computation.1_lowered:
.L_overlay_start_0:
0x88: {  	s2 =	sld [smem:$0x3FD9]  }
0x89: {  	s3 =	sld [smem:$0x3FFE];
	_ =	sdelay $0x1  }
0x8a: {  	s1 =	srdreg.scid  }
0x8b: {  	s0 =	sand.u32 $0x1, s1  }
0x8c: {  	s17 =	sshll.u32 s0, $0xA;
	s2 =	sadd.s32 s3, s2  }
0x8d: {  	s2 =	sadd.s32 s2, s17  }
0x8e: {  	[smem:$0x3FB6] =	sst s2  }
0x8f: {  	_ = 	snop  }
0x90: {  	s18 =	sld [smem:$0x3FD0];
	(tm) =	ssettm $0x1  }
0x91: {  	s19 =	sld [smem:$0x3FFB];
	_ =	sdelay $0x3  }
0x92: {  	_ =	strace s19  }
0x93: {  	s2 =	sld [smem:$0x3FFC];
	_ =	sdelay $0x3  }
0x94: {  	_ =	strace s2  }
0x95: {  	s2 =	sld [smem:$0x3FFD];
	_ =	sdelay $0x3  }
0x96: {  	_ =	strace s2  }
0x97: {  	_ =	strace $0x8FFFFFFF  }
0x98: {  	s20 =	sld [smem:$0x3FDB];
	_ =	sdelay $0x1  }
0x99: {  	s4 =	simm.s32 $_scs_section_size  }
0x9a: {  	s5 =	simm.s32 $_size__tile_overlayer_lowered;
	s6 =	simm.s32 $_tile_overlayer_lowered  }
0x9b: {  	s7 =	simm.s32 $0x1BFF;
	s21 =	sshll.u32 s6, $0x1;
	s4 =	sadd.s32 s4, s20  }
0x9c: {  	s22 =	simm.s32 $0x0;
	s5 =	sshll.u32 s5, $0x1;
	s6 =	sadd.s32 s21, s4  }
0x9d: {  	[timem:s22], [sflag:s7] =	dma.local [hbm:s6], s5  }
0x9e: {  	_ =	swait.ge [sflag:s7], s5  }
0x9f: {  	s5 =	ssub.s32 $0x0, s5;
	[sflag:s7] =	ssyncset.done $0x0  }
0xa0: {  	[sflag:s7] =	ssyncadd.s32 s5;
	_ =	sdelay $0x1  }
0xa1: {  	s23 =	simm.s32 $0x1B8B  }
0xa2: {  	_ =	swait.ge [sflag:s23], $0x1  }
0xa3: {  	[sflag:s23] =	ssyncset.done $0x0  }
0xa4: {  	[sflag:s23] =	ssyncadd.s32 $0xFFFFFFFF  }
0xa5: {  	s5 =	sld [smem:$0x0]  }
0xa6: {  	s6 =	sand.u32 $0xFFFFFFFE, s1  }
0xa7: {  	p0 =	sne.s32 s1, s6  }
0xa8: {  	s6 =	sshll.u32 @p0 s6, $0xE  }
0xa9: {  	s6 =	sadd.s32 @p0 $0x11B8D, s6;
	s7 =	sshll.u32 @p0 s5, $0x11  }
0xaa: {  	s6 =	sor.u32 @p0 s7, s6  }
0xab: {  	[sflag:s6] =	ssyncadd.remote.s32 @p0 $0x1;
	_ =	sdelay $0x1  }
0xac: {  	s6 =	simm.s32 @p0 $0x1B8D  }
0xad: {  	_ =	swait.eq @p0 [sflag:s6], $0x1  }
0xae: {  	[sflag:s6] =	ssyncadd.s32 @p0 $0xFFFFFFFF  }
0xaf: {  	s7 =	sshll.u32 @!p0 s1, $0xE  }
0xb0: {  	s7 =	sor.u32 @!p0 $0x4000, s7;
	s6 =	simm.s32 @!p0 $0x1B8D  }
0xb1: {  	s5 =	sshll.u32 @!p0 s5, $0x11;
	s7 =	sadd.s32 @!p0 $0x11B8D, s7;
	_ =	swait.eq @!p0 [sflag:s6], $0x1  }
0xb2: {  	s5 =	sor.u32 @!p0 s5, s7;
	[sflag:s6] =	ssyncadd.s32 @!p0 $0xFFFFFFFF  }
0xb3: {  	s25 =	simm.s32 $0x1B8E;
	s24 =	sld [smem:$0x3FFE];
	[sflag:s5] =	ssyncadd.remote.s32 @!p0 $0x1  }
0xb4: {  	s26 =	simm.s32 $execute0_lowered;
	[smem:$0x3FD2] =	sst s25  }
0xb5: {  	s6 =	sshll.u32 s26, $0x1;
	_ =	strace $0x80000049;
	[dreg:$0x1] =	wrdreg $0xFFFFFFFF  }
0xb6: {  	s28 =	simm.s32 $_size_execute0_lowered;
	s4 =	sadd.s32 s4, s6;
	[dreg:$0x0] =	wrdreg $0x0  }
0xb7: {  	s6 =	sshll.u32 s28, $0x1;
	[dreg:$0x2] =	wrdreg s4  }
0xb8: {  	[dreg:$0x3] =	wrdreg s6  }
0xb9: {  	[dreg:$0x4] =	wrdreg $0xC0  }
0xba: {  	_ =	task [dreg:s22], $0x5FFFF  }
0xbb: {  	[dreg:$0x1] =	wrdreg $0xFFFFFFFF  }
0xbc: {  	[dreg:$0x0] =	wrdreg $0x60  }
0xbd: {  	[dreg:$0x2] =	wrdreg s18  }
0xbe: {  	[dreg:$0x3] =	wrdreg s24  }
0xbf: {  	[dreg:$0x4] =	wrdreg $0x9F800  }
0xc0: {  	[dreg:$0x5] =	wrdreg $0xA  }
0xc1: {  	_ =	task.clear_ibuf [dreg:s22], $0x6FFFF;
	_ =	strace $0x90000049  }
0xc2: {  	s29 =	simm.s32 $0xA;
	_ =	strace $0x8000004B  }
0xc3: {  	_ =	swait.ge [sflag:s29], $0x1  }
0xc4: {  	[sflag:s29] =	ssyncadd.s32 $0xFFFFFFFF  }
0xc5: {  	_ =	strace $0x9000004B  }
0xc6: {  	_ =	sfence  }
0xc7: {  	s30 =	sld [smem:$0x0];
	_ =	sdelay $0x2  }
0xc8: {  	s31 =	sshll.u32 s1, $0xD;
	s1 =	sshrl.u32 s1, $0x2  }
0xc9: {  	s4 =	sand.u32 $0x4000, s31;
	s1 =	sadd.s32 s1, s30  }
0xca: {  	s0 =	sor.u32 s4, s0;
	s1 =	sshll.u32 s1, $0x11  }
0xcb: {  	s0 =	sor.u32 s1, s0  }
0xcc: {  	s0 =	sadd.s32 $0x8F2B, s0  }
0xcd: {  	[sflag:s0] =	ssyncadd.remote.s32 $0x1  }
0xce: {  	_ =	sfence.sel $0xFFFF  }
0xcf: {  	[dreg:$0x0] =	wrdreg $0xFFFFFFFF;
	(pc) =	sbr.abs _section_cstart, $3  }
0xd0: {  	[dreg:$0x1] =	wrdreg $0xFFFFFFFF  }
0xd1: {  	_ =	task.clear_ibuf [dreg:s22], $0x2FFFF;
	_ =	strace $0x9FFFFFFF  }
0xd2: {  	(tm) =	ssettm $0x7FFFFFFF  }
0xd3: {  	_ =	shalt  }
tec
execute0_lowered:
.L_overlay_start_1:
0x0: {  	(tag) =	ssettag $0x1  }
0x1: {  	s1 =	rddreg [dreg:$0x0]  }
0x2: {  	s0 =	rddreg [dreg:$0x1]  }
0x3: {  	s2 =	rddreg [dreg:$0x2];
	s3 =	simm.s32 $0x0;
	s22 =	srdreg.scid  }
0x4: {  	s10 =	stileid.u32;
	s29 =	simm.s32 $0x4F80;
	s30 =	simm.s32 $0x50  }
0x5: {  	s31 =	simm.s32 $0x7780;
	s28 =	simm.s32 $0x0;
	[smem:$0x7FF] =	sst s3  }
0x6: {  	s4 =	sadd.s32 $0x4A00, s0;
	s3 =	sand.u32 $0x1, s22;
	s6 =	sshrl.u32 s10, $0x2  }
0x7: {  	s7 =	sshll.u32 s10, $0x8;
	s0 =	sadd.s32 $0x68600, s0;
	s23 =	smul.u32 $0x50000, s10  }
0x8: {  	s14 =	smul.u32 $0x14000, s10;
	_ =	strace $0x8000004A;
	s5 =	ssub.s32 $0x2, s3  }
0x9: {  	s6 =	smul.u32 $0x13C00, s6;
	s8 =	sshll.u32 s3, $0x7;
	s7 =	sand.u32 $0x300, s7  }
0xa: {  	s3 =	smul.u32 $0x140000, s3;
	s9 =	sshrl.u32 s5, $0x1;
	s7 =	sor.u32 s8, s7  }
0xb: {  	s25 =	sor.u32 $0x2800, s14;
	s26 =	sadd.s32 $0x5000, s14;
	s15 =	sadd.s32 $0x7800, s14  }
0xc: {  	s16 =	sadd.s32 $0xA000, s14;
	s17 =	sadd.s32 $0xC800, s14;
	s20 =	sadd.s32 $0xF000, s14  }
0xd: {  	s21 =	sadd.s32 $0x11800, s14;
	s5 =	ssub.s32 s5, s9;
	s6 =	sor.u32 s6, s7  }
0xe: {  	s7 =	sshrl.u32 s23, $0x2;
	s9 =	sadd.s32 s26, s2;
	s10 =	sadd.s32 s15, s2  }
0xf: {  	s11 =	sadd.s32 s16, s2;
	s12 =	sadd.s32 s17, s2;
	s13 =	sadd.s32 s20, s2  }
0x10: {  	s18 =	sadd.s32 s14, s3;
	s14 =	sadd.s32 s21, s2;
	s19 =	sadd.s32 s3, s16  }
0x11: {  	s24 =	sshrl.u32 s6, $0x3;
	s6 =	sadd.s32 $0x4F000, s6;
	s7 =	sadd.s32 s7, s2  }
0x12: {  	s18 =	sshrl.u32 s18, $0x3;
	s23 =	sshrl.u32 s19, $0x3;
	s8 =	sadd.s32 s4, s24  }
0x13: {  	s6 =	sshrl.u32 s6, $0x3;
	s18 =	sadd.s32 s0, s18;
	s19 =	sadd.s32 s0, s23  }
0x14: {  	s24 =	sadd.s32 s3, s17;
	s23 =	smax.u32 s5, $0x1;
	[dreg:$0x4] =	wrdreg s8  }
0x15: {  	s4 =	sadd.s32 s4, s6;
	s8 =	sadd.s32 s25, s2;
	[dreg:$0x6] =	wrdreg s18  }
0x16: {  	s18 =	sadd.s32 s3, s15;
	[dreg:$0x5] =	wrdreg s4;
	s4 =	sadd.s32 s3, s25  }
0x17: {  	s6 =	sadd.s32 s3, s26;
	s22 =	sshrl.u32 s18, $0x3;
	s4 =	sshrl.u32 s4, $0x3  }
0x18: {  	s25 =	sadd.s32 s3, s20;
	s3 =	sadd.s32 s3, s21;
	s4 =	sadd.s32 s0, s4  }
0x19: {  	s26 =	sshrl.u32 s25, $0x3;
	[dreg:$0x7] =	wrdreg s4;
	s4 =	sshrl.u32 s6, $0x3  }
0x1a: {  	s3 =	sshrl.u32 s3, $0x3;
	s25 =	simm.s32 $0x400;
	s4 =	sadd.s32 s0, s4  }
0x1b: {  	s21 =	sadd.s32 s0, s26;
	s26 =	simm.s32 $0x3;
	[dreg:$0x8] =	wrdreg s4  }
0x1c: {  	s4 =	sadd.s32 s0, s22;
	s22 =	sadd.s32 s0, s3;
	s3 =	simm.s32 $0x4F00  }
0x1d: {  	[dreg:$0x9] =	wrdreg s4;
	s4 =	sshrl.u32 s24, $0x3;
	s24 =	simm.s32 $0x80  }
0x1e: {  	v0 =	vimm.f32 $0.0e+00;
	s20 =	sadd.s32 s0, s4;
	s0 =	simm.s32 $0x1;
	s4 =	simm.s32 $0x2  }
.LBB2_1:
0x1f: {  	s5 =	simm.s32 $0x0;
	s6 =	rddreg [dreg:$0x4]  }
0x20: {  	[tilespmem:s5], [sflag:$0x3] =	stream.strided.gather [hbm4b:s6+s24], $0x2780, s25, s24, $0x38;
	[tilespmem:$0x1DF80] =	vst v63  }
0x21: {  	_ =	swait.ge [sflag:s26], $0x2780  }
0x22: {  	[sflag:s26] =	ssyncset.done $0x0  }
0x23: {  	s18 =	simm.s32 $0x2780;
	s17 =	rddreg [dreg:$0x5];
	[sflag:s26] =	ssyncadd.s32 $0xFFFFD880  }
0x24: {  	[tilespmem:s18], [sflag:$0x3] =	stream.strided.gather [hbm4b:s17+s24], $0x2780, s25, s24, $0x38;
	[tilespmem:$0x1DF80] =	vst v63  }
0x25: {  	_ =	swait.ge [sflag:s26], $0x2780  }
0x26: {  	[sflag:s26] =	ssyncset.done $0x0  }
0x27: {  	s5 =	simm.s32 $0x0;
	s6 =	simm.s32 $0x200;
	[sflag:s26] =	ssyncadd.s32 $0xFFFFD880  }
.LBB2_2:
0x28: {  	p0 =	sne.s32 s6, $0x9E00;
	[tilespmem:s5+$0x4FF0] =	vst v0  }
0x29: {  	[tilespmem:s5+$0x4F80] =	vst v0  }
0x2a: {  	[tilespmem:s5+$0x4F90] =	vst v0  }
.Ltmp0:
0x2b: {  	[tilespmem:s5+$0x4FA0] =	vst v0;
	(pc) =	sbr.rel @p0 .LBB2_2-.Ltmp0, $4  }
0x2c: {  	[tilespmem:s5+$0x4FB0] =	vst v0  }
0x2d: {  	[tilespmem:s5+$0x4FC0] =	vst v0  }
0x2e: {  	[tilespmem:s5+$0x4FD0] =	vst v0  }
0x2f: {  	[tilespmem:s5+$0x4FE0] =	vst v0;
	s5 =	sshra.s32 s6, $0x2;
	s6 =	sadd.s32 $0x200, s6  }
0x30: {  	[tilespmem:s5+$0x4FF0] =	vst v0  }
0x31: {  	[tilespmem:s5+$0x4F80] =	vst v0  }
0x32: {  	[tilespmem:s5+$0x4F90] =	vst v0  }
0x33: {  	[tilespmem:s5+$0x4FA0] =	vst v0  }
0x34: {  	[tilespmem:s5+$0x4FB0] =	vst v0  }
0x35: {  	[tilespmem:s5+$0x4FC0] =	vst v0  }
0x36: {  	[tilespmem:s5+$0x4FD0] =	vst v0  }
0x37: {  	[tilespmem:s5+$0x4FE0] =	vst v0  }
0x38: {  	[spmem:s7] =	stream.linear.scatter [tilespmem:s29], [sflag:$0x3], $0x2800, $0x38;
	[tilespmem:$0x1DF80] =	vst v63  }
0x39: {  	_ =	swait.ge [sflag:s26], $0x2800  }
0x3a: {  	[sflag:s26] =	ssyncset.done $0x0  }
0x3b: {  	[sflag:s26] =	ssyncadd.s32 $0xFFFFD800  }
0x3c: {  	[spmem:s8] =	stream.linear.scatter [tilespmem:s29], [sflag:$0x3], $0x2800, $0x38;
	[tilespmem:$0x1DF80] =	vst v63  }
0x3d: {  	_ =	swait.ge [sflag:s26], $0x2800  }
0x3e: {  	[sflag:s26] =	ssyncset.done $0x0  }
0x3f: {  	[sflag:s26] =	ssyncadd.s32 $0xFFFFD800  }
0x40: {  	[spmem:s9] =	stream.linear.scatter [tilespmem:s29], [sflag:$0x3], $0x2800, $0x38;
	[tilespmem:$0x1DF80] =	vst v63  }
0x41: {  	_ =	swait.ge [sflag:s26], $0x2800  }
0x42: {  	[sflag:s26] =	ssyncset.done $0x0  }
0x43: {  	[sflag:s26] =	ssyncadd.s32 $0xFFFFD800  }
0x44: {  	[spmem:s10] =	stream.linear.scatter [tilespmem:s29], [sflag:$0x3], $0x2800, $0x38;
	[tilespmem:$0x1DF80] =	vst v63  }
0x45: {  	_ =	swait.ge [sflag:s26], $0x2800  }
0x46: {  	[sflag:s26] =	ssyncset.done $0x0  }
0x47: {  	[sflag:s26] =	ssyncadd.s32 $0xFFFFD800  }
0x48: {  	[spmem:s11] =	stream.linear.scatter [tilespmem:s29], [sflag:$0x3], $0x2800, $0x38;
	[tilespmem:$0x1DF80] =	vst v63  }
0x49: {  	_ =	swait.ge [sflag:s26], $0x2800  }
0x4a: {  	[sflag:s26] =	ssyncset.done $0x0  }
0x4b: {  	[sflag:s26] =	ssyncadd.s32 $0xFFFFD800  }
0x4c: {  	[spmem:s12] =	stream.linear.scatter [tilespmem:s29], [sflag:$0x3], $0x2800, $0x38;
	[tilespmem:$0x1DF80] =	vst v63  }
0x4d: {  	_ =	swait.ge [sflag:s26], $0x2800  }
0x4e: {  	[sflag:s26] =	ssyncset.done $0x0  }
0x4f: {  	[sflag:s26] =	ssyncadd.s32 $0xFFFFD800  }
0x50: {  	[spmem:s13] =	stream.linear.scatter [tilespmem:s29], [sflag:$0x3], $0x2800, $0x38;
	[tilespmem:$0x1DF80] =	vst v63  }
0x51: {  	_ =	swait.ge [sflag:s26], $0x2800  }
0x52: {  	[sflag:s26] =	ssyncset.done $0x0  }
0x53: {  	[sflag:s26] =	ssyncadd.s32 $0xFFFFD800  }
0x54: {  	[spmem:s14] =	stream.linear.scatter [tilespmem:s29], [sflag:$0x3], $0x2800, $0x38;
	[tilespmem:$0x1DF80] =	vst v63  }
0x55: {  	_ =	swait.ge [sflag:s26], $0x2800  }
0x56: {  	[sflag:s26] =	ssyncset.done $0x0  }
0x57: {  	[sflag:s26] =	ssyncadd.s32 $0xFFFFD800  }
0x58: {  	s18 =	simm.s32 $0x0;
	[bflag:$0x0] =	sbarrier.arrive $0xFFFF  }
0x59: {  	[tilespmem:s29], [sflag:$0x1] =	stream.indirect.gather [hbm4b:s1+s30], $0x80, s18, s30, $0xb8;
	[tilespmem:$0x1DF80] =	vst v63  }
0x5a: {  	_ = 	snop  }
0x5b: {  	[tilespmem:s31], [sflag:$0x2] =	stream.indirect.gather [hbm4b:s1+s30], $0x80, s30, s30, $0xb8;
	[tilespmem:$0x1DF80] =	vst v63  }
0x5c: {  	_ =	swait.ge [sflag:s0], $0x2800  }
0x5d: {  	[sflag:s0] =	ssyncset.done $0x0  }
0x5e: {  	s6 =	simm.s32 $0x27D0;
	[sflag:s0] =	ssyncadd.s32 $0xFFFFD800  }
0x5f: {  	v1 =	vld [tilespmem:s6+$0xFFFFFFB0];
	_ =	sdelay $0x4  }
0x60: {  	[tilespmem:$0x4F00] =	vst v1  }
0x61: {  	v1 =	vld [tilespmem:s6+$0xFFFFFFC0];
	_ =	sdelay $0x4  }
0x62: {  	[tilespmem:$0x4F10] =	vst v1  }
0x63: {  	v1 =	vld [tilespmem:s6+$0xFFFFFFD0];
	_ =	sdelay $0x4  }
0x64: {  	[tilespmem:$0x4F20] =	vst v1  }
0x65: {  	v1 =	vld [tilespmem:s6+$0xFFFFFFE0];
	_ =	sdelay $0x4  }
0x66: {  	[tilespmem:$0x4F30] =	vst v1  }
0x67: {  	v1 =	vld [tilespmem:s6+$0xFFFFFFF0];
	_ =	sdelay $0x4  }
0x68: {  	[tilespmem:$0x4F40] =	vst v1  }
0x69: {  	[spmem:s2] =	stream.indirect.scatter.add.f32 [tilespmem:s29], [sflag:$0x3], $0x80, s3, s30, $0xb8;
	[tilespmem:$0x1DF80] =	vst v63  }
0x6a: {  	_ =	swait.ge [sflag:s26], $0x2800  }
0x6b: {  	[sflag:s26] =	ssyncset.done $0x0  }
0x6c: {  	s15 =	simm.s32 $0xA0;
	[sflag:s26] =	ssyncadd.s32 $0xFFFFD800  }
0x6d: {  	[tilespmem:s29], [sflag:$0x1] =	stream.indirect.gather [hbm4b:s1+s30], $0x80, s15, s30, $0xb8;
	[tilespmem:$0x1DF80] =	vst v63  }
0x6e: {  	_ =	swait.ge [sflag:s4], $0x2800  }
0x6f: {  	[sflag:s4] =	ssyncset.done $0x0  }
0x70: {  	[sflag:s4] =	ssyncadd.s32 $0xFFFFD800  }
0x71: {  	v1 =	vld [tilespmem:s6+$0x0];
	_ =	sdelay $0x4  }
0x72: {  	[tilespmem:$0x4F00] =	vst v1  }
0x73: {  	v1 =	vld [tilespmem:s6+$0x10];
	_ =	sdelay $0x4  }
0x74: {  	[tilespmem:$0x4F10] =	vst v1  }
0x75: {  	v1 =	vld [tilespmem:s6+$0x20];
	_ =	sdelay $0x4  }
0x76: {  	s5 =	sand.u32 $0x3FE0, s18;
	[tilespmem:$0x4F20] =	vst v1  }
0x77: {  	v1 =	vld [tilespmem:s5+$0x2800];
	_ =	sdelay $0x4  }
0x78: {  	[tilespmem:$0x4F30] =	vst v1  }
0x79: {  	v1 =	vld [tilespmem:s6+$0x40];
	_ =	sdelay $0x4  }
0x7a: {  	[tilespmem:$0x4F40] =	vst v1  }
0x7b: {  	[spmem:s2] =	stream.indirect.scatter.add.f32 [tilespmem:s31], [sflag:$0x3], $0x80, s3, s30, $0xb8;
	[tilespmem:$0x1DF80] =	vst v63  }
0x7c: {  	_ =	swait.ge [sflag:s26], $0x2800  }
0x7d: {  	s16 =	simm.s32 $0x2870;
	s15 =	simm.s32 $0x190;
	[sflag:s26] =	ssyncset.done $0x0  }
0x7e: {  	s5 =	simm.s32 $0xF0;
	s6 =	simm.s32 $0xA0;
	[sflag:s26] =	ssyncadd.s32 $0xFFFFD800  }
.LBB2_4:
0x7f: {  	[tilespmem:s31], [sflag:$0x2] =	stream.indirect.gather [hbm4b:s1+s30], $0x80, s5, s30, $0xb8;
	[tilespmem:$0x1DF80] =	vst v63  }
0x80: {  	s17 =	smov.u32 s6;
	s5 =	smov.u32 s15  }
0x81: {  	p0 =	sne.s32 s6, $0x2580;
	s6 =	sadd.s32 $0xA0, s6;
	_ =	swait.ge [sflag:s0], $0x2800  }
0x82: {  	[sflag:s0] =	ssyncset.done $0x0  }
0x83: {  	[sflag:s0] =	ssyncadd.s32 $0xFFFFD800  }
0x84: {  	v1 =	vld [tilespmem:s16+$0xFFFFFFB0];
	_ =	sdelay $0x4  }
0x85: {  	[tilespmem:$0x4F00] =	vst v1  }
0x86: {  	v1 =	vld [tilespmem:s16+$0xFFFFFFC0];
	_ =	sdelay $0x4  }
0x87: {  	[tilespmem:$0x4F10] =	vst v1  }
0x88: {  	v1 =	vld [tilespmem:s16+$0xFFFFFFD0];
	_ =	sdelay $0x4  }
0x89: {  	[tilespmem:$0x4F20] =	vst v1  }
0x8a: {  	v1 =	vld [tilespmem:s16+$0xFFFFFFE0];
	_ =	sdelay $0x4  }
0x8b: {  	[tilespmem:$0x4F30] =	vst v1  }
0x8c: {  	v1 =	vld [tilespmem:s16+$0xFFFFFFF0];
	_ =	sdelay $0x4  }
0x8d: {  	[tilespmem:$0x4F40] =	vst v1  }
0x8e: {  	[spmem:s2] =	stream.indirect.scatter.add.f32 [tilespmem:s29], [sflag:$0x3], $0x80, s3, s30, $0xb8;
	[tilespmem:$0x1DF80] =	vst v63  }
0x8f: {  	_ =	swait.ge [sflag:s26], $0x2800  }
0x90: {  	[sflag:s26] =	ssyncset.done $0x0  }
0x91: {  	s18 =	sadd.s32 $0xFFFFFFB0, s15;
	[sflag:s26] =	ssyncadd.s32 $0xFFFFD800  }
0x92: {  	[tilespmem:s29], [sflag:$0x1] =	stream.indirect.gather [hbm4b:s1+s30], $0x80, s18, s30, $0xb8;
	[tilespmem:$0x1DF80] =	vst v63  }
0x93: {  	_ =	swait.ge [sflag:s4], $0x2800  }
0x94: {  	[sflag:s4] =	ssyncset.done $0x0  }
0x95: {  	[sflag:s4] =	ssyncadd.s32 $0xFFFFD800  }
0x96: {  	v1 =	vld [tilespmem:s16+$0x0];
	_ =	sdelay $0x4  }
0x97: {  	[tilespmem:$0x4F00] =	vst v1  }
0x98: {  	v1 =	vld [tilespmem:s16+$0x10];
	_ =	sdelay $0x4  }
0x99: {  	[tilespmem:$0x4F10] =	vst v1  }
0x9a: {  	v1 =	vld [tilespmem:s16+$0x20];
	_ =	sdelay $0x4  }
0x9b: {  	s17 =	sand.u32 $0x3FE0, s17;
	[tilespmem:$0x4F20] =	vst v1  }
0x9c: {  	v1 =	vld [tilespmem:s17+$0x2800];
	_ =	sdelay $0x4  }
0x9d: {  	[tilespmem:$0x4F30] =	vst v1  }
0x9e: {  	v1 =	vld [tilespmem:s16+$0x40];
	_ =	sdelay $0x4  }
.Ltmp1:
0x9f: {  	[tilespmem:$0x4F40] =	vst v1;
	(pc) =	sbr.rel @p0 .LBB2_4-.Ltmp1, $4  }
0xa0: {  	[spmem:s2] =	stream.indirect.scatter.add.f32 [tilespmem:s31], [sflag:$0x3], $0x80, s3, s30, $0xb8;
	[tilespmem:$0x1DF80] =	vst v63  }
0xa1: {  	_ =	swait.ge [sflag:s26], $0x2800  }
0xa2: {  	[sflag:s26] =	ssyncset.done $0x0  }
0xa3: {  	s15 =	sadd.s32 $0xA0, s15;
	s16 =	sadd.s32 $0xA0, s16;
	[sflag:s26] =	ssyncadd.s32 $0xFFFFD800  }
0xa4: {  	[tilespmem:s31], [sflag:$0x2] =	stream.indirect.gather [hbm4b:s1+s30], $0x80, s5, s30, $0xb8;
	[tilespmem:$0x1DF80] =	vst v63  }
0xa5: {  	_ =	swait.ge [sflag:s0], $0x2800  }
0xa6: {  	[sflag:s0] =	ssyncset.done $0x0  }
0xa7: {  	[sflag:s0] =	ssyncadd.s32 $0xFFFFD800  }
0xa8: {  	v1 =	vld [tilespmem:$0x4DA0]  }
0xa9: {  	v2 =	vld [tilespmem:$0x4DB0]  }
0xaa: {  	v3 =	vld [tilespmem:$0x4DC0]  }
0xab: {  	v4 =	vld [tilespmem:$0x4DD0]  }
0xac: {  	v5 =	vld [tilespmem:$0x4DE0]  }
0xad: {  	[tilespmem:$0x4F00] =	vst v1  }
0xae: {  	[tilespmem:$0x4F10] =	vst v2  }
0xaf: {  	[tilespmem:$0x4F20] =	vst v3  }
0xb0: {  	[tilespmem:$0x4F30] =	vst v4  }
0xb1: {  	[tilespmem:$0x4F40] =	vst v5  }
0xb2: {  	[spmem:s2] =	stream.indirect.scatter.add.f32 [tilespmem:s29], [sflag:$0x3], $0x80, s3, s30, $0xb8;
	[tilespmem:$0x1DF80] =	vst v63  }
0xb3: {  	_ =	swait.ge [sflag:s26], $0x2800  }
0xb4: {  	[sflag:s26] =	ssyncset.done $0x0  }
0xb5: {  	s15 =	simm.s32 $0x26C0;
	[sflag:s26] =	ssyncadd.s32 $0xFFFFD800  }
0xb6: {  	[tilespmem:s29], [sflag:$0x1] =	stream.indirect.gather [hbm4b:s1+s30], $0x80, s15, s30, $0xb8;
	[tilespmem:$0x1DF80] =	vst v63  }
0xb7: {  	_ =	swait.ge [sflag:s4], $0x2800  }
0xb8: {  	[sflag:s4] =	ssyncset.done $0x0  }
0xb9: {  	[sflag:s4] =	ssyncadd.s32 $0xFFFFD800  }
0xba: {  	v1 =	vld [tilespmem:$0x4DF0]  }
0xbb: {  	v2 =	vld [tilespmem:$0x4E00]  }
0xbc: {  	v3 =	vld [tilespmem:$0x4E10]  }
0xbd: {  	v60 =	vld [tilespmem:$0x4E20]  }
0xbe: {  	v61 =	vld [tilespmem:$0x4E30]  }
0xbf: {  	[tilespmem:$0x4F00] =	vst v1  }
0xc0: {  	[tilespmem:$0x4F10] =	vst v2  }
0xc1: {  	[tilespmem:$0x4F20] =	vst v3  }
0xc2: {  	[tilespmem:$0x4F30] =	vst v60  }
0xc3: {  	[tilespmem:$0x4F40] =	vst v61  }
0xc4: {  	[spmem:s2] =	stream.indirect.scatter.add.f32 [tilespmem:s31], [sflag:$0x3], $0x80, s3, s30, $0xb8;
	[tilespmem:$0x1DF80] =	vst v63  }
0xc5: {  	_ =	swait.ge [sflag:s26], $0x2800  }
0xc6: {  	[sflag:s26] =	ssyncset.done $0x0  }
0xc7: {  	[sflag:s26] =	ssyncadd.s32 $0xFFFFD800  }
0xc8: {  	_ =	swait.ge [sflag:s0], $0x2800  }
0xc9: {  	[sflag:s0] =	ssyncset.done $0x0  }
0xca: {  	[sflag:s0] =	ssyncadd.s32 $0xFFFFD800  }
0xcb: {  	v1 =	vld [tilespmem:$0x4E40]  }
0xcc: {  	v2 =	vld [tilespmem:$0x4E50]  }
0xcd: {  	v3 =	vld [tilespmem:$0x4E60]  }
0xce: {  	v62 =	vld [tilespmem:$0x4E70]  }
0xcf: {  	v63 =	vld [tilespmem:$0x4E80]  }
0xd0: {  	[tilespmem:$0x4F00] =	vst v1  }
0xd1: {  	[tilespmem:$0x4F10] =	vst v2  }
0xd2: {  	[tilespmem:$0x4F20] =	vst v3  }
0xd3: {  	[tilespmem:$0x4F30] =	vst v62  }
0xd4: {  	[tilespmem:$0x4F40] =	vst v63  }
0xd5: {  	[spmem:s2] =	stream.indirect.scatter.add.f32 [tilespmem:s29], [sflag:$0x3], $0x80, s3, s30, $0xb8;
	[tilespmem:$0x1DF80] =	vst v63  }
0xd6: {  	_ =	swait.ge [sflag:s26], $0x2800  }
0xd7: {  	[sflag:s26] =	ssyncset.done $0x0  }
0xd8: {  	s16 =	stileid.u32;
	[sflag:s26] =	ssyncadd.s32 $0xFFFFD800  }
0xd9: {  	s5 =	sshll.u32 s16, $0x6;
	[bflag:$0x0] =	sbarrier.arrive $0xFFFF  }
0xda: {  	s6 =	sshrl.u32 s7, $0x3;
	s5 =	sor.u32 $0x1C03, s5;
	s15 =	rddreg [dreg:$0x6]  }
0xdb: {  	[hbm:s15], [sflag:s5] =	dma.local [spmem:s6], $0x500  }
0xdc: {  	_ =	swait.ge [sflag:s26], $0x500  }
0xdd: {  	[sflag:s26] =	ssyncset.done $0x0  }
0xde: {  	s17 =	sshrl.u32 s8, $0x3;
	s18 =	rddreg [dreg:$0x7];
	[sflag:s26] =	ssyncadd.s32 $0xFFFFFB00  }
0xdf: {  	[hbm:s18], [sflag:s5] =	dma.local [spmem:s17], $0x500  }
0xe0: {  	_ =	swait.ge [sflag:s26], $0x500  }
0xe1: {  	[sflag:s26] =	ssyncset.done $0x0  }
0xe2: {  	s15 =	sshrl.u32 s9, $0x3;
	s16 =	rddreg [dreg:$0x8];
	[sflag:s26] =	ssyncadd.s32 $0xFFFFFB00  }
0xe3: {  	[hbm:s16], [sflag:s5] =	dma.local [spmem:s15], $0x500  }
0xe4: {  	_ =	swait.ge [sflag:s26], $0x500  }
0xe5: {  	[sflag:s26] =	ssyncset.done $0x0  }
0xe6: {  	s17 =	sshrl.u32 s10, $0x3;
	s18 =	rddreg [dreg:$0x9];
	[sflag:s26] =	ssyncadd.s32 $0xFFFFFB00  }
0xe7: {  	[hbm:s18], [sflag:s5] =	dma.local [spmem:s17], $0x500  }
0xe8: {  	_ =	swait.ge [sflag:s26], $0x500  }
0xe9: {  	[sflag:s26] =	ssyncset.done $0x0  }
0xea: {  	s15 =	sshrl.u32 s11, $0x3;
	[sflag:s26] =	ssyncadd.s32 $0xFFFFFB00  }
0xeb: {  	[hbm:s19], [sflag:s5] =	dma.local [spmem:s15], $0x500  }
0xec: {  	_ =	swait.ge [sflag:s26], $0x500  }
0xed: {  	[sflag:s26] =	ssyncset.done $0x0  }
0xee: {  	s16 =	sshrl.u32 s12, $0x3;
	[sflag:s26] =	ssyncadd.s32 $0xFFFFFB00  }
0xef: {  	[hbm:s20], [sflag:s5] =	dma.local [spmem:s16], $0x500  }
0xf0: {  	_ =	swait.ge [sflag:s26], $0x500  }
0xf1: {  	[sflag:s26] =	ssyncset.done $0x0  }
0xf2: {  	s17 =	sshrl.u32 s13, $0x3;
	[sflag:s26] =	ssyncadd.s32 $0xFFFFFB00  }
0xf3: {  	[hbm:s21], [sflag:s5] =	dma.local [spmem:s17], $0x500  }
0xf4: {  	s28 =	sadd.s32 $0x1, s28;
	_ =	swait.ge [sflag:s26], $0x500  }
0xf5: {  	p0 =	sne.s32 s28, s23;
	[sflag:s26] =	ssyncset.done $0x0  }
.Ltmp2:
0xf6: {  	s18 =	sshrl.u32 s14, $0x3;
	[sflag:s26] =	ssyncadd.s32 $0xFFFFFB00;
	(pc) =	sbr.rel @p0 .LBB2_1-.Ltmp2, $4  }
0xf7: {  	[hbm:s22], [sflag:s5] =	dma.local [spmem:s18], $0x500  }
0xf8: {  	_ =	swait.ge [sflag:s26], $0x500  }
0xf9: {  	[sflag:s26] =	ssyncset.done $0x0  }
0xfa: {  	[sflag:s26] =	ssyncadd.s32 $0xFFFFFB00  }
0xfb: {  	_ =	sfence.sel $0x180000  }
0xfc: {  	[bflag:$0x0] =	sbarrier.arrive $0xFFFF  }
0xfd: {  	_ =	strace $0x9000004A  }
0xfe: {  	s0 =	stileid.u32;
	[bflag:$0x2] =	sbarrier.arrive $0xFFFF  }
0xff: {  	p0 =	sne.s32 s0, $0x0;
	s0 =	rddreg [dreg:$0x3]  }
0x100: {  	s0 =	sadd.s32 @!p0 $0x100000, s0  }
0x101: {  	[sflag:s0] =	ssyncadd.tile.s32 @!p0 $0x1;
	_ =	shalt  }
.Lfunc_end2:
_tile_overlayer_lowered:
.L_overlay_start_2:
0x102: {  	(tag) =	ssettag $0x2  }
0x103: {  	s0 =	rddreg [dreg:$0x0];
	s2 =	stileid.u32  }
0x104: {  	s1 =	rddreg [dreg:$0x1];
	p0 =	sne.s32 s2, $0x0  }
0x105: {  	s3 =	rddreg [dreg:$0x2];
	[bflag:$0x3] =	sbarrier.arrive $0xFFFF;
	s2 =	simm.s32 @!p0 $0x1C03  }
0x106: {  	[timem:s3], [sflag:s2] =	dma.local @!p0 [hbm:s0], s1  }
0x107: {  	s0 =	simm.s32 @!p0 $0x3  }
0x108: {  	_ =	swait.ge @!p0 [sflag:s0], s1  }
0x109: {  	s1 =	ssub.s32 @!p0 $0x0, s1;
	[sflag:s0] =	ssyncset.done @!p0 $0x0  }
0x10a: {  	[sflag:s0] =	ssyncadd.s32 @!p0 s1  }
0x10b: {  	[bflag:$0x3] =	sbarrier.arrive $0xFFFF  }
0x10c: {  	_ =	shalt  }

// kernel: sc_agg.8.cloned.1.call-start
scs
__scs_entry_jumppad:
0x0: {  	(pc) =	sbr.rel $0x88, $3  }
0x1: {  	(tag) =	ssettag $0x0;
	lr =	simm.s32 $0x1  }
0x2: {  	[smem:$0x3F8F] =	sst lr;
	_ =	strace $0xD0000000  }
0x3: {  	_ = 	snop  }
0x4: {  	_ = 	snop  }
0x5: {  	_ = 	snop  }
0x6: {  	_ = 	snop  }
0x7: {  	_ = 	snop  }
__scs_overlays_trampoline_lowered:
0x8: {  	[smem:$0x3F9E] =	sst s0  }
0x9: {  	[smem:$0x3F9F] =	sst s1  }
0xa: {  	[smem:$0x3FA0] =	sst s2  }
0xb: {  	[smem:$0x3FA1] =	sst s3  }
0xc: {  	[smem:$0x3FA2] =	sst s4  }
0xd: {  	[smem:$0x3FA3] =	sst s5  }
0xe: {  	[smem:$0x3FA4] =	sst s6  }
0xf: {  	[smem:$0x3FA5] =	sst s7  }
0x10: {  	[smem:$0x3FA6] =	sst s8  }
0x11: {  	[smem:$0x3FA7] =	sst s9;
	s0 =	simm.s32 @!p0 $0x0  }
0x12: {  	s1 =	sld [smem:$0x3F8D];
	s0 =	simm.s32 @p0 $0x1  }
0x13: {  	[smem:$0x3FA8] =	sst s0;
	s0 =	simm.s32 @!p1 $0x0  }
0x14: {  	s2 =	sld [smem:$0x3F8C];
	s0 =	simm.s32 @p1 $0x1  }
0x15: {  	[smem:$0x3FA9] =	sst s0;
	s0 =	simm.s32 @!p2 $0x0  }
0x16: {  	s3 =	sld [smem:$0x3FDB];
	s0 =	simm.s32 @p2 $0x1  }
0x17: {  	s4 =	simm.s32 $0x1BF5;
	[smem:$0x3FAB] =	sst s0  }
0x18: {  	s0 =	sld [smem:$0x3F8E];
	_ =	swait.ge [sflag:s4], $0x0  }
0x19: {  	s7 =	sld [smem:$0x3F8F]  }
0x1a: {  	s8 =	sadd.s32 $0xFFFFE003, lr  }
0x1b: {  	s9 =	sadd.s32 $0xFFFFFEF7, lr;
	s5 =	simm.s32 $0xFFFFFFFF;
	p2 =	slt.u32 s8, $0xFFFFF086  }
0x1c: {  	p1 =	slt.u32 s9, $0xF7A;
	s5 =	simm.s32 @!p2 $0x0  }
0x1d: {  	s5 =	simm.s32 @p1 $0x1;
	p0 =	seq.s32 s7, s2  }
0x1e: {  	s7 =	smul.u32 @!p0 $0xF7A, s2;
	p2 =	seq.s32 @!p0 s5, $0x0  }
0x1f: {  	s9 =	smul.u32 $0xF7A, s1;
	s8 =	simm.s32 @!p0 $0x1BF5;
	p2 =	por !p2, p0  }
0x20: {  	[sflag:s8] =	ssyncset.s32 @!p0 $0xFFFFF086;
	s6 =	sadd.s32 @!p0 s3, s7;
	s7 =	simm.s32 @!p0 $0x108  }
0x21: {  	s3 =	sadd.s32 s3, s9;
	s6 =	sadd.s32 @!p0 $0x88, s6;
	s7 =	simm.s32 @p2 $0x1082  }
0x22: {  	[simem:s7], [sflag:s8] =	dma.local @!p0 [hbm:s6], $0xF7A  }
0x23: {  	s9 =	sor.u32 $0xD0000000, s2;
	s6 =	simm.s32 $0x108;
	_ =	swait.ge @!p0 [sflag:s8], $0x0  }
0x24: {  	s3 =	sadd.s32 $0x88, s3;
	s6 =	simm.s32 @!p1 $0x1082;
	[sflag:s4] =	ssyncset.s32 $0xFFFFF086  }
0x25: {  	[simem:s6], [sflag:s4] =	dma.local [hbm:s3], $0xF7A  }
0x26: {  	[smem:$0x3F8F] =	sst s1;
	(tag) =	ssettag s2;
	_ =	strace s9  }
0x27: {  	s1 =	sld [smem:$0x3F9F]  }
0x28: {  	s2 =	sld [smem:$0x3FA0]  }
0x29: {  	s4 =	sld [smem:$0x3FA2]  }
0x2a: {  	p0 =	seq.s32 s5, $0x0;
	s5 =	sld [smem:$0x3FA3]  }
0x2b: {  	s6 =	sld [smem:$0x3FA4]  }
0x2c: {  	s7 =	sld [smem:$0x3FA5]  }
0x2d: {  	s3 =	simm.s32 $0x108;
	s8 =	sld [smem:$0x3FA6]  }
0x2e: {  	s3 =	simm.s32 @!p0 $0x1082;
	s9 =	sld [smem:$0x3FA7]  }
0x2f: {  	lr =	sadd.s32 s0, s3;
	s0 =	sld [smem:$0x3F9E]  }
0x30: {  	s3 =	sld [smem:$0x3FA1]  }
0x31: {  	[smem:$0x3FAA] =	sst s10  }
0x32: {  	s10 =	sld [smem:$0x3FA8];
	_ =	sdelay $0x3  }
0x33: {  	p0 =	seq.s32 s10, $0x1;
	s10 =	sld [smem:$0x3FAA];
	_ =	sdelay $0x3  }
0x34: {  	[smem:$0x3FAA] =	sst s10  }
0x35: {  	s10 =	sld [smem:$0x3FA9];
	_ =	sdelay $0x3  }
0x36: {  	p1 =	seq.s32 s10, $0x1;
	s10 =	sld [smem:$0x3FAA];
	_ =	sdelay $0x3  }
0x37: {  	[smem:$0x3FAA] =	sst s10  }
0x38: {  	s10 =	sld [smem:$0x3FAB]  }
0x39: {  	_ = 	snop;
	(pc) =	sbr.ind lr, $3  }
0x3a: {  	_ = 	snop  }
0x3b: {  	_ = 	snop  }
0x3c: {  	p2 =	seq.s32 s10, $0x1;
	s10 =	sld [smem:$0x3FAA]  }
0x3d: {  	_ =	shalt  }
0x3e: {  	_ =	shalt  }
0x3f: {  	_ =	shalt  }
0x40: {  	_ =	shalt  }
0x41: {  	_ =	shalt  }
0x42: {  	_ =	shalt  }
0x43: {  	_ =	shalt  }
0x44: {  	_ =	shalt  }
0x45: {  	_ =	shalt  }
0x46: {  	_ =	shalt  }
0x47: {  	_ =	shalt  }
0x48: {  	_ =	shalt  }
0x49: {  	_ =	shalt  }
0x4a: {  	_ =	shalt  }
0x4b: {  	_ =	shalt  }
0x4c: {  	_ =	shalt  }
0x4d: {  	_ =	shalt  }
0x4e: {  	_ =	shalt  }
0x4f: {  	_ =	shalt  }
0x50: {  	_ =	shalt  }
0x51: {  	_ =	shalt  }
0x52: {  	_ =	shalt  }
0x53: {  	_ =	shalt  }
0x54: {  	_ =	shalt  }
0x55: {  	_ =	shalt  }
0x56: {  	_ =	shalt  }
0x57: {  	_ =	shalt  }
0x58: {  	_ =	shalt  }
0x59: {  	_ =	shalt  }
0x5a: {  	_ =	shalt  }
0x5b: {  	_ =	shalt  }
0x5c: {  	_ =	shalt  }
0x5d: {  	_ =	shalt  }
0x5e: {  	_ =	shalt  }
0x5f: {  	_ =	shalt  }
0x60: {  	_ =	shalt  }
0x61: {  	_ =	shalt  }
0x62: {  	_ =	shalt  }
0x63: {  	_ =	shalt  }
0x64: {  	_ =	shalt  }
0x65: {  	_ =	shalt  }
0x66: {  	_ =	shalt  }
0x67: {  	_ =	shalt  }
0x68: {  	_ =	shalt  }
0x69: {  	_ =	shalt  }
0x6a: {  	_ =	shalt  }
0x6b: {  	_ =	shalt  }
0x6c: {  	_ =	shalt  }
0x6d: {  	_ =	shalt  }
0x6e: {  	_ =	shalt  }
0x6f: {  	_ =	shalt  }
0x70: {  	_ =	shalt  }
0x71: {  	_ =	shalt  }
0x72: {  	_ =	shalt  }
0x73: {  	_ =	shalt  }
0x74: {  	_ =	shalt  }
0x75: {  	_ =	shalt  }
0x76: {  	_ =	shalt  }
0x77: {  	_ =	shalt  }
0x78: {  	_ =	shalt  }
0x79: {  	_ =	shalt  }
0x7a: {  	_ =	shalt  }
0x7b: {  	_ =	shalt  }
0x7c: {  	_ =	shalt  }
0x7d: {  	_ =	shalt  }
0x7e: {  	_ =	shalt  }
0x7f: {  	_ =	shalt  }
0x80: {  	_ =	shalt  }
0x81: {  	_ =	shalt  }
0x82: {  	_ =	shalt  }
0x83: {  	_ =	shalt  }
0x84: {  	_ =	shalt  }
0x85: {  	_ =	shalt  }
0x86: {  	_ =	shalt  }
0x87: {  	_ =	shalt  }
.Lfunc_end0:
.L_simem_size_0:
called_computation.2_lowered:
.L_overlay_start_0:
0x88: {  	s2 =	sld [smem:$0x3FD9]  }
0x89: {  	s3 =	sld [smem:$0x3FFE];
	_ =	sdelay $0x1  }
0x8a: {  	s1 =	srdreg.scid  }
0x8b: {  	s0 =	sand.u32 $0x1, s1  }
0x8c: {  	s17 =	sshll.u32 s0, $0xA;
	s2 =	sadd.s32 s3, s2  }
0x8d: {  	s2 =	sadd.s32 s2, s17  }
0x8e: {  	[smem:$0x3FB6] =	sst s2  }
0x8f: {  	_ = 	snop  }
0x90: {  	s2 =	sld [smem:$0x3FD0];
	(tm) =	ssettm $0x1  }
0x91: {  	s18 =	sld [smem:$0x3FFB];
	_ =	sdelay $0x3  }
0x92: {  	_ =	strace s18  }
0x93: {  	s3 =	sld [smem:$0x3FFC];
	_ =	sdelay $0x3  }
0x94: {  	_ =	strace s3  }
0x95: {  	s3 =	sld [smem:$0x3FFD];
	_ =	sdelay $0x3  }
0x96: {  	_ =	strace s3  }
0x97: {  	_ =	strace $0x8FFFFFFF  }
0x98: {  	s19 =	sld [smem:$0x3FDB];
	_ =	sdelay $0x1  }
0x99: {  	s4 =	simm.s32 $_scs_section_size  }
0x9a: {  	s5 =	simm.s32 $_size__tile_overlayer_lowered;
	s6 =	simm.s32 $_tile_overlayer_lowered  }
0x9b: {  	s22 =	simm.s32 $0x1BFF;
	s21 =	sshll.u32 s6, $0x1;
	s3 =	sadd.s32 s4, s19  }
0x9c: {  	s7 =	simm.s32 $0x0;
	s20 =	sshll.u32 s5, $0x1;
	s5 =	sadd.s32 s21, s3  }
0x9d: {  	[timem:s7], [sflag:s22] =	dma.local [hbm:s5], s20  }
0x9e: {  	_ =	swait.ge [sflag:s22], s20  }
0x9f: {  	s4 =	ssub.s32 $0x0, s20;
	[sflag:s22] =	ssyncset.done $0x0  }
0xa0: {  	[sflag:s22] =	ssyncadd.s32 s4;
	_ =	sdelay $0x1  }
0xa1: {  	s23 =	simm.s32 $0x1B8B  }
0xa2: {  	_ =	swait.ge [sflag:s23], $0x1  }
0xa3: {  	[sflag:s23] =	ssyncset.done $0x0  }
0xa4: {  	s25 =	simm.s32 $0x1B8E;
	s24 =	sld [smem:$0x3FFE];
	[sflag:s23] =	ssyncadd.s32 $0xFFFFFFFF  }
0xa5: {  	s26 =	simm.s32 $execute0_lowered;
	[smem:$0x3FD2] =	sst s25  }
0xa6: {  	s5 =	sshll.u32 s26, $0x1;
	_ =	strace $0x8000004C;
	[dreg:$0x1] =	wrdreg $0xFFFFFFFF  }
0xa7: {  	s28 =	simm.s32 $_size_execute0_lowered;
	s3 =	sadd.s32 s3, s5;
	[dreg:$0x0] =	wrdreg $0x0  }
0xa8: {  	s5 =	sshll.u32 s28, $0x1;
	[dreg:$0x2] =	wrdreg s3  }
0xa9: {  	[dreg:$0x3] =	wrdreg s5  }
0xaa: {  	[dreg:$0x4] =	wrdreg $0xC0  }
0xab: {  	_ =	task [dreg:s7], $0x5FFFF  }
0xac: {  	[dreg:$0x1] =	wrdreg $0xFFFFFFFF  }
0xad: {  	[dreg:$0x0] =	wrdreg $0x60  }
0xae: {  	[dreg:$0x2] =	wrdreg s2  }
0xaf: {  	[dreg:$0x3] =	wrdreg s24  }
0xb0: {  	[dreg:$0x4] =	wrdreg $0x9F800  }
0xb1: {  	[dreg:$0x5] =	wrdreg $0x9  }
0xb2: {  	_ =	task.clear_ibuf [dreg:s7], $0x6FFFF;
	_ =	strace $0x9000004C  }
0xb3: {  	s29 =	simm.s32 $0x9;
	_ =	strace $0x8000004E  }
0xb4: {  	_ =	swait.ge [sflag:s29], $0x1  }
0xb5: {  	[sflag:s29] =	ssyncadd.s32 $0xFFFFFFFF  }
0xb6: {  	_ =	strace $0x9000004E  }
0xb7: {  	_ =	sfence  }
0xb8: {  	s30 =	sld [smem:$0x0];
	_ =	sdelay $0x2  }
0xb9: {  	s31 =	sshll.u32 s1, $0xD;
	s1 =	sshrl.u32 s1, $0x2  }
0xba: {  	s3 =	sand.u32 $0x4000, s31;
	s1 =	sadd.s32 s1, s30  }
0xbb: {  	s0 =	sor.u32 s3, s0;
	s1 =	sshll.u32 s1, $0x11  }
0xbc: {  	s0 =	sor.u32 s1, s0  }
0xbd: {  	s0 =	sadd.s32 $0x8F2B, s0  }
0xbe: {  	[sflag:s0] =	ssyncadd.remote.s32 $0x1  }
0xbf: {  	_ =	sfence.sel $0xFFFF  }
0xc0: {  	[dreg:$0x0] =	wrdreg $0xFFFFFFFF;
	(pc) =	sbr.abs _section_cstart, $3  }
0xc1: {  	[dreg:$0x1] =	wrdreg $0xFFFFFFFF  }
0xc2: {  	_ =	task.clear_ibuf [dreg:s7], $0x2FFFF;
	_ =	strace $0x9FFFFFFF  }
0xc3: {  	(tm) =	ssettm $0x7FFFFFFF  }
tec
execute0_lowered:
.L_overlay_start_1:
0x0: {  	(tag) =	ssettag $0x1  }
0x1: {  	s1 =	rddreg [dreg:$0x0]  }
0x2: {  	s0 =	rddreg [dreg:$0x1]  }
0x3: {  	s2 =	rddreg [dreg:$0x2];
	s3 =	simm.s32 $0x0;
	s22 =	srdreg.scid  }
0x4: {  	s10 =	stileid.u32;
	s29 =	simm.s32 $0x4F80;
	s30 =	simm.s32 $0x50  }
0x5: {  	s31 =	simm.s32 $0x7780;
	s28 =	simm.s32 $0x0;
	[smem:$0x7FF] =	sst s3  }
0x6: {  	s4 =	sadd.s32 $0x4A00, s0;
	s3 =	sand.u32 $0x1, s22;
	s6 =	sshrl.u32 s10, $0x2  }
0x7: {  	s7 =	sshll.u32 s10, $0x8;
	s0 =	sadd.s32 $0x68600, s0;
	s23 =	smul.u32 $0x50000, s10  }
0x8: {  	s14 =	smul.u32 $0x14000, s10;
	_ =	strace $0x8000004D;
	s5 =	ssub.s32 $0x2, s3  }
0x9: {  	s6 =	smul.u32 $0x13C00, s6;
	s8 =	sshll.u32 s3, $0x7;
	s7 =	sand.u32 $0x300, s7  }
0xa: {  	s3 =	smul.u32 $0x140000, s3;
	s9 =	sshrl.u32 s5, $0x1;
	s7 =	sor.u32 s8, s7  }
0xb: {  	s25 =	sor.u32 $0x2800, s14;
	s26 =	sadd.s32 $0x5000, s14;
	s15 =	sadd.s32 $0x7800, s14  }
0xc: {  	s16 =	sadd.s32 $0xA000, s14;
	s17 =	sadd.s32 $0xC800, s14;
	s20 =	sadd.s32 $0xF000, s14  }
0xd: {  	s21 =	sadd.s32 $0x11800, s14;
	s5 =	ssub.s32 s5, s9;
	s6 =	sor.u32 s6, s7  }
0xe: {  	s7 =	sshrl.u32 s23, $0x2;
	s9 =	sadd.s32 s26, s2;
	s10 =	sadd.s32 s15, s2  }
0xf: {  	s11 =	sadd.s32 s16, s2;
	s12 =	sadd.s32 s17, s2;
	s13 =	sadd.s32 s20, s2  }
0x10: {  	s18 =	sadd.s32 s14, s3;
	s14 =	sadd.s32 s21, s2;
	s19 =	sadd.s32 s3, s16  }
0x11: {  	s24 =	sshrl.u32 s6, $0x3;
	s6 =	sadd.s32 $0x4F000, s6;
	s7 =	sadd.s32 s7, s2  }
0x12: {  	s18 =	sshrl.u32 s18, $0x3;
	s23 =	sshrl.u32 s19, $0x3;
	s8 =	sadd.s32 s4, s24  }
0x13: {  	s6 =	sshrl.u32 s6, $0x3;
	s18 =	sadd.s32 s0, s18;
	s19 =	sadd.s32 s0, s23  }
0x14: {  	s24 =	sadd.s32 s3, s17;
	s23 =	smax.u32 s5, $0x1;
	[dreg:$0x4] =	wrdreg s8  }
0x15: {  	s4 =	sadd.s32 s4, s6;
	s8 =	sadd.s32 s25, s2;
	[dreg:$0x6] =	wrdreg s18  }
0x16: {  	s18 =	sadd.s32 s3, s15;
	[dreg:$0x5] =	wrdreg s4;
	s4 =	sadd.s32 s3, s25  }
0x17: {  	s6 =	sadd.s32 s3, s26;
	s22 =	sshrl.u32 s18, $0x3;
	s4 =	sshrl.u32 s4, $0x3  }
0x18: {  	s25 =	sadd.s32 s3, s20;
	s3 =	sadd.s32 s3, s21;
	s4 =	sadd.s32 s0, s4  }
0x19: {  	s26 =	sshrl.u32 s25, $0x3;
	[dreg:$0x7] =	wrdreg s4;
	s4 =	sshrl.u32 s6, $0x3  }
0x1a: {  	s3 =	sshrl.u32 s3, $0x3;
	s25 =	simm.s32 $0x400;
	s4 =	sadd.s32 s0, s4  }
0x1b: {  	s21 =	sadd.s32 s0, s26;
	s26 =	simm.s32 $0x3;
	[dreg:$0x8] =	wrdreg s4  }
0x1c: {  	s4 =	sadd.s32 s0, s22;
	s22 =	sadd.s32 s0, s3;
	s3 =	simm.s32 $0x4F00  }
0x1d: {  	[dreg:$0x9] =	wrdreg s4;
	s4 =	sshrl.u32 s24, $0x3;
	s24 =	simm.s32 $0x80  }
0x1e: {  	v0 =	vimm.f32 $0.0e+00;
	s20 =	sadd.s32 s0, s4;
	s0 =	simm.s32 $0x1;
	s4 =	simm.s32 $0x2  }
.LBB2_1:
0x1f: {  	s5 =	simm.s32 $0x0;
	s6 =	rddreg [dreg:$0x4]  }
0x20: {  	[tilespmem:s5], [sflag:$0x3] =	stream.strided.gather [hbm4b:s6+s24], $0x2780, s25, s24, $0x38;
	[tilespmem:$0x1DF80] =	vst v63  }
0x21: {  	_ =	swait.ge [sflag:s26], $0x2780  }
0x22: {  	[sflag:s26] =	ssyncset.done $0x0  }
0x23: {  	s18 =	simm.s32 $0x2780;
	s17 =	rddreg [dreg:$0x5];
	[sflag:s26] =	ssyncadd.s32 $0xFFFFD880  }
0x24: {  	[tilespmem:s18], [sflag:$0x3] =	stream.strided.gather [hbm4b:s17+s24], $0x2780, s25, s24, $0x38;
	[tilespmem:$0x1DF80] =	vst v63  }
0x25: {  	_ =	swait.ge [sflag:s26], $0x2780  }
0x26: {  	[sflag:s26] =	ssyncset.done $0x0  }
0x27: {  	s5 =	simm.s32 $0x0;
	s6 =	simm.s32 $0x200;
	[sflag:s26] =	ssyncadd.s32 $0xFFFFD880  }
.LBB2_2:
0x28: {  	p0 =	sne.s32 s6, $0x9E00;
	[tilespmem:s5+$0x4FF0] =	vst v0  }
0x29: {  	[tilespmem:s5+$0x4F80] =	vst v0  }
0x2a: {  	[tilespmem:s5+$0x4F90] =	vst v0  }
.Ltmp0:
0x2b: {  	[tilespmem:s5+$0x4FA0] =	vst v0;
	(pc) =	sbr.rel @p0 .LBB2_2-.Ltmp0, $4  }
0x2c: {  	[tilespmem:s5+$0x4FB0] =	vst v0  }
0x2d: {  	[tilespmem:s5+$0x4FC0] =	vst v0  }
0x2e: {  	[tilespmem:s5+$0x4FD0] =	vst v0  }
0x2f: {  	[tilespmem:s5+$0x4FE0] =	vst v0;
	s5 =	sshra.s32 s6, $0x2;
	s6 =	sadd.s32 $0x200, s6  }
0x30: {  	[tilespmem:s5+$0x4FF0] =	vst v0  }
0x31: {  	[tilespmem:s5+$0x4F80] =	vst v0  }
0x32: {  	[tilespmem:s5+$0x4F90] =	vst v0  }
0x33: {  	[tilespmem:s5+$0x4FA0] =	vst v0  }
0x34: {  	[tilespmem:s5+$0x4FB0] =	vst v0  }
0x35: {  	[tilespmem:s5+$0x4FC0] =	vst v0  }
0x36: {  	[tilespmem:s5+$0x4FD0] =	vst v0  }
0x37: {  	[tilespmem:s5+$0x4FE0] =	vst v0  }
0x38: {  	[spmem:s7] =	stream.linear.scatter [tilespmem:s29], [sflag:$0x3], $0x2800, $0x38;
	[tilespmem:$0x1DF80] =	vst v63  }
0x39: {  	_ =	swait.ge [sflag:s26], $0x2800  }
0x3a: {  	[sflag:s26] =	ssyncset.done $0x0  }
0x3b: {  	[sflag:s26] =	ssyncadd.s32 $0xFFFFD800  }
0x3c: {  	[spmem:s8] =	stream.linear.scatter [tilespmem:s29], [sflag:$0x3], $0x2800, $0x38;
	[tilespmem:$0x1DF80] =	vst v63  }
0x3d: {  	_ =	swait.ge [sflag:s26], $0x2800  }
0x3e: {  	[sflag:s26] =	ssyncset.done $0x0  }
0x3f: {  	[sflag:s26] =	ssyncadd.s32 $0xFFFFD800  }
0x40: {  	[spmem:s9] =	stream.linear.scatter [tilespmem:s29], [sflag:$0x3], $0x2800, $0x38;
	[tilespmem:$0x1DF80] =	vst v63  }
0x41: {  	_ =	swait.ge [sflag:s26], $0x2800  }
0x42: {  	[sflag:s26] =	ssyncset.done $0x0  }
0x43: {  	[sflag:s26] =	ssyncadd.s32 $0xFFFFD800  }
0x44: {  	[spmem:s10] =	stream.linear.scatter [tilespmem:s29], [sflag:$0x3], $0x2800, $0x38;
	[tilespmem:$0x1DF80] =	vst v63  }
0x45: {  	_ =	swait.ge [sflag:s26], $0x2800  }
0x46: {  	[sflag:s26] =	ssyncset.done $0x0  }
0x47: {  	[sflag:s26] =	ssyncadd.s32 $0xFFFFD800  }
0x48: {  	[spmem:s11] =	stream.linear.scatter [tilespmem:s29], [sflag:$0x3], $0x2800, $0x38;
	[tilespmem:$0x1DF80] =	vst v63  }
0x49: {  	_ =	swait.ge [sflag:s26], $0x2800  }
0x4a: {  	[sflag:s26] =	ssyncset.done $0x0  }
0x4b: {  	[sflag:s26] =	ssyncadd.s32 $0xFFFFD800  }
0x4c: {  	[spmem:s12] =	stream.linear.scatter [tilespmem:s29], [sflag:$0x3], $0x2800, $0x38;
	[tilespmem:$0x1DF80] =	vst v63  }
0x4d: {  	_ =	swait.ge [sflag:s26], $0x2800  }
0x4e: {  	[sflag:s26] =	ssyncset.done $0x0  }
0x4f: {  	[sflag:s26] =	ssyncadd.s32 $0xFFFFD800  }
0x50: {  	[spmem:s13] =	stream.linear.scatter [tilespmem:s29], [sflag:$0x3], $0x2800, $0x38;
	[tilespmem:$0x1DF80] =	vst v63  }
0x51: {  	_ =	swait.ge [sflag:s26], $0x2800  }
0x52: {  	[sflag:s26] =	ssyncset.done $0x0  }
0x53: {  	[sflag:s26] =	ssyncadd.s32 $0xFFFFD800  }
0x54: {  	[spmem:s14] =	stream.linear.scatter [tilespmem:s29], [sflag:$0x3], $0x2800, $0x38;
	[tilespmem:$0x1DF80] =	vst v63  }
0x55: {  	_ =	swait.ge [sflag:s26], $0x2800  }
0x56: {  	[sflag:s26] =	ssyncset.done $0x0  }
0x57: {  	[sflag:s26] =	ssyncadd.s32 $0xFFFFD800  }
0x58: {  	s18 =	simm.s32 $0x0;
	[bflag:$0x0] =	sbarrier.arrive $0xFFFF  }
0x59: {  	[tilespmem:s29], [sflag:$0x1] =	stream.indirect.gather [hbm4b:s1+s30], $0x80, s18, s30, $0xb8;
	[tilespmem:$0x1DF80] =	vst v63  }
0x5a: {  	_ = 	snop  }
0x5b: {  	[tilespmem:s31], [sflag:$0x2] =	stream.indirect.gather [hbm4b:s1+s30], $0x80, s30, s30, $0xb8;
	[tilespmem:$0x1DF80] =	vst v63  }
0x5c: {  	_ =	swait.ge [sflag:s0], $0x2800  }
0x5d: {  	[sflag:s0] =	ssyncset.done $0x0  }
0x5e: {  	s6 =	simm.s32 $0x27D0;
	[sflag:s0] =	ssyncadd.s32 $0xFFFFD800  }
0x5f: {  	v1 =	vld [tilespmem:s6+$0xFFFFFFB0];
	_ =	sdelay $0x4  }
0x60: {  	[tilespmem:$0x4F00] =	vst v1  }
0x61: {  	v1 =	vld [tilespmem:s6+$0xFFFFFFC0];
	_ =	sdelay $0x4  }
0x62: {  	[tilespmem:$0x4F10] =	vst v1  }
0x63: {  	v1 =	vld [tilespmem:s6+$0xFFFFFFD0];
	_ =	sdelay $0x4  }
0x64: {  	[tilespmem:$0x4F20] =	vst v1  }
0x65: {  	v1 =	vld [tilespmem:s6+$0xFFFFFFE0];
	_ =	sdelay $0x4  }
0x66: {  	[tilespmem:$0x4F30] =	vst v1  }
0x67: {  	v1 =	vld [tilespmem:s6+$0xFFFFFFF0];
	_ =	sdelay $0x4  }
0x68: {  	[tilespmem:$0x4F40] =	vst v1  }
0x69: {  	[spmem:s2] =	stream.indirect.scatter.add.f32 [tilespmem:s29], [sflag:$0x3], $0x80, s3, s30, $0xb8;
	[tilespmem:$0x1DF80] =	vst v63  }
0x6a: {  	_ =	swait.ge [sflag:s26], $0x2800  }
0x6b: {  	[sflag:s26] =	ssyncset.done $0x0  }
0x6c: {  	s15 =	simm.s32 $0xA0;
	[sflag:s26] =	ssyncadd.s32 $0xFFFFD800  }
0x6d: {  	[tilespmem:s29], [sflag:$0x1] =	stream.indirect.gather [hbm4b:s1+s30], $0x80, s15, s30, $0xb8;
	[tilespmem:$0x1DF80] =	vst v63  }
0x6e: {  	_ =	swait.ge [sflag:s4], $0x2800  }
0x6f: {  	[sflag:s4] =	ssyncset.done $0x0  }
0x70: {  	[sflag:s4] =	ssyncadd.s32 $0xFFFFD800  }
0x71: {  	v1 =	vld [tilespmem:s6+$0x0];
	_ =	sdelay $0x4  }
0x72: {  	[tilespmem:$0x4F00] =	vst v1  }
0x73: {  	v1 =	vld [tilespmem:s6+$0x10];
	_ =	sdelay $0x4  }
0x74: {  	[tilespmem:$0x4F10] =	vst v1  }
0x75: {  	v1 =	vld [tilespmem:s6+$0x20];
	_ =	sdelay $0x4  }
0x76: {  	s5 =	sand.u32 $0x3FE0, s18;
	[tilespmem:$0x4F20] =	vst v1  }
0x77: {  	v1 =	vld [tilespmem:s5+$0x2800];
	_ =	sdelay $0x4  }
0x78: {  	[tilespmem:$0x4F30] =	vst v1  }
0x79: {  	v1 =	vld [tilespmem:s6+$0x40];
	_ =	sdelay $0x4  }
0x7a: {  	[tilespmem:$0x4F40] =	vst v1  }
0x7b: {  	[spmem:s2] =	stream.indirect.scatter.add.f32 [tilespmem:s31], [sflag:$0x3], $0x80, s3, s30, $0xb8;
	[tilespmem:$0x1DF80] =	vst v63  }
0x7c: {  	_ =	swait.ge [sflag:s26], $0x2800  }
0x7d: {  	s16 =	simm.s32 $0x2870;
	s15 =	simm.s32 $0x190;
	[sflag:s26] =	ssyncset.done $0x0  }
0x7e: {  	s5 =	simm.s32 $0xF0;
	s6 =	simm.s32 $0xA0;
	[sflag:s26] =	ssyncadd.s32 $0xFFFFD800  }
.LBB2_4:
0x7f: {  	[tilespmem:s31], [sflag:$0x2] =	stream.indirect.gather [hbm4b:s1+s30], $0x80, s5, s30, $0xb8;
	[tilespmem:$0x1DF80] =	vst v63  }
0x80: {  	s17 =	smov.u32 s6;
	s5 =	smov.u32 s15  }
0x81: {  	p0 =	sne.s32 s6, $0x2580;
	s6 =	sadd.s32 $0xA0, s6;
	_ =	swait.ge [sflag:s0], $0x2800  }
0x82: {  	[sflag:s0] =	ssyncset.done $0x0  }
0x83: {  	[sflag:s0] =	ssyncadd.s32 $0xFFFFD800  }
0x84: {  	v1 =	vld [tilespmem:s16+$0xFFFFFFB0];
	_ =	sdelay $0x4  }
0x85: {  	[tilespmem:$0x4F00] =	vst v1  }
0x86: {  	v1 =	vld [tilespmem:s16+$0xFFFFFFC0];
	_ =	sdelay $0x4  }
0x87: {  	[tilespmem:$0x4F10] =	vst v1  }
0x88: {  	v1 =	vld [tilespmem:s16+$0xFFFFFFD0];
	_ =	sdelay $0x4  }
0x89: {  	[tilespmem:$0x4F20] =	vst v1  }
0x8a: {  	v1 =	vld [tilespmem:s16+$0xFFFFFFE0];
	_ =	sdelay $0x4  }
0x8b: {  	[tilespmem:$0x4F30] =	vst v1  }
0x8c: {  	v1 =	vld [tilespmem:s16+$0xFFFFFFF0];
	_ =	sdelay $0x4  }
0x8d: {  	[tilespmem:$0x4F40] =	vst v1  }
0x8e: {  	[spmem:s2] =	stream.indirect.scatter.add.f32 [tilespmem:s29], [sflag:$0x3], $0x80, s3, s30, $0xb8;
	[tilespmem:$0x1DF80] =	vst v63  }
0x8f: {  	_ =	swait.ge [sflag:s26], $0x2800  }
0x90: {  	[sflag:s26] =	ssyncset.done $0x0  }
0x91: {  	s18 =	sadd.s32 $0xFFFFFFB0, s15;
	[sflag:s26] =	ssyncadd.s32 $0xFFFFD800  }
0x92: {  	[tilespmem:s29], [sflag:$0x1] =	stream.indirect.gather [hbm4b:s1+s30], $0x80, s18, s30, $0xb8;
	[tilespmem:$0x1DF80] =	vst v63  }
0x93: {  	_ =	swait.ge [sflag:s4], $0x2800  }
0x94: {  	[sflag:s4] =	ssyncset.done $0x0  }
0x95: {  	[sflag:s4] =	ssyncadd.s32 $0xFFFFD800  }
0x96: {  	v1 =	vld [tilespmem:s16+$0x0];
	_ =	sdelay $0x4  }
0x97: {  	[tilespmem:$0x4F00] =	vst v1  }
0x98: {  	v1 =	vld [tilespmem:s16+$0x10];
	_ =	sdelay $0x4  }
0x99: {  	[tilespmem:$0x4F10] =	vst v1  }
0x9a: {  	v1 =	vld [tilespmem:s16+$0x20];
	_ =	sdelay $0x4  }
0x9b: {  	s17 =	sand.u32 $0x3FE0, s17;
	[tilespmem:$0x4F20] =	vst v1  }
0x9c: {  	v1 =	vld [tilespmem:s17+$0x2800];
	_ =	sdelay $0x4  }
0x9d: {  	[tilespmem:$0x4F30] =	vst v1  }
0x9e: {  	v1 =	vld [tilespmem:s16+$0x40];
	_ =	sdelay $0x4  }
.Ltmp1:
0x9f: {  	[tilespmem:$0x4F40] =	vst v1;
	(pc) =	sbr.rel @p0 .LBB2_4-.Ltmp1, $4  }
0xa0: {  	[spmem:s2] =	stream.indirect.scatter.add.f32 [tilespmem:s31], [sflag:$0x3], $0x80, s3, s30, $0xb8;
	[tilespmem:$0x1DF80] =	vst v63  }
0xa1: {  	_ =	swait.ge [sflag:s26], $0x2800  }
0xa2: {  	[sflag:s26] =	ssyncset.done $0x0  }
0xa3: {  	s15 =	sadd.s32 $0xA0, s15;
	s16 =	sadd.s32 $0xA0, s16;
	[sflag:s26] =	ssyncadd.s32 $0xFFFFD800  }
0xa4: {  	[tilespmem:s31], [sflag:$0x2] =	stream.indirect.gather [hbm4b:s1+s30], $0x80, s5, s30, $0xb8;
	[tilespmem:$0x1DF80] =	vst v63  }
0xa5: {  	_ =	swait.ge [sflag:s0], $0x2800  }
0xa6: {  	[sflag:s0] =	ssyncset.done $0x0  }
0xa7: {  	[sflag:s0] =	ssyncadd.s32 $0xFFFFD800  }
0xa8: {  	v1 =	vld [tilespmem:$0x4DA0]  }
0xa9: {  	v2 =	vld [tilespmem:$0x4DB0]  }
0xaa: {  	v3 =	vld [tilespmem:$0x4DC0]  }
0xab: {  	v4 =	vld [tilespmem:$0x4DD0]  }
0xac: {  	v5 =	vld [tilespmem:$0x4DE0]  }
0xad: {  	[tilespmem:$0x4F00] =	vst v1  }
0xae: {  	[tilespmem:$0x4F10] =	vst v2  }
0xaf: {  	[tilespmem:$0x4F20] =	vst v3  }
0xb0: {  	[tilespmem:$0x4F30] =	vst v4  }
0xb1: {  	[tilespmem:$0x4F40] =	vst v5  }
0xb2: {  	[spmem:s2] =	stream.indirect.scatter.add.f32 [tilespmem:s29], [sflag:$0x3], $0x80, s3, s30, $0xb8;
	[tilespmem:$0x1DF80] =	vst v63  }
0xb3: {  	_ =	swait.ge [sflag:s26], $0x2800  }
0xb4: {  	[sflag:s26] =	ssyncset.done $0x0  }
0xb5: {  	s15 =	simm.s32 $0x26C0;
	[sflag:s26] =	ssyncadd.s32 $0xFFFFD800  }
0xb6: {  	[tilespmem:s29], [sflag:$0x1] =	stream.indirect.gather [hbm4b:s1+s30], $0x80, s15, s30, $0xb8;
	[tilespmem:$0x1DF80] =	vst v63  }
0xb7: {  	_ =	swait.ge [sflag:s4], $0x2800  }
0xb8: {  	[sflag:s4] =	ssyncset.done $0x0  }
0xb9: {  	[sflag:s4] =	ssyncadd.s32 $0xFFFFD800  }
0xba: {  	v1 =	vld [tilespmem:$0x4DF0]  }
0xbb: {  	v2 =	vld [tilespmem:$0x4E00]  }
0xbc: {  	v3 =	vld [tilespmem:$0x4E10]  }
0xbd: {  	v60 =	vld [tilespmem:$0x4E20]  }
0xbe: {  	v61 =	vld [tilespmem:$0x4E30]  }
0xbf: {  	[tilespmem:$0x4F00] =	vst v1  }
0xc0: {  	[tilespmem:$0x4F10] =	vst v2  }
0xc1: {  	[tilespmem:$0x4F20] =	vst v3  }
0xc2: {  	[tilespmem:$0x4F30] =	vst v60  }
0xc3: {  	[tilespmem:$0x4F40] =	vst v61  }
0xc4: {  	[spmem:s2] =	stream.indirect.scatter.add.f32 [tilespmem:s31], [sflag:$0x3], $0x80, s3, s30, $0xb8;
	[tilespmem:$0x1DF80] =	vst v63  }
0xc5: {  	_ =	swait.ge [sflag:s26], $0x2800  }
0xc6: {  	[sflag:s26] =	ssyncset.done $0x0  }
0xc7: {  	[sflag:s26] =	ssyncadd.s32 $0xFFFFD800  }
0xc8: {  	_ =	swait.ge [sflag:s0], $0x2800  }
0xc9: {  	[sflag:s0] =	ssyncset.done $0x0  }
0xca: {  	[sflag:s0] =	ssyncadd.s32 $0xFFFFD800  }
0xcb: {  	v1 =	vld [tilespmem:$0x4E40]  }
0xcc: {  	v2 =	vld [tilespmem:$0x4E50]  }
0xcd: {  	v3 =	vld [tilespmem:$0x4E60]  }
0xce: {  	v62 =	vld [tilespmem:$0x4E70]  }
0xcf: {  	v63 =	vld [tilespmem:$0x4E80]  }
0xd0: {  	[tilespmem:$0x4F00] =	vst v1  }
0xd1: {  	[tilespmem:$0x4F10] =	vst v2  }
0xd2: {  	[tilespmem:$0x4F20] =	vst v3  }
0xd3: {  	[tilespmem:$0x4F30] =	vst v62  }
0xd4: {  	[tilespmem:$0x4F40] =	vst v63  }
0xd5: {  	[spmem:s2] =	stream.indirect.scatter.add.f32 [tilespmem:s29], [sflag:$0x3], $0x80, s3, s30, $0xb8;
	[tilespmem:$0x1DF80] =	vst v63  }
0xd6: {  	_ =	swait.ge [sflag:s26], $0x2800  }
0xd7: {  	[sflag:s26] =	ssyncset.done $0x0  }
0xd8: {  	s16 =	stileid.u32;
	[sflag:s26] =	ssyncadd.s32 $0xFFFFD800  }
0xd9: {  	s5 =	sshll.u32 s16, $0x6;
	[bflag:$0x0] =	sbarrier.arrive $0xFFFF  }
0xda: {  	s6 =	sshrl.u32 s7, $0x3;
	s5 =	sor.u32 $0x1C03, s5;
	s15 =	rddreg [dreg:$0x6]  }
0xdb: {  	[hbm:s15], [sflag:s5] =	dma.local [spmem:s6], $0x500  }
0xdc: {  	_ =	swait.ge [sflag:s26], $0x500  }
0xdd: {  	[sflag:s26] =	ssyncset.done $0x0  }
0xde: {  	s17 =	sshrl.u32 s8, $0x3;
	s18 =	rddreg [dreg:$0x7];
	[sflag:s26] =	ssyncadd.s32 $0xFFFFFB00  }
0xdf: {  	[hbm:s18], [sflag:s5] =	dma.local [spmem:s17], $0x500  }
0xe0: {  	_ =	swait.ge [sflag:s26], $0x500  }
0xe1: {  	[sflag:s26] =	ssyncset.done $0x0  }
0xe2: {  	s15 =	sshrl.u32 s9, $0x3;
	s16 =	rddreg [dreg:$0x8];
	[sflag:s26] =	ssyncadd.s32 $0xFFFFFB00  }
0xe3: {  	[hbm:s16], [sflag:s5] =	dma.local [spmem:s15], $0x500  }
0xe4: {  	_ =	swait.ge [sflag:s26], $0x500  }
0xe5: {  	[sflag:s26] =	ssyncset.done $0x0  }
0xe6: {  	s17 =	sshrl.u32 s10, $0x3;
	s18 =	rddreg [dreg:$0x9];
	[sflag:s26] =	ssyncadd.s32 $0xFFFFFB00  }
0xe7: {  	[hbm:s18], [sflag:s5] =	dma.local [spmem:s17], $0x500  }
0xe8: {  	_ =	swait.ge [sflag:s26], $0x500  }
0xe9: {  	[sflag:s26] =	ssyncset.done $0x0  }
0xea: {  	s15 =	sshrl.u32 s11, $0x3;
	[sflag:s26] =	ssyncadd.s32 $0xFFFFFB00  }
0xeb: {  	[hbm:s19], [sflag:s5] =	dma.local [spmem:s15], $0x500  }
0xec: {  	_ =	swait.ge [sflag:s26], $0x500  }
0xed: {  	[sflag:s26] =	ssyncset.done $0x0  }
0xee: {  	s16 =	sshrl.u32 s12, $0x3;
	[sflag:s26] =	ssyncadd.s32 $0xFFFFFB00  }
0xef: {  	[hbm:s20], [sflag:s5] =	dma.local [spmem:s16], $0x500  }
0xf0: {  	_ =	swait.ge [sflag:s26], $0x500  }
0xf1: {  	[sflag:s26] =	ssyncset.done $0x0  }
0xf2: {  	s17 =	sshrl.u32 s13, $0x3;
	[sflag:s26] =	ssyncadd.s32 $0xFFFFFB00  }
0xf3: {  	[hbm:s21], [sflag:s5] =	dma.local [spmem:s17], $0x500  }
0xf4: {  	s28 =	sadd.s32 $0x1, s28;
	_ =	swait.ge [sflag:s26], $0x500  }
0xf5: {  	p0 =	sne.s32 s28, s23;
	[sflag:s26] =	ssyncset.done $0x0  }
.Ltmp2:
0xf6: {  	s18 =	sshrl.u32 s14, $0x3;
	[sflag:s26] =	ssyncadd.s32 $0xFFFFFB00;
	(pc) =	sbr.rel @p0 .LBB2_1-.Ltmp2, $4  }
0xf7: {  	[hbm:s22], [sflag:s5] =	dma.local [spmem:s18], $0x500  }
0xf8: {  	_ =	swait.ge [sflag:s26], $0x500  }
0xf9: {  	[sflag:s26] =	ssyncset.done $0x0  }
0xfa: {  	[sflag:s26] =	ssyncadd.s32 $0xFFFFFB00  }
0xfb: {  	_ =	sfence.sel $0x180000  }
0xfc: {  	[bflag:$0x0] =	sbarrier.arrive $0xFFFF  }
0xfd: {  	_ =	strace $0x9000004D  }
0xfe: {  	s0 =	stileid.u32;
	[bflag:$0x2] =	sbarrier.arrive $0xFFFF  }
0xff: {  	p0 =	sne.s32 s0, $0x0;
	s0 =	rddreg [dreg:$0x3]  }
0x100: {  	s0 =	sadd.s32 @!p0 $0x100000, s0  }
0x101: {  	[sflag:s0] =	ssyncadd.tile.s32 @!p0 $0x1;
	_ =	shalt  }
.Lfunc_end2:
_tile_overlayer_lowered:
.L_overlay_start_2:
0x102: {  	(tag) =	ssettag $0x2  }
0x103: {  	s0 =	rddreg [dreg:$0x0];
	s2 =	stileid.u32  }
0x104: {  	s1 =	rddreg [dreg:$0x1];
	p0 =	sne.s32 s2, $0x0  }
0x105: {  	s3 =	rddreg [dreg:$0x2];
	[bflag:$0x3] =	sbarrier.arrive $0xFFFF;
	s2 =	simm.s32 @!p0 $0x1C03  }
0x106: {  	[timem:s3], [sflag:s2] =	dma.local @!p0 [hbm:s0], s1  }
0x107: {  	s0 =	simm.s32 @!p0 $0x3  }
0x108: {  	_ =	swait.ge @!p0 [sflag:s0], s1  }
0x109: {  	s1 =	ssub.s32 @!p0 $0x0, s1;
	[sflag:s0] =	ssyncset.done @!p0 $0x0  }
0x10a: {  	[sflag:s0] =	ssyncadd.s32 @!p0 s1  }
0x10b: {  	[bflag:$0x3] =	sbarrier.arrive $0xFFFF  }
0x10c: {  	_ =	shalt  }

// kernel: sc_cnt.3.cloned.1.call-start
scs
__scs_entry_jumppad:
0x0: {  	(pc) =	sbr.rel $0x88, $3  }
0x1: {  	(tag) =	ssettag $0x0;
	lr =	simm.s32 $0x1  }
0x2: {  	[smem:$0x3F8F] =	sst lr;
	_ =	strace $0xD0000000  }
0x3: {  	_ = 	snop  }
0x4: {  	_ = 	snop  }
0x5: {  	_ = 	snop  }
0x6: {  	_ = 	snop  }
0x7: {  	_ = 	snop  }
__scs_overlays_trampoline_lowered:
0x8: {  	[smem:$0x3F9E] =	sst s0  }
0x9: {  	[smem:$0x3F9F] =	sst s1  }
0xa: {  	[smem:$0x3FA0] =	sst s2  }
0xb: {  	[smem:$0x3FA1] =	sst s3  }
0xc: {  	[smem:$0x3FA2] =	sst s4  }
0xd: {  	[smem:$0x3FA3] =	sst s5  }
0xe: {  	[smem:$0x3FA4] =	sst s6  }
0xf: {  	[smem:$0x3FA5] =	sst s7  }
0x10: {  	[smem:$0x3FA6] =	sst s8  }
0x11: {  	[smem:$0x3FA7] =	sst s9;
	s0 =	simm.s32 @!p0 $0x0  }
0x12: {  	s1 =	sld [smem:$0x3F8D];
	s0 =	simm.s32 @p0 $0x1  }
0x13: {  	[smem:$0x3FA8] =	sst s0;
	s0 =	simm.s32 @!p1 $0x0  }
0x14: {  	s2 =	sld [smem:$0x3F8C];
	s0 =	simm.s32 @p1 $0x1  }
0x15: {  	[smem:$0x3FA9] =	sst s0;
	s0 =	simm.s32 @!p2 $0x0  }
0x16: {  	s3 =	sld [smem:$0x3FDB];
	s0 =	simm.s32 @p2 $0x1  }
0x17: {  	s4 =	simm.s32 $0x1BF5;
	[smem:$0x3FAB] =	sst s0  }
0x18: {  	s0 =	sld [smem:$0x3F8E];
	_ =	swait.ge [sflag:s4], $0x0  }
0x19: {  	s7 =	sld [smem:$0x3F8F]  }
0x1a: {  	s8 =	sadd.s32 $0xFFFFE003, lr  }
0x1b: {  	s9 =	sadd.s32 $0xFFFFFEF7, lr;
	s5 =	simm.s32 $0xFFFFFFFF;
	p2 =	slt.u32 s8, $0xFFFFF086  }
0x1c: {  	p1 =	slt.u32 s9, $0xF7A;
	s5 =	simm.s32 @!p2 $0x0  }
0x1d: {  	s5 =	simm.s32 @p1 $0x1;
	p0 =	seq.s32 s7, s2  }
0x1e: {  	s7 =	smul.u32 @!p0 $0xF7A, s2;
	p2 =	seq.s32 @!p0 s5, $0x0  }
0x1f: {  	s9 =	smul.u32 $0xF7A, s1;
	s8 =	simm.s32 @!p0 $0x1BF5;
	p2 =	por !p2, p0  }
0x20: {  	[sflag:s8] =	ssyncset.s32 @!p0 $0xFFFFF086;
	s6 =	sadd.s32 @!p0 s3, s7;
	s7 =	simm.s32 @!p0 $0x108  }
0x21: {  	s3 =	sadd.s32 s3, s9;
	s6 =	sadd.s32 @!p0 $0x88, s6;
	s7 =	simm.s32 @p2 $0x1082  }
0x22: {  	[simem:s7], [sflag:s8] =	dma.local @!p0 [hbm:s6], $0xF7A  }
0x23: {  	s9 =	sor.u32 $0xD0000000, s2;
	s6 =	simm.s32 $0x108;
	_ =	swait.ge @!p0 [sflag:s8], $0x0  }
0x24: {  	s3 =	sadd.s32 $0x88, s3;
	s6 =	simm.s32 @!p1 $0x1082;
	[sflag:s4] =	ssyncset.s32 $0xFFFFF086  }
0x25: {  	[simem:s6], [sflag:s4] =	dma.local [hbm:s3], $0xF7A  }
0x26: {  	[smem:$0x3F8F] =	sst s1;
	(tag) =	ssettag s2;
	_ =	strace s9  }
0x27: {  	s1 =	sld [smem:$0x3F9F]  }
0x28: {  	s2 =	sld [smem:$0x3FA0]  }
0x29: {  	s4 =	sld [smem:$0x3FA2]  }
0x2a: {  	p0 =	seq.s32 s5, $0x0;
	s5 =	sld [smem:$0x3FA3]  }
0x2b: {  	s6 =	sld [smem:$0x3FA4]  }
0x2c: {  	s7 =	sld [smem:$0x3FA5]  }
0x2d: {  	s3 =	simm.s32 $0x108;
	s8 =	sld [smem:$0x3FA6]  }
0x2e: {  	s3 =	simm.s32 @!p0 $0x1082;
	s9 =	sld [smem:$0x3FA7]  }
0x2f: {  	lr =	sadd.s32 s0, s3;
	s0 =	sld [smem:$0x3F9E]  }
0x30: {  	s3 =	sld [smem:$0x3FA1]  }
0x31: {  	[smem:$0x3FAA] =	sst s10  }
0x32: {  	s10 =	sld [smem:$0x3FA8];
	_ =	sdelay $0x3  }
0x33: {  	p0 =	seq.s32 s10, $0x1;
	s10 =	sld [smem:$0x3FAA];
	_ =	sdelay $0x3  }
0x34: {  	[smem:$0x3FAA] =	sst s10  }
0x35: {  	s10 =	sld [smem:$0x3FA9];
	_ =	sdelay $0x3  }
0x36: {  	p1 =	seq.s32 s10, $0x1;
	s10 =	sld [smem:$0x3FAA];
	_ =	sdelay $0x3  }
0x37: {  	[smem:$0x3FAA] =	sst s10  }
0x38: {  	s10 =	sld [smem:$0x3FAB]  }
0x39: {  	_ = 	snop;
	(pc) =	sbr.ind lr, $3  }
0x3a: {  	_ = 	snop  }
0x3b: {  	_ = 	snop  }
0x3c: {  	p2 =	seq.s32 s10, $0x1;
	s10 =	sld [smem:$0x3FAA]  }
0x3d: {  	_ =	shalt  }
0x3e: {  	_ =	shalt  }
0x3f: {  	_ =	shalt  }
0x40: {  	_ =	shalt  }
0x41: {  	_ =	shalt  }
0x42: {  	_ =	shalt  }
0x43: {  	_ =	shalt  }
0x44: {  	_ =	shalt  }
0x45: {  	_ =	shalt  }
0x46: {  	_ =	shalt  }
0x47: {  	_ =	shalt  }
0x48: {  	_ =	shalt  }
0x49: {  	_ =	shalt  }
0x4a: {  	_ =	shalt  }
0x4b: {  	_ =	shalt  }
0x4c: {  	_ =	shalt  }
0x4d: {  	_ =	shalt  }
0x4e: {  	_ =	shalt  }
0x4f: {  	_ =	shalt  }
0x50: {  	_ =	shalt  }
0x51: {  	_ =	shalt  }
0x52: {  	_ =	shalt  }
0x53: {  	_ =	shalt  }
0x54: {  	_ =	shalt  }
0x55: {  	_ =	shalt  }
0x56: {  	_ =	shalt  }
0x57: {  	_ =	shalt  }
0x58: {  	_ =	shalt  }
0x59: {  	_ =	shalt  }
0x5a: {  	_ =	shalt  }
0x5b: {  	_ =	shalt  }
0x5c: {  	_ =	shalt  }
0x5d: {  	_ =	shalt  }
0x5e: {  	_ =	shalt  }
0x5f: {  	_ =	shalt  }
0x60: {  	_ =	shalt  }
0x61: {  	_ =	shalt  }
0x62: {  	_ =	shalt  }
0x63: {  	_ =	shalt  }
0x64: {  	_ =	shalt  }
0x65: {  	_ =	shalt  }
0x66: {  	_ =	shalt  }
0x67: {  	_ =	shalt  }
0x68: {  	_ =	shalt  }
0x69: {  	_ =	shalt  }
0x6a: {  	_ =	shalt  }
0x6b: {  	_ =	shalt  }
0x6c: {  	_ =	shalt  }
0x6d: {  	_ =	shalt  }
0x6e: {  	_ =	shalt  }
0x6f: {  	_ =	shalt  }
0x70: {  	_ =	shalt  }
0x71: {  	_ =	shalt  }
0x72: {  	_ =	shalt  }
0x73: {  	_ =	shalt  }
0x74: {  	_ =	shalt  }
0x75: {  	_ =	shalt  }
0x76: {  	_ =	shalt  }
0x77: {  	_ =	shalt  }
0x78: {  	_ =	shalt  }
0x79: {  	_ =	shalt  }
0x7a: {  	_ =	shalt  }
0x7b: {  	_ =	shalt  }
0x7c: {  	_ =	shalt  }
0x7d: {  	_ =	shalt  }
0x7e: {  	_ =	shalt  }
0x7f: {  	_ =	shalt  }
0x80: {  	_ =	shalt  }
0x81: {  	_ =	shalt  }
0x82: {  	_ =	shalt  }
0x83: {  	_ =	shalt  }
0x84: {  	_ =	shalt  }
0x85: {  	_ =	shalt  }
0x86: {  	_ =	shalt  }
0x87: {  	_ =	shalt  }
.Lfunc_end0:
.L_simem_size_0:
called_computation_lowered:
.L_overlay_start_0:
0x88: {  	s2 =	sld [smem:$0x3FD9]  }
0x89: {  	s3 =	sld [smem:$0x3FFE];
	_ =	sdelay $0x1  }
0x8a: {  	s1 =	srdreg.scid  }
0x8b: {  	s0 =	sand.u32 $0x1, s1  }
0x8c: {  	s16 =	sshll.u32 s0, $0xA;
	s2 =	sadd.s32 s3, s2  }
0x8d: {  	s2 =	sadd.s32 s2, s16  }
0x8e: {  	[smem:$0x3FB6] =	sst s2  }
0x8f: {  	_ = 	snop  }
0x90: {  	(tm) =	ssettm $0x1  }
0x91: {  	s17 =	sld [smem:$0x3FFB];
	_ =	sdelay $0x3  }
0x92: {  	_ =	strace s17  }
0x93: {  	s2 =	sld [smem:$0x3FFC];
	_ =	sdelay $0x3  }
0x94: {  	_ =	strace s2  }
0x95: {  	s2 =	sld [smem:$0x3FFD];
	_ =	sdelay $0x3  }
0x96: {  	_ =	strace s2  }
0x97: {  	_ =	strace $0x8FFFFFFF  }
0x98: {  	s18 =	sld [smem:$0x3FDB];
	_ =	sdelay $0x1  }
0x99: {  	s19 =	simm.s32 $_scs_section_size  }
0x9a: {  	s4 =	simm.s32 $_size__tile_overlayer_lowered;
	s5 =	simm.s32 $_tile_overlayer_lowered  }
0x9b: {  	s22 =	simm.s32 $0x1BFF;
	s21 =	sshll.u32 s5, $0x1;
	s2 =	sadd.s32 s19, s18  }
0x9c: {  	s6 =	simm.s32 $0x0;
	s20 =	sshll.u32 s4, $0x1;
	s4 =	sadd.s32 s21, s2  }
0x9d: {  	[timem:s6], [sflag:s22] =	dma.local [hbm:s4], s20  }
0x9e: {  	_ =	swait.ge [sflag:s22], s20  }
0x9f: {  	s3 =	ssub.s32 $0x0, s20;
	[sflag:s22] =	ssyncset.done $0x0  }
0xa0: {  	[sflag:s22] =	ssyncadd.s32 s3;
	_ =	sdelay $0x1  }
0xa1: {  	s23 =	simm.s32 $0x1B8B  }
0xa2: {  	_ =	swait.ge [sflag:s23], $0x1  }
0xa3: {  	[sflag:s23] =	ssyncset.done $0x0  }
0xa4: {  	s25 =	simm.s32 $0x1B8E;
	s24 =	sld [smem:$0x3FFE];
	[sflag:s23] =	ssyncadd.s32 $0xFFFFFFFF  }
0xa5: {  	s26 =	simm.s32 $execute0_lowered;
	[smem:$0x3FD2] =	sst s25  }
0xa6: {  	s4 =	sshll.u32 s26, $0x1;
	_ =	strace $0x80000046;
	[dreg:$0x1] =	wrdreg $0xFFFFFFFF  }
0xa7: {  	s28 =	simm.s32 $_size_execute0_lowered;
	s2 =	sadd.s32 s2, s4;
	[dreg:$0x0] =	wrdreg $0x0  }
0xa8: {  	s4 =	sshll.u32 s28, $0x1;
	[dreg:$0x2] =	wrdreg s2  }
0xa9: {  	[dreg:$0x3] =	wrdreg s4  }
0xaa: {  	[dreg:$0x4] =	wrdreg $0xC0  }
0xab: {  	_ =	task [dreg:s6], $0x5FFFF  }
0xac: {  	[dreg:$0x1] =	wrdreg $0xFFFFFFFF  }
0xad: {  	[dreg:$0x0] =	wrdreg $0x60  }
0xae: {  	[dreg:$0x2] =	wrdreg s24  }
0xaf: {  	[dreg:$0x3] =	wrdreg $0x90000  }
0xb0: {  	[dreg:$0x4] =	wrdreg $0x9  }
0xb1: {  	_ =	task.clear_ibuf [dreg:s6], $0x5FFFF;
	_ =	strace $0x90000046  }
0xb2: {  	s29 =	simm.s32 $0x9;
	_ =	strace $0x80000048  }
0xb3: {  	_ =	swait.ge [sflag:s29], $0x1  }
0xb4: {  	[sflag:s29] =	ssyncadd.s32 $0xFFFFFFFF  }
0xb5: {  	_ =	strace $0x90000048  }
0xb6: {  	_ =	sfence  }
0xb7: {  	s30 =	sld [smem:$0x0];
	_ =	sdelay $0x2  }
0xb8: {  	s31 =	sshll.u32 s1, $0xD;
	s1 =	sshrl.u32 s1, $0x2  }
0xb9: {  	s3 =	sand.u32 $0x4000, s31;
	s1 =	sadd.s32 s1, s30  }
0xba: {  	s0 =	sor.u32 s3, s0;
	s1 =	sshll.u32 s1, $0x11  }
0xbb: {  	s0 =	sor.u32 s1, s0  }
0xbc: {  	s0 =	sadd.s32 $0x8F2B, s0  }
0xbd: {  	[sflag:s0] =	ssyncadd.remote.s32 $0x1  }
0xbe: {  	_ =	sfence.sel $0xFFFF  }
0xbf: {  	[dreg:$0x0] =	wrdreg $0xFFFFFFFF;
	(pc) =	sbr.abs _section_cstart, $3  }
0xc0: {  	[dreg:$0x1] =	wrdreg $0xFFFFFFFF  }
0xc1: {  	_ =	task.clear_ibuf [dreg:s6], $0x2FFFF;
	_ =	strace $0x9FFFFFFF  }
0xc2: {  	(tm) =	ssettm $0x7FFFFFFF  }
0xc3: {  	_ =	shalt  }
tec
execute0_lowered:
.L_overlay_start_1:
0x0: {  	(tag) =	ssettag $0x1  }
0x1: {  	s4 =	rddreg [dreg:$0x0]  }
0x2: {  	s1 =	srdreg.scid;
	s0 =	stileid.u32;
	s19 =	simm.s32 $0x5000  }
0x3: {  	s20 =	simm.s32 $0x50;
	s21 =	simm.s32 $0x2780;
	s22 =	simm.s32 $0x2800  }
0x4: {  	s23 =	simm.s32 $0x0;
	s6 =	sand.u32 $0x1, s1;
	s30 =	smul.u32 $0x50000, s0  }
0x5: {  	s28 =	sshrl.u32 s0, $0x2;
	s2 =	sshll.u32 s0, $0x8;
	s9 =	smul.u32 $0x14000, s0  }
0x6: {  	s1 =	rddreg [dreg:$0x2];
	s14 =	sadd.s32 $0x18600, s4;
	s5 =	smul.u32 $0x13C00, s28  }
0x7: {  	s29 =	sshll.u32 s6, $0x7;
	s3 =	sand.u32 $0x300, s2;
	s2 =	rddreg [dreg:$0x1]  }
0x8: {  	s31 =	ssub.s32 $0x2, s6;
	s13 =	smul.u32 $0x140000, s6;
	s7 =	sor.u32 s29, s3  }
0x9: {  	s3 =	simm.s32 $0x0;
	s8 =	sshrl.u32 s31, $0x1;
	s10 =	sadd.s32 $0x4000, s9  }
0xa: {  	s12 =	sadd.s32 $0x8000, s9;
	s16 =	sadd.s32 $0xC000, s9;
	s17 =	sadd.s32 $0x10000, s9  }
0xb: {  	s5 =	sor.u32 s7, s5;
	[smem:$0x7FF] =	sst s3;
	s7 =	sshrl.u32 s30, $0x2  }
0xc: {  	s15 =	ssub.s32 s31, s8;
	s6 =	sadd.s32 s10, s2;
	s8 =	sadd.s32 s16, s2  }
0xd: {  	s11 =	sadd.s32 s9, s13;
	s10 =	sadd.s32 s13, s10;
	s9 =	sadd.s32 s17, s2  }
0xe: {  	s16 =	sadd.s32 s13, s16;
	s5 =	sadd.s32 $0x4F000, s5;
	_ =	strace $0x80000047  }
0xf: {  	s11 =	sshrl.u32 s11, $0x3;
	s18 =	sshrl.u32 s10, $0x3;
	s5 =	sshrl.u32 s5, $0x3  }
0x10: {  	s16 =	sshrl.u32 s16, $0x3;
	s15 =	smax.u32 s15, $0x1;
	s5 =	sadd.s32 s5, s4  }
0x11: {  	s10 =	sadd.s32 s14, s11;
	s11 =	sadd.s32 s14, s18;
	s4 =	sadd.s32 $0x4A00, s5  }
0x12: {  	s5 =	sadd.s32 s7, s2;
	s7 =	sadd.s32 s12, s2;
	s12 =	sadd.s32 s13, s12  }
0x13: {  	s18 =	simm.s32 $0x1;
	s13 =	sadd.s32 s13, s17;
	s12 =	sshrl.u32 s12, $0x3  }
0x14: {  	s17 =	sshrl.u32 s13, $0x3;
	s13 =	sadd.s32 s14, s16;
	s16 =	simm.s32 $0x80  }
0x15: {  	v0 =	vimm.f32 $1.000000000e+00;
	v1 =	vimm.f32 $0.0e+00;
	s12 =	sadd.s32 s14, s12;
	s14 =	sadd.s32 s14, s17;
	s17 =	simm.s32 $0x400  }
.LBB2_1:
0x16: {  	[tilespmem:s3], [sflag:$0x1] =	stream.strided.gather [hbm4b:s4+s16], $0x2780, s17, s16, $0x38;
	[tilespmem:$0x1D000] =	vst v63  }
0x17: {  	_ =	swait.ge [sflag:s18], $0x2780  }
0x18: {  	[sflag:s18] =	ssyncset.done $0x0  }
0x19: {  	s24 =	simm.s32 $0x0;
	s25 =	simm.s32 $0x200;
	[sflag:s18] =	ssyncadd.s32 $0xFFFFD880  }
.LBB2_2:
0x1a: {  	p0 =	sne.s32 s25, $0x9E00;
	[tilespmem:s24+$0x2870] =	vst v0  }
0x1b: {  	[tilespmem:s24+$0x2800] =	vst v0  }
0x1c: {  	[tilespmem:s24+$0x2810] =	vst v0  }
.Ltmp0:
0x1d: {  	[tilespmem:s24+$0x2820] =	vst v0;
	(pc) =	sbr.rel @p0 .LBB2_2-.Ltmp0, $4  }
0x1e: {  	[tilespmem:s24+$0x2830] =	vst v0  }
0x1f: {  	[tilespmem:s24+$0x2840] =	vst v0  }
0x20: {  	[tilespmem:s24+$0x2850] =	vst v0  }
0x21: {  	[tilespmem:s24+$0x2860] =	vst v0;
	s24 =	sshra.s32 s25, $0x2;
	s25 =	sadd.s32 $0x200, s25  }
0x22: {  	[tilespmem:s24+$0x2870] =	vst v0  }
0x23: {  	[tilespmem:s24+$0x2800] =	vst v0  }
0x24: {  	[tilespmem:s24+$0x2810] =	vst v0  }
0x25: {  	[tilespmem:s24+$0x2820] =	vst v0  }
0x26: {  	[tilespmem:s24+$0x2830] =	vst v0  }
0x27: {  	[tilespmem:s24+$0x2840] =	vst v0  }
0x28: {  	[tilespmem:s24+$0x2850] =	vst v0  }
0x29: {  	[tilespmem:s24+$0x2860] =	vst v0;
	s24 =	simm.s32 $0x0;
	s25 =	simm.s32 $0x200  }
.LBB2_4:
0x2a: {  	p0 =	sne.s32 s25, $0xFE00;
	[tilespmem:s24+$0x5070] =	vst v1  }
0x2b: {  	[tilespmem:s24+$0x5000] =	vst v1  }
0x2c: {  	[tilespmem:s24+$0x5010] =	vst v1  }
.Ltmp1:
0x2d: {  	[tilespmem:s24+$0x5020] =	vst v1;
	(pc) =	sbr.rel @p0 .LBB2_4-.Ltmp1, $4  }
0x2e: {  	[tilespmem:s24+$0x5030] =	vst v1  }
0x2f: {  	[tilespmem:s24+$0x5040] =	vst v1  }
0x30: {  	[tilespmem:s24+$0x5050] =	vst v1  }
0x31: {  	[tilespmem:s24+$0x5060] =	vst v1;
	s24 =	sshra.s32 s25, $0x2;
	s25 =	sadd.s32 $0x200, s25  }
0x32: {  	[tilespmem:s24+$0x5070] =	vst v1  }
0x33: {  	[tilespmem:s24+$0x5000] =	vst v1  }
0x34: {  	[tilespmem:s24+$0x5010] =	vst v1  }
0x35: {  	[tilespmem:s24+$0x5020] =	vst v1  }
0x36: {  	[tilespmem:s24+$0x5030] =	vst v1  }
0x37: {  	[tilespmem:s24+$0x5040] =	vst v1  }
0x38: {  	[tilespmem:s24+$0x5050] =	vst v1  }
0x39: {  	[tilespmem:s24+$0x5060] =	vst v1  }
0x3a: {  	[spmem:s5] =	stream.linear.scatter [tilespmem:s19], [sflag:$0x1], $0x4000, $0x38;
	[tilespmem:$0x1D000] =	vst v63  }
0x3b: {  	_ =	swait.ge [sflag:s18], $0x4000  }
0x3c: {  	[sflag:s18] =	ssyncset.done $0x0  }
0x3d: {  	[sflag:s18] =	ssyncadd.s32 $0xFFFFC000  }
0x3e: {  	[spmem:s6] =	stream.linear.scatter [tilespmem:s19], [sflag:$0x1], $0x4000, $0x38;
	[tilespmem:$0x1D000] =	vst v63  }
0x3f: {  	_ =	swait.ge [sflag:s18], $0x4000  }
0x40: {  	[sflag:s18] =	ssyncset.done $0x0  }
0x41: {  	[sflag:s18] =	ssyncadd.s32 $0xFFFFC000  }
0x42: {  	[spmem:s7] =	stream.linear.scatter [tilespmem:s19], [sflag:$0x1], $0x4000, $0x38;
	[tilespmem:$0x1D000] =	vst v63  }
0x43: {  	_ =	swait.ge [sflag:s18], $0x4000  }
0x44: {  	[sflag:s18] =	ssyncset.done $0x0  }
0x45: {  	[sflag:s18] =	ssyncadd.s32 $0xFFFFC000  }
0x46: {  	[spmem:s8] =	stream.linear.scatter [tilespmem:s19], [sflag:$0x1], $0x4000, $0x38;
	[tilespmem:$0x1D000] =	vst v63  }
0x47: {  	_ =	swait.ge [sflag:s18], $0x4000  }
0x48: {  	[sflag:s18] =	ssyncset.done $0x0  }
0x49: {  	[sflag:s18] =	ssyncadd.s32 $0xFFFFC000  }
0x4a: {  	[spmem:s9] =	stream.linear.scatter [tilespmem:s19], [sflag:$0x1], $0x4000, $0x38;
	[tilespmem:$0x1D000] =	vst v63  }
0x4b: {  	_ =	swait.ge [sflag:s18], $0x4000  }
0x4c: {  	[sflag:s18] =	ssyncset.done $0x0  }
0x4d: {  	[sflag:s18] =	ssyncadd.s32 $0xFFFFC000  }
0x4e: {  	s31 =	simm.s32 $0x0;
	[bflag:$0x0] =	sbarrier.arrive $0xFFFF  }
0x4f: {  	v2 =	vld [tilespmem:s31+$0x0];
	_ =	sdelay $0x4  }
0x50: {  	[tilespmem:$0x2780] =	vst v2  }
0x51: {  	v2 =	vld [tilespmem:s31+$0x10];
	_ =	sdelay $0x4  }
0x52: {  	[tilespmem:$0x2790] =	vst v2  }
0x53: {  	v2 =	vld [tilespmem:s31+$0x20];
	_ =	sdelay $0x4  }
0x54: {  	[tilespmem:$0x27A0] =	vst v2  }
0x55: {  	v2 =	vld [tilespmem:s31+$0x30];
	_ =	sdelay $0x4  }
0x56: {  	[tilespmem:$0x27B0] =	vst v2  }
0x57: {  	v2 =	vld [tilespmem:s31+$0x40];
	_ =	sdelay $0x4  }
0x58: {  	[tilespmem:$0x27C0] =	vst v2  }
0x59: {  	[spmem:s2] =	stream.indirect.scatter.add.f32 [tilespmem:s22], [sflag:$0x1], $0x80, s21, s20, $0xb8;
	[tilespmem:$0x1D000] =	vst v63  }
0x5a: {  	_ =	swait.ge [sflag:s18], $0x2800  }
0x5b: {  	s24 =	simm.s32 $0x140;
	s25 =	simm.s32 $0x280;
	[sflag:s18] =	ssyncset.done $0x0  }
.LBB2_6:
0x5c: {  	s26 =	sshra.s32 s24, $0x2  }
0x5d: {  	[sflag:s18] =	ssyncadd.s32 $0xFFFFD800;
	s24 =	smov.u32 s25;
	s28 =	sadd.s32 $0x140, s25  }
0x5e: {  	p0 =	sne.s32 s25, $0x9B00;
	v2 =	vld [tilespmem:s26+$0x0];
	_ =	sdelay $0x4  }
0x5f: {  	[tilespmem:$0x2780] =	vst v2  }
0x60: {  	v2 =	vld [tilespmem:s26+$0x10];
	_ =	sdelay $0x4  }
0x61: {  	[tilespmem:$0x2790] =	vst v2  }
0x62: {  	v2 =	vld [tilespmem:s26+$0x20];
	_ =	sdelay $0x4  }
0x63: {  	[tilespmem:$0x27A0] =	vst v2  }
0x64: {  	v2 =	vld [tilespmem:s26+$0x30];
	_ =	sdelay $0x4  }
0x65: {  	[tilespmem:$0x27B0] =	vst v2  }
0x66: {  	v2 =	vld [tilespmem:s26+$0x40];
	_ =	sdelay $0x3  }
.Ltmp2:
0x67: {  	(pc) =	sbr.rel @p0 .LBB2_6-.Ltmp2, $4  }
0x68: {  	[tilespmem:$0x27C0] =	vst v2  }
0x69: {  	[spmem:s2] =	stream.indirect.scatter.add.f32 [tilespmem:s22], [sflag:$0x1], $0x80, s21, s20, $0xb8;
	[tilespmem:$0x1D000] =	vst v63  }
0x6a: {  	_ =	swait.ge [sflag:s18], $0x2800  }
0x6b: {  	s25 =	smov.u32 s28;
	[sflag:s18] =	ssyncset.done $0x0  }
0x6c: {  	s24 =	sshra.s32 s24, $0x2;
	[sflag:s18] =	ssyncadd.s32 $0xFFFFD800  }
0x6d: {  	v2 =	vld [tilespmem:s24+$0x0];
	_ =	sdelay $0x4  }
0x6e: {  	[tilespmem:$0x2780] =	vst v2  }
0x6f: {  	v2 =	vld [tilespmem:s24+$0x10];
	_ =	sdelay $0x4  }
0x70: {  	[tilespmem:$0x2790] =	vst v2  }
0x71: {  	v2 =	vld [tilespmem:s24+$0x20];
	_ =	sdelay $0x4  }
0x72: {  	[tilespmem:$0x27A0] =	vst v2  }
0x73: {  	v2 =	vld [tilespmem:s24+$0x30];
	_ =	sdelay $0x4  }
0x74: {  	[tilespmem:$0x27B0] =	vst v2  }
0x75: {  	v2 =	vld [tilespmem:s24+$0x40];
	_ =	sdelay $0x4  }
0x76: {  	[tilespmem:$0x27C0] =	vst v2  }
0x77: {  	[spmem:s2] =	stream.indirect.scatter.add.f32 [tilespmem:s22], [sflag:$0x1], $0x80, s21, s20, $0xb8;
	[tilespmem:$0x1D000] =	vst v63  }
0x78: {  	_ =	swait.ge [sflag:s18], $0x2800  }
0x79: {  	[sflag:s18] =	ssyncset.done $0x0  }
0x7a: {  	s26 =	sshll.u32 s0, $0x6;
	[sflag:s18] =	ssyncadd.s32 $0xFFFFD800  }
0x7b: {  	s25 =	sshrl.u32 s5, $0x3;
	s24 =	sor.u32 $0x1C01, s26;
	[bflag:$0x0] =	sbarrier.arrive $0xFFFF  }
0x7c: {  	[hbm:s10], [sflag:s24] =	dma.local [spmem:s25], $0x800  }
0x7d: {  	_ =	swait.ge [sflag:s18], $0x800  }
0x7e: {  	[sflag:s18] =	ssyncset.done $0x0  }
0x7f: {  	s28 =	sshrl.u32 s6, $0x3;
	[sflag:s18] =	ssyncadd.s32 $0xFFFFF800  }
0x80: {  	[hbm:s11], [sflag:s24] =	dma.local [spmem:s28], $0x800  }
0x81: {  	_ =	swait.ge [sflag:s18], $0x800  }
0x82: {  	[sflag:s18] =	ssyncset.done $0x0  }
0x83: {  	s29 =	sshrl.u32 s7, $0x3;
	[sflag:s18] =	ssyncadd.s32 $0xFFFFF800  }
0x84: {  	[hbm:s12], [sflag:s24] =	dma.local [spmem:s29], $0x800  }
0x85: {  	_ =	swait.ge [sflag:s18], $0x800  }
0x86: {  	[sflag:s18] =	ssyncset.done $0x0  }
0x87: {  	s30 =	sshrl.u32 s8, $0x3;
	[sflag:s18] =	ssyncadd.s32 $0xFFFFF800  }
0x88: {  	[hbm:s13], [sflag:s24] =	dma.local [spmem:s30], $0x800  }
0x89: {  	s23 =	sadd.s32 $0x1, s23;
	_ =	swait.ge [sflag:s18], $0x800  }
0x8a: {  	p0 =	sne.s32 s23, s15;
	[sflag:s18] =	ssyncset.done $0x0  }
.Ltmp3:
0x8b: {  	s31 =	sshrl.u32 s9, $0x3;
	[sflag:s18] =	ssyncadd.s32 $0xFFFFF800;
	(pc) =	sbr.rel @p0 .LBB2_1-.Ltmp3, $4  }
0x8c: {  	[hbm:s14], [sflag:s24] =	dma.local [spmem:s31], $0x800  }
0x8d: {  	_ =	swait.ge [sflag:s18], $0x800  }
0x8e: {  	[sflag:s18] =	ssyncset.done $0x0  }
0x8f: {  	[sflag:s18] =	ssyncadd.s32 $0xFFFFF800  }
0x90: {  	_ =	sfence.sel $0x180000  }
0x91: {  	[bflag:$0x0] =	sbarrier.arrive $0xFFFF  }
0x92: {  	p0 =	sne.s32 s0, $0x0;
	_ =	strace $0x90000047  }
0x93: {  	s0 =	sadd.s32 @!p0 $0x100000, s1;
	[bflag:$0x2] =	sbarrier.arrive $0xFFFF  }
0x94: {  	[sflag:s0] =	ssyncadd.tile.s32 @!p0 $0x1;
	_ =	shalt  }
.Lfunc_end2:
_tile_overlayer_lowered:
.L_overlay_start_2:
0x95: {  	(tag) =	ssettag $0x2  }
0x96: {  	s0 =	rddreg [dreg:$0x0];
	s2 =	stileid.u32  }
0x97: {  	s1 =	rddreg [dreg:$0x1];
	p0 =	sne.s32 s2, $0x0  }
0x98: {  	s3 =	rddreg [dreg:$0x2];
	[bflag:$0x3] =	sbarrier.arrive $0xFFFF;
	s2 =	simm.s32 @!p0 $0x1C01  }
0x99: {  	[timem:s3], [sflag:s2] =	dma.local @!p0 [hbm:s0], s1  }
0x9a: {  	s0 =	simm.s32 @!p0 $0x1  }
0x9b: {  	_ =	swait.ge @!p0 [sflag:s0], s1  }
0x9c: {  	s1 =	ssub.s32 @!p0 $0x0, s1;
	[sflag:s0] =	ssyncset.done @!p0 $0x0  }
0x9d: {  	[sflag:s0] =	ssyncadd.s32 @!p0 s1  }
0x9e: {  	[bflag:$0x3] =	sbarrier.arrive $0xFFFF  }
0x9f: {  	_ =	shalt  }

</sc_bundles>
